<compile_context>
chip_gen: v7x
topology: tpu7x:2x2x1
jax: 0.10.2.dev20260603
libtpu: 0.0.44.dev20260713+nightly
codegen_flags: <defaults>
</compile_context>

<pallas_src>
import functools

import jax
import jax.numpy as jnp
from jax import lax
from jax.experimental import pallas as pl
from jax.experimental.pallas import tpu as pltpu
from jax.experimental.pallas import tpu_sc as plsc

N = 50000
E = 3200000
NC, NS = 2, 16
NW = NC * NS
N_PAD = 50048
RPT = N_PAD // NS
L = 128
EROWS = E // L
W_ROWS = 784
LAST_ROWS = EROWS - (NW - 1) * W_ROWS
CB = 8


def _make_sc_agg(F):
  mesh = plsc.VectorSubcoreMesh(
      core_axis_name="c", subcore_axis_name="s", num_cores=NC, num_subcores=NS)

  @functools.partial(
      pl.kernel,
      out_type=jax.ShapeDtypeStruct((NC, N_PAD, F), jnp.float32),
      mesh=mesh,
      scratch_types=[
          pltpu.VMEM((CB, L), jnp.int32),
          pltpu.VMEM((CB, L), jnp.int32),
          pltpu.VMEM((L, F), jnp.float32),
          pltpu.VMEM_SHARED((N_PAD, F), jnp.float32),
          pltpu.VMEM_SHARED((N_PAD, F), jnp.float32),
          pltpu.SemaphoreType.DMA,
          pltpu.SemaphoreType.DMA,
      ],
      compiler_params=pltpu.CompilerParams(use_tc_tiling_on_sc=False),
  )
  def agg(s_hbm, src_hbm, dst_hbm, zero_hbm, out_hbm,
          src_v, dst_v, rows_v, s_sh, acc_sh, gsem, ssem):
    c = lax.axis_index("c")
    s = lax.axis_index("s")
    w = c * NS + s
    r0 = s * RPT
    pltpu.sync_copy(s_hbm.at[pl.ds(r0, RPT)], s_sh.at[pl.ds(r0, RPT)])
    pltpu.sync_copy(zero_hbm.at[pl.ds(r0, RPT)], acc_sh.at[pl.ds(r0, RPT)])
    plsc.subcore_barrier()
    base = w * W_ROWS
    nch = jnp.where(w == NW - 1, LAST_ROWS // CB, W_ROWS // CB)

    def chunk(ci, carry):
      row0 = base + ci * CB
      pltpu.sync_copy(src_hbm.at[pl.ds(row0, CB)], src_v)
      pltpu.sync_copy(dst_hbm.at[pl.ds(row0, CB)], dst_v)
      cps = []
      for j in range(CB):
        cps.append(pltpu.async_copy(s_sh.at[src_v.at[j]], rows_v, gsem))
        cps.append(
            pltpu.async_copy(rows_v, acc_sh.at[dst_v.at[j]], ssem, add=True))
      for cp in cps:
        cp.wait()
      return carry

    lax.fori_loop(0, nch, chunk, 0)
    plsc.subcore_barrier()
    pltpu.sync_copy(acc_sh.at[pl.ds(r0, RPT)], out_hbm.at[c, pl.ds(r0, RPT)])

  return agg


def _make_sc_deg():
  mesh = plsc.VectorSubcoreMesh(
      core_axis_name="c", subcore_axis_name="s", num_cores=NC, num_subcores=NS)

  @functools.partial(
      pl.kernel,
      out_type=jax.ShapeDtypeStruct((NC, N_PAD, 1), jnp.float32),
      mesh=mesh,
      scratch_types=[
          pltpu.VMEM((CB, L), jnp.int32),
          pltpu.VMEM((L, 1), jnp.float32),
          pltpu.VMEM_SHARED((N_PAD, 1), jnp.float32),
          pltpu.SemaphoreType.DMA,
      ],
      compiler_params=pltpu.CompilerParams(use_tc_tiling_on_sc=False),
  )
  def deg(dst_hbm, ones_hbm, zero_hbm, out_hbm, dst_v, ones_v, acc_sh, ssem):
    c = lax.axis_index("c")
    s = lax.axis_index("s")
    w = c * NS + s
    r0 = s * RPT
    pltpu.sync_copy(ones_hbm, ones_v)
    pltpu.sync_copy(zero_hbm.at[pl.ds(r0, RPT)], acc_sh.at[pl.ds(r0, RPT)])
    plsc.subcore_barrier()
    base = w * W_ROWS
    nch = jnp.where(w == NW - 1, LAST_ROWS // CB, W_ROWS // CB)

    def chunk(ci, carry):
      row0 = base + ci * CB
      pltpu.sync_copy(dst_hbm.at[pl.ds(row0, CB)], dst_v)
      cps = [pltpu.async_copy(ones_v, acc_sh.at[dst_v.at[j]], ssem, add=True)
             for j in range(CB)]
      for cp in cps:
        cp.wait()
      return carry

    lax.fori_loop(0, nch, chunk, 0)
    plsc.subcore_barrier()
    pltpu.sync_copy(acc_sh.at[pl.ds(r0, RPT)], out_hbm.at[c, pl.ds(r0, RPT)])

  return deg


_sc_deg = _make_sc_deg()
_sc_agg4 = _make_sc_agg(4)
_sc_agg8 = _make_sc_agg(8)
_sc_agg2 = _make_sc_agg(2)

NB = N_PAD // RPT


def _t0_body(deg_ref, x_ref, d_ref, s1_ref):
  degs = deg_ref[0] + deg_ref[1] + 1.0
  d = lax.rsqrt(degs)
  d_ref[...] = d
  s1_ref[...] = x_ref[...] * d


def _t0(deg2, x):
  return pl.pallas_call(
      _t0_body,
      grid=(NB,),
      in_specs=[pl.BlockSpec((2, RPT, 1), lambda i: (0, i, 0)),
                pl.BlockSpec((RPT, 4), lambda i: (i, 0))],
      out_specs=[pl.BlockSpec((RPT, 1), lambda i: (i, 0)),
                 pl.BlockSpec((RPT, 4), lambda i: (i, 0))],
      out_shape=[jax.ShapeDtypeStruct((N_PAD, 1), jnp.float32),
                 jax.ShapeDtypeStruct((N_PAD, 4), jnp.float32)],
  )(deg2, x)


def _t1_body(agg_ref, s1_ref, d_ref, w1_ref, b1_ref, w2_ref, s2_ref):
  d = d_ref[...]
  a = (agg_ref[0] + agg_ref[1] + s1_ref[...]) * d
  h1 = jnp.dot(a, w1_ref[...], preferred_element_type=jnp.float32) + b1_ref[...]
  x2 = jnp.maximum(h1, 0.0)
  s2_ref[...] = jnp.dot(x2, w2_ref[...], preferred_element_type=jnp.float32) * d


def _t1(agg1, s1, d, W1, b1, W2):
  return pl.pallas_call(
      _t1_body,
      grid=(NB,),
      in_specs=[pl.BlockSpec((2, RPT, 4), lambda i: (0, i, 0)),
                pl.BlockSpec((RPT, 4), lambda i: (i, 0)),
                pl.BlockSpec((RPT, 1), lambda i: (i, 0)),
                pl.BlockSpec((4, 16), lambda i: (0, 0)),
                pl.BlockSpec((1, 16), lambda i: (0, 0)),
                pl.BlockSpec((16, 8), lambda i: (0, 0))],
      out_specs=pl.BlockSpec((RPT, 8), lambda i: (i, 0)),
      out_shape=jax.ShapeDtypeStruct((N_PAD, 8), jnp.float32),
  )(agg1, s1, d, W1, b1, W2)


def _t2_body(agg_ref, s2_ref, d_ref, b2_ref, w3_ref, s3_ref):
  d = d_ref[...]
  o2 = (agg_ref[0] + agg_ref[1] + s2_ref[...]) * d + b2_ref[...]
  x3 = jnp.maximum(o2, 0.0)
  s3_ref[...] = jnp.dot(x3, w3_ref[...], preferred_element_type=jnp.float32) * d


def _t2(agg2, s2, d, b2, W3):
  return pl.pallas_call(
      _t2_body,
      grid=(NB,),
      in_specs=[pl.BlockSpec((2, RPT, 8), lambda i: (0, i, 0)),
                pl.BlockSpec((RPT, 8), lambda i: (i, 0)),
                pl.BlockSpec((RPT, 1), lambda i: (i, 0)),
                pl.BlockSpec((1, 8), lambda i: (0, 0)),
                pl.BlockSpec((8, 2), lambda i: (0, 0))],
      out_specs=pl.BlockSpec((RPT, 2), lambda i: (i, 0)),
      out_shape=jax.ShapeDtypeStruct((N_PAD, 2), jnp.float32),
  )(agg2, s2, d, b2, W3)


def _t3_body(agg_ref, s3_ref, d_ref, b3_ref, y_ref):
  o = (agg_ref[0] + agg_ref[1] + s3_ref[...]) * d_ref[...] + b3_ref[...]
  m = jnp.max(o, axis=1, keepdims=True)
  lse = m + jnp.log(jnp.sum(jnp.exp(o - m), axis=1, keepdims=True))
  y_ref[...] = o - lse


def _t3(agg3, s3, d, b3):
  return pl.pallas_call(
      _t3_body,
      grid=(NB,),
      in_specs=[pl.BlockSpec((2, RPT, 2), lambda i: (0, i, 0)),
                pl.BlockSpec((RPT, 2), lambda i: (i, 0)),
                pl.BlockSpec((RPT, 1), lambda i: (i, 0)),
                pl.BlockSpec((1, 2), lambda i: (0, 0))],
      out_specs=pl.BlockSpec((RPT, 2), lambda i: (i, 0)),
      out_shape=jax.ShapeDtypeStruct((N_PAD, 2), jnp.float32),
  )(agg3, s3, d, b3)


def kernel(x, edge_index, W1, b1, W2, b2, W3, b3):
  ei = edge_index.astype(jnp.int32)
  src2d = ei[0].reshape(EROWS, L)
  dst2d = ei[1].reshape(EROWS, L)
  ones_v = jnp.ones((L, 1), jnp.float32)
  z1 = jnp.zeros((N_PAD, 1), jnp.float32)
  z2 = jnp.zeros((N_PAD, 2), jnp.float32)
  z4 = jnp.zeros((N_PAD, 4), jnp.float32)
  z8 = jnp.zeros((N_PAD, 8), jnp.float32)

  deg2 = _sc_deg(dst2d, ones_v, z1)
  d, s1 = _t0(deg2, x)
  agg1 = _sc_agg4(s1, src2d, dst2d, z4)
  s2 = _t1(agg1, s1, d, W1, b1.reshape(1, 16), W2)
  agg2 = _sc_agg8(s2, src2d, dst2d, z8)
  s3 = _t2(agg2, s2, d, b2.reshape(1, 8), W3)
  agg3 = _sc_agg2(s3, src2d, dst2d, z2)
  y = _t3(agg3, s3, d, b3.reshape(1, 2))
  return y[:N]

# --- scband reference (transcript-rebuilt; emitter-appended) ---
"""Pipeline reference for scband-net-83365315215951 (READ-ONLY COPY).

The authoritative reference and input builder live on the scoring server;
editing this copy changes nothing except your own understanding.
"""

import jax, jax.numpy as jnp
import numpy as np

N = 50000
E = 3200000


def glorot(key, shape):
    fan_in, fan_out = shape[0], shape[1]
    lim = np.sqrt(6.0 / (fan_in + fan_out))
    return jax.random.uniform(key, shape, jnp.float32, -lim, lim)


def setup_inputs(seed: int = 0) -> dict:
    key = jax.random.key(seed)
    ks = jax.random.split(key, 8)
    x = jax.random.normal(ks[0], (N, 4), dtype=jnp.float32)
    edge_index = jax.random.randint(ks[1], (2, E), 0, N, dtype=jnp.int64)
    W1 = glorot(ks[2], (4, 16))
    b1 = jnp.zeros((16,), jnp.float32)
    W2 = glorot(ks[3], (16, 8))
    b2 = jnp.zeros((8,), jnp.float32)
    W3 = glorot(ks[4], (8, 2))
    b3 = jnp.zeros((2,), jnp.float32)
    return {"x": x, "edge_index": edge_index, "W1": W1, "b1": b1, "W2": W2, "b2": b2, "W3": W3, "b3": b3}


def gcn_conv(x, edge_index, W, b, num_nodes):
    # GCNConv: add self loops, symmetric normalization, propagate, linear
    loop = jnp.arange(num_nodes, dtype=edge_index.dtype)
    src = jnp.concatenate([edge_index[0], loop])
    dst = jnp.concatenate([edge_index[1], loop])
    deg = jnp.zeros((num_nodes,), jnp.float32).at[dst].add(1.0)
    deg_inv_sqrt = jnp.where(deg > 0, deg ** -0.5, 0.0)
    norm = deg_inv_sqrt[src] * deg_inv_sqrt[dst]
    h = x @ W
    msg = h[src] * norm[:, None]
    out = jnp.zeros((num_nodes, W.shape[1]), jnp.float32).at[dst].add(msg)
    return out + b


def reference(x, edge_index, W1, b1, W2, b2, W3, b3):
    h = gcn_conv(x, edge_index, W1, b1, N)
    h = jax.nn.relu(h)
    h = gcn_conv(h, edge_index, W2, b2, N)
    h = jax.nn.relu(h)
    h = gcn_conv(h, edge_index, W3, b3, N)
    return jax.nn.log_softmax(h, axis=1)

if __name__ == "__main__":
    import jax
    _d = setup_inputs()
    print(jax.jit(kernel)(*tuple(_d.values())))

</pallas_src>

<mosaic_0001>
#map = affine_map<(d0, d1) -> (0, 0)>
#map1 = affine_map<(d0, d1) -> (0, 0, 0)>
module attributes {stable_mosaic.version = 14 : i64} {
  func.func @agg(%arg0: i32, %arg1: i32, %arg2: memref<50048x8xf32, #tpu.memory_space<hbm>>, %arg3: memref<25000x128xi32, #tpu.memory_space<hbm>>, %arg4: memref<25000x128xi32, #tpu.memory_space<hbm>>, %arg5: memref<50048x8xf32, #tpu.memory_space<hbm>>, %arg6: memref<2x50048x8xf32, #tpu.memory_space<hbm>>, %arg7: memref<8x128xi32, #tpu.memory_space<vmem>>, %arg8: memref<8x128xi32, #tpu.memory_space<vmem>>, %arg9: memref<128x8xf32, #tpu.memory_space<vmem>>, %arg10: memref<50048x8xf32, #tpu.memory_space<vmem_shared>>, %arg11: memref<50048x8xf32, #tpu.memory_space<vmem_shared>>, %arg12: memref<!tpu.dma_semaphore, #tpu.memory_space<semaphore_mem>>, %arg13: memref<!tpu.dma_semaphore, #tpu.memory_space<semaphore_mem>>) attributes {dimension_semantics = [#tpu.dimension_semantics<core_parallel>, #tpu.dimension_semantics<subcore_parallel>], iteration_bounds = array<i64: 2, 16>, scalar_prefetch = 0 : i64, scratch_operands = 7 : i64, tpu.core_type = #tpu.core_type<sc_vector_subcore>, window_params = [{transform_indices = #map}, {transform_indices = #map}, {transform_indices = #map}, {transform_indices = #map}, {transform_indices = #map1}]} {
    %mul3A = arith.constant 16 : i32
    %mul3A_0 = arith.muli %arg0, %mul3A : i32
    %add3A = arith.addi %mul3A_0, %arg1 : i32
    %mul3A_1 = arith.constant 3128 : i32
    %mul3A_2 = arith.muli %arg1, %mul3A_1 : i32
    "tpu.region"() ({
      %run_scoped3A = tpu.sem_alloc : memref<!tpu.dma_semaphore, #tpu.memory_space<semaphore_mem>>
      %dma_start3A = arith.constant 0 : i32
      %dma_start3A_17 = tpu.memref_slice %arg10[%mul3A_2, %dma_start3A] : memref<50048x8xf32, #tpu.memory_space<vmem_shared>> -> memref<3128x8xf32, #tpu.memory_space<vmem_shared>>
      %dma_start3A_18 = arith.constant 0 : i32
      %dma_start3A_19 = tpu.memref_slice %arg2[%mul3A_2, %dma_start3A_18] : memref<50048x8xf32, #tpu.memory_space<hbm>> -> memref<3128x8xf32, #tpu.memory_space<hbm>>
      tpu.enqueue_dma source(%dma_start3A_19 : memref<3128x8xf32, #tpu.memory_space<hbm>>) target(%dma_start3A_17 : memref<3128x8xf32, #tpu.memory_space<vmem_shared>>) target_semaphore(%run_scoped3A : memref<!tpu.dma_semaphore, #tpu.memory_space<semaphore_mem>>)
      %dma_wait3A = arith.constant 0 : i32
      %dma_wait3A_20 = tpu.memref_slice %arg10[%mul3A_2, %dma_wait3A] : memref<50048x8xf32, #tpu.memory_space<vmem_shared>> -> memref<3128x8xf32, #tpu.memory_space<vmem_shared>>
      %dma_wait3A_21 = arith.constant 0 : i32
      %dma_wait3A_22 = tpu.memref_slice %arg2[%mul3A_2, %dma_wait3A_21] : memref<50048x8xf32, #tpu.memory_space<hbm>> -> memref<3128x8xf32, #tpu.memory_space<hbm>>
      tpu.wait_dma2 semaphore(%run_scoped3A : memref<!tpu.dma_semaphore, #tpu.memory_space<semaphore_mem>>) src(%dma_wait3A_22 : memref<3128x8xf32, #tpu.memory_space<hbm>>) dst(%dma_wait3A_20 : memref<3128x8xf32, #tpu.memory_space<vmem_shared>>)
      tpu.yield
    }) : () -> ()
    "tpu.region"() ({
      %run_scoped3A = tpu.sem_alloc : memref<!tpu.dma_semaphore, #tpu.memory_space<semaphore_mem>>
      %dma_start3A = arith.constant 0 : i32
      %dma_start3A_17 = tpu.memref_slice %arg11[%mul3A_2, %dma_start3A] : memref<50048x8xf32, #tpu.memory_space<vmem_shared>> -> memref<3128x8xf32, #tpu.memory_space<vmem_shared>>
      %dma_start3A_18 = arith.constant 0 : i32
      %dma_start3A_19 = tpu.memref_slice %arg5[%mul3A_2, %dma_start3A_18] : memref<50048x8xf32, #tpu.memory_space<hbm>> -> memref<3128x8xf32, #tpu.memory_space<hbm>>
      tpu.enqueue_dma source(%dma_start3A_19 : memref<3128x8xf32, #tpu.memory_space<hbm>>) target(%dma_start3A_17 : memref<3128x8xf32, #tpu.memory_space<vmem_shared>>) target_semaphore(%run_scoped3A : memref<!tpu.dma_semaphore, #tpu.memory_space<semaphore_mem>>)
      %dma_wait3A = arith.constant 0 : i32
      %dma_wait3A_20 = tpu.memref_slice %arg11[%mul3A_2, %dma_wait3A] : memref<50048x8xf32, #tpu.memory_space<vmem_shared>> -> memref<3128x8xf32, #tpu.memory_space<vmem_shared>>
      %dma_wait3A_21 = arith.constant 0 : i32
      %dma_wait3A_22 = tpu.memref_slice %arg5[%mul3A_2, %dma_wait3A_21] : memref<50048x8xf32, #tpu.memory_space<hbm>> -> memref<3128x8xf32, #tpu.memory_space<hbm>>
      tpu.wait_dma2 semaphore(%run_scoped3A : memref<!tpu.dma_semaphore, #tpu.memory_space<semaphore_mem>>) src(%dma_wait3A_22 : memref<3128x8xf32, #tpu.memory_space<hbm>>) dst(%dma_wait3A_20 : memref<3128x8xf32, #tpu.memory_space<vmem_shared>>)
      tpu.yield
    }) : () -> ()
    %barrier3A = arith.constant 0 : index
    tpu.barrier barrier_id(%barrier3A)
    %mul3A_3 = arith.constant 784 : i32
    %mul3A_4 = arith.muli %add3A, %mul3A_3 : i32
    %eq3A = arith.constant 31 : i32
    %eq3A_5 = arith.cmpi eq, %add3A, %eq3A : i32
    %jit3A = arith.constant 87 : i32
    %jit3A_6 = arith.constant 98 : i32
    %select_n3A = arith.select %eq3A_5, %jit3A, %jit3A_6 : i32
    %while3A = arith.constant 0 : i32
    %while3A_7 = arith.constant 0 : i32
    %while3A_8 = arith.subi %select_n3A, %while3A_7 : i32
    %while3A_9 = arith.addi %while3A_7, %while3A_8 : i32
    %while3A_10 = arith.constant 1 : i32
    %while3A_11 = arith.divsi %while3A_8, %while3A_10 : i32
    %while3A_12 = arith.muli %while3A_11, %while3A_10 : i32
    %while3A_13 = arith.addi %while3A_7, %while3A_12 : i32
    %while3A_14 = arith.constant 1 : i32
    scf.for %while3A_17 = %while3A_7 to %while3A_13 step %while3A_14  : i32 {
      %mul3A_18 = arith.constant 8 : i32
      %mul3A_19 = arith.muli %while3A_17, %mul3A_18 : i32
      %add3A_20 = arith.addi %mul3A_4, %mul3A_19 : i32
      "tpu.region"() ({
        %run_scoped3A = tpu.sem_alloc : memref<!tpu.dma_semaphore, #tpu.memory_space<semaphore_mem>>
        %dma_start3A_243 = arith.constant 0 : i32
        %dma_start3A_244 = tpu.memref_slice %arg3[%add3A_20, %dma_start3A_243] : memref<25000x128xi32, #tpu.memory_space<hbm>> -> memref<8x128xi32, #tpu.memory_space<hbm>>
        %dma_start3A_245 = arith.constant 0 : i32
        %dma_start3A_246 = tpu.memref_slice %arg3[%add3A_20, %dma_start3A_245] : memref<25000x128xi32, #tpu.memory_space<hbm>> -> memref<8x128xi32, #tpu.memory_space<hbm>>
        tpu.enqueue_dma source(%dma_start3A_246 : memref<8x128xi32, #tpu.memory_space<hbm>>) target(%arg7 : memref<8x128xi32, #tpu.memory_space<vmem>>) target_semaphore(%run_scoped3A : memref<!tpu.dma_semaphore, #tpu.memory_space<semaphore_mem>>)
        %dma_wait3A_247 = arith.constant 0 : i32
        %dma_wait3A_248 = tpu.memref_slice %arg3[%add3A_20, %dma_wait3A_247] : memref<25000x128xi32, #tpu.memory_space<hbm>> -> memref<8x128xi32, #tpu.memory_space<hbm>>
        %dma_wait3A_249 = arith.constant 0 : i32
        %dma_wait3A_250 = tpu.memref_slice %arg3[%add3A_20, %dma_wait3A_249] : memref<25000x128xi32, #tpu.memory_space<hbm>> -> memref<8x128xi32, #tpu.memory_space<hbm>>
        tpu.wait_dma2 semaphore(%run_scoped3A : memref<!tpu.dma_semaphore, #tpu.memory_space<semaphore_mem>>) src(%dma_wait3A_250 : memref<8x128xi32, #tpu.memory_space<hbm>>) dst(%arg7 : memref<8x128xi32, #tpu.memory_space<vmem>>)
        tpu.yield
      }) : () -> ()
      "tpu.region"() ({
        %run_scoped3A = tpu.sem_alloc : memref<!tpu.dma_semaphore, #tpu.memory_space<semaphore_mem>>
        %dma_start3A_243 = arith.constant 0 : i32
        %dma_start3A_244 = tpu.memref_slice %arg4[%add3A_20, %dma_start3A_243] : memref<25000x128xi32, #tpu.memory_space<hbm>> -> memref<8x128xi32, #tpu.memory_space<hbm>>
        %dma_start3A_245 = arith.constant 0 : i32
        %dma_start3A_246 = tpu.memref_slice %arg4[%add3A_20, %dma_start3A_245] : memref<25000x128xi32, #tpu.memory_space<hbm>> -> memref<8x128xi32, #tpu.memory_space<hbm>>
        tpu.enqueue_dma source(%dma_start3A_246 : memref<8x128xi32, #tpu.memory_space<hbm>>) target(%arg8 : memref<8x128xi32, #tpu.memory_space<vmem>>) target_semaphore(%run_scoped3A : memref<!tpu.dma_semaphore, #tpu.memory_space<semaphore_mem>>)
        %dma_wait3A_247 = arith.constant 0 : i32
        %dma_wait3A_248 = tpu.memref_slice %arg4[%add3A_20, %dma_wait3A_247] : memref<25000x128xi32, #tpu.memory_space<hbm>> -> memref<8x128xi32, #tpu.memory_space<hbm>>
        %dma_wait3A_249 = arith.constant 0 : i32
        %dma_wait3A_250 = tpu.memref_slice %arg4[%add3A_20, %dma_wait3A_249] : memref<25000x128xi32, #tpu.memory_space<hbm>> -> memref<8x128xi32, #tpu.memory_space<hbm>>
        tpu.wait_dma2 semaphore(%run_scoped3A : memref<!tpu.dma_semaphore, #tpu.memory_space<semaphore_mem>>) src(%dma_wait3A_250 : memref<8x128xi32, #tpu.memory_space<hbm>>) dst(%arg8 : memref<8x128xi32, #tpu.memory_space<vmem>>)
        tpu.yield
      }) : () -> ()
      %dma_start3A = arith.constant 0 : i32
      %dma_start3A_21 = arith.constant 0 : i32
      %dma_start3A_22 = tpu.memref_slice %arg7[%dma_start3A, %dma_start3A_21] : memref<8x128xi32, #tpu.memory_space<vmem>> -> memref<1x128xi32, #tpu.memory_space<vmem>>
      %dma_start3A_23 = tpu.memref_squeeze %dma_start3A_22 : memref<1x128xi32, #tpu.memory_space<vmem>> -> memref<128xi32, #tpu.memory_space<vmem>>
      %dma_start3A_24 = arith.constant 0 : i32
      %dma_start3A_25 = arith.constant 0 : i32
      %dma_start3A_26 = tpu.memref_slice %arg10[%dma_start3A_24, %dma_start3A_25] : memref<50048x8xf32, #tpu.memory_space<vmem_shared>> -> memref<50048x8xf32, #tpu.memory_space<vmem_shared>>
      tpu.enqueue_indirect_dma source(%dma_start3A_26 : memref<50048x8xf32, #tpu.memory_space<vmem_shared>>) target(%arg9 : memref<128x8xf32, #tpu.memory_space<vmem>>) offsets(%dma_start3A_23 : memref<128xi32, #tpu.memory_space<vmem>>) semaphore(%arg12 : memref<!tpu.dma_semaphore, #tpu.memory_space<semaphore_mem>>)
      %dma_start3A_27 = arith.constant 0 : i32
      %dma_start3A_28 = arith.constant 0 : i32
      %dma_start3A_29 = tpu.memref_slice %arg8[%dma_start3A_27, %dma_start3A_28] : memref<8x128xi32, #tpu.memory_space<vmem>> -> memref<1x128xi32, #tpu.memory_space<vmem>>
      %dma_start3A_30 = tpu.memref_squeeze %dma_start3A_29 : memref<1x128xi32, #tpu.memory_space<vmem>> -> memref<128xi32, #tpu.memory_space<vmem>>
      %dma_start3A_31 = arith.constant 0 : i32
      %dma_start3A_32 = arith.constant 0 : i32
      %dma_start3A_33 = tpu.memref_slice %arg11[%dma_start3A_31, %dma_start3A_32] : memref<50048x8xf32, #tpu.memory_space<vmem_shared>> -> memref<50048x8xf32, #tpu.memory_space<vmem_shared>>
      tpu.enqueue_indirect_dma source(%arg9 : memref<128x8xf32, #tpu.memory_space<vmem>>) target(%dma_start3A_33 : memref<50048x8xf32, #tpu.memory_space<vmem_shared>>) offsets(%dma_start3A_30 : memref<128xi32, #tpu.memory_space<vmem>>) semaphore(%arg13 : memref<!tpu.dma_semaphore, #tpu.memory_space<semaphore_mem>>) {add = true}
      %dma_start3A_34 = arith.constant 1 : i32
      %dma_start3A_35 = arith.constant 0 : i32
      %dma_start3A_36 = tpu.memref_slice %arg7[%dma_start3A_34, %dma_start3A_35] : memref<8x128xi32, #tpu.memory_space<vmem>> -> memref<1x128xi32, #tpu.memory_space<vmem>>
      %dma_start3A_37 = tpu.memref_squeeze %dma_start3A_36 : memref<1x128xi32, #tpu.memory_space<vmem>> -> memref<128xi32, #tpu.memory_space<vmem>>
      %dma_start3A_38 = arith.constant 0 : i32
      %dma_start3A_39 = arith.constant 0 : i32
      %dma_start3A_40 = tpu.memref_slice %arg10[%dma_start3A_38, %dma_start3A_39] : memref<50048x8xf32, #tpu.memory_space<vmem_shared>> -> memref<50048x8xf32, #tpu.memory_space<vmem_shared>>
      tpu.enqueue_indirect_dma source(%dma_start3A_40 : memref<50048x8xf32, #tpu.memory_space<vmem_shared>>) target(%arg9 : memref<128x8xf32, #tpu.memory_space<vmem>>) offsets(%dma_start3A_37 : memref<128xi32, #tpu.memory_space<vmem>>) semaphore(%arg12 : memref<!tpu.dma_semaphore, #tpu.memory_space<semaphore_mem>>)
      %dma_start3A_41 = arith.constant 1 : i32
      %dma_start3A_42 = arith.constant 0 : i32
      %dma_start3A_43 = tpu.memref_slice %arg8[%dma_start3A_41, %dma_start3A_42] : memref<8x128xi32, #tpu.memory_space<vmem>> -> memref<1x128xi32, #tpu.memory_space<vmem>>
      %dma_start3A_44 = tpu.memref_squeeze %dma_start3A_43 : memref<1x128xi32, #tpu.memory_space<vmem>> -> memref<128xi32, #tpu.memory_space<vmem>>
      %dma_start3A_45 = arith.constant 0 : i32
      %dma_start3A_46 = arith.constant 0 : i32
      %dma_start3A_47 = tpu.memref_slice %arg11[%dma_start3A_45, %dma_start3A_46] : memref<50048x8xf32, #tpu.memory_space<vmem_shared>> -> memref<50048x8xf32, #tpu.memory_space<vmem_shared>>
      tpu.enqueue_indirect_dma source(%arg9 : memref<128x8xf32, #tpu.memory_space<vmem>>) target(%dma_start3A_47 : memref<50048x8xf32, #tpu.memory_space<vmem_shared>>) offsets(%dma_start3A_44 : memref<128xi32, #tpu.memory_space<vmem>>) semaphore(%arg13 : memref<!tpu.dma_semaphore, #tpu.memory_space<semaphore_mem>>) {add = true}
      %dma_start3A_48 = arith.constant 2 : i32
      %dma_start3A_49 = arith.constant 0 : i32
      %dma_start3A_50 = tpu.memref_slice %arg7[%dma_start3A_48, %dma_start3A_49] : memref<8x128xi32, #tpu.memory_space<vmem>> -> memref<1x128xi32, #tpu.memory_space<vmem>>
      %dma_start3A_51 = tpu.memref_squeeze %dma_start3A_50 : memref<1x128xi32, #tpu.memory_space<vmem>> -> memref<128xi32, #tpu.memory_space<vmem>>
      %dma_start3A_52 = arith.constant 0 : i32
      %dma_start3A_53 = arith.constant 0 : i32
      %dma_start3A_54 = tpu.memref_slice %arg10[%dma_start3A_52, %dma_start3A_53] : memref<50048x8xf32, #tpu.memory_space<vmem_shared>> -> memref<50048x8xf32, #tpu.memory_space<vmem_shared>>
      tpu.enqueue_indirect_dma source(%dma_start3A_54 : memref<50048x8xf32, #tpu.memory_space<vmem_shared>>) target(%arg9 : memref<128x8xf32, #tpu.memory_space<vmem>>) offsets(%dma_start3A_51 : memref<128xi32, #tpu.memory_space<vmem>>) semaphore(%arg12 : memref<!tpu.dma_semaphore, #tpu.memory_space<semaphore_mem>>)
      %dma_start3A_55 = arith.constant 2 : i32
      %dma_start3A_56 = arith.constant 0 : i32
      %dma_start3A_57 = tpu.memref_slice %arg8[%dma_start3A_55, %dma_start3A_56] : memref<8x128xi32, #tpu.memory_space<vmem>> -> memref<1x128xi32, #tpu.memory_space<vmem>>
      %dma_start3A_58 = tpu.memref_squeeze %dma_start3A_57 : memref<1x128xi32, #tpu.memory_space<vmem>> -> memref<128xi32, #tpu.memory_space<vmem>>
      %dma_start3A_59 = arith.constant 0 : i32
      %dma_start3A_60 = arith.constant 0 : i32
      %dma_start3A_61 = tpu.memref_slice %arg11[%dma_start3A_59, %dma_start3A_60] : memref<50048x8xf32, #tpu.memory_space<vmem_shared>> -> memref<50048x8xf32, #tpu.memory_space<vmem_shared>>
      tpu.enqueue_indirect_dma source(%arg9 : memref<128x8xf32, #tpu.memory_space<vmem>>) target(%dma_start3A_61 : memref<50048x8xf32, #tpu.memory_space<vmem_shared>>) offsets(%dma_start3A_58 : memref<128xi32, #tpu.memory_space<vmem>>) semaphore(%arg13 : memref<!tpu.dma_semaphore, #tpu.memory_space<semaphore_mem>>) {add = true}
      %dma_start3A_62 = arith.constant 3 : i32
      %dma_start3A_63 = arith.constant 0 : i32
      %dma_start3A_64 = tpu.memref_slice %arg7[%dma_start3A_62, %dma_start3A_63] : memref<8x128xi32, #tpu.memory_space<vmem>> -> memref<1x128xi32, #tpu.memory_space<vmem>>
      %dma_start3A_65 = tpu.memref_squeeze %dma_start3A_64 : memref<1x128xi32, #tpu.memory_space<vmem>> -> memref<128xi32, #tpu.memory_space<vmem>>
      %dma_start3A_66 = arith.constant 0 : i32
      %dma_start3A_67 = arith.constant 0 : i32
      %dma_start3A_68 = tpu.memref_slice %arg10[%dma_start3A_66, %dma_start3A_67] : memref<50048x8xf32, #tpu.memory_space<vmem_shared>> -> memref<50048x8xf32, #tpu.memory_space<vmem_shared>>
      tpu.enqueue_indirect_dma source(%dma_start3A_68 : memref<50048x8xf32, #tpu.memory_space<vmem_shared>>) target(%arg9 : memref<128x8xf32, #tpu.memory_space<vmem>>) offsets(%dma_start3A_65 : memref<128xi32, #tpu.memory_space<vmem>>) semaphore(%arg12 : memref<!tpu.dma_semaphore, #tpu.memory_space<semaphore_mem>>)
      %dma_start3A_69 = arith.constant 3 : i32
      %dma_start3A_70 = arith.constant 0 : i32
      %dma_start3A_71 = tpu.memref_slice %arg8[%dma_start3A_69, %dma_start3A_70] : memref<8x128xi32, #tpu.memory_space<vmem>> -> memref<1x128xi32, #tpu.memory_space<vmem>>
      %dma_start3A_72 = tpu.memref_squeeze %dma_start3A_71 : memref<1x128xi32, #tpu.memory_space<vmem>> -> memref<128xi32, #tpu.memory_space<vmem>>
      %dma_start3A_73 = arith.constant 0 : i32
      %dma_start3A_74 = arith.constant 0 : i32
      %dma_start3A_75 = tpu.memref_slice %arg11[%dma_start3A_73, %dma_start3A_74] : memref<50048x8xf32, #tpu.memory_space<vmem_shared>> -> memref<50048x8xf32, #tpu.memory_space<vmem_shared>>
      tpu.enqueue_indirect_dma source(%arg9 : memref<128x8xf32, #tpu.memory_space<vmem>>) target(%dma_start3A_75 : memref<50048x8xf32, #tpu.memory_space<vmem_shared>>) offsets(%dma_start3A_72 : memref<128xi32, #tpu.memory_space<vmem>>) semaphore(%arg13 : memref<!tpu.dma_semaphore, #tpu.memory_space<semaphore_mem>>) {add = true}
      %dma_start3A_76 = arith.constant 4 : i32
      %dma_start3A_77 = arith.constant 0 : i32
      %dma_start3A_78 = tpu.memref_slice %arg7[%dma_start3A_76, %dma_start3A_77] : memref<8x128xi32, #tpu.memory_space<vmem>> -> memref<1x128xi32, #tpu.memory_space<vmem>>
      %dma_start3A_79 = tpu.memref_squeeze %dma_start3A_78 : memref<1x128xi32, #tpu.memory_space<vmem>> -> memref<128xi32, #tpu.memory_space<vmem>>
      %dma_start3A_80 = arith.constant 0 : i32
      %dma_start3A_81 = arith.constant 0 : i32
      %dma_start3A_82 = tpu.memref_slice %arg10[%dma_start3A_80, %dma_start3A_81] : memref<50048x8xf32, #tpu.memory_space<vmem_shared>> -> memref<50048x8xf32, #tpu.memory_space<vmem_shared>>
      tpu.enqueue_indirect_dma source(%dma_start3A_82 : memref<50048x8xf32, #tpu.memory_space<vmem_shared>>) target(%arg9 : memref<128x8xf32, #tpu.memory_space<vmem>>) offsets(%dma_start3A_79 : memref<128xi32, #tpu.memory_space<vmem>>) semaphore(%arg12 : memref<!tpu.dma_semaphore, #tpu.memory_space<semaphore_mem>>)
      %dma_start3A_83 = arith.constant 4 : i32
      %dma_start3A_84 = arith.constant 0 : i32
      %dma_start3A_85 = tpu.memref_slice %arg8[%dma_start3A_83, %dma_start3A_84] : memref<8x128xi32, #tpu.memory_space<vmem>> -> memref<1x128xi32, #tpu.memory_space<vmem>>
      %dma_start3A_86 = tpu.memref_squeeze %dma_start3A_85 : memref<1x128xi32, #tpu.memory_space<vmem>> -> memref<128xi32, #tpu.memory_space<vmem>>
      %dma_start3A_87 = arith.constant 0 : i32
      %dma_start3A_88 = arith.constant 0 : i32
      %dma_start3A_89 = tpu.memref_slice %arg11[%dma_start3A_87, %dma_start3A_88] : memref<50048x8xf32, #tpu.memory_space<vmem_shared>> -> memref<50048x8xf32, #tpu.memory_space<vmem_shared>>
      tpu.enqueue_indirect_dma source(%arg9 : memref<128x8xf32, #tpu.memory_space<vmem>>) target(%dma_start3A_89 : memref<50048x8xf32, #tpu.memory_space<vmem_shared>>) offsets(%dma_start3A_86 : memref<128xi32, #tpu.memory_space<vmem>>) semaphore(%arg13 : memref<!tpu.dma_semaphore, #tpu.memory_space<semaphore_mem>>) {add = true}
      %dma_start3A_90 = arith.constant 5 : i32
      %dma_start3A_91 = arith.constant 0 : i32
      %dma_start3A_92 = tpu.memref_slice %arg7[%dma_start3A_90, %dma_start3A_91] : memref<8x128xi32, #tpu.memory_space<vmem>> -> memref<1x128xi32, #tpu.memory_space<vmem>>
      %dma_start3A_93 = tpu.memref_squeeze %dma_start3A_92 : memref<1x128xi32, #tpu.memory_space<vmem>> -> memref<128xi32, #tpu.memory_space<vmem>>
      %dma_start3A_94 = arith.constant 0 : i32
      %dma_start3A_95 = arith.constant 0 : i32
      %dma_start3A_96 = tpu.memref_slice %arg10[%dma_start3A_94, %dma_start3A_95] : memref<50048x8xf32, #tpu.memory_space<vmem_shared>> -> memref<50048x8xf32, #tpu.memory_space<vmem_shared>>
      tpu.enqueue_indirect_dma source(%dma_start3A_96 : memref<50048x8xf32, #tpu.memory_space<vmem_shared>>) target(%arg9 : memref<128x8xf32, #tpu.memory_space<vmem>>) offsets(%dma_start3A_93 : memref<128xi32, #tpu.memory_space<vmem>>) semaphore(%arg12 : memref<!tpu.dma_semaphore, #tpu.memory_space<semaphore_mem>>)
      %dma_start3A_97 = arith.constant 5 : i32
      %dma_start3A_98 = arith.constant 0 : i32
      %dma_start3A_99 = tpu.memref_slice %arg8[%dma_start3A_97, %dma_start3A_98] : memref<8x128xi32, #tpu.memory_space<vmem>> -> memref<1x128xi32, #tpu.memory_space<vmem>>
      %dma_start3A_100 = tpu.memref_squeeze %dma_start3A_99 : memref<1x128xi32, #tpu.memory_space<vmem>> -> memref<128xi32, #tpu.memory_space<vmem>>
      %dma_start3A_101 = arith.constant 0 : i32
      %dma_start3A_102 = arith.constant 0 : i32
      %dma_start3A_103 = tpu.memref_slice %arg11[%dma_start3A_101, %dma_start3A_102] : memref<50048x8xf32, #tpu.memory_space<vmem_shared>> -> memref<50048x8xf32, #tpu.memory_space<vmem_shared>>
      tpu.enqueue_indirect_dma source(%arg9 : memref<128x8xf32, #tpu.memory_space<vmem>>) target(%dma_start3A_103 : memref<50048x8xf32, #tpu.memory_space<vmem_shared>>) offsets(%dma_start3A_100 : memref<128xi32, #tpu.memory_space<vmem>>) semaphore(%arg13 : memref<!tpu.dma_semaphore, #tpu.memory_space<semaphore_mem>>) {add = true}
      %dma_start3A_104 = arith.constant 6 : i32
      %dma_start3A_105 = arith.constant 0 : i32
      %dma_start3A_106 = tpu.memref_slice %arg7[%dma_start3A_104, %dma_start3A_105] : memref<8x128xi32, #tpu.memory_space<vmem>> -> memref<1x128xi32, #tpu.memory_space<vmem>>
      %dma_start3A_107 = tpu.memref_squeeze %dma_start3A_106 : memref<1x128xi32, #tpu.memory_space<vmem>> -> memref<128xi32, #tpu.memory_space<vmem>>
      %dma_start3A_108 = arith.constant 0 : i32
      %dma_start3A_109 = arith.constant 0 : i32
      %dma_start3A_110 = tpu.memref_slice %arg10[%dma_start3A_108, %dma_start3A_109] : memref<50048x8xf32, #tpu.memory_space<vmem_shared>> -> memref<50048x8xf32, #tpu.memory_space<vmem_shared>>
      tpu.enqueue_indirect_dma source(%dma_start3A_110 : memref<50048x8xf32, #tpu.memory_space<vmem_shared>>) target(%arg9 : memref<128x8xf32, #tpu.memory_space<vmem>>) offsets(%dma_start3A_107 : memref<128xi32, #tpu.memory_space<vmem>>) semaphore(%arg12 : memref<!tpu.dma_semaphore, #tpu.memory_space<semaphore_mem>>)
      %dma_start3A_111 = arith.constant 6 : i32
      %dma_start3A_112 = arith.constant 0 : i32
      %dma_start3A_113 = tpu.memref_slice %arg8[%dma_start3A_111, %dma_start3A_112] : memref<8x128xi32, #tpu.memory_space<vmem>> -> memref<1x128xi32, #tpu.memory_space<vmem>>
      %dma_start3A_114 = tpu.memref_squeeze %dma_start3A_113 : memref<1x128xi32, #tpu.memory_space<vmem>> -> memref<128xi32, #tpu.memory_space<vmem>>
      %dma_start3A_115 = arith.constant 0 : i32
      %dma_start3A_116 = arith.constant 0 : i32
      %dma_start3A_117 = tpu.memref_slice %arg11[%dma_start3A_115, %dma_start3A_116] : memref<50048x8xf32, #tpu.memory_space<vmem_shared>> -> memref<50048x8xf32, #tpu.memory_space<vmem_shared>>
      tpu.enqueue_indirect_dma source(%arg9 : memref<128x8xf32, #tpu.memory_space<vmem>>) target(%dma_start3A_117 : memref<50048x8xf32, #tpu.memory_space<vmem_shared>>) offsets(%dma_start3A_114 : memref<128xi32, #tpu.memory_space<vmem>>) semaphore(%arg13 : memref<!tpu.dma_semaphore, #tpu.memory_space<semaphore_mem>>) {add = true}
      %dma_start3A_118 = arith.constant 7 : i32
      %dma_start3A_119 = arith.constant 0 : i32
      %dma_start3A_120 = tpu.memref_slice %arg7[%dma_start3A_118, %dma_start3A_119] : memref<8x128xi32, #tpu.memory_space<vmem>> -> memref<1x128xi32, #tpu.memory_space<vmem>>
      %dma_start3A_121 = tpu.memref_squeeze %dma_start3A_120 : memref<1x128xi32, #tpu.memory_space<vmem>> -> memref<128xi32, #tpu.memory_space<vmem>>
      %dma_start3A_122 = arith.constant 0 : i32
      %dma_start3A_123 = arith.constant 0 : i32
      %dma_start3A_124 = tpu.memref_slice %arg10[%dma_start3A_122, %dma_start3A_123] : memref<50048x8xf32, #tpu.memory_space<vmem_shared>> -> memref<50048x8xf32, #tpu.memory_space<vmem_shared>>
      tpu.enqueue_indirect_dma source(%dma_start3A_124 : memref<50048x8xf32, #tpu.memory_space<vmem_shared>>) target(%arg9 : memref<128x8xf32, #tpu.memory_space<vmem>>) offsets(%dma_start3A_121 : memref<128xi32, #tpu.memory_space<vmem>>) semaphore(%arg12 : memref<!tpu.dma_semaphore, #tpu.memory_space<semaphore_mem>>)
      %dma_start3A_125 = arith.constant 7 : i32
      %dma_start3A_126 = arith.constant 0 : i32
      %dma_start3A_127 = tpu.memref_slice %arg8[%dma_start3A_125, %dma_start3A_126] : memref<8x128xi32, #tpu.memory_space<vmem>> -> memref<1x128xi32, #tpu.memory_space<vmem>>
      %dma_start3A_128 = tpu.memref_squeeze %dma_start3A_127 : memref<1x128xi32, #tpu.memory_space<vmem>> -> memref<128xi32, #tpu.memory_space<vmem>>
      %dma_start3A_129 = arith.constant 0 : i32
      %dma_start3A_130 = arith.constant 0 : i32
      %dma_start3A_131 = tpu.memref_slice %arg11[%dma_start3A_129, %dma_start3A_130] : memref<50048x8xf32, #tpu.memory_space<vmem_shared>> -> memref<50048x8xf32, #tpu.memory_space<vmem_shared>>
      tpu.enqueue_indirect_dma source(%arg9 : memref<128x8xf32, #tpu.memory_space<vmem>>) target(%dma_start3A_131 : memref<50048x8xf32, #tpu.memory_space<vmem_shared>>) offsets(%dma_start3A_128 : memref<128xi32, #tpu.memory_space<vmem>>) semaphore(%arg13 : memref<!tpu.dma_semaphore, #tpu.memory_space<semaphore_mem>>) {add = true}
      %dma_wait3A = arith.constant 0 : i32
      %dma_wait3A_132 = arith.constant 0 : i32
      %dma_wait3A_133 = tpu.memref_slice %arg7[%dma_wait3A, %dma_wait3A_132] : memref<8x128xi32, #tpu.memory_space<vmem>> -> memref<1x128xi32, #tpu.memory_space<vmem>>
      %dma_wait3A_134 = tpu.memref_squeeze %dma_wait3A_133 : memref<1x128xi32, #tpu.memory_space<vmem>> -> memref<128xi32, #tpu.memory_space<vmem>>
      %dma_wait3A_135 = arith.constant 0 : i32
      %dma_wait3A_136 = arith.constant 0 : i32
      %dma_wait3A_137 = tpu.memref_slice %arg10[%dma_wait3A_135, %dma_wait3A_136] : memref<50048x8xf32, #tpu.memory_space<vmem_shared>> -> memref<50048x8xf32, #tpu.memory_space<vmem_shared>>
      tpu.wait_indirect_dma semaphore(%arg12 : memref<!tpu.dma_semaphore, #tpu.memory_space<semaphore_mem>>) src(%dma_wait3A_137 : memref<50048x8xf32, #tpu.memory_space<vmem_shared>>) dst(%arg9 : memref<128x8xf32, #tpu.memory_space<vmem>>)
      %dma_wait3A_138 = arith.constant 0 : i32
      %dma_wait3A_139 = arith.constant 0 : i32
      %dma_wait3A_140 = tpu.memref_slice %arg8[%dma_wait3A_138, %dma_wait3A_139] : memref<8x128xi32, #tpu.memory_space<vmem>> -> memref<1x128xi32, #tpu.memory_space<vmem>>
      %dma_wait3A_141 = tpu.memref_squeeze %dma_wait3A_140 : memref<1x128xi32, #tpu.memory_space<vmem>> -> memref<128xi32, #tpu.memory_space<vmem>>
      %dma_wait3A_142 = arith.constant 0 : i32
      %dma_wait3A_143 = arith.constant 0 : i32
      %dma_wait3A_144 = tpu.memref_slice %arg11[%dma_wait3A_142, %dma_wait3A_143] : memref<50048x8xf32, #tpu.memory_space<vmem_shared>> -> memref<50048x8xf32, #tpu.memory_space<vmem_shared>>
      tpu.wait_indirect_dma semaphore(%arg13 : memref<!tpu.dma_semaphore, #tpu.memory_space<semaphore_mem>>) src(%arg9 : memref<128x8xf32, #tpu.memory_space<vmem>>) dst(%dma_wait3A_144 : memref<50048x8xf32, #tpu.memory_space<vmem_shared>>)
      %dma_wait3A_145 = arith.constant 1 : i32
      %dma_wait3A_146 = arith.constant 0 : i32
      %dma_wait3A_147 = tpu.memref_slice %arg7[%dma_wait3A_145, %dma_wait3A_146] : memref<8x128xi32, #tpu.memory_space<vmem>> -> memref<1x128xi32, #tpu.memory_space<vmem>>
      %dma_wait3A_148 = tpu.memref_squeeze %dma_wait3A_147 : memref<1x128xi32, #tpu.memory_space<vmem>> -> memref<128xi32, #tpu.memory_space<vmem>>
      %dma_wait3A_149 = arith.constant 0 : i32
      %dma_wait3A_150 = arith.constant 0 : i32
      %dma_wait3A_151 = tpu.memref_slice %arg10[%dma_wait3A_149, %dma_wait3A_150] : memref<50048x8xf32, #tpu.memory_space<vmem_shared>> -> memref<50048x8xf32, #tpu.memory_space<vmem_shared>>
      tpu.wait_indirect_dma semaphore(%arg12 : memref<!tpu.dma_semaphore, #tpu.memory_space<semaphore_mem>>) src(%dma_wait3A_151 : memref<50048x8xf32, #tpu.memory_space<vmem_shared>>) dst(%arg9 : memref<128x8xf32, #tpu.memory_space<vmem>>)
      %dma_wait3A_152 = arith.constant 1 : i32
      %dma_wait3A_153 = arith.constant 0 : i32
      %dma_wait3A_154 = tpu.memref_slice %arg8[%dma_wait3A_152, %dma_wait3A_153] : memref<8x128xi32, #tpu.memory_space<vmem>> -> memref<1x128xi32, #tpu.memory_space<vmem>>
      %dma_wait3A_155 = tpu.memref_squeeze %dma_wait3A_154 : memref<1x128xi32, #tpu.memory_space<vmem>> -> memref<128xi32, #tpu.memory_space<vmem>>
      %dma_wait3A_156 = arith.constant 0 : i32
      %dma_wait3A_157 = arith.constant 0 : i32
      %dma_wait3A_158 = tpu.memref_slice %arg11[%dma_wait3A_156, %dma_wait3A_157] : memref<50048x8xf32, #tpu.memory_space<vmem_shared>> -> memref<50048x8xf32, #tpu.memory_space<vmem_shared>>
      tpu.wait_indirect_dma semaphore(%arg13 : memref<!tpu.dma_semaphore, #tpu.memory_space<semaphore_mem>>) src(%arg9 : memref<128x8xf32, #tpu.memory_space<vmem>>) dst(%dma_wait3A_158 : memref<50048x8xf32, #tpu.memory_space<vmem_shared>>)
      %dma_wait3A_159 = arith.constant 2 : i32
      %dma_wait3A_160 = arith.constant 0 : i32
      %dma_wait3A_161 = tpu.memref_slice %arg7[%dma_wait3A_159, %dma_wait3A_160] : memref<8x128xi32, #tpu.memory_space<vmem>> -> memref<1x128xi32, #tpu.memory_space<vmem>>
      %dma_wait3A_162 = tpu.memref_squeeze %dma_wait3A_161 : memref<1x128xi32, #tpu.memory_space<vmem>> -> memref<128xi32, #tpu.memory_space<vmem>>
      %dma_wait3A_163 = arith.constant 0 : i32
      %dma_wait3A_164 = arith.constant 0 : i32
      %dma_wait3A_165 = tpu.memref_slice %arg10[%dma_wait3A_163, %dma_wait3A_164] : memref<50048x8xf32, #tpu.memory_space<vmem_shared>> -> memref<50048x8xf32, #tpu.memory_space<vmem_shared>>
      tpu.wait_indirect_dma semaphore(%arg12 : memref<!tpu.dma_semaphore, #tpu.memory_space<semaphore_mem>>) src(%dma_wait3A_165 : memref<50048x8xf32, #tpu.memory_space<vmem_shared>>) dst(%arg9 : memref<128x8xf32, #tpu.memory_space<vmem>>)
      %dma_wait3A_166 = arith.constant 2 : i32
      %dma_wait3A_167 = arith.constant 0 : i32
      %dma_wait3A_168 = tpu.memref_slice %arg8[%dma_wait3A_166, %dma_wait3A_167] : memref<8x128xi32, #tpu.memory_space<vmem>> -> memref<1x128xi32, #tpu.memory_space<vmem>>
      %dma_wait3A_169 = tpu.memref_squeeze %dma_wait3A_168 : memref<1x128xi32, #tpu.memory_space<vmem>> -> memref<128xi32, #tpu.memory_space<vmem>>
      %dma_wait3A_170 = arith.constant 0 : i32
      %dma_wait3A_171 = arith.constant 0 : i32
      %dma_wait3A_172 = tpu.memref_slice %arg11[%dma_wait3A_170, %dma_wait3A_171] : memref<50048x8xf32, #tpu.memory_space<vmem_shared>> -> memref<50048x8xf32, #tpu.memory_space<vmem_shared>>
      tpu.wait_indirect_dma semaphore(%arg13 : memref<!tpu.dma_semaphore, #tpu.memory_space<semaphore_mem>>) src(%arg9 : memref<128x8xf32, #tpu.memory_space<vmem>>) dst(%dma_wait3A_172 : memref<50048x8xf32, #tpu.memory_space<vmem_shared>>)
      %dma_wait3A_173 = arith.constant 3 : i32
      %dma_wait3A_174 = arith.constant 0 : i32
      %dma_wait3A_175 = tpu.memref_slice %arg7[%dma_wait3A_173, %dma_wait3A_174] : memref<8x128xi32, #tpu.memory_space<vmem>> -> memref<1x128xi32, #tpu.memory_space<vmem>>
      %dma_wait3A_176 = tpu.memref_squeeze %dma_wait3A_175 : memref<1x128xi32, #tpu.memory_space<vmem>> -> memref<128xi32, #tpu.memory_space<vmem>>
      %dma_wait3A_177 = arith.constant 0 : i32
      %dma_wait3A_178 = arith.constant 0 : i32
      %dma_wait3A_179 = tpu.memref_slice %arg10[%dma_wait3A_177, %dma_wait3A_178] : memref<50048x8xf32, #tpu.memory_space<vmem_shared>> -> memref<50048x8xf32, #tpu.memory_space<vmem_shared>>
      tpu.wait_indirect_dma semaphore(%arg12 : memref<!tpu.dma_semaphore, #tpu.memory_space<semaphore_mem>>) src(%dma_wait3A_179 : memref<50048x8xf32, #tpu.memory_space<vmem_shared>>) dst(%arg9 : memref<128x8xf32, #tpu.memory_space<vmem>>)
      %dma_wait3A_180 = arith.constant 3 : i32
      %dma_wait3A_181 = arith.constant 0 : i32
      %dma_wait3A_182 = tpu.memref_slice %arg8[%dma_wait3A_180, %dma_wait3A_181] : memref<8x128xi32, #tpu.memory_space<vmem>> -> memref<1x128xi32, #tpu.memory_space<vmem>>
      %dma_wait3A_183 = tpu.memref_squeeze %dma_wait3A_182 : memref<1x128xi32, #tpu.memory_space<vmem>> -> memref<128xi32, #tpu.memory_space<vmem>>
      %dma_wait3A_184 = arith.constant 0 : i32
      %dma_wait3A_185 = arith.constant 0 : i32
      %dma_wait3A_186 = tpu.memref_slice %arg11[%dma_wait3A_184, %dma_wait3A_185] : memref<50048x8xf32, #tpu.memory_space<vmem_shared>> -> memref<50048x8xf32, #tpu.memory_space<vmem_shared>>
      tpu.wait_indirect_dma semaphore(%arg13 : memref<!tpu.dma_semaphore, #tpu.memory_space<semaphore_mem>>) src(%arg9 : memref<128x8xf32, #tpu.memory_space<vmem>>) dst(%dma_wait3A_186 : memref<50048x8xf32, #tpu.memory_space<vmem_shared>>)
      %dma_wait3A_187 = arith.constant 4 : i32
      %dma_wait3A_188 = arith.constant 0 : i32
      %dma_wait3A_189 = tpu.memref_slice %arg7[%dma_wait3A_187, %dma_wait3A_188] : memref<8x128xi32, #tpu.memory_space<vmem>> -> memref<1x128xi32, #tpu.memory_space<vmem>>
      %dma_wait3A_190 = tpu.memref_squeeze %dma_wait3A_189 : memref<1x128xi32, #tpu.memory_space<vmem>> -> memref<128xi32, #tpu.memory_space<vmem>>
      %dma_wait3A_191 = arith.constant 0 : i32
      %dma_wait3A_192 = arith.constant 0 : i32
      %dma_wait3A_193 = tpu.memref_slice %arg10[%dma_wait3A_191, %dma_wait3A_192] : memref<50048x8xf32, #tpu.memory_space<vmem_shared>> -> memref<50048x8xf32, #tpu.memory_space<vmem_shared>>
      tpu.wait_indirect_dma semaphore(%arg12 : memref<!tpu.dma_semaphore, #tpu.memory_space<semaphore_mem>>) src(%dma_wait3A_193 : memref<50048x8xf32, #tpu.memory_space<vmem_shared>>) dst(%arg9 : memref<128x8xf32, #tpu.memory_space<vmem>>)
      %dma_wait3A_194 = arith.constant 4 : i32
      %dma_wait3A_195 = arith.constant 0 : i32
      %dma_wait3A_196 = tpu.memref_slice %arg8[%dma_wait3A_194, %dma_wait3A_195] : memref<8x128xi32, #tpu.memory_space<vmem>> -> memref<1x128xi32, #tpu.memory_space<vmem>>
      %dma_wait3A_197 = tpu.memref_squeeze %dma_wait3A_196 : memref<1x128xi32, #tpu.memory_space<vmem>> -> memref<128xi32, #tpu.memory_space<vmem>>
      %dma_wait3A_198 = arith.constant 0 : i32
      %dma_wait3A_199 = arith.constant 0 : i32
      %dma_wait3A_200 = tpu.memref_slice %arg11[%dma_wait3A_198, %dma_wait3A_199] : memref<50048x8xf32, #tpu.memory_space<vmem_shared>> -> memref<50048x8xf32, #tpu.memory_space<vmem_shared>>
      tpu.wait_indirect_dma semaphore(%arg13 : memref<!tpu.dma_semaphore, #tpu.memory_space<semaphore_mem>>) src(%arg9 : memref<128x8xf32, #tpu.memory_space<vmem>>) dst(%dma_wait3A_200 : memref<50048x8xf32, #tpu.memory_space<vmem_shared>>)
      %dma_wait3A_201 = arith.constant 5 : i32
      %dma_wait3A_202 = arith.constant 0 : i32
      %dma_wait3A_203 = tpu.memref_slice %arg7[%dma_wait3A_201, %dma_wait3A_202] : memref<8x128xi32, #tpu.memory_space<vmem>> -> memref<1x128xi32, #tpu.memory_space<vmem>>
      %dma_wait3A_204 = tpu.memref_squeeze %dma_wait3A_203 : memref<1x128xi32, #tpu.memory_space<vmem>> -> memref<128xi32, #tpu.memory_space<vmem>>
      %dma_wait3A_205 = arith.constant 0 : i32
      %dma_wait3A_206 = arith.constant 0 : i32
      %dma_wait3A_207 = tpu.memref_slice %arg10[%dma_wait3A_205, %dma_wait3A_206] : memref<50048x8xf32, #tpu.memory_space<vmem_shared>> -> memref<50048x8xf32, #tpu.memory_space<vmem_shared>>
      tpu.wait_indirect_dma semaphore(%arg12 : memref<!tpu.dma_semaphore, #tpu.memory_space<semaphore_mem>>) src(%dma_wait3A_207 : memref<50048x8xf32, #tpu.memory_space<vmem_shared>>) dst(%arg9 : memref<128x8xf32, #tpu.memory_space<vmem>>)
      %dma_wait3A_208 = arith.constant 5 : i32
      %dma_wait3A_209 = arith.constant 0 : i32
      %dma_wait3A_210 = tpu.memref_slice %arg8[%dma_wait3A_208, %dma_wait3A_209] : memref<8x128xi32, #tpu.memory_space<vmem>> -> memref<1x128xi32, #tpu.memory_space<vmem>>
      %dma_wait3A_211 = tpu.memref_squeeze %dma_wait3A_210 : memref<1x128xi32, #tpu.memory_space<vmem>> -> memref<128xi32, #tpu.memory_space<vmem>>
      %dma_wait3A_212 = arith.constant 0 : i32
      %dma_wait3A_213 = arith.constant 0 : i32
      %dma_wait3A_214 = tpu.memref_slice %arg11[%dma_wait3A_212, %dma_wait3A_213] : memref<50048x8xf32, #tpu.memory_space<vmem_shared>> -> memref<50048x8xf32, #tpu.memory_space<vmem_shared>>
      tpu.wait_indirect_dma semaphore(%arg13 : memref<!tpu.dma_semaphore, #tpu.memory_space<semaphore_mem>>) src(%arg9 : memref<128x8xf32, #tpu.memory_space<vmem>>) dst(%dma_wait3A_214 : memref<50048x8xf32, #tpu.memory_space<vmem_shared>>)
      %dma_wait3A_215 = arith.constant 6 : i32
      %dma_wait3A_216 = arith.constant 0 : i32
      %dma_wait3A_217 = tpu.memref_slice %arg7[%dma_wait3A_215, %dma_wait3A_216] : memref<8x128xi32, #tpu.memory_space<vmem>> -> memref<1x128xi32, #tpu.memory_space<vmem>>
      %dma_wait3A_218 = tpu.memref_squeeze %dma_wait3A_217 : memref<1x128xi32, #tpu.memory_space<vmem>> -> memref<128xi32, #tpu.memory_space<vmem>>
      %dma_wait3A_219 = arith.constant 0 : i32
      %dma_wait3A_220 = arith.constant 0 : i32
      %dma_wait3A_221 = tpu.memref_slice %arg10[%dma_wait3A_219, %dma_wait3A_220] : memref<50048x8xf32, #tpu.memory_space<vmem_shared>> -> memref<50048x8xf32, #tpu.memory_space<vmem_shared>>
      tpu.wait_indirect_dma semaphore(%arg12 : memref<!tpu.dma_semaphore, #tpu.memory_space<semaphore_mem>>) src(%dma_wait3A_221 : memref<50048x8xf32, #tpu.memory_space<vmem_shared>>) dst(%arg9 : memref<128x8xf32, #tpu.memory_space<vmem>>)
      %dma_wait3A_222 = arith.constant 6 : i32
      %dma_wait3A_223 = arith.constant 0 : i32
      %dma_wait3A_224 = tpu.memref_slice %arg8[%dma_wait3A_222, %dma_wait3A_223] : memref<8x128xi32, #tpu.memory_space<vmem>> -> memref<1x128xi32, #tpu.memory_space<vmem>>
      %dma_wait3A_225 = tpu.memref_squeeze %dma_wait3A_224 : memref<1x128xi32, #tpu.memory_space<vmem>> -> memref<128xi32, #tpu.memory_space<vmem>>
      %dma_wait3A_226 = arith.constant 0 : i32
      %dma_wait3A_227 = arith.constant 0 : i32
      %dma_wait3A_228 = tpu.memref_slice %arg11[%dma_wait3A_226, %dma_wait3A_227] : memref<50048x8xf32, #tpu.memory_space<vmem_shared>> -> memref<50048x8xf32, #tpu.memory_space<vmem_shared>>
      tpu.wait_indirect_dma semaphore(%arg13 : memref<!tpu.dma_semaphore, #tpu.memory_space<semaphore_mem>>) src(%arg9 : memref<128x8xf32, #tpu.memory_space<vmem>>) dst(%dma_wait3A_228 : memref<50048x8xf32, #tpu.memory_space<vmem_shared>>)
      %dma_wait3A_229 = arith.constant 7 : i32
      %dma_wait3A_230 = arith.constant 0 : i32
      %dma_wait3A_231 = tpu.memref_slice %arg7[%dma_wait3A_229, %dma_wait3A_230] : memref<8x128xi32, #tpu.memory_space<vmem>> -> memref<1x128xi32, #tpu.memory_space<vmem>>
      %dma_wait3A_232 = tpu.memref_squeeze %dma_wait3A_231 : memref<1x128xi32, #tpu.memory_space<vmem>> -> memref<128xi32, #tpu.memory_space<vmem>>
      %dma_wait3A_233 = arith.constant 0 : i32
      %dma_wait3A_234 = arith.constant 0 : i32
      %dma_wait3A_235 = tpu.memref_slice %arg10[%dma_wait3A_233, %dma_wait3A_234] : memref<50048x8xf32, #tpu.memory_space<vmem_shared>> -> memref<50048x8xf32, #tpu.memory_space<vmem_shared>>
      tpu.wait_indirect_dma semaphore(%arg12 : memref<!tpu.dma_semaphore, #tpu.memory_space<semaphore_mem>>) src(%dma_wait3A_235 : memref<50048x8xf32, #tpu.memory_space<vmem_shared>>) dst(%arg9 : memref<128x8xf32, #tpu.memory_space<vmem>>)
      %dma_wait3A_236 = arith.constant 7 : i32
      %dma_wait3A_237 = arith.constant 0 : i32
      %dma_wait3A_238 = tpu.memref_slice %arg8[%dma_wait3A_236, %dma_wait3A_237] : memref<8x128xi32, #tpu.memory_space<vmem>> -> memref<1x128xi32, #tpu.memory_space<vmem>>
      %dma_wait3A_239 = tpu.memref_squeeze %dma_wait3A_238 : memref<1x128xi32, #tpu.memory_space<vmem>> -> memref<128xi32, #tpu.memory_space<vmem>>
      %dma_wait3A_240 = arith.constant 0 : i32
      %dma_wait3A_241 = arith.constant 0 : i32
      %dma_wait3A_242 = tpu.memref_slice %arg11[%dma_wait3A_240, %dma_wait3A_241] : memref<50048x8xf32, #tpu.memory_space<vmem_shared>> -> memref<50048x8xf32, #tpu.memory_space<vmem_shared>>
      tpu.wait_indirect_dma semaphore(%arg13 : memref<!tpu.dma_semaphore, #tpu.memory_space<semaphore_mem>>) src(%arg9 : memref<128x8xf32, #tpu.memory_space<vmem>>) dst(%dma_wait3A_242 : memref<50048x8xf32, #tpu.memory_space<vmem_shared>>)
    }
    %while3A_15 = arith.constant 1 : i32
    scf.for %while3A_17 = %while3A_13 to %while3A_9 step %while3A_15  : i32 {
      %mul3A_18 = arith.constant 8 : i32
      %mul3A_19 = arith.muli %while3A_17, %mul3A_18 : i32
      %add3A_20 = arith.addi %mul3A_4, %mul3A_19 : i32
      "tpu.region"() ({
        %run_scoped3A = tpu.sem_alloc : memref<!tpu.dma_semaphore, #tpu.memory_space<semaphore_mem>>
        %dma_start3A_243 = arith.constant 0 : i32
        %dma_start3A_244 = tpu.memref_slice %arg3[%add3A_20, %dma_start3A_243] : memref<25000x128xi32, #tpu.memory_space<hbm>> -> memref<8x128xi32, #tpu.memory_space<hbm>>
        %dma_start3A_245 = arith.constant 0 : i32
        %dma_start3A_246 = tpu.memref_slice %arg3[%add3A_20, %dma_start3A_245] : memref<25000x128xi32, #tpu.memory_space<hbm>> -> memref<8x128xi32, #tpu.memory_space<hbm>>
        tpu.enqueue_dma source(%dma_start3A_246 : memref<8x128xi32, #tpu.memory_space<hbm>>) target(%arg7 : memref<8x128xi32, #tpu.memory_space<vmem>>) target_semaphore(%run_scoped3A : memref<!tpu.dma_semaphore, #tpu.memory_space<semaphore_mem>>)
        %dma_wait3A_247 = arith.constant 0 : i32
        %dma_wait3A_248 = tpu.memref_slice %arg3[%add3A_20, %dma_wait3A_247] : memref<25000x128xi32, #tpu.memory_space<hbm>> -> memref<8x128xi32, #tpu.memory_space<hbm>>
        %dma_wait3A_249 = arith.constant 0 : i32
        %dma_wait3A_250 = tpu.memref_slice %arg3[%add3A_20, %dma_wait3A_249] : memref<25000x128xi32, #tpu.memory_space<hbm>> -> memref<8x128xi32, #tpu.memory_space<hbm>>
        tpu.wait_dma2 semaphore(%run_scoped3A : memref<!tpu.dma_semaphore, #tpu.memory_space<semaphore_mem>>) src(%dma_wait3A_250 : memref<8x128xi32, #tpu.memory_space<hbm>>) dst(%arg7 : memref<8x128xi32, #tpu.memory_space<vmem>>)
        tpu.yield
      }) : () -> ()
      "tpu.region"() ({
        %run_scoped3A = tpu.sem_alloc : memref<!tpu.dma_semaphore, #tpu.memory_space<semaphore_mem>>
        %dma_start3A_243 = arith.constant 0 : i32
        %dma_start3A_244 = tpu.memref_slice %arg4[%add3A_20, %dma_start3A_243] : memref<25000x128xi32, #tpu.memory_space<hbm>> -> memref<8x128xi32, #tpu.memory_space<hbm>>
        %dma_start3A_245 = arith.constant 0 : i32
        %dma_start3A_246 = tpu.memref_slice %arg4[%add3A_20, %dma_start3A_245] : memref<25000x128xi32, #tpu.memory_space<hbm>> -> memref<8x128xi32, #tpu.memory_space<hbm>>
        tpu.enqueue_dma source(%dma_start3A_246 : memref<8x128xi32, #tpu.memory_space<hbm>>) target(%arg8 : memref<8x128xi32, #tpu.memory_space<vmem>>) target_semaphore(%run_scoped3A : memref<!tpu.dma_semaphore, #tpu.memory_space<semaphore_mem>>)
        %dma_wait3A_247 = arith.constant 0 : i32
        %dma_wait3A_248 = tpu.memref_slice %arg4[%add3A_20, %dma_wait3A_247] : memref<25000x128xi32, #tpu.memory_space<hbm>> -> memref<8x128xi32, #tpu.memory_space<hbm>>
        %dma_wait3A_249 = arith.constant 0 : i32
        %dma_wait3A_250 = tpu.memref_slice %arg4[%add3A_20, %dma_wait3A_249] : memref<25000x128xi32, #tpu.memory_space<hbm>> -> memref<8x128xi32, #tpu.memory_space<hbm>>
        tpu.wait_dma2 semaphore(%run_scoped3A : memref<!tpu.dma_semaphore, #tpu.memory_space<semaphore_mem>>) src(%dma_wait3A_250 : memref<8x128xi32, #tpu.memory_space<hbm>>) dst(%arg8 : memref<8x128xi32, #tpu.memory_space<vmem>>)
        tpu.yield
      }) : () -> ()
      %dma_start3A = arith.constant 0 : i32
      %dma_start3A_21 = arith.constant 0 : i32
      %dma_start3A_22 = tpu.memref_slice %arg7[%dma_start3A, %dma_start3A_21] : memref<8x128xi32, #tpu.memory_space<vmem>> -> memref<1x128xi32, #tpu.memory_space<vmem>>
      %dma_start3A_23 = tpu.memref_squeeze %dma_start3A_22 : memref<1x128xi32, #tpu.memory_space<vmem>> -> memref<128xi32, #tpu.memory_space<vmem>>
      %dma_start3A_24 = arith.constant 0 : i32
      %dma_start3A_25 = arith.constant 0 : i32
      %dma_start3A_26 = tpu.memref_slice %arg10[%dma_start3A_24, %dma_start3A_25] : memref<50048x8xf32, #tpu.memory_space<vmem_shared>> -> memref<50048x8xf32, #tpu.memory_space<vmem_shared>>
      tpu.enqueue_indirect_dma source(%dma_start3A_26 : memref<50048x8xf32, #tpu.memory_space<vmem_shared>>) target(%arg9 : memref<128x8xf32, #tpu.memory_space<vmem>>) offsets(%dma_start3A_23 : memref<128xi32, #tpu.memory_space<vmem>>) semaphore(%arg12 : memref<!tpu.dma_semaphore, #tpu.memory_space<semaphore_mem>>)
      %dma_start3A_27 = arith.constant 0 : i32
      %dma_start3A_28 = arith.constant 0 : i32
      %dma_start3A_29 = tpu.memref_slice %arg8[%dma_start3A_27, %dma_start3A_28] : memref<8x128xi32, #tpu.memory_space<vmem>> -> memref<1x128xi32, #tpu.memory_space<vmem>>
      %dma_start3A_30 = tpu.memref_squeeze %dma_start3A_29 : memref<1x128xi32, #tpu.memory_space<vmem>> -> memref<128xi32, #tpu.memory_space<vmem>>
      %dma_start3A_31 = arith.constant 0 : i32
      %dma_start3A_32 = arith.constant 0 : i32
      %dma_start3A_33 = tpu.memref_slice %arg11[%dma_start3A_31, %dma_start3A_32] : memref<50048x8xf32, #tpu.memory_space<vmem_shared>> -> memref<50048x8xf32, #tpu.memory_space<vmem_shared>>
      tpu.enqueue_indirect_dma source(%arg9 : memref<128x8xf32, #tpu.memory_space<vmem>>) target(%dma_start3A_33 : memref<50048x8xf32, #tpu.memory_space<vmem_shared>>) offsets(%dma_start3A_30 : memref<128xi32, #tpu.memory_space<vmem>>) semaphore(%arg13 : memref<!tpu.dma_semaphore, #tpu.memory_space<semaphore_mem>>) {add = true}
      %dma_start3A_34 = arith.constant 1 : i32
      %dma_start3A_35 = arith.constant 0 : i32
      %dma_start3A_36 = tpu.memref_slice %arg7[%dma_start3A_34, %dma_start3A_35] : memref<8x128xi32, #tpu.memory_space<vmem>> -> memref<1x128xi32, #tpu.memory_space<vmem>>
      %dma_start3A_37 = tpu.memref_squeeze %dma_start3A_36 : memref<1x128xi32, #tpu.memory_space<vmem>> -> memref<128xi32, #tpu.memory_space<vmem>>
      %dma_start3A_38 = arith.constant 0 : i32
      %dma_start3A_39 = arith.constant 0 : i32
      %dma_start3A_40 = tpu.memref_slice %arg10[%dma_start3A_38, %dma_start3A_39] : memref<50048x8xf32, #tpu.memory_space<vmem_shared>> -> memref<50048x8xf32, #tpu.memory_space<vmem_shared>>
      tpu.enqueue_indirect_dma source(%dma_start3A_40 : memref<50048x8xf32, #tpu.memory_space<vmem_shared>>) target(%arg9 : memref<128x8xf32, #tpu.memory_space<vmem>>) offsets(%dma_start3A_37 : memref<128xi32, #tpu.memory_space<vmem>>) semaphore(%arg12 : memref<!tpu.dma_semaphore, #tpu.memory_space<semaphore_mem>>)
      %dma_start3A_41 = arith.constant 1 : i32
      %dma_start3A_42 = arith.constant 0 : i32
      %dma_start3A_43 = tpu.memref_slice %arg8[%dma_start3A_41, %dma_start3A_42] : memref<8x128xi32, #tpu.memory_space<vmem>> -> memref<1x128xi32, #tpu.memory_space<vmem>>
      %dma_start3A_44 = tpu.memref_squeeze %dma_start3A_43 : memref<1x128xi32, #tpu.memory_space<vmem>> -> memref<128xi32, #tpu.memory_space<vmem>>
      %dma_start3A_45 = arith.constant 0 : i32
      %dma_start3A_46 = arith.constant 0 : i32
      %dma_start3A_47 = tpu.memref_slice %arg11[%dma_start3A_45, %dma_start3A_46] : memref<50048x8xf32, #tpu.memory_space<vmem_shared>> -> memref<50048x8xf32, #tpu.memory_space<vmem_shared>>
      tpu.enqueue_indirect_dma source(%arg9 : memref<128x8xf32, #tpu.memory_space<vmem>>) target(%dma_start3A_47 : memref<50048x8xf32, #tpu.memory_space<vmem_shared>>) offsets(%dma_start3A_44 : memref<128xi32, #tpu.memory_space<vmem>>) semaphore(%arg13 : memref<!tpu.dma_semaphore, #tpu.memory_space<semaphore_mem>>) {add = true}
      %dma_start3A_48 = arith.constant 2 : i32
      %dma_start3A_49 = arith.constant 0 : i32
      %dma_start3A_50 = tpu.memref_slice %arg7[%dma_start3A_48, %dma_start3A_49] : memref<8x128xi32, #tpu.memory_space<vmem>> -> memref<1x128xi32, #tpu.memory_space<vmem>>
      %dma_start3A_51 = tpu.memref_squeeze %dma_start3A_50 : memref<1x128xi32, #tpu.memory_space<vmem>> -> memref<128xi32, #tpu.memory_space<vmem>>
      %dma_start3A_52 = arith.constant 0 : i32
      %dma_start3A_53 = arith.constant 0 : i32
      %dma_start3A_54 = tpu.memref_slice %arg10[%dma_start3A_52, %dma_start3A_53] : memref<50048x8xf32, #tpu.memory_space<vmem_shared>> -> memref<50048x8xf32, #tpu.memory_space<vmem_shared>>
      tpu.enqueue_indirect_dma source(%dma_start3A_54 : memref<50048x8xf32, #tpu.memory_space<vmem_shared>>) target(%arg9 : memref<128x8xf32, #tpu.memory_space<vmem>>) offsets(%dma_start3A_51 : memref<128xi32, #tpu.memory_space<vmem>>) semaphore(%arg12 : memref<!tpu.dma_semaphore, #tpu.memory_space<semaphore_mem>>)
      %dma_start3A_55 = arith.constant 2 : i32
      %dma_start3A_56 = arith.constant 0 : i32
      %dma_start3A_57 = tpu.memref_slice %arg8[%dma_start3A_55, %dma_start3A_56] : memref<8x128xi32, #tpu.memory_space<vmem>> -> memref<1x128xi32, #tpu.memory_space<vmem>>
      %dma_start3A_58 = tpu.memref_squeeze %dma_start3A_57 : memref<1x128xi32, #tpu.memory_space<vmem>> -> memref<128xi32, #tpu.memory_space<vmem>>
      %dma_start3A_59 = arith.constant 0 : i32
      %dma_start3A_60 = arith.constant 0 : i32
      %dma_start3A_61 = tpu.memref_slice %arg11[%dma_start3A_59, %dma_start3A_60] : memref<50048x8xf32, #tpu.memory_space<vmem_shared>> -> memref<50048x8xf32, #tpu.memory_space<vmem_shared>>
      tpu.enqueue_indirect_dma source(%arg9 : memref<128x8xf32, #tpu.memory_space<vmem>>) target(%dma_start3A_61 : memref<50048x8xf32, #tpu.memory_space<vmem_shared>>) offsets(%dma_start3A_58 : memref<128xi32, #tpu.memory_space<vmem>>) semaphore(%arg13 : memref<!tpu.dma_semaphore, #tpu.memory_space<semaphore_mem>>) {add = true}
      %dma_start3A_62 = arith.constant 3 : i32
      %dma_start3A_63 = arith.constant 0 : i32
      %dma_start3A_64 = tpu.memref_slice %arg7[%dma_start3A_62, %dma_start3A_63] : memref<8x128xi32, #tpu.memory_space<vmem>> -> memref<1x128xi32, #tpu.memory_space<vmem>>
      %dma_start3A_65 = tpu.memref_squeeze %dma_start3A_64 : memref<1x128xi32, #tpu.memory_space<vmem>> -> memref<128xi32, #tpu.memory_space<vmem>>
      %dma_start3A_66 = arith.constant 0 : i32
      %dma_start3A_67 = arith.constant 0 : i32
      %dma_start3A_68 = tpu.memref_slice %arg10[%dma_start3A_66, %dma_start3A_67] : memref<50048x8xf32, #tpu.memory_space<vmem_shared>> -> memref<50048x8xf32, #tpu.memory_space<vmem_shared>>
      tpu.enqueue_indirect_dma source(%dma_start3A_68 : memref<50048x8xf32, #tpu.memory_space<vmem_shared>>) target(%arg9 : memref<128x8xf32, #tpu.memory_space<vmem>>) offsets(%dma_start3A_65 : memref<128xi32, #tpu.memory_space<vmem>>) semaphore(%arg12 : memref<!tpu.dma_semaphore, #tpu.memory_space<semaphore_mem>>)
      %dma_start3A_69 = arith.constant 3 : i32
      %dma_start3A_70 = arith.constant 0 : i32
      %dma_start3A_71 = tpu.memref_slice %arg8[%dma_start3A_69, %dma_start3A_70] : memref<8x128xi32, #tpu.memory_space<vmem>> -> memref<1x128xi32, #tpu.memory_space<vmem>>
      %dma_start3A_72 = tpu.memref_squeeze %dma_start3A_71 : memref<1x128xi32, #tpu.memory_space<vmem>> -> memref<128xi32, #tpu.memory_space<vmem>>
      %dma_start3A_73 = arith.constant 0 : i32
      %dma_start3A_74 = arith.constant 0 : i32
      %dma_start3A_75 = tpu.memref_slice %arg11[%dma_start3A_73, %dma_start3A_74] : memref<50048x8xf32, #tpu.memory_space<vmem_shared>> -> memref<50048x8xf32, #tpu.memory_space<vmem_shared>>
      tpu.enqueue_indirect_dma source(%arg9 : memref<128x8xf32, #tpu.memory_space<vmem>>) target(%dma_start3A_75 : memref<50048x8xf32, #tpu.memory_space<vmem_shared>>) offsets(%dma_start3A_72 : memref<128xi32, #tpu.memory_space<vmem>>) semaphore(%arg13 : memref<!tpu.dma_semaphore, #tpu.memory_space<semaphore_mem>>) {add = true}
      %dma_start3A_76 = arith.constant 4 : i32
      %dma_start3A_77 = arith.constant 0 : i32
      %dma_start3A_78 = tpu.memref_slice %arg7[%dma_start3A_76, %dma_start3A_77] : memref<8x128xi32, #tpu.memory_space<vmem>> -> memref<1x128xi32, #tpu.memory_space<vmem>>
      %dma_start3A_79 = tpu.memref_squeeze %dma_start3A_78 : memref<1x128xi32, #tpu.memory_space<vmem>> -> memref<128xi32, #tpu.memory_space<vmem>>
      %dma_start3A_80 = arith.constant 0 : i32
      %dma_start3A_81 = arith.constant 0 : i32
      %dma_start3A_82 = tpu.memref_slice %arg10[%dma_start3A_80, %dma_start3A_81] : memref<50048x8xf32, #tpu.memory_space<vmem_shared>> -> memref<50048x8xf32, #tpu.memory_space<vmem_shared>>
      tpu.enqueue_indirect_dma source(%dma_start3A_82 : memref<50048x8xf32, #tpu.memory_space<vmem_shared>>) target(%arg9 : memref<128x8xf32, #tpu.memory_space<vmem>>) offsets(%dma_start3A_79 : memref<128xi32, #tpu.memory_space<vmem>>) semaphore(%arg12 : memref<!tpu.dma_semaphore, #tpu.memory_space<semaphore_mem>>)
      %dma_start3A_83 = arith.constant 4 : i32
      %dma_start3A_84 = arith.constant 0 : i32
      %dma_start3A_85 = tpu.memref_slice %arg8[%dma_start3A_83, %dma_start3A_84] : memref<8x128xi32, #tpu.memory_space<vmem>> -> memref<1x128xi32, #tpu.memory_space<vmem>>
      %dma_start3A_86 = tpu.memref_squeeze %dma_start3A_85 : memref<1x128xi32, #tpu.memory_space<vmem>> -> memref<128xi32, #tpu.memory_space<vmem>>
      %dma_start3A_87 = arith.constant 0 : i32
      %dma_start3A_88 = arith.constant 0 : i32
      %dma_start3A_89 = tpu.memref_slice %arg11[%dma_start3A_87, %dma_start3A_88] : memref<50048x8xf32, #tpu.memory_space<vmem_shared>> -> memref<50048x8xf32, #tpu.memory_space<vmem_shared>>
      tpu.enqueue_indirect_dma source(%arg9 : memref<128x8xf32, #tpu.memory_space<vmem>>) target(%dma_start3A_89 : memref<50048x8xf32, #tpu.memory_space<vmem_shared>>) offsets(%dma_start3A_86 : memref<128xi32, #tpu.memory_space<vmem>>) semaphore(%arg13 : memref<!tpu.dma_semaphore, #tpu.memory_space<semaphore_mem>>) {add = true}
      %dma_start3A_90 = arith.constant 5 : i32
      %dma_start3A_91 = arith.constant 0 : i32
      %dma_start3A_92 = tpu.memref_slice %arg7[%dma_start3A_90, %dma_start3A_91] : memref<8x128xi32, #tpu.memory_space<vmem>> -> memref<1x128xi32, #tpu.memory_space<vmem>>
      %dma_start3A_93 = tpu.memref_squeeze %dma_start3A_92 : memref<1x128xi32, #tpu.memory_space<vmem>> -> memref<128xi32, #tpu.memory_space<vmem>>
      %dma_start3A_94 = arith.constant 0 : i32
      %dma_start3A_95 = arith.constant 0 : i32
      %dma_start3A_96 = tpu.memref_slice %arg10[%dma_start3A_94, %dma_start3A_95] : memref<50048x8xf32, #tpu.memory_space<vmem_shared>> -> memref<50048x8xf32, #tpu.memory_space<vmem_shared>>
      tpu.enqueue_indirect_dma source(%dma_start3A_96 : memref<50048x8xf32, #tpu.memory_space<vmem_shared>>) target(%arg9 : memref<128x8xf32, #tpu.memory_space<vmem>>) offsets(%dma_start3A_93 : memref<128xi32, #tpu.memory_space<vmem>>) semaphore(%arg12 : memref<!tpu.dma_semaphore, #tpu.memory_space<semaphore_mem>>)
      %dma_start3A_97 = arith.constant 5 : i32
      %dma_start3A_98 = arith.constant 0 : i32
      %dma_start3A_99 = tpu.memref_slice %arg8[%dma_start3A_97, %dma_start3A_98] : memref<8x128xi32, #tpu.memory_space<vmem>> -> memref<1x128xi32, #tpu.memory_space<vmem>>
      %dma_start3A_100 = tpu.memref_squeeze %dma_start3A_99 : memref<1x128xi32, #tpu.memory_space<vmem>> -> memref<128xi32, #tpu.memory_space<vmem>>
      %dma_start3A_101 = arith.constant 0 : i32
      %dma_start3A_102 = arith.constant 0 : i32
      %dma_start3A_103 = tpu.memref_slice %arg11[%dma_start3A_101, %dma_start3A_102] : memref<50048x8xf32, #tpu.memory_space<vmem_shared>> -> memref<50048x8xf32, #tpu.memory_space<vmem_shared>>
      tpu.enqueue_indirect_dma source(%arg9 : memref<128x8xf32, #tpu.memory_space<vmem>>) target(%dma_start3A_103 : memref<50048x8xf32, #tpu.memory_space<vmem_shared>>) offsets(%dma_start3A_100 : memref<128xi32, #tpu.memory_space<vmem>>) semaphore(%arg13 : memref<!tpu.dma_semaphore, #tpu.memory_space<semaphore_mem>>) {add = true}
      %dma_start3A_104 = arith.constant 6 : i32
      %dma_start3A_105 = arith.constant 0 : i32
      %dma_start3A_106 = tpu.memref_slice %arg7[%dma_start3A_104, %dma_start3A_105] : memref<8x128xi32, #tpu.memory_space<vmem>> -> memref<1x128xi32, #tpu.memory_space<vmem>>
      %dma_start3A_107 = tpu.memref_squeeze %dma_start3A_106 : memref<1x128xi32, #tpu.memory_space<vmem>> -> memref<128xi32, #tpu.memory_space<vmem>>
      %dma_start3A_108 = arith.constant 0 : i32
      %dma_start3A_109 = arith.constant 0 : i32
      %dma_start3A_110 = tpu.memref_slice %arg10[%dma_start3A_108, %dma_start3A_109] : memref<50048x8xf32, #tpu.memory_space<vmem_shared>> -> memref<50048x8xf32, #tpu.memory_space<vmem_shared>>
      tpu.enqueue_indirect_dma source(%dma_start3A_110 : memref<50048x8xf32, #tpu.memory_space<vmem_shared>>) target(%arg9 : memref<128x8xf32, #tpu.memory_space<vmem>>) offsets(%dma_start3A_107 : memref<128xi32, #tpu.memory_space<vmem>>) semaphore(%arg12 : memref<!tpu.dma_semaphore, #tpu.memory_space<semaphore_mem>>)
      %dma_start3A_111 = arith.constant 6 : i32
      %dma_start3A_112 = arith.constant 0 : i32
      %dma_start3A_113 = tpu.memref_slice %arg8[%dma_start3A_111, %dma_start3A_112] : memref<8x128xi32, #tpu.memory_space<vmem>> -> memref<1x128xi32, #tpu.memory_space<vmem>>
      %dma_start3A_114 = tpu.memref_squeeze %dma_start3A_113 : memref<1x128xi32, #tpu.memory_space<vmem>> -> memref<128xi32, #tpu.memory_space<vmem>>
      %dma_start3A_115 = arith.constant 0 : i32
      %dma_start3A_116 = arith.constant 0 : i32
      %dma_start3A_117 = tpu.memref_slice %arg11[%dma_start3A_115, %dma_start3A_116] : memref<50048x8xf32, #tpu.memory_space<vmem_shared>> -> memref<50048x8xf32, #tpu.memory_space<vmem_shared>>
      tpu.enqueue_indirect_dma source(%arg9 : memref<128x8xf32, #tpu.memory_space<vmem>>) target(%dma_start3A_117 : memref<50048x8xf32, #tpu.memory_space<vmem_shared>>) offsets(%dma_start3A_114 : memref<128xi32, #tpu.memory_space<vmem>>) semaphore(%arg13 : memref<!tpu.dma_semaphore, #tpu.memory_space<semaphore_mem>>) {add = true}
      %dma_start3A_118 = arith.constant 7 : i32
      %dma_start3A_119 = arith.constant 0 : i32
      %dma_start3A_120 = tpu.memref_slice %arg7[%dma_start3A_118, %dma_start3A_119] : memref<8x128xi32, #tpu.memory_space<vmem>> -> memref<1x128xi32, #tpu.memory_space<vmem>>
      %dma_start3A_121 = tpu.memref_squeeze %dma_start3A_120 : memref<1x128xi32, #tpu.memory_space<vmem>> -> memref<128xi32, #tpu.memory_space<vmem>>
      %dma_start3A_122 = arith.constant 0 : i32
      %dma_start3A_123 = arith.constant 0 : i32
      %dma_start3A_124 = tpu.memref_slice %arg10[%dma_start3A_122, %dma_start3A_123] : memref<50048x8xf32, #tpu.memory_space<vmem_shared>> -> memref<50048x8xf32, #tpu.memory_space<vmem_shared>>
      tpu.enqueue_indirect_dma source(%dma_start3A_124 : memref<50048x8xf32, #tpu.memory_space<vmem_shared>>) target(%arg9 : memref<128x8xf32, #tpu.memory_space<vmem>>) offsets(%dma_start3A_121 : memref<128xi32, #tpu.memory_space<vmem>>) semaphore(%arg12 : memref<!tpu.dma_semaphore, #tpu.memory_space<semaphore_mem>>)
      %dma_start3A_125 = arith.constant 7 : i32
      %dma_start3A_126 = arith.constant 0 : i32
      %dma_start3A_127 = tpu.memref_slice %arg8[%dma_start3A_125, %dma_start3A_126] : memref<8x128xi32, #tpu.memory_space<vmem>> -> memref<1x128xi32, #tpu.memory_space<vmem>>
      %dma_start3A_128 = tpu.memref_squeeze %dma_start3A_127 : memref<1x128xi32, #tpu.memory_space<vmem>> -> memref<128xi32, #tpu.memory_space<vmem>>
      %dma_start3A_129 = arith.constant 0 : i32
      %dma_start3A_130 = arith.constant 0 : i32
      %dma_start3A_131 = tpu.memref_slice %arg11[%dma_start3A_129, %dma_start3A_130] : memref<50048x8xf32, #tpu.memory_space<vmem_shared>> -> memref<50048x8xf32, #tpu.memory_space<vmem_shared>>
      tpu.enqueue_indirect_dma source(%arg9 : memref<128x8xf32, #tpu.memory_space<vmem>>) target(%dma_start3A_131 : memref<50048x8xf32, #tpu.memory_space<vmem_shared>>) offsets(%dma_start3A_128 : memref<128xi32, #tpu.memory_space<vmem>>) semaphore(%arg13 : memref<!tpu.dma_semaphore, #tpu.memory_space<semaphore_mem>>) {add = true}
      %dma_wait3A = arith.constant 0 : i32
      %dma_wait3A_132 = arith.constant 0 : i32
      %dma_wait3A_133 = tpu.memref_slice %arg7[%dma_wait3A, %dma_wait3A_132] : memref<8x128xi32, #tpu.memory_space<vmem>> -> memref<1x128xi32, #tpu.memory_space<vmem>>
      %dma_wait3A_134 = tpu.memref_squeeze %dma_wait3A_133 : memref<1x128xi32, #tpu.memory_space<vmem>> -> memref<128xi32, #tpu.memory_space<vmem>>
      %dma_wait3A_135 = arith.constant 0 : i32
      %dma_wait3A_136 = arith.constant 0 : i32
      %dma_wait3A_137 = tpu.memref_slice %arg10[%dma_wait3A_135, %dma_wait3A_136] : memref<50048x8xf32, #tpu.memory_space<vmem_shared>> -> memref<50048x8xf32, #tpu.memory_space<vmem_shared>>
      tpu.wait_indirect_dma semaphore(%arg12 : memref<!tpu.dma_semaphore, #tpu.memory_space<semaphore_mem>>) src(%dma_wait3A_137 : memref<50048x8xf32, #tpu.memory_space<vmem_shared>>) dst(%arg9 : memref<128x8xf32, #tpu.memory_space<vmem>>)
      %dma_wait3A_138 = arith.constant 0 : i32
      %dma_wait3A_139 = arith.constant 0 : i32
      %dma_wait3A_140 = tpu.memref_slice %arg8[%dma_wait3A_138, %dma_wait3A_139] : memref<8x128xi32, #tpu.memory_space<vmem>> -> memref<1x128xi32, #tpu.memory_space<vmem>>
      %dma_wait3A_141 = tpu.memref_squeeze %dma_wait3A_140 : memref<1x128xi32, #tpu.memory_space<vmem>> -> memref<128xi32, #tpu.memory_space<vmem>>
      %dma_wait3A_142 = arith.constant 0 : i32
      %dma_wait3A_143 = arith.constant 0 : i32
      %dma_wait3A_144 = tpu.memref_slice %arg11[%dma_wait3A_142, %dma_wait3A_143] : memref<50048x8xf32, #tpu.memory_space<vmem_shared>> -> memref<50048x8xf32, #tpu.memory_space<vmem_shared>>
      tpu.wait_indirect_dma semaphore(%arg13 : memref<!tpu.dma_semaphore, #tpu.memory_space<semaphore_mem>>) src(%arg9 : memref<128x8xf32, #tpu.memory_space<vmem>>) dst(%dma_wait3A_144 : memref<50048x8xf32, #tpu.memory_space<vmem_shared>>)
      %dma_wait3A_145 = arith.constant 1 : i32
      %dma_wait3A_146 = arith.constant 0 : i32
      %dma_wait3A_147 = tpu.memref_slice %arg7[%dma_wait3A_145, %dma_wait3A_146] : memref<8x128xi32, #tpu.memory_space<vmem>> -> memref<1x128xi32, #tpu.memory_space<vmem>>
      %dma_wait3A_148 = tpu.memref_squeeze %dma_wait3A_147 : memref<1x128xi32, #tpu.memory_space<vmem>> -> memref<128xi32, #tpu.memory_space<vmem>>
      %dma_wait3A_149 = arith.constant 0 : i32
      %dma_wait3A_150 = arith.constant 0 : i32
      %dma_wait3A_151 = tpu.memref_slice %arg10[%dma_wait3A_149, %dma_wait3A_150] : memref<50048x8xf32, #tpu.memory_space<vmem_shared>> -> memref<50048x8xf32, #tpu.memory_space<vmem_shared>>
      tpu.wait_indirect_dma semaphore(%arg12 : memref<!tpu.dma_semaphore, #tpu.memory_space<semaphore_mem>>) src(%dma_wait3A_151 : memref<50048x8xf32, #tpu.memory_space<vmem_shared>>) dst(%arg9 : memref<128x8xf32, #tpu.memory_space<vmem>>)
      %dma_wait3A_152 = arith.constant 1 : i32
      %dma_wait3A_153 = arith.constant 0 : i32
      %dma_wait3A_154 = tpu.memref_slice %arg8[%dma_wait3A_152, %dma_wait3A_153] : memref<8x128xi32, #tpu.memory_space<vmem>> -> memref<1x128xi32, #tpu.memory_space<vmem>>
      %dma_wait3A_155 = tpu.memref_squeeze %dma_wait3A_154 : memref<1x128xi32, #tpu.memory_space<vmem>> -> memref<128xi32, #tpu.memory_space<vmem>>
      %dma_wait3A_156 = arith.constant 0 : i32
      %dma_wait3A_157 = arith.constant 0 : i32
      %dma_wait3A_158 = tpu.memref_slice %arg11[%dma_wait3A_156, %dma_wait3A_157] : memref<50048x8xf32, #tpu.memory_space<vmem_shared>> -> memref<50048x8xf32, #tpu.memory_space<vmem_shared>>
      tpu.wait_indirect_dma semaphore(%arg13 : memref<!tpu.dma_semaphore, #tpu.memory_space<semaphore_mem>>) src(%arg9 : memref<128x8xf32, #tpu.memory_space<vmem>>) dst(%dma_wait3A_158 : memref<50048x8xf32, #tpu.memory_space<vmem_shared>>)
      %dma_wait3A_159 = arith.constant 2 : i32
      %dma_wait3A_160 = arith.constant 0 : i32
      %dma_wait3A_161 = tpu.memref_slice %arg7[%dma_wait3A_159, %dma_wait3A_160] : memref<8x128xi32, #tpu.memory_space<vmem>> -> memref<1x128xi32, #tpu.memory_space<vmem>>
      %dma_wait3A_162 = tpu.memref_squeeze %dma_wait3A_161 : memref<1x128xi32, #tpu.memory_space<vmem>> -> memref<128xi32, #tpu.memory_space<vmem>>
      %dma_wait3A_163 = arith.constant 0 : i32
      %dma_wait3A_164 = arith.constant 0 : i32
      %dma_wait3A_165 = tpu.memref_slice %arg10[%dma_wait3A_163, %dma_wait3A_164] : memref<50048x8xf32, #tpu.memory_space<vmem_shared>> -> memref<50048x8xf32, #tpu.memory_space<vmem_shared>>
      tpu.wait_indirect_dma semaphore(%arg12 : memref<!tpu.dma_semaphore, #tpu.memory_space<semaphore_mem>>) src(%dma_wait3A_165 : memref<50048x8xf32, #tpu.memory_space<vmem_shared>>) dst(%arg9 : memref<128x8xf32, #tpu.memory_space<vmem>>)
      %dma_wait3A_166 = arith.constant 2 : i32
      %dma_wait3A_167 = arith.constant 0 : i32
      %dma_wait3A_168 = tpu.memref_slice %arg8[%dma_wait3A_166, %dma_wait3A_167] : memref<8x128xi32, #tpu.memory_space<vmem>> -> memref<1x128xi32, #tpu.memory_space<vmem>>
      %dma_wait3A_169 = tpu.memref_squeeze %dma_wait3A_168 : memref<1x128xi32, #tpu.memory_space<vmem>> -> memref<128xi32, #tpu.memory_space<vmem>>
      %dma_wait3A_170 = arith.constant 0 : i32
      %dma_wait3A_171 = arith.constant 0 : i32
      %dma_wait3A_172 = tpu.memref_slice %arg11[%dma_wait3A_170, %dma_wait3A_171] : memref<50048x8xf32, #tpu.memory_space<vmem_shared>> -> memref<50048x8xf32, #tpu.memory_space<vmem_shared>>
      tpu.wait_indirect_dma semaphore(%arg13 : memref<!tpu.dma_semaphore, #tpu.memory_space<semaphore_mem>>) src(%arg9 : memref<128x8xf32, #tpu.memory_space<vmem>>) dst(%dma_wait3A_172 : memref<50048x8xf32, #tpu.memory_space<vmem_shared>>)
      %dma_wait3A_173 = arith.constant 3 : i32
      %dma_wait3A_174 = arith.constant 0 : i32
      %dma_wait3A_175 = tpu.memref_slice %arg7[%dma_wait3A_173, %dma_wait3A_174] : memref<8x128xi32, #tpu.memory_space<vmem>> -> memref<1x128xi32, #tpu.memory_space<vmem>>
      %dma_wait3A_176 = tpu.memref_squeeze %dma_wait3A_175 : memref<1x128xi32, #tpu.memory_space<vmem>> -> memref<128xi32, #tpu.memory_space<vmem>>
      %dma_wait3A_177 = arith.constant 0 : i32
      %dma_wait3A_178 = arith.constant 0 : i32
      %dma_wait3A_179 = tpu.memref_slice %arg10[%dma_wait3A_177, %dma_wait3A_178] : memref<50048x8xf32, #tpu.memory_space<vmem_shared>> -> memref<50048x8xf32, #tpu.memory_space<vmem_shared>>
      tpu.wait_indirect_dma semaphore(%arg12 : memref<!tpu.dma_semaphore, #tpu.memory_space<semaphore_mem>>) src(%dma_wait3A_179 : memref<50048x8xf32, #tpu.memory_space<vmem_shared>>) dst(%arg9 : memref<128x8xf32, #tpu.memory_space<vmem>>)
      %dma_wait3A_180 = arith.constant 3 : i32
      %dma_wait3A_181 = arith.constant 0 : i32
      %dma_wait3A_182 = tpu.memref_slice %arg8[%dma_wait3A_180, %dma_wait3A_181] : memref<8x128xi32, #tpu.memory_space<vmem>> -> memref<1x128xi32, #tpu.memory_space<vmem>>
      %dma_wait3A_183 = tpu.memref_squeeze %dma_wait3A_182 : memref<1x128xi32, #tpu.memory_space<vmem>> -> memref<128xi32, #tpu.memory_space<vmem>>
      %dma_wait3A_184 = arith.constant 0 : i32
      %dma_wait3A_185 = arith.constant 0 : i32
      %dma_wait3A_186 = tpu.memref_slice %arg11[%dma_wait3A_184, %dma_wait3A_185] : memref<50048x8xf32, #tpu.memory_space<vmem_shared>> -> memref<50048x8xf32, #tpu.memory_space<vmem_shared>>
      tpu.wait_indirect_dma semaphore(%arg13 : memref<!tpu.dma_semaphore, #tpu.memory_space<semaphore_mem>>) src(%arg9 : memref<128x8xf32, #tpu.memory_space<vmem>>) dst(%dma_wait3A_186 : memref<50048x8xf32, #tpu.memory_space<vmem_shared>>)
      %dma_wait3A_187 = arith.constant 4 : i32
      %dma_wait3A_188 = arith.constant 0 : i32
      %dma_wait3A_189 = tpu.memref_slice %arg7[%dma_wait3A_187, %dma_wait3A_188] : memref<8x128xi32, #tpu.memory_space<vmem>> -> memref<1x128xi32, #tpu.memory_space<vmem>>
      %dma_wait3A_190 = tpu.memref_squeeze %dma_wait3A_189 : memref<1x128xi32, #tpu.memory_space<vmem>> -> memref<128xi32, #tpu.memory_space<vmem>>
      %dma_wait3A_191 = arith.constant 0 : i32
      %dma_wait3A_192 = arith.constant 0 : i32
      %dma_wait3A_193 = tpu.memref_slice %arg10[%dma_wait3A_191, %dma_wait3A_192] : memref<50048x8xf32, #tpu.memory_space<vmem_shared>> -> memref<50048x8xf32, #tpu.memory_space<vmem_shared>>
      tpu.wait_indirect_dma semaphore(%arg12 : memref<!tpu.dma_semaphore, #tpu.memory_space<semaphore_mem>>) src(%dma_wait3A_193 : memref<50048x8xf32, #tpu.memory_space<vmem_shared>>) dst(%arg9 : memref<128x8xf32, #tpu.memory_space<vmem>>)
      %dma_wait3A_194 = arith.constant 4 : i32
      %dma_wait3A_195 = arith.constant 0 : i32
      %dma_wait3A_196 = tpu.memref_slice %arg8[%dma_wait3A_194, %dma_wait3A_195] : memref<8x128xi32, #tpu.memory_space<vmem>> -> memref<1x128xi32, #tpu.memory_space<vmem>>
      %dma_wait3A_197 = tpu.memref_squeeze %dma_wait3A_196 : memref<1x128xi32, #tpu.memory_space<vmem>> -> memref<128xi32, #tpu.memory_space<vmem>>
      %dma_wait3A_198 = arith.constant 0 : i32
      %dma_wait3A_199 = arith.constant 0 : i32
      %dma_wait3A_200 = tpu.memref_slice %arg11[%dma_wait3A_198, %dma_wait3A_199] : memref<50048x8xf32, #tpu.memory_space<vmem_shared>> -> memref<50048x8xf32, #tpu.memory_space<vmem_shared>>
      tpu.wait_indirect_dma semaphore(%arg13 : memref<!tpu.dma_semaphore, #tpu.memory_space<semaphore_mem>>) src(%arg9 : memref<128x8xf32, #tpu.memory_space<vmem>>) dst(%dma_wait3A_200 : memref<50048x8xf32, #tpu.memory_space<vmem_shared>>)
      %dma_wait3A_201 = arith.constant 5 : i32
      %dma_wait3A_202 = arith.constant 0 : i32
      %dma_wait3A_203 = tpu.memref_slice %arg7[%dma_wait3A_201, %dma_wait3A_202] : memref<8x128xi32, #tpu.memory_space<vmem>> -> memref<1x128xi32, #tpu.memory_space<vmem>>
      %dma_wait3A_204 = tpu.memref_squeeze %dma_wait3A_203 : memref<1x128xi32, #tpu.memory_space<vmem>> -> memref<128xi32, #tpu.memory_space<vmem>>
      %dma_wait3A_205 = arith.constant 0 : i32
      %dma_wait3A_206 = arith.constant 0 : i32
      %dma_wait3A_207 = tpu.memref_slice %arg10[%dma_wait3A_205, %dma_wait3A_206] : memref<50048x8xf32, #tpu.memory_space<vmem_shared>> -> memref<50048x8xf32, #tpu.memory_space<vmem_shared>>
      tpu.wait_indirect_dma semaphore(%arg12 : memref<!tpu.dma_semaphore, #tpu.memory_space<semaphore_mem>>) src(%dma_wait3A_207 : memref<50048x8xf32, #tpu.memory_space<vmem_shared>>) dst(%arg9 : memref<128x8xf32, #tpu.memory_space<vmem>>)
      %dma_wait3A_208 = arith.constant 5 : i32
      %dma_wait3A_209 = arith.constant 0 : i32
      %dma_wait3A_210 = tpu.memref_slice %arg8[%dma_wait3A_208, %dma_wait3A_209] : memref<8x128xi32, #tpu.memory_space<vmem>> -> memref<1x128xi32, #tpu.memory_space<vmem>>
      %dma_wait3A_211 = tpu.memref_squeeze %dma_wait3A_210 : memref<1x128xi32, #tpu.memory_space<vmem>> -> memref<128xi32, #tpu.memory_space<vmem>>
      %dma_wait3A_212 = arith.constant 0 : i32
      %dma_wait3A_213 = arith.constant 0 : i32
      %dma_wait3A_214 = tpu.memref_slice %arg11[%dma_wait3A_212, %dma_wait3A_213] : memref<50048x8xf32, #tpu.memory_space<vmem_shared>> -> memref<50048x8xf32, #tpu.memory_space<vmem_shared>>
      tpu.wait_indirect_dma semaphore(%arg13 : memref<!tpu.dma_semaphore, #tpu.memory_space<semaphore_mem>>) src(%arg9 : memref<128x8xf32, #tpu.memory_space<vmem>>) dst(%dma_wait3A_214 : memref<50048x8xf32, #tpu.memory_space<vmem_shared>>)
      %dma_wait3A_215 = arith.constant 6 : i32
      %dma_wait3A_216 = arith.constant 0 : i32
      %dma_wait3A_217 = tpu.memref_slice %arg7[%dma_wait3A_215, %dma_wait3A_216] : memref<8x128xi32, #tpu.memory_space<vmem>> -> memref<1x128xi32, #tpu.memory_space<vmem>>
      %dma_wait3A_218 = tpu.memref_squeeze %dma_wait3A_217 : memref<1x128xi32, #tpu.memory_space<vmem>> -> memref<128xi32, #tpu.memory_space<vmem>>
      %dma_wait3A_219 = arith.constant 0 : i32
      %dma_wait3A_220 = arith.constant 0 : i32
      %dma_wait3A_221 = tpu.memref_slice %arg10[%dma_wait3A_219, %dma_wait3A_220] : memref<50048x8xf32, #tpu.memory_space<vmem_shared>> -> memref<50048x8xf32, #tpu.memory_space<vmem_shared>>
      tpu.wait_indirect_dma semaphore(%arg12 : memref<!tpu.dma_semaphore, #tpu.memory_space<semaphore_mem>>) src(%dma_wait3A_221 : memref<50048x8xf32, #tpu.memory_space<vmem_shared>>) dst(%arg9 : memref<128x8xf32, #tpu.memory_space<vmem>>)
      %dma_wait3A_222 = arith.constant 6 : i32
      %dma_wait3A_223 = arith.constant 0 : i32
      %dma_wait3A_224 = tpu.memref_slice %arg8[%dma_wait3A_222, %dma_wait3A_223] : memref<8x128xi32, #tpu.memory_space<vmem>> -> memref<1x128xi32, #tpu.memory_space<vmem>>
      %dma_wait3A_225 = tpu.memref_squeeze %dma_wait3A_224 : memref<1x128xi32, #tpu.memory_space<vmem>> -> memref<128xi32, #tpu.memory_space<vmem>>
      %dma_wait3A_226 = arith.constant 0 : i32
      %dma_wait3A_227 = arith.constant 0 : i32
      %dma_wait3A_228 = tpu.memref_slice %arg11[%dma_wait3A_226, %dma_wait3A_227] : memref<50048x8xf32, #tpu.memory_space<vmem_shared>> -> memref<50048x8xf32, #tpu.memory_space<vmem_shared>>
      tpu.wait_indirect_dma semaphore(%arg13 : memref<!tpu.dma_semaphore, #tpu.memory_space<semaphore_mem>>) src(%arg9 : memref<128x8xf32, #tpu.memory_space<vmem>>) dst(%dma_wait3A_228 : memref<50048x8xf32, #tpu.memory_space<vmem_shared>>)
      %dma_wait3A_229 = arith.constant 7 : i32
      %dma_wait3A_230 = arith.constant 0 : i32
      %dma_wait3A_231 = tpu.memref_slice %arg7[%dma_wait3A_229, %dma_wait3A_230] : memref<8x128xi32, #tpu.memory_space<vmem>> -> memref<1x128xi32, #tpu.memory_space<vmem>>
      %dma_wait3A_232 = tpu.memref_squeeze %dma_wait3A_231 : memref<1x128xi32, #tpu.memory_space<vmem>> -> memref<128xi32, #tpu.memory_space<vmem>>
      %dma_wait3A_233 = arith.constant 0 : i32
      %dma_wait3A_234 = arith.constant 0 : i32
      %dma_wait3A_235 = tpu.memref_slice %arg10[%dma_wait3A_233, %dma_wait3A_234] : memref<50048x8xf32, #tpu.memory_space<vmem_shared>> -> memref<50048x8xf32, #tpu.memory_space<vmem_shared>>
      tpu.wait_indirect_dma semaphore(%arg12 : memref<!tpu.dma_semaphore, #tpu.memory_space<semaphore_mem>>) src(%dma_wait3A_235 : memref<50048x8xf32, #tpu.memory_space<vmem_shared>>) dst(%arg9 : memref<128x8xf32, #tpu.memory_space<vmem>>)
      %dma_wait3A_236 = arith.constant 7 : i32
      %dma_wait3A_237 = arith.constant 0 : i32
      %dma_wait3A_238 = tpu.memref_slice %arg8[%dma_wait3A_236, %dma_wait3A_237] : memref<8x128xi32, #tpu.memory_space<vmem>> -> memref<1x128xi32, #tpu.memory_space<vmem>>
      %dma_wait3A_239 = tpu.memref_squeeze %dma_wait3A_238 : memref<1x128xi32, #tpu.memory_space<vmem>> -> memref<128xi32, #tpu.memory_space<vmem>>
      %dma_wait3A_240 = arith.constant 0 : i32
      %dma_wait3A_241 = arith.constant 0 : i32
      %dma_wait3A_242 = tpu.memref_slice %arg11[%dma_wait3A_240, %dma_wait3A_241] : memref<50048x8xf32, #tpu.memory_space<vmem_shared>> -> memref<50048x8xf32, #tpu.memory_space<vmem_shared>>
      tpu.wait_indirect_dma semaphore(%arg13 : memref<!tpu.dma_semaphore, #tpu.memory_space<semaphore_mem>>) src(%arg9 : memref<128x8xf32, #tpu.memory_space<vmem>>) dst(%dma_wait3A_242 : memref<50048x8xf32, #tpu.memory_space<vmem_shared>>)
    }
    %barrier3A_16 = arith.constant 0 : index
    tpu.barrier barrier_id(%barrier3A_16)
    "tpu.region"() ({
      %run_scoped3A = tpu.sem_alloc : memref<!tpu.dma_semaphore, #tpu.memory_space<semaphore_mem>>
      %dma_start3A = arith.constant 0 : i32
      %dma_start3A_17 = tpu.memref_slice %arg6[%arg0, %mul3A_2, %dma_start3A] : memref<2x50048x8xf32, #tpu.memory_space<hbm>> -> memref<1x3128x8xf32, #tpu.memory_space<hbm>>
      %dma_start3A_18 = tpu.memref_squeeze %dma_start3A_17 : memref<1x3128x8xf32, #tpu.memory_space<hbm>> -> memref<3128x8xf32, #tpu.memory_space<hbm>>
      %dma_start3A_19 = arith.constant 0 : i32
      %dma_start3A_20 = tpu.memref_slice %arg11[%mul3A_2, %dma_start3A_19] : memref<50048x8xf32, #tpu.memory_space<vmem_shared>> -> memref<3128x8xf32, #tpu.memory_space<vmem_shared>>
      tpu.enqueue_dma source(%dma_start3A_20 : memref<3128x8xf32, #tpu.memory_space<vmem_shared>>) target(%dma_start3A_18 : memref<3128x8xf32, #tpu.memory_space<hbm>>) target_semaphore(%run_scoped3A : memref<!tpu.dma_semaphore, #tpu.memory_space<semaphore_mem>>)
      %dma_wait3A = arith.constant 0 : i32
      %dma_wait3A_21 = tpu.memref_slice %arg6[%arg0, %mul3A_2, %dma_wait3A] : memref<2x50048x8xf32, #tpu.memory_space<hbm>> -> memref<1x3128x8xf32, #tpu.memory_space<hbm>>
      %dma_wait3A_22 = tpu.memref_squeeze %dma_wait3A_21 : memref<1x3128x8xf32, #tpu.memory_space<hbm>> -> memref<3128x8xf32, #tpu.memory_space<hbm>>
      %dma_wait3A_23 = arith.constant 0 : i32
      %dma_wait3A_24 = tpu.memref_slice %arg11[%mul3A_2, %dma_wait3A_23] : memref<50048x8xf32, #tpu.memory_space<vmem_shared>> -> memref<3128x8xf32, #tpu.memory_space<vmem_shared>>
      tpu.wait_dma2 semaphore(%run_scoped3A : memref<!tpu.dma_semaphore, #tpu.memory_space<semaphore_mem>>) src(%dma_wait3A_24 : memref<3128x8xf32, #tpu.memory_space<vmem_shared>>) dst(%dma_wait3A_22 : memref<3128x8xf32, #tpu.memory_space<hbm>>)
      tpu.yield
    }) : () -> ()
    return
  }
}

#map = affine_map<(d0, d1) -> (0, 0)>
#map1 = affine_map<(d0, d1) -> (0, 0, 0)>
module attributes {stable_mosaic.version = 14 : i64} {
  func.func @agg(%arg0: i32, %arg1: i32, %arg2: memref<50048x4xf32, #tpu.memory_space<hbm>>, %arg3: memref<25000x128xi32, #tpu.memory_space<hbm>>, %arg4: memref<25000x128xi32, #tpu.memory_space<hbm>>, %arg5: memref<50048x4xf32, #tpu.memory_space<hbm>>, %arg6: memref<2x50048x4xf32, #tpu.memory_space<hbm>>, %arg7: memref<8x128xi32, #tpu.memory_space<vmem>>, %arg8: memref<8x128xi32, #tpu.memory_space<vmem>>, %arg9: memref<128x4xf32, #tpu.memory_space<vmem>>, %arg10: memref<50048x4xf32, #tpu.memory_space<vmem_shared>>, %arg11: memref<50048x4xf32, #tpu.memory_space<vmem_shared>>, %arg12: memref<!tpu.dma_semaphore, #tpu.memory_space<semaphore_mem>>, %arg13: memref<!tpu.dma_semaphore, #tpu.memory_space<semaphore_mem>>) attributes {dimension_semantics = [#tpu.dimension_semantics<core_parallel>, #tpu.dimension_semantics<subcore_parallel>], iteration_bounds = array<i64: 2, 16>, scalar_prefetch = 0 : i64, scratch_operands = 7 : i64, tpu.core_type = #tpu.core_type<sc_vector_subcore>, window_params = [{transform_indices = #map}, {transform_indices = #map}, {transform_indices = #map}, {transform_indices = #map}, {transform_indices = #map1}]} {
    %mul3A = arith.constant 16 : i32
    %mul3A_0 = arith.muli %arg0, %mul3A : i32
    %add3A = arith.addi %mul3A_0, %arg1 : i32
    %mul3A_1 = arith.constant 3128 : i32
    %mul3A_2 = arith.muli %arg1, %mul3A_1 : i32
    "tpu.region"() ({
      %run_scoped3A = tpu.sem_alloc : memref<!tpu.dma_semaphore, #tpu.memory_space<semaphore_mem>>
      %dma_start3A = arith.constant 0 : i32
      %dma_start3A_17 = tpu.memref_slice %arg10[%mul3A_2, %dma_start3A] : memref<50048x4xf32, #tpu.memory_space<vmem_shared>> -> memref<3128x4xf32, #tpu.memory_space<vmem_shared>>
      %dma_start3A_18 = arith.constant 0 : i32
      %dma_start3A_19 = tpu.memref_slice %arg2[%mul3A_2, %dma_start3A_18] : memref<50048x4xf32, #tpu.memory_space<hbm>> -> memref<3128x4xf32, #tpu.memory_space<hbm>>
      tpu.enqueue_dma source(%dma_start3A_19 : memref<3128x4xf32, #tpu.memory_space<hbm>>) target(%dma_start3A_17 : memref<3128x4xf32, #tpu.memory_space<vmem_shared>>) target_semaphore(%run_scoped3A : memref<!tpu.dma_semaphore, #tpu.memory_space<semaphore_mem>>)
      %dma_wait3A = arith.constant 0 : i32
      %dma_wait3A_20 = tpu.memref_slice %arg10[%mul3A_2, %dma_wait3A] : memref<50048x4xf32, #tpu.memory_space<vmem_shared>> -> memref<3128x4xf32, #tpu.memory_space<vmem_shared>>
      %dma_wait3A_21 = arith.constant 0 : i32
      %dma_wait3A_22 = tpu.memref_slice %arg2[%mul3A_2, %dma_wait3A_21] : memref<50048x4xf32, #tpu.memory_space<hbm>> -> memref<3128x4xf32, #tpu.memory_space<hbm>>
      tpu.wait_dma2 semaphore(%run_scoped3A : memref<!tpu.dma_semaphore, #tpu.memory_space<semaphore_mem>>) src(%dma_wait3A_22 : memref<3128x4xf32, #tpu.memory_space<hbm>>) dst(%dma_wait3A_20 : memref<3128x4xf32, #tpu.memory_space<vmem_shared>>)
      tpu.yield
    }) : () -> ()
    "tpu.region"() ({
      %run_scoped3A = tpu.sem_alloc : memref<!tpu.dma_semaphore, #tpu.memory_space<semaphore_mem>>
      %dma_start3A = arith.constant 0 : i32
      %dma_start3A_17 = tpu.memref_slice %arg11[%mul3A_2, %dma_start3A] : memref<50048x4xf32, #tpu.memory_space<vmem_shared>> -> memref<3128x4xf32, #tpu.memory_space<vmem_shared>>
      %dma_start3A_18 = arith.constant 0 : i32
      %dma_start3A_19 = tpu.memref_slice %arg5[%mul3A_2, %dma_start3A_18] : memref<50048x4xf32, #tpu.memory_space<hbm>> -> memref<3128x4xf32, #tpu.memory_space<hbm>>
      tpu.enqueue_dma source(%dma_start3A_19 : memref<3128x4xf32, #tpu.memory_space<hbm>>) target(%dma_start3A_17 : memref<3128x4xf32, #tpu.memory_space<vmem_shared>>) target_semaphore(%run_scoped3A : memref<!tpu.dma_semaphore, #tpu.memory_space<semaphore_mem>>)
      %dma_wait3A = arith.constant 0 : i32
      %dma_wait3A_20 = tpu.memref_slice %arg11[%mul3A_2, %dma_wait3A] : memref<50048x4xf32, #tpu.memory_space<vmem_shared>> -> memref<3128x4xf32, #tpu.memory_space<vmem_shared>>
      %dma_wait3A_21 = arith.constant 0 : i32
      %dma_wait3A_22 = tpu.memref_slice %arg5[%mul3A_2, %dma_wait3A_21] : memref<50048x4xf32, #tpu.memory_space<hbm>> -> memref<3128x4xf32, #tpu.memory_space<hbm>>
      tpu.wait_dma2 semaphore(%run_scoped3A : memref<!tpu.dma_semaphore, #tpu.memory_space<semaphore_mem>>) src(%dma_wait3A_22 : memref<3128x4xf32, #tpu.memory_space<hbm>>) dst(%dma_wait3A_20 : memref<3128x4xf32, #tpu.memory_space<vmem_shared>>)
      tpu.yield
    }) : () -> ()
    %barrier3A = arith.constant 0 : index
    tpu.barrier barrier_id(%barrier3A)
    %mul3A_3 = arith.constant 784 : i32
    %mul3A_4 = arith.muli %add3A, %mul3A_3 : i32
    %eq3A = arith.constant 31 : i32
    %eq3A_5 = arith.cmpi eq, %add3A, %eq3A : i32
    %jit3A = arith.constant 87 : i32
    %jit3A_6 = arith.constant 98 : i32
    %select_n3A = arith.select %eq3A_5, %jit3A, %jit3A_6 : i32
    %while3A = arith.constant 0 : i32
    %while3A_7 = arith.constant 0 : i32
    %while3A_8 = arith.subi %select_n3A, %while3A_7 : i32
    %while3A_9 = arith.addi %while3A_7, %while3A_8 : i32
    %while3A_10 = arith.constant 1 : i32
    %while3A_11 = arith.divsi %while3A_8, %while3A_10 : i32
    %while3A_12 = arith.muli %while3A_11, %while3A_10 : i32
    %while3A_13 = arith.addi %while3A_7, %while3A_12 : i32
    %while3A_14 = arith.constant 1 : i32
    scf.for %while3A_17 = %while3A_7 to %while3A_13 step %while3A_14  : i32 {
      %mul3A_18 = arith.constant 8 : i32
      %mul3A_19 = arith.muli %while3A_17, %mul3A_18 : i32
      %add3A_20 = arith.addi %mul3A_4, %mul3A_19 : i32
      "tpu.region"() ({
        %run_scoped3A = tpu.sem_alloc : memref<!tpu.dma_semaphore, #tpu.memory_space<semaphore_mem>>
        %dma_start3A_243 = arith.constant 0 : i32
        %dma_start3A_244 = tpu.memref_slice %arg3[%add3A_20, %dma_start3A_243] : memref<25000x128xi32, #tpu.memory_space<hbm>> -> memref<8x128xi32, #tpu.memory_space<hbm>>
        %dma_start3A_245 = arith.constant 0 : i32
        %dma_start3A_246 = tpu.memref_slice %arg3[%add3A_20, %dma_start3A_245] : memref<25000x128xi32, #tpu.memory_space<hbm>> -> memref<8x128xi32, #tpu.memory_space<hbm>>
        tpu.enqueue_dma source(%dma_start3A_246 : memref<8x128xi32, #tpu.memory_space<hbm>>) target(%arg7 : memref<8x128xi32, #tpu.memory_space<vmem>>) target_semaphore(%run_scoped3A : memref<!tpu.dma_semaphore, #tpu.memory_space<semaphore_mem>>)
        %dma_wait3A_247 = arith.constant 0 : i32
        %dma_wait3A_248 = tpu.memref_slice %arg3[%add3A_20, %dma_wait3A_247] : memref<25000x128xi32, #tpu.memory_space<hbm>> -> memref<8x128xi32, #tpu.memory_space<hbm>>
        %dma_wait3A_249 = arith.constant 0 : i32
        %dma_wait3A_250 = tpu.memref_slice %arg3[%add3A_20, %dma_wait3A_249] : memref<25000x128xi32, #tpu.memory_space<hbm>> -> memref<8x128xi32, #tpu.memory_space<hbm>>
        tpu.wait_dma2 semaphore(%run_scoped3A : memref<!tpu.dma_semaphore, #tpu.memory_space<semaphore_mem>>) src(%dma_wait3A_250 : memref<8x128xi32, #tpu.memory_space<hbm>>) dst(%arg7 : memref<8x128xi32, #tpu.memory_space<vmem>>)
        tpu.yield
      }) : () -> ()
      "tpu.region"() ({
        %run_scoped3A = tpu.sem_alloc : memref<!tpu.dma_semaphore, #tpu.memory_space<semaphore_mem>>
        %dma_start3A_243 = arith.constant 0 : i32
        %dma_start3A_244 = tpu.memref_slice %arg4[%add3A_20, %dma_start3A_243] : memref<25000x128xi32, #tpu.memory_space<hbm>> -> memref<8x128xi32, #tpu.memory_space<hbm>>
        %dma_start3A_245 = arith.constant 0 : i32
        %dma_start3A_246 = tpu.memref_slice %arg4[%add3A_20, %dma_start3A_245] : memref<25000x128xi32, #tpu.memory_space<hbm>> -> memref<8x128xi32, #tpu.memory_space<hbm>>
        tpu.enqueue_dma source(%dma_start3A_246 : memref<8x128xi32, #tpu.memory_space<hbm>>) target(%arg8 : memref<8x128xi32, #tpu.memory_space<vmem>>) target_semaphore(%run_scoped3A : memref<!tpu.dma_semaphore, #tpu.memory_space<semaphore_mem>>)
        %dma_wait3A_247 = arith.constant 0 : i32
        %dma_wait3A_248 = tpu.memref_slice %arg4[%add3A_20, %dma_wait3A_247] : memref<25000x128xi32, #tpu.memory_space<hbm>> -> memref<8x128xi32, #tpu.memory_space<hbm>>
        %dma_wait3A_249 = arith.constant 0 : i32
        %dma_wait3A_250 = tpu.memref_slice %arg4[%add3A_20, %dma_wait3A_249] : memref<25000x128xi32, #tpu.memory_space<hbm>> -> memref<8x128xi32, #tpu.memory_space<hbm>>
        tpu.wait_dma2 semaphore(%run_scoped3A : memref<!tpu.dma_semaphore, #tpu.memory_space<semaphore_mem>>) src(%dma_wait3A_250 : memref<8x128xi32, #tpu.memory_space<hbm>>) dst(%arg8 : memref<8x128xi32, #tpu.memory_space<vmem>>)
        tpu.yield
      }) : () -> ()
      %dma_start3A = arith.constant 0 : i32
      %dma_start3A_21 = arith.constant 0 : i32
      %dma_start3A_22 = tpu.memref_slice %arg7[%dma_start3A, %dma_start3A_21] : memref<8x128xi32, #tpu.memory_space<vmem>> -> memref<1x128xi32, #tpu.memory_space<vmem>>
      %dma_start3A_23 = tpu.memref_squeeze %dma_start3A_22 : memref<1x128xi32, #tpu.memory_space<vmem>> -> memref<128xi32, #tpu.memory_space<vmem>>
      %dma_start3A_24 = arith.constant 0 : i32
      %dma_start3A_25 = arith.constant 0 : i32
      %dma_start3A_26 = tpu.memref_slice %arg10[%dma_start3A_24, %dma_start3A_25] : memref<50048x4xf32, #tpu.memory_space<vmem_shared>> -> memref<50048x4xf32, #tpu.memory_space<vmem_shared>>
      tpu.enqueue_indirect_dma source(%dma_start3A_26 : memref<50048x4xf32, #tpu.memory_space<vmem_shared>>) target(%arg9 : memref<128x4xf32, #tpu.memory_space<vmem>>) offsets(%dma_start3A_23 : memref<128xi32, #tpu.memory_space<vmem>>) semaphore(%arg12 : memref<!tpu.dma_semaphore, #tpu.memory_space<semaphore_mem>>)
      %dma_start3A_27 = arith.constant 0 : i32
      %dma_start3A_28 = arith.constant 0 : i32
      %dma_start3A_29 = tpu.memref_slice %arg8[%dma_start3A_27, %dma_start3A_28] : memref<8x128xi32, #tpu.memory_space<vmem>> -> memref<1x128xi32, #tpu.memory_space<vmem>>
      %dma_start3A_30 = tpu.memref_squeeze %dma_start3A_29 : memref<1x128xi32, #tpu.memory_space<vmem>> -> memref<128xi32, #tpu.memory_space<vmem>>
      %dma_start3A_31 = arith.constant 0 : i32
      %dma_start3A_32 = arith.constant 0 : i32
      %dma_start3A_33 = tpu.memref_slice %arg11[%dma_start3A_31, %dma_start3A_32] : memref<50048x4xf32, #tpu.memory_space<vmem_shared>> -> memref<50048x4xf32, #tpu.memory_space<vmem_shared>>
      tpu.enqueue_indirect_dma source(%arg9 : memref<128x4xf32, #tpu.memory_space<vmem>>) target(%dma_start3A_33 : memref<50048x4xf32, #tpu.memory_space<vmem_shared>>) offsets(%dma_start3A_30 : memref<128xi32, #tpu.memory_space<vmem>>) semaphore(%arg13 : memref<!tpu.dma_semaphore, #tpu.memory_space<semaphore_mem>>) {add = true}
      %dma_start3A_34 = arith.constant 1 : i32
      %dma_start3A_35 = arith.constant 0 : i32
      %dma_start3A_36 = tpu.memref_slice %arg7[%dma_start3A_34, %dma_start3A_35] : memref<8x128xi32, #tpu.memory_space<vmem>> -> memref<1x128xi32, #tpu.memory_space<vmem>>
      %dma_start3A_37 = tpu.memref_squeeze %dma_start3A_36 : memref<1x128xi32, #tpu.memory_space<vmem>> -> memref<128xi32, #tpu.memory_space<vmem>>
      %dma_start3A_38 = arith.constant 0 : i32
      %dma_start3A_39 = arith.constant 0 : i32
      %dma_start3A_40 = tpu.memref_slice %arg10[%dma_start3A_38, %dma_start3A_39] : memref<50048x4xf32, #tpu.memory_space<vmem_shared>> -> memref<50048x4xf32, #tpu.memory_space<vmem_shared>>
      tpu.enqueue_indirect_dma source(%dma_start3A_40 : memref<50048x4xf32, #tpu.memory_space<vmem_shared>>) target(%arg9 : memref<128x4xf32, #tpu.memory_space<vmem>>) offsets(%dma_start3A_37 : memref<128xi32, #tpu.memory_space<vmem>>) semaphore(%arg12 : memref<!tpu.dma_semaphore, #tpu.memory_space<semaphore_mem>>)
      %dma_start3A_41 = arith.constant 1 : i32
      %dma_start3A_42 = arith.constant 0 : i32
      %dma_start3A_43 = tpu.memref_slice %arg8[%dma_start3A_41, %dma_start3A_42] : memref<8x128xi32, #tpu.memory_space<vmem>> -> memref<1x128xi32, #tpu.memory_space<vmem>>
      %dma_start3A_44 = tpu.memref_squeeze %dma_start3A_43 : memref<1x128xi32, #tpu.memory_space<vmem>> -> memref<128xi32, #tpu.memory_space<vmem>>
      %dma_start3A_45 = arith.constant 0 : i32
      %dma_start3A_46 = arith.constant 0 : i32
      %dma_start3A_47 = tpu.memref_slice %arg11[%dma_start3A_45, %dma_start3A_46] : memref<50048x4xf32, #tpu.memory_space<vmem_shared>> -> memref<50048x4xf32, #tpu.memory_space<vmem_shared>>
      tpu.enqueue_indirect_dma source(%arg9 : memref<128x4xf32, #tpu.memory_space<vmem>>) target(%dma_start3A_47 : memref<50048x4xf32, #tpu.memory_space<vmem_shared>>) offsets(%dma_start3A_44 : memref<128xi32, #tpu.memory_space<vmem>>) semaphore(%arg13 : memref<!tpu.dma_semaphore, #tpu.memory_space<semaphore_mem>>) {add = true}
      %dma_start3A_48 = arith.constant 2 : i32
      %dma_start3A_49 = arith.constant 0 : i32
      %dma_start3A_50 = tpu.memref_slice %arg7[%dma_start3A_48, %dma_start3A_49] : memref<8x128xi32, #tpu.memory_space<vmem>> -> memref<1x128xi32, #tpu.memory_space<vmem>>
      %dma_start3A_51 = tpu.memref_squeeze %dma_start3A_50 : memref<1x128xi32, #tpu.memory_space<vmem>> -> memref<128xi32, #tpu.memory_space<vmem>>
      %dma_start3A_52 = arith.constant 0 : i32
      %dma_start3A_53 = arith.constant 0 : i32
      %dma_start3A_54 = tpu.memref_slice %arg10[%dma_start3A_52, %dma_start3A_53] : memref<50048x4xf32, #tpu.memory_space<vmem_shared>> -> memref<50048x4xf32, #tpu.memory_space<vmem_shared>>
      tpu.enqueue_indirect_dma source(%dma_start3A_54 : memref<50048x4xf32, #tpu.memory_space<vmem_shared>>) target(%arg9 : memref<128x4xf32, #tpu.memory_space<vmem>>) offsets(%dma_start3A_51 : memref<128xi32, #tpu.memory_space<vmem>>) semaphore(%arg12 : memref<!tpu.dma_semaphore, #tpu.memory_space<semaphore_mem>>)
      %dma_start3A_55 = arith.constant 2 : i32
      %dma_start3A_56 = arith.constant 0 : i32
      %dma_start3A_57 = tpu.memref_slice %arg8[%dma_start3A_55, %dma_start3A_56] : memref<8x128xi32, #tpu.memory_space<vmem>> -> memref<1x128xi32, #tpu.memory_space<vmem>>
      %dma_start3A_58 = tpu.memref_squeeze %dma_start3A_57 : memref<1x128xi32, #tpu.memory_space<vmem>> -> memref<128xi32, #tpu.memory_space<vmem>>
      %dma_start3A_59 = arith.constant 0 : i32
      %dma_start3A_60 = arith.constant 0 : i32
      %dma_start3A_61 = tpu.memref_slice %arg11[%dma_start3A_59, %dma_start3A_60] : memref<50048x4xf32, #tpu.memory_space<vmem_shared>> -> memref<50048x4xf32, #tpu.memory_space<vmem_shared>>
      tpu.enqueue_indirect_dma source(%arg9 : memref<128x4xf32, #tpu.memory_space<vmem>>) target(%dma_start3A_61 : memref<50048x4xf32, #tpu.memory_space<vmem_shared>>) offsets(%dma_start3A_58 : memref<128xi32, #tpu.memory_space<vmem>>) semaphore(%arg13 : memref<!tpu.dma_semaphore, #tpu.memory_space<semaphore_mem>>) {add = true}
      %dma_start3A_62 = arith.constant 3 : i32
      %dma_start3A_63 = arith.constant 0 : i32
      %dma_start3A_64 = tpu.memref_slice %arg7[%dma_start3A_62, %dma_start3A_63] : memref<8x128xi32, #tpu.memory_space<vmem>> -> memref<1x128xi32, #tpu.memory_space<vmem>>
      %dma_start3A_65 = tpu.memref_squeeze %dma_start3A_64 : memref<1x128xi32, #tpu.memory_space<vmem>> -> memref<128xi32, #tpu.memory_space<vmem>>
      %dma_start3A_66 = arith.constant 0 : i32
      %dma_start3A_67 = arith.constant 0 : i32
      %dma_start3A_68 = tpu.memref_slice %arg10[%dma_start3A_66, %dma_start3A_67] : memref<50048x4xf32, #tpu.memory_space<vmem_shared>> -> memref<50048x4xf32, #tpu.memory_space<vmem_shared>>
      tpu.enqueue_indirect_dma source(%dma_start3A_68 : memref<50048x4xf32, #tpu.memory_space<vmem_shared>>) target(%arg9 : memref<128x4xf32, #tpu.memory_space<vmem>>) offsets(%dma_start3A_65 : memref<128xi32, #tpu.memory_space<vmem>>) semaphore(%arg12 : memref<!tpu.dma_semaphore, #tpu.memory_space<semaphore_mem>>)
      %dma_start3A_69 = arith.constant 3 : i32
      %dma_start3A_70 = arith.constant 0 : i32
      %dma_start3A_71 = tpu.memref_slice %arg8[%dma_start3A_69, %dma_start3A_70] : memref<8x128xi32, #tpu.memory_space<vmem>> -> memref<1x128xi32, #tpu.memory_space<vmem>>
      %dma_start3A_72 = tpu.memref_squeeze %dma_start3A_71 : memref<1x128xi32, #tpu.memory_space<vmem>> -> memref<128xi32, #tpu.memory_space<vmem>>
      %dma_start3A_73 = arith.constant 0 : i32
      %dma_start3A_74 = arith.constant 0 : i32
      %dma_start3A_75 = tpu.memref_slice %arg11[%dma_start3A_73, %dma_start3A_74] : memref<50048x4xf32, #tpu.memory_space<vmem_shared>> -> memref<50048x4xf32, #tpu.memory_space<vmem_shared>>
      tpu.enqueue_indirect_dma source(%arg9 : memref<128x4xf32, #tpu.memory_space<vmem>>) target(%dma_start3A_75 : memref<50048x4xf32, #tpu.memory_space<vmem_shared>>) offsets(%dma_start3A_72 : memref<128xi32, #tpu.memory_space<vmem>>) semaphore(%arg13 : memref<!tpu.dma_semaphore, #tpu.memory_space<semaphore_mem>>) {add = true}
      %dma_start3A_76 = arith.constant 4 : i32
      %dma_start3A_77 = arith.constant 0 : i32
      %dma_start3A_78 = tpu.memref_slice %arg7[%dma_start3A_76, %dma_start3A_77] : memref<8x128xi32, #tpu.memory_space<vmem>> -> memref<1x128xi32, #tpu.memory_space<vmem>>
      %dma_start3A_79 = tpu.memref_squeeze %dma_start3A_78 : memref<1x128xi32, #tpu.memory_space<vmem>> -> memref<128xi32, #tpu.memory_space<vmem>>
      %dma_start3A_80 = arith.constant 0 : i32
      %dma_start3A_81 = arith.constant 0 : i32
      %dma_start3A_82 = tpu.memref_slice %arg10[%dma_start3A_80, %dma_start3A_81] : memref<50048x4xf32, #tpu.memory_space<vmem_shared>> -> memref<50048x4xf32, #tpu.memory_space<vmem_shared>>
      tpu.enqueue_indirect_dma source(%dma_start3A_82 : memref<50048x4xf32, #tpu.memory_space<vmem_shared>>) target(%arg9 : memref<128x4xf32, #tpu.memory_space<vmem>>) offsets(%dma_start3A_79 : memref<128xi32, #tpu.memory_space<vmem>>) semaphore(%arg12 : memref<!tpu.dma_semaphore, #tpu.memory_space<semaphore_mem>>)
      %dma_start3A_83 = arith.constant 4 : i32
      %dma_start3A_84 = arith.constant 0 : i32
      %dma_start3A_85 = tpu.memref_slice %arg8[%dma_start3A_83, %dma_start3A_84] : memref<8x128xi32, #tpu.memory_space<vmem>> -> memref<1x128xi32, #tpu.memory_space<vmem>>
      %dma_start3A_86 = tpu.memref_squeeze %dma_start3A_85 : memref<1x128xi32, #tpu.memory_space<vmem>> -> memref<128xi32, #tpu.memory_space<vmem>>
      %dma_start3A_87 = arith.constant 0 : i32
      %dma_start3A_88 = arith.constant 0 : i32
      %dma_start3A_89 = tpu.memref_slice %arg11[%dma_start3A_87, %dma_start3A_88] : memref<50048x4xf32, #tpu.memory_space<vmem_shared>> -> memref<50048x4xf32, #tpu.memory_space<vmem_shared>>
      tpu.enqueue_indirect_dma source(%arg9 : memref<128x4xf32, #tpu.memory_space<vmem>>) target(%dma_start3A_89 : memref<50048x4xf32, #tpu.memory_space<vmem_shared>>) offsets(%dma_start3A_86 : memref<128xi32, #tpu.memory_space<vmem>>) semaphore(%arg13 : memref<!tpu.dma_semaphore, #tpu.memory_space<semaphore_mem>>) {add = true}
      %dma_start3A_90 = arith.constant 5 : i32
      %dma_start3A_91 = arith.constant 0 : i32
      %dma_start3A_92 = tpu.memref_slice %arg7[%dma_start3A_90, %dma_start3A_91] : memref<8x128xi32, #tpu.memory_space<vmem>> -> memref<1x128xi32, #tpu.memory_space<vmem>>
      %dma_start3A_93 = tpu.memref_squeeze %dma_start3A_92 : memref<1x128xi32, #tpu.memory_space<vmem>> -> memref<128xi32, #tpu.memory_space<vmem>>
      %dma_start3A_94 = arith.constant 0 : i32
      %dma_start3A_95 = arith.constant 0 : i32
      %dma_start3A_96 = tpu.memref_slice %arg10[%dma_start3A_94, %dma_start3A_95] : memref<50048x4xf32, #tpu.memory_space<vmem_shared>> -> memref<50048x4xf32, #tpu.memory_space<vmem_shared>>
      tpu.enqueue_indirect_dma source(%dma_start3A_96 : memref<50048x4xf32, #tpu.memory_space<vmem_shared>>) target(%arg9 : memref<128x4xf32, #tpu.memory_space<vmem>>) offsets(%dma_start3A_93 : memref<128xi32, #tpu.memory_space<vmem>>) semaphore(%arg12 : memref<!tpu.dma_semaphore, #tpu.memory_space<semaphore_mem>>)
      %dma_start3A_97 = arith.constant 5 : i32
      %dma_start3A_98 = arith.constant 0 : i32
      %dma_start3A_99 = tpu.memref_slice %arg8[%dma_start3A_97, %dma_start3A_98] : memref<8x128xi32, #tpu.memory_space<vmem>> -> memref<1x128xi32, #tpu.memory_space<vmem>>
      %dma_start3A_100 = tpu.memref_squeeze %dma_start3A_99 : memref<1x128xi32, #tpu.memory_space<vmem>> -> memref<128xi32, #tpu.memory_space<vmem>>
      %dma_start3A_101 = arith.constant 0 : i32
      %dma_start3A_102 = arith.constant 0 : i32
      %dma_start3A_103 = tpu.memref_slice %arg11[%dma_start3A_101, %dma_start3A_102] : memref<50048x4xf32, #tpu.memory_space<vmem_shared>> -> memref<50048x4xf32, #tpu.memory_space<vmem_shared>>
      tpu.enqueue_indirect_dma source(%arg9 : memref<128x4xf32, #tpu.memory_space<vmem>>) target(%dma_start3A_103 : memref<50048x4xf32, #tpu.memory_space<vmem_shared>>) offsets(%dma_start3A_100 : memref<128xi32, #tpu.memory_space<vmem>>) semaphore(%arg13 : memref<!tpu.dma_semaphore, #tpu.memory_space<semaphore_mem>>) {add = true}
      %dma_start3A_104 = arith.constant 6 : i32
      %dma_start3A_105 = arith.constant 0 : i32
      %dma_start3A_106 = tpu.memref_slice %arg7[%dma_start3A_104, %dma_start3A_105] : memref<8x128xi32, #tpu.memory_space<vmem>> -> memref<1x128xi32, #tpu.memory_space<vmem>>
      %dma_start3A_107 = tpu.memref_squeeze %dma_start3A_106 : memref<1x128xi32, #tpu.memory_space<vmem>> -> memref<128xi32, #tpu.memory_space<vmem>>
      %dma_start3A_108 = arith.constant 0 : i32
      %dma_start3A_109 = arith.constant 0 : i32
      %dma_start3A_110 = tpu.memref_slice %arg10[%dma_start3A_108, %dma_start3A_109] : memref<50048x4xf32, #tpu.memory_space<vmem_shared>> -> memref<50048x4xf32, #tpu.memory_space<vmem_shared>>
      tpu.enqueue_indirect_dma source(%dma_start3A_110 : memref<50048x4xf32, #tpu.memory_space<vmem_shared>>) target(%arg9 : memref<128x4xf32, #tpu.memory_space<vmem>>) offsets(%dma_start3A_107 : memref<128xi32, #tpu.memory_space<vmem>>) semaphore(%arg12 : memref<!tpu.dma_semaphore, #tpu.memory_space<semaphore_mem>>)
      %dma_start3A_111 = arith.constant 6 : i32
      %dma_start3A_112 = arith.constant 0 : i32
      %dma_start3A_113 = tpu.memref_slice %arg8[%dma_start3A_111, %dma_start3A_112] : memref<8x128xi32, #tpu.memory_space<vmem>> -> memref<1x128xi32, #tpu.memory_space<vmem>>
      %dma_start3A_114 = tpu.memref_squeeze %dma_start3A_113 : memref<1x128xi32, #tpu.memory_space<vmem>> -> memref<128xi32, #tpu.memory_space<vmem>>
      %dma_start3A_115 = arith.constant 0 : i32
      %dma_start3A_116 = arith.constant 0 : i32
      %dma_start3A_117 = tpu.memref_slice %arg11[%dma_start3A_115, %dma_start3A_116] : memref<50048x4xf32, #tpu.memory_space<vmem_shared>> -> memref<50048x4xf32, #tpu.memory_space<vmem_shared>>
      tpu.enqueue_indirect_dma source(%arg9 : memref<128x4xf32, #tpu.memory_space<vmem>>) target(%dma_start3A_117 : memref<50048x4xf32, #tpu.memory_space<vmem_shared>>) offsets(%dma_start3A_114 : memref<128xi32, #tpu.memory_space<vmem>>) semaphore(%arg13 : memref<!tpu.dma_semaphore, #tpu.memory_space<semaphore_mem>>) {add = true}
      %dma_start3A_118 = arith.constant 7 : i32
      %dma_start3A_119 = arith.constant 0 : i32
      %dma_start3A_120 = tpu.memref_slice %arg7[%dma_start3A_118, %dma_start3A_119] : memref<8x128xi32, #tpu.memory_space<vmem>> -> memref<1x128xi32, #tpu.memory_space<vmem>>
      %dma_start3A_121 = tpu.memref_squeeze %dma_start3A_120 : memref<1x128xi32, #tpu.memory_space<vmem>> -> memref<128xi32, #tpu.memory_space<vmem>>
      %dma_start3A_122 = arith.constant 0 : i32
      %dma_start3A_123 = arith.constant 0 : i32
      %dma_start3A_124 = tpu.memref_slice %arg10[%dma_start3A_122, %dma_start3A_123] : memref<50048x4xf32, #tpu.memory_space<vmem_shared>> -> memref<50048x4xf32, #tpu.memory_space<vmem_shared>>
      tpu.enqueue_indirect_dma source(%dma_start3A_124 : memref<50048x4xf32, #tpu.memory_space<vmem_shared>>) target(%arg9 : memref<128x4xf32, #tpu.memory_space<vmem>>) offsets(%dma_start3A_121 : memref<128xi32, #tpu.memory_space<vmem>>) semaphore(%arg12 : memref<!tpu.dma_semaphore, #tpu.memory_space<semaphore_mem>>)
      %dma_start3A_125 = arith.constant 7 : i32
      %dma_start3A_126 = arith.constant 0 : i32
      %dma_start3A_127 = tpu.memref_slice %arg8[%dma_start3A_125, %dma_start3A_126] : memref<8x128xi32, #tpu.memory_space<vmem>> -> memref<1x128xi32, #tpu.memory_space<vmem>>
      %dma_start3A_128 = tpu.memref_squeeze %dma_start3A_127 : memref<1x128xi32, #tpu.memory_space<vmem>> -> memref<128xi32, #tpu.memory_space<vmem>>
      %dma_start3A_129 = arith.constant 0 : i32
      %dma_start3A_130 = arith.constant 0 : i32
      %dma_start3A_131 = tpu.memref_slice %arg11[%dma_start3A_129, %dma_start3A_130] : memref<50048x4xf32, #tpu.memory_space<vmem_shared>> -> memref<50048x4xf32, #tpu.memory_space<vmem_shared>>
      tpu.enqueue_indirect_dma source(%arg9 : memref<128x4xf32, #tpu.memory_space<vmem>>) target(%dma_start3A_131 : memref<50048x4xf32, #tpu.memory_space<vmem_shared>>) offsets(%dma_start3A_128 : memref<128xi32, #tpu.memory_space<vmem>>) semaphore(%arg13 : memref<!tpu.dma_semaphore, #tpu.memory_space<semaphore_mem>>) {add = true}
      %dma_wait3A = arith.constant 0 : i32
      %dma_wait3A_132 = arith.constant 0 : i32
      %dma_wait3A_133 = tpu.memref_slice %arg7[%dma_wait3A, %dma_wait3A_132] : memref<8x128xi32, #tpu.memory_space<vmem>> -> memref<1x128xi32, #tpu.memory_space<vmem>>
      %dma_wait3A_134 = tpu.memref_squeeze %dma_wait3A_133 : memref<1x128xi32, #tpu.memory_space<vmem>> -> memref<128xi32, #tpu.memory_space<vmem>>
      %dma_wait3A_135 = arith.constant 0 : i32
      %dma_wait3A_136 = arith.constant 0 : i32
      %dma_wait3A_137 = tpu.memref_slice %arg10[%dma_wait3A_135, %dma_wait3A_136] : memref<50048x4xf32, #tpu.memory_space<vmem_shared>> -> memref<50048x4xf32, #tpu.memory_space<vmem_shared>>
      tpu.wait_indirect_dma semaphore(%arg12 : memref<!tpu.dma_semaphore, #tpu.memory_space<semaphore_mem>>) src(%dma_wait3A_137 : memref<50048x4xf32, #tpu.memory_space<vmem_shared>>) dst(%arg9 : memref<128x4xf32, #tpu.memory_space<vmem>>)
      %dma_wait3A_138 = arith.constant 0 : i32
      %dma_wait3A_139 = arith.constant 0 : i32
      %dma_wait3A_140 = tpu.memref_slice %arg8[%dma_wait3A_138, %dma_wait3A_139] : memref<8x128xi32, #tpu.memory_space<vmem>> -> memref<1x128xi32, #tpu.memory_space<vmem>>
      %dma_wait3A_141 = tpu.memref_squeeze %dma_wait3A_140 : memref<1x128xi32, #tpu.memory_space<vmem>> -> memref<128xi32, #tpu.memory_space<vmem>>
      %dma_wait3A_142 = arith.constant 0 : i32
      %dma_wait3A_143 = arith.constant 0 : i32
      %dma_wait3A_144 = tpu.memref_slice %arg11[%dma_wait3A_142, %dma_wait3A_143] : memref<50048x4xf32, #tpu.memory_space<vmem_shared>> -> memref<50048x4xf32, #tpu.memory_space<vmem_shared>>
      tpu.wait_indirect_dma semaphore(%arg13 : memref<!tpu.dma_semaphore, #tpu.memory_space<semaphore_mem>>) src(%arg9 : memref<128x4xf32, #tpu.memory_space<vmem>>) dst(%dma_wait3A_144 : memref<50048x4xf32, #tpu.memory_space<vmem_shared>>)
      %dma_wait3A_145 = arith.constant 1 : i32
      %dma_wait3A_146 = arith.constant 0 : i32
      %dma_wait3A_147 = tpu.memref_slice %arg7[%dma_wait3A_145, %dma_wait3A_146] : memref<8x128xi32, #tpu.memory_space<vmem>> -> memref<1x128xi32, #tpu.memory_space<vmem>>
      %dma_wait3A_148 = tpu.memref_squeeze %dma_wait3A_147 : memref<1x128xi32, #tpu.memory_space<vmem>> -> memref<128xi32, #tpu.memory_space<vmem>>
      %dma_wait3A_149 = arith.constant 0 : i32
      %dma_wait3A_150 = arith.constant 0 : i32
      %dma_wait3A_151 = tpu.memref_slice %arg10[%dma_wait3A_149, %dma_wait3A_150] : memref<50048x4xf32, #tpu.memory_space<vmem_shared>> -> memref<50048x4xf32, #tpu.memory_space<vmem_shared>>
      tpu.wait_indirect_dma semaphore(%arg12 : memref<!tpu.dma_semaphore, #tpu.memory_space<semaphore_mem>>) src(%dma_wait3A_151 : memref<50048x4xf32, #tpu.memory_space<vmem_shared>>) dst(%arg9 : memref<128x4xf32, #tpu.memory_space<vmem>>)
      %dma_wait3A_152 = arith.constant 1 : i32
      %dma_wait3A_153 = arith.constant 0 : i32
      %dma_wait3A_154 = tpu.memref_slice %arg8[%dma_wait3A_152, %dma_wait3A_153] : memref<8x128xi32, #tpu.memory_space<vmem>> -> memref<1x128xi32, #tpu.memory_space<vmem>>
      %dma_wait3A_155 = tpu.memref_squeeze %dma_wait3A_154 : memref<1x128xi32, #tpu.memory_space<vmem>> -> memref<128xi32, #tpu.memory_space<vmem>>
      %dma_wait3A_156 = arith.constant 0 : i32
      %dma_wait3A_157 = arith.constant 0 : i32
      %dma_wait3A_158 = tpu.memref_slice %arg11[%dma_wait3A_156, %dma_wait3A_157] : memref<50048x4xf32, #tpu.memory_space<vmem_shared>> -> memref<50048x4xf32, #tpu.memory_space<vmem_shared>>
      tpu.wait_indirect_dma semaphore(%arg13 : memref<!tpu.dma_semaphore, #tpu.memory_space<semaphore_mem>>) src(%arg9 : memref<128x4xf32, #tpu.memory_space<vmem>>) dst(%dma_wait3A_158 : memref<50048x4xf32, #tpu.memory_space<vmem_shared>>)
      %dma_wait3A_159 = arith.constant 2 : i32
      %dma_wait3A_160 = arith.constant 0 : i32
      %dma_wait3A_161 = tpu.memref_slice %arg7[%dma_wait3A_159, %dma_wait3A_160] : memref<8x128xi32, #tpu.memory_space<vmem>> -> memref<1x128xi32, #tpu.memory_space<vmem>>
      %dma_wait3A_162 = tpu.memref_squeeze %dma_wait3A_161 : memref<1x128xi32, #tpu.memory_space<vmem>> -> memref<128xi32, #tpu.memory_space<vmem>>
      %dma_wait3A_163 = arith.constant 0 : i32
      %dma_wait3A_164 = arith.constant 0 : i32
      %dma_wait3A_165 = tpu.memref_slice %arg10[%dma_wait3A_163, %dma_wait3A_164] : memref<50048x4xf32, #tpu.memory_space<vmem_shared>> -> memref<50048x4xf32, #tpu.memory_space<vmem_shared>>
      tpu.wait_indirect_dma semaphore(%arg12 : memref<!tpu.dma_semaphore, #tpu.memory_space<semaphore_mem>>) src(%dma_wait3A_165 : memref<50048x4xf32, #tpu.memory_space<vmem_shared>>) dst(%arg9 : memref<128x4xf32, #tpu.memory_space<vmem>>)
      %dma_wait3A_166 = arith.constant 2 : i32
      %dma_wait3A_167 = arith.constant 0 : i32
      %dma_wait3A_168 = tpu.memref_slice %arg8[%dma_wait3A_166, %dma_wait3A_167] : memref<8x128xi32, #tpu.memory_space<vmem>> -> memref<1x128xi32, #tpu.memory_space<vmem>>
      %dma_wait3A_169 = tpu.memref_squeeze %dma_wait3A_168 : memref<1x128xi32, #tpu.memory_space<vmem>> -> memref<128xi32, #tpu.memory_space<vmem>>
      %dma_wait3A_170 = arith.constant 0 : i32
      %dma_wait3A_171 = arith.constant 0 : i32
      %dma_wait3A_172 = tpu.memref_slice %arg11[%dma_wait3A_170, %dma_wait3A_171] : memref<50048x4xf32, #tpu.memory_space<vmem_shared>> -> memref<50048x4xf32, #tpu.memory_space<vmem_shared>>
      tpu.wait_indirect_dma semaphore(%arg13 : memref<!tpu.dma_semaphore, #tpu.memory_space<semaphore_mem>>) src(%arg9 : memref<128x4xf32, #tpu.memory_space<vmem>>) dst(%dma_wait3A_172 : memref<50048x4xf32, #tpu.memory_space<vmem_shared>>)
      %dma_wait3A_173 = arith.constant 3 : i32
      %dma_wait3A_174 = arith.constant 0 : i32
      %dma_wait3A_175 = tpu.memref_slice %arg7[%dma_wait3A_173, %dma_wait3A_174] : memref<8x128xi32, #tpu.memory_space<vmem>> -> memref<1x128xi32, #tpu.memory_space<vmem>>
      %dma_wait3A_176 = tpu.memref_squeeze %dma_wait3A_175 : memref<1x128xi32, #tpu.memory_space<vmem>> -> memref<128xi32, #tpu.memory_space<vmem>>
      %dma_wait3A_177 = arith.constant 0 : i32
      %dma_wait3A_178 = arith.constant 0 : i32
      %dma_wait3A_179 = tpu.memref_slice %arg10[%dma_wait3A_177, %dma_wait3A_178] : memref<50048x4xf32, #tpu.memory_space<vmem_shared>> -> memref<50048x4xf32, #tpu.memory_space<vmem_shared>>
      tpu.wait_indirect_dma semaphore(%arg12 : memref<!tpu.dma_semaphore, #tpu.memory_space<semaphore_mem>>) src(%dma_wait3A_179 : memref<50048x4xf32, #tpu.memory_space<vmem_shared>>) dst(%arg9 : memref<128x4xf32, #tpu.memory_space<vmem>>)
      %dma_wait3A_180 = arith.constant 3 : i32
      %dma_wait3A_181 = arith.constant 0 : i32
      %dma_wait3A_182 = tpu.memref_slice %arg8[%dma_wait3A_180, %dma_wait3A_181] : memref<8x128xi32, #tpu.memory_space<vmem>> -> memref<1x128xi32, #tpu.memory_space<vmem>>
      %dma_wait3A_183 = tpu.memref_squeeze %dma_wait3A_182 : memref<1x128xi32, #tpu.memory_space<vmem>> -> memref<128xi32, #tpu.memory_space<vmem>>
      %dma_wait3A_184 = arith.constant 0 : i32
      %dma_wait3A_185 = arith.constant 0 : i32
      %dma_wait3A_186 = tpu.memref_slice %arg11[%dma_wait3A_184, %dma_wait3A_185] : memref<50048x4xf32, #tpu.memory_space<vmem_shared>> -> memref<50048x4xf32, #tpu.memory_space<vmem_shared>>
      tpu.wait_indirect_dma semaphore(%arg13 : memref<!tpu.dma_semaphore, #tpu.memory_space<semaphore_mem>>) src(%arg9 : memref<128x4xf32, #tpu.memory_space<vmem>>) dst(%dma_wait3A_186 : memref<50048x4xf32, #tpu.memory_space<vmem_shared>>)
      %dma_wait3A_187 = arith.constant 4 : i32
      %dma_wait3A_188 = arith.constant 0 : i32
      %dma_wait3A_189 = tpu.memref_slice %arg7[%dma_wait3A_187, %dma_wait3A_188] : memref<8x128xi32, #tpu.memory_space<vmem>> -> memref<1x128xi32, #tpu.memory_space<vmem>>
      %dma_wait3A_190 = tpu.memref_squeeze %dma_wait3A_189 : memref<1x128xi32, #tpu.memory_space<vmem>> -> memref<128xi32, #tpu.memory_space<vmem>>
      %dma_wait3A_191 = arith.constant 0 : i32
      %dma_wait3A_192 = arith.constant 0 : i32
      %dma_wait3A_193 = tpu.memref_slice %arg10[%dma_wait3A_191, %dma_wait3A_192] : memref<50048x4xf32, #tpu.memory_space<vmem_shared>> -> memref<50048x4xf32, #tpu.memory_space<vmem_shared>>
      tpu.wait_indirect_dma semaphore(%arg12 : memref<!tpu.dma_semaphore, #tpu.memory_space<semaphore_mem>>) src(%dma_wait3A_193 : memref<50048x4xf32, #tpu.memory_space<vmem_shared>>) dst(%arg9 : memref<128x4xf32, #tpu.memory_space<vmem>>)
      %dma_wait3A_194 = arith.constant 4 : i32
      %dma_wait3A_195 = arith.constant 0 : i32
      %dma_wait3A_196 = tpu.memref_slice %arg8[%dma_wait3A_194, %dma_wait3A_195] : memref<8x128xi32, #tpu.memory_space<vmem>> -> memref<1x128xi32, #tpu.memory_space<vmem>>
      %dma_wait3A_197 = tpu.memref_squeeze %dma_wait3A_196 : memref<1x128xi32, #tpu.memory_space<vmem>> -> memref<128xi32, #tpu.memory_space<vmem>>
      %dma_wait3A_198 = arith.constant 0 : i32
      %dma_wait3A_199 = arith.constant 0 : i32
      %dma_wait3A_200 = tpu.memref_slice %arg11[%dma_wait3A_198, %dma_wait3A_199] : memref<50048x4xf32, #tpu.memory_space<vmem_shared>> -> memref<50048x4xf32, #tpu.memory_space<vmem_shared>>
      tpu.wait_indirect_dma semaphore(%arg13 : memref<!tpu.dma_semaphore, #tpu.memory_space<semaphore_mem>>) src(%arg9 : memref<128x4xf32, #tpu.memory_space<vmem>>) dst(%dma_wait3A_200 : memref<50048x4xf32, #tpu.memory_space<vmem_shared>>)
      %dma_wait3A_201 = arith.constant 5 : i32
      %dma_wait3A_202 = arith.constant 0 : i32
      %dma_wait3A_203 = tpu.memref_slice %arg7[%dma_wait3A_201, %dma_wait3A_202] : memref<8x128xi32, #tpu.memory_space<vmem>> -> memref<1x128xi32, #tpu.memory_space<vmem>>
      %dma_wait3A_204 = tpu.memref_squeeze %dma_wait3A_203 : memref<1x128xi32, #tpu.memory_space<vmem>> -> memref<128xi32, #tpu.memory_space<vmem>>
      %dma_wait3A_205 = arith.constant 0 : i32
      %dma_wait3A_206 = arith.constant 0 : i32
      %dma_wait3A_207 = tpu.memref_slice %arg10[%dma_wait3A_205, %dma_wait3A_206] : memref<50048x4xf32, #tpu.memory_space<vmem_shared>> -> memref<50048x4xf32, #tpu.memory_space<vmem_shared>>
      tpu.wait_indirect_dma semaphore(%arg12 : memref<!tpu.dma_semaphore, #tpu.memory_space<semaphore_mem>>) src(%dma_wait3A_207 : memref<50048x4xf32, #tpu.memory_space<vmem_shared>>) dst(%arg9 : memref<128x4xf32, #tpu.memory_space<vmem>>)
      %dma_wait3A_208 = arith.constant 5 : i32
      %dma_wait3A_209 = arith.constant 0 : i32
      %dma_wait3A_210 = tpu.memref_slice %arg8[%dma_wait3A_208, %dma_wait3A_209] : memref<8x128xi32, #tpu.memory_space<vmem>> -> memref<1x128xi32, #tpu.memory_space<vmem>>
      %dma_wait3A_211 = tpu.memref_squeeze %dma_wait3A_210 : memref<1x128xi32, #tpu.memory_space<vmem>> -> memref<128xi32, #tpu.memory_space<vmem>>
      %dma_wait3A_212 = arith.constant 0 : i32
      %dma_wait3A_213 = arith.constant 0 : i32
      %dma_wait3A_214 = tpu.memref_slice %arg11[%dma_wait3A_212, %dma_wait3A_213] : memref<50048x4xf32, #tpu.memory_space<vmem_shared>> -> memref<50048x4xf32, #tpu.memory_space<vmem_shared>>
      tpu.wait_indirect_dma semaphore(%arg13 : memref<!tpu.dma_semaphore, #tpu.memory_space<semaphore_mem>>) src(%arg9 : memref<128x4xf32, #tpu.memory_space<vmem>>) dst(%dma_wait3A_214 : memref<50048x4xf32, #tpu.memory_space<vmem_shared>>)
      %dma_wait3A_215 = arith.constant 6 : i32
      %dma_wait3A_216 = arith.constant 0 : i32
      %dma_wait3A_217 = tpu.memref_slice %arg7[%dma_wait3A_215, %dma_wait3A_216] : memref<8x128xi32, #tpu.memory_space<vmem>> -> memref<1x128xi32, #tpu.memory_space<vmem>>
      %dma_wait3A_218 = tpu.memref_squeeze %dma_wait3A_217 : memref<1x128xi32, #tpu.memory_space<vmem>> -> memref<128xi32, #tpu.memory_space<vmem>>
      %dma_wait3A_219 = arith.constant 0 : i32
      %dma_wait3A_220 = arith.constant 0 : i32
      %dma_wait3A_221 = tpu.memref_slice %arg10[%dma_wait3A_219, %dma_wait3A_220] : memref<50048x4xf32, #tpu.memory_space<vmem_shared>> -> memref<50048x4xf32, #tpu.memory_space<vmem_shared>>
      tpu.wait_indirect_dma semaphore(%arg12 : memref<!tpu.dma_semaphore, #tpu.memory_space<semaphore_mem>>) src(%dma_wait3A_221 : memref<50048x4xf32, #tpu.memory_space<vmem_shared>>) dst(%arg9 : memref<128x4xf32, #tpu.memory_space<vmem>>)
      %dma_wait3A_222 = arith.constant 6 : i32
      %dma_wait3A_223 = arith.constant 0 : i32
      %dma_wait3A_224 = tpu.memref_slice %arg8[%dma_wait3A_222, %dma_wait3A_223] : memref<8x128xi32, #tpu.memory_space<vmem>> -> memref<1x128xi32, #tpu.memory_space<vmem>>
      %dma_wait3A_225 = tpu.memref_squeeze %dma_wait3A_224 : memref<1x128xi32, #tpu.memory_space<vmem>> -> memref<128xi32, #tpu.memory_space<vmem>>
      %dma_wait3A_226 = arith.constant 0 : i32
      %dma_wait3A_227 = arith.constant 0 : i32
      %dma_wait3A_228 = tpu.memref_slice %arg11[%dma_wait3A_226, %dma_wait3A_227] : memref<50048x4xf32, #tpu.memory_space<vmem_shared>> -> memref<50048x4xf32, #tpu.memory_space<vmem_shared>>
      tpu.wait_indirect_dma semaphore(%arg13 : memref<!tpu.dma_semaphore, #tpu.memory_space<semaphore_mem>>) src(%arg9 : memref<128x4xf32, #tpu.memory_space<vmem>>) dst(%dma_wait3A_228 : memref<50048x4xf32, #tpu.memory_space<vmem_shared>>)
      %dma_wait3A_229 = arith.constant 7 : i32
      %dma_wait3A_230 = arith.constant 0 : i32
      %dma_wait3A_231 = tpu.memref_slice %arg7[%dma_wait3A_229, %dma_wait3A_230] : memref<8x128xi32, #tpu.memory_space<vmem>> -> memref<1x128xi32, #tpu.memory_space<vmem>>
      %dma_wait3A_232 = tpu.memref_squeeze %dma_wait3A_231 : memref<1x128xi32, #tpu.memory_space<vmem>> -> memref<128xi32, #tpu.memory_space<vmem>>
      %dma_wait3A_233 = arith.constant 0 : i32
      %dma_wait3A_234 = arith.constant 0 : i32
      %dma_wait3A_235 = tpu.memref_slice %arg10[%dma_wait3A_233, %dma_wait3A_234] : memref<50048x4xf32, #tpu.memory_space<vmem_shared>> -> memref<50048x4xf32, #tpu.memory_space<vmem_shared>>
      tpu.wait_indirect_dma semaphore(%arg12 : memref<!tpu.dma_semaphore, #tpu.memory_space<semaphore_mem>>) src(%dma_wait3A_235 : memref<50048x4xf32, #tpu.memory_space<vmem_shared>>) dst(%arg9 : memref<128x4xf32, #tpu.memory_space<vmem>>)
      %dma_wait3A_236 = arith.constant 7 : i32
      %dma_wait3A_237 = arith.constant 0 : i32
      %dma_wait3A_238 = tpu.memref_slice %arg8[%dma_wait3A_236, %dma_wait3A_237] : memref<8x128xi32, #tpu.memory_space<vmem>> -> memref<1x128xi32, #tpu.memory_space<vmem>>
      %dma_wait3A_239 = tpu.memref_squeeze %dma_wait3A_238 : memref<1x128xi32, #tpu.memory_space<vmem>> -> memref<128xi32, #tpu.memory_space<vmem>>
      %dma_wait3A_240 = arith.constant 0 : i32
      %dma_wait3A_241 = arith.constant 0 : i32
      %dma_wait3A_242 = tpu.memref_slice %arg11[%dma_wait3A_240, %dma_wait3A_241] : memref<50048x4xf32, #tpu.memory_space<vmem_shared>> -> memref<50048x4xf32, #tpu.memory_space<vmem_shared>>
      tpu.wait_indirect_dma semaphore(%arg13 : memref<!tpu.dma_semaphore, #tpu.memory_space<semaphore_mem>>) src(%arg9 : memref<128x4xf32, #tpu.memory_space<vmem>>) dst(%dma_wait3A_242 : memref<50048x4xf32, #tpu.memory_space<vmem_shared>>)
    }
    %while3A_15 = arith.constant 1 : i32
    scf.for %while3A_17 = %while3A_13 to %while3A_9 step %while3A_15  : i32 {
      %mul3A_18 = arith.constant 8 : i32
      %mul3A_19 = arith.muli %while3A_17, %mul3A_18 : i32
      %add3A_20 = arith.addi %mul3A_4, %mul3A_19 : i32
      "tpu.region"() ({
        %run_scoped3A = tpu.sem_alloc : memref<!tpu.dma_semaphore, #tpu.memory_space<semaphore_mem>>
        %dma_start3A_243 = arith.constant 0 : i32
        %dma_start3A_244 = tpu.memref_slice %arg3[%add3A_20, %dma_start3A_243] : memref<25000x128xi32, #tpu.memory_space<hbm>> -> memref<8x128xi32, #tpu.memory_space<hbm>>
        %dma_start3A_245 = arith.constant 0 : i32
        %dma_start3A_246 = tpu.memref_slice %arg3[%add3A_20, %dma_start3A_245] : memref<25000x128xi32, #tpu.memory_space<hbm>> -> memref<8x128xi32, #tpu.memory_space<hbm>>
        tpu.enqueue_dma source(%dma_start3A_246 : memref<8x128xi32, #tpu.memory_space<hbm>>) target(%arg7 : memref<8x128xi32, #tpu.memory_space<vmem>>) target_semaphore(%run_scoped3A : memref<!tpu.dma_semaphore, #tpu.memory_space<semaphore_mem>>)
        %dma_wait3A_247 = arith.constant 0 : i32
        %dma_wait3A_248 = tpu.memref_slice %arg3[%add3A_20, %dma_wait3A_247] : memref<25000x128xi32, #tpu.memory_space<hbm>> -> memref<8x128xi32, #tpu.memory_space<hbm>>
        %dma_wait3A_249 = arith.constant 0 : i32
        %dma_wait3A_250 = tpu.memref_slice %arg3[%add3A_20, %dma_wait3A_249] : memref<25000x128xi32, #tpu.memory_space<hbm>> -> memref<8x128xi32, #tpu.memory_space<hbm>>
        tpu.wait_dma2 semaphore(%run_scoped3A : memref<!tpu.dma_semaphore, #tpu.memory_space<semaphore_mem>>) src(%dma_wait3A_250 : memref<8x128xi32, #tpu.memory_space<hbm>>) dst(%arg7 : memref<8x128xi32, #tpu.memory_space<vmem>>)
        tpu.yield
      }) : () -> ()
      "tpu.region"() ({
        %run_scoped3A = tpu.sem_alloc : memref<!tpu.dma_semaphore, #tpu.memory_space<semaphore_mem>>
        %dma_start3A_243 = arith.constant 0 : i32
        %dma_start3A_244 = tpu.memref_slice %arg4[%add3A_20, %dma_start3A_243] : memref<25000x128xi32, #tpu.memory_space<hbm>> -> memref<8x128xi32, #tpu.memory_space<hbm>>
        %dma_start3A_245 = arith.constant 0 : i32
        %dma_start3A_246 = tpu.memref_slice %arg4[%add3A_20, %dma_start3A_245] : memref<25000x128xi32, #tpu.memory_space<hbm>> -> memref<8x128xi32, #tpu.memory_space<hbm>>
        tpu.enqueue_dma source(%dma_start3A_246 : memref<8x128xi32, #tpu.memory_space<hbm>>) target(%arg8 : memref<8x128xi32, #tpu.memory_space<vmem>>) target_semaphore(%run_scoped3A : memref<!tpu.dma_semaphore, #tpu.memory_space<semaphore_mem>>)
        %dma_wait3A_247 = arith.constant 0 : i32
        %dma_wait3A_248 = tpu.memref_slice %arg4[%add3A_20, %dma_wait3A_247] : memref<25000x128xi32, #tpu.memory_space<hbm>> -> memref<8x128xi32, #tpu.memory_space<hbm>>
        %dma_wait3A_249 = arith.constant 0 : i32
        %dma_wait3A_250 = tpu.memref_slice %arg4[%add3A_20, %dma_wait3A_249] : memref<25000x128xi32, #tpu.memory_space<hbm>> -> memref<8x128xi32, #tpu.memory_space<hbm>>
        tpu.wait_dma2 semaphore(%run_scoped3A : memref<!tpu.dma_semaphore, #tpu.memory_space<semaphore_mem>>) src(%dma_wait3A_250 : memref<8x128xi32, #tpu.memory_space<hbm>>) dst(%arg8 : memref<8x128xi32, #tpu.memory_space<vmem>>)
        tpu.yield
      }) : () -> ()
      %dma_start3A = arith.constant 0 : i32
      %dma_start3A_21 = arith.constant 0 : i32
      %dma_start3A_22 = tpu.memref_slice %arg7[%dma_start3A, %dma_start3A_21] : memref<8x128xi32, #tpu.memory_space<vmem>> -> memref<1x128xi32, #tpu.memory_space<vmem>>
      %dma_start3A_23 = tpu.memref_squeeze %dma_start3A_22 : memref<1x128xi32, #tpu.memory_space<vmem>> -> memref<128xi32, #tpu.memory_space<vmem>>
      %dma_start3A_24 = arith.constant 0 : i32
      %dma_start3A_25 = arith.constant 0 : i32
      %dma_start3A_26 = tpu.memref_slice %arg10[%dma_start3A_24, %dma_start3A_25] : memref<50048x4xf32, #tpu.memory_space<vmem_shared>> -> memref<50048x4xf32, #tpu.memory_space<vmem_shared>>
      tpu.enqueue_indirect_dma source(%dma_start3A_26 : memref<50048x4xf32, #tpu.memory_space<vmem_shared>>) target(%arg9 : memref<128x4xf32, #tpu.memory_space<vmem>>) offsets(%dma_start3A_23 : memref<128xi32, #tpu.memory_space<vmem>>) semaphore(%arg12 : memref<!tpu.dma_semaphore, #tpu.memory_space<semaphore_mem>>)
      %dma_start3A_27 = arith.constant 0 : i32
      %dma_start3A_28 = arith.constant 0 : i32
      %dma_start3A_29 = tpu.memref_slice %arg8[%dma_start3A_27, %dma_start3A_28] : memref<8x128xi32, #tpu.memory_space<vmem>> -> memref<1x128xi32, #tpu.memory_space<vmem>>
      %dma_start3A_30 = tpu.memref_squeeze %dma_start3A_29 : memref<1x128xi32, #tpu.memory_space<vmem>> -> memref<128xi32, #tpu.memory_space<vmem>>
      %dma_start3A_31 = arith.constant 0 : i32
      %dma_start3A_32 = arith.constant 0 : i32
      %dma_start3A_33 = tpu.memref_slice %arg11[%dma_start3A_31, %dma_start3A_32] : memref<50048x4xf32, #tpu.memory_space<vmem_shared>> -> memref<50048x4xf32, #tpu.memory_space<vmem_shared>>
      tpu.enqueue_indirect_dma source(%arg9 : memref<128x4xf32, #tpu.memory_space<vmem>>) target(%dma_start3A_33 : memref<50048x4xf32, #tpu.memory_space<vmem_shared>>) offsets(%dma_start3A_30 : memref<128xi32, #tpu.memory_space<vmem>>) semaphore(%arg13 : memref<!tpu.dma_semaphore, #tpu.memory_space<semaphore_mem>>) {add = true}
      %dma_start3A_34 = arith.constant 1 : i32
      %dma_start3A_35 = arith.constant 0 : i32
      %dma_start3A_36 = tpu.memref_slice %arg7[%dma_start3A_34, %dma_start3A_35] : memref<8x128xi32, #tpu.memory_space<vmem>> -> memref<1x128xi32, #tpu.memory_space<vmem>>
      %dma_start3A_37 = tpu.memref_squeeze %dma_start3A_36 : memref<1x128xi32, #tpu.memory_space<vmem>> -> memref<128xi32, #tpu.memory_space<vmem>>
      %dma_start3A_38 = arith.constant 0 : i32
      %dma_start3A_39 = arith.constant 0 : i32
      %dma_start3A_40 = tpu.memref_slice %arg10[%dma_start3A_38, %dma_start3A_39] : memref<50048x4xf32, #tpu.memory_space<vmem_shared>> -> memref<50048x4xf32, #tpu.memory_space<vmem_shared>>
      tpu.enqueue_indirect_dma source(%dma_start3A_40 : memref<50048x4xf32, #tpu.memory_space<vmem_shared>>) target(%arg9 : memref<128x4xf32, #tpu.memory_space<vmem>>) offsets(%dma_start3A_37 : memref<128xi32, #tpu.memory_space<vmem>>) semaphore(%arg12 : memref<!tpu.dma_semaphore, #tpu.memory_space<semaphore_mem>>)
      %dma_start3A_41 = arith.constant 1 : i32
      %dma_start3A_42 = arith.constant 0 : i32
      %dma_start3A_43 = tpu.memref_slice %arg8[%dma_start3A_41, %dma_start3A_42] : memref<8x128xi32, #tpu.memory_space<vmem>> -> memref<1x128xi32, #tpu.memory_space<vmem>>
      %dma_start3A_44 = tpu.memref_squeeze %dma_start3A_43 : memref<1x128xi32, #tpu.memory_space<vmem>> -> memref<128xi32, #tpu.memory_space<vmem>>
      %dma_start3A_45 = arith.constant 0 : i32
      %dma_start3A_46 = arith.constant 0 : i32
      %dma_start3A_47 = tpu.memref_slice %arg11[%dma_start3A_45, %dma_start3A_46] : memref<50048x4xf32, #tpu.memory_space<vmem_shared>> -> memref<50048x4xf32, #tpu.memory_space<vmem_shared>>
      tpu.enqueue_indirect_dma source(%arg9 : memref<128x4xf32, #tpu.memory_space<vmem>>) target(%dma_start3A_47 : memref<50048x4xf32, #tpu.memory_space<vmem_shared>>) offsets(%dma_start3A_44 : memref<128xi32, #tpu.memory_space<vmem>>) semaphore(%arg13 : memref<!tpu.dma_semaphore, #tpu.memory_space<semaphore_mem>>) {add = true}
      %dma_start3A_48 = arith.constant 2 : i32
      %dma_start3A_49 = arith.constant 0 : i32
      %dma_start3A_50 = tpu.memref_slice %arg7[%dma_start3A_48, %dma_start3A_49] : memref<8x128xi32, #tpu.memory_space<vmem>> -> memref<1x128xi32, #tpu.memory_space<vmem>>
      %dma_start3A_51 = tpu.memref_squeeze %dma_start3A_50 : memref<1x128xi32, #tpu.memory_space<vmem>> -> memref<128xi32, #tpu.memory_space<vmem>>
      %dma_start3A_52 = arith.constant 0 : i32
      %dma_start3A_53 = arith.constant 0 : i32
      %dma_start3A_54 = tpu.memref_slice %arg10[%dma_start3A_52, %dma_start3A_53] : memref<50048x4xf32, #tpu.memory_space<vmem_shared>> -> memref<50048x4xf32, #tpu.memory_space<vmem_shared>>
      tpu.enqueue_indirect_dma source(%dma_start3A_54 : memref<50048x4xf32, #tpu.memory_space<vmem_shared>>) target(%arg9 : memref<128x4xf32, #tpu.memory_space<vmem>>) offsets(%dma_start3A_51 : memref<128xi32, #tpu.memory_space<vmem>>) semaphore(%arg12 : memref<!tpu.dma_semaphore, #tpu.memory_space<semaphore_mem>>)
      %dma_start3A_55 = arith.constant 2 : i32
      %dma_start3A_56 = arith.constant 0 : i32
      %dma_start3A_57 = tpu.memref_slice %arg8[%dma_start3A_55, %dma_start3A_56] : memref<8x128xi32, #tpu.memory_space<vmem>> -> memref<1x128xi32, #tpu.memory_space<vmem>>
      %dma_start3A_58 = tpu.memref_squeeze %dma_start3A_57 : memref<1x128xi32, #tpu.memory_space<vmem>> -> memref<128xi32, #tpu.memory_space<vmem>>
      %dma_start3A_59 = arith.constant 0 : i32
      %dma_start3A_60 = arith.constant 0 : i32
      %dma_start3A_61 = tpu.memref_slice %arg11[%dma_start3A_59, %dma_start3A_60] : memref<50048x4xf32, #tpu.memory_space<vmem_shared>> -> memref<50048x4xf32, #tpu.memory_space<vmem_shared>>
      tpu.enqueue_indirect_dma source(%arg9 : memref<128x4xf32, #tpu.memory_space<vmem>>) target(%dma_start3A_61 : memref<50048x4xf32, #tpu.memory_space<vmem_shared>>) offsets(%dma_start3A_58 : memref<128xi32, #tpu.memory_space<vmem>>) semaphore(%arg13 : memref<!tpu.dma_semaphore, #tpu.memory_space<semaphore_mem>>) {add = true}
      %dma_start3A_62 = arith.constant 3 : i32
      %dma_start3A_63 = arith.constant 0 : i32
      %dma_start3A_64 = tpu.memref_slice %arg7[%dma_start3A_62, %dma_start3A_63] : memref<8x128xi32, #tpu.memory_space<vmem>> -> memref<1x128xi32, #tpu.memory_space<vmem>>
      %dma_start3A_65 = tpu.memref_squeeze %dma_start3A_64 : memref<1x128xi32, #tpu.memory_space<vmem>> -> memref<128xi32, #tpu.memory_space<vmem>>
      %dma_start3A_66 = arith.constant 0 : i32
      %dma_start3A_67 = arith.constant 0 : i32
      %dma_start3A_68 = tpu.memref_slice %arg10[%dma_start3A_66, %dma_start3A_67] : memref<50048x4xf32, #tpu.memory_space<vmem_shared>> -> memref<50048x4xf32, #tpu.memory_space<vmem_shared>>
      tpu.enqueue_indirect_dma source(%dma_start3A_68 : memref<50048x4xf32, #tpu.memory_space<vmem_shared>>) target(%arg9 : memref<128x4xf32, #tpu.memory_space<vmem>>) offsets(%dma_start3A_65 : memref<128xi32, #tpu.memory_space<vmem>>) semaphore(%arg12 : memref<!tpu.dma_semaphore, #tpu.memory_space<semaphore_mem>>)
      %dma_start3A_69 = arith.constant 3 : i32
      %dma_start3A_70 = arith.constant 0 : i32
      %dma_start3A_71 = tpu.memref_slice %arg8[%dma_start3A_69, %dma_start3A_70] : memref<8x128xi32, #tpu.memory_space<vmem>> -> memref<1x128xi32, #tpu.memory_space<vmem>>
      %dma_start3A_72 = tpu.memref_squeeze %dma_start3A_71 : memref<1x128xi32, #tpu.memory_space<vmem>> -> memref<128xi32, #tpu.memory_space<vmem>>
      %dma_start3A_73 = arith.constant 0 : i32
      %dma_start3A_74 = arith.constant 0 : i32
      %dma_start3A_75 = tpu.memref_slice %arg11[%dma_start3A_73, %dma_start3A_74] : memref<50048x4xf32, #tpu.memory_space<vmem_shared>> -> memref<50048x4xf32, #tpu.memory_space<vmem_shared>>
      tpu.enqueue_indirect_dma source(%arg9 : memref<128x4xf32, #tpu.memory_space<vmem>>) target(%dma_start3A_75 : memref<50048x4xf32, #tpu.memory_space<vmem_shared>>) offsets(%dma_start3A_72 : memref<128xi32, #tpu.memory_space<vmem>>) semaphore(%arg13 : memref<!tpu.dma_semaphore, #tpu.memory_space<semaphore_mem>>) {add = true}
      %dma_start3A_76 = arith.constant 4 : i32
      %dma_start3A_77 = arith.constant 0 : i32
      %dma_start3A_78 = tpu.memref_slice %arg7[%dma_start3A_76, %dma_start3A_77] : memref<8x128xi32, #tpu.memory_space<vmem>> -> memref<1x128xi32, #tpu.memory_space<vmem>>
      %dma_start3A_79 = tpu.memref_squeeze %dma_start3A_78 : memref<1x128xi32, #tpu.memory_space<vmem>> -> memref<128xi32, #tpu.memory_space<vmem>>
      %dma_start3A_80 = arith.constant 0 : i32
      %dma_start3A_81 = arith.constant 0 : i32
      %dma_start3A_82 = tpu.memref_slice %arg10[%dma_start3A_80, %dma_start3A_81] : memref<50048x4xf32, #tpu.memory_space<vmem_shared>> -> memref<50048x4xf32, #tpu.memory_space<vmem_shared>>
      tpu.enqueue_indirect_dma source(%dma_start3A_82 : memref<50048x4xf32, #tpu.memory_space<vmem_shared>>) target(%arg9 : memref<128x4xf32, #tpu.memory_space<vmem>>) offsets(%dma_start3A_79 : memref<128xi32, #tpu.memory_space<vmem>>) semaphore(%arg12 : memref<!tpu.dma_semaphore, #tpu.memory_space<semaphore_mem>>)
      %dma_start3A_83 = arith.constant 4 : i32
      %dma_start3A_84 = arith.constant 0 : i32
      %dma_start3A_85 = tpu.memref_slice %arg8[%dma_start3A_83, %dma_start3A_84] : memref<8x128xi32, #tpu.memory_space<vmem>> -> memref<1x128xi32, #tpu.memory_space<vmem>>
      %dma_start3A_86 = tpu.memref_squeeze %dma_start3A_85 : memref<1x128xi32, #tpu.memory_space<vmem>> -> memref<128xi32, #tpu.memory_space<vmem>>
      %dma_start3A_87 = arith.constant 0 : i32
      %dma_start3A_88 = arith.constant 0 : i32
      %dma_start3A_89 = tpu.memref_slice %arg11[%dma_start3A_87, %dma_start3A_88] : memref<50048x4xf32, #tpu.memory_space<vmem_shared>> -> memref<50048x4xf32, #tpu.memory_space<vmem_shared>>
      tpu.enqueue_indirect_dma source(%arg9 : memref<128x4xf32, #tpu.memory_space<vmem>>) target(%dma_start3A_89 : memref<50048x4xf32, #tpu.memory_space<vmem_shared>>) offsets(%dma_start3A_86 : memref<128xi32, #tpu.memory_space<vmem>>) semaphore(%arg13 : memref<!tpu.dma_semaphore, #tpu.memory_space<semaphore_mem>>) {add = true}
      %dma_start3A_90 = arith.constant 5 : i32
      %dma_start3A_91 = arith.constant 0 : i32
      %dma_start3A_92 = tpu.memref_slice %arg7[%dma_start3A_90, %dma_start3A_91] : memref<8x128xi32, #tpu.memory_space<vmem>> -> memref<1x128xi32, #tpu.memory_space<vmem>>
      %dma_start3A_93 = tpu.memref_squeeze %dma_start3A_92 : memref<1x128xi32, #tpu.memory_space<vmem>> -> memref<128xi32, #tpu.memory_space<vmem>>
      %dma_start3A_94 = arith.constant 0 : i32
      %dma_start3A_95 = arith.constant 0 : i32
      %dma_start3A_96 = tpu.memref_slice %arg10[%dma_start3A_94, %dma_start3A_95] : memref<50048x4xf32, #tpu.memory_space<vmem_shared>> -> memref<50048x4xf32, #tpu.memory_space<vmem_shared>>
      tpu.enqueue_indirect_dma source(%dma_start3A_96 : memref<50048x4xf32, #tpu.memory_space<vmem_shared>>) target(%arg9 : memref<128x4xf32, #tpu.memory_space<vmem>>) offsets(%dma_start3A_93 : memref<128xi32, #tpu.memory_space<vmem>>) semaphore(%arg12 : memref<!tpu.dma_semaphore, #tpu.memory_space<semaphore_mem>>)
      %dma_start3A_97 = arith.constant 5 : i32
      %dma_start3A_98 = arith.constant 0 : i32
      %dma_start3A_99 = tpu.memref_slice %arg8[%dma_start3A_97, %dma_start3A_98] : memref<8x128xi32, #tpu.memory_space<vmem>> -> memref<1x128xi32, #tpu.memory_space<vmem>>
      %dma_start3A_100 = tpu.memref_squeeze %dma_start3A_99 : memref<1x128xi32, #tpu.memory_space<vmem>> -> memref<128xi32, #tpu.memory_space<vmem>>
      %dma_start3A_101 = arith.constant 0 : i32
      %dma_start3A_102 = arith.constant 0 : i32
      %dma_start3A_103 = tpu.memref_slice %arg11[%dma_start3A_101, %dma_start3A_102] : memref<50048x4xf32, #tpu.memory_space<vmem_shared>> -> memref<50048x4xf32, #tpu.memory_space<vmem_shared>>
      tpu.enqueue_indirect_dma source(%arg9 : memref<128x4xf32, #tpu.memory_space<vmem>>) target(%dma_start3A_103 : memref<50048x4xf32, #tpu.memory_space<vmem_shared>>) offsets(%dma_start3A_100 : memref<128xi32, #tpu.memory_space<vmem>>) semaphore(%arg13 : memref<!tpu.dma_semaphore, #tpu.memory_space<semaphore_mem>>) {add = true}
      %dma_start3A_104 = arith.constant 6 : i32
      %dma_start3A_105 = arith.constant 0 : i32
      %dma_start3A_106 = tpu.memref_slice %arg7[%dma_start3A_104, %dma_start3A_105] : memref<8x128xi32, #tpu.memory_space<vmem>> -> memref<1x128xi32, #tpu.memory_space<vmem>>
      %dma_start3A_107 = tpu.memref_squeeze %dma_start3A_106 : memref<1x128xi32, #tpu.memory_space<vmem>> -> memref<128xi32, #tpu.memory_space<vmem>>
      %dma_start3A_108 = arith.constant 0 : i32
      %dma_start3A_109 = arith.constant 0 : i32
      %dma_start3A_110 = tpu.memref_slice %arg10[%dma_start3A_108, %dma_start3A_109] : memref<50048x4xf32, #tpu.memory_space<vmem_shared>> -> memref<50048x4xf32, #tpu.memory_space<vmem_shared>>
      tpu.enqueue_indirect_dma source(%dma_start3A_110 : memref<50048x4xf32, #tpu.memory_space<vmem_shared>>) target(%arg9 : memref<128x4xf32, #tpu.memory_space<vmem>>) offsets(%dma_start3A_107 : memref<128xi32, #tpu.memory_space<vmem>>) semaphore(%arg12 : memref<!tpu.dma_semaphore, #tpu.memory_space<semaphore_mem>>)
      %dma_start3A_111 = arith.constant 6 : i32
      %dma_start3A_112 = arith.constant 0 : i32
      %dma_start3A_113 = tpu.memref_slice %arg8[%dma_start3A_111, %dma_start3A_112] : memref<8x128xi32, #tpu.memory_space<vmem>> -> memref<1x128xi32, #tpu.memory_space<vmem>>
      %dma_start3A_114 = tpu.memref_squeeze %dma_start3A_113 : memref<1x128xi32, #tpu.memory_space<vmem>> -> memref<128xi32, #tpu.memory_space<vmem>>
      %dma_start3A_115 = arith.constant 0 : i32
      %dma_start3A_116 = arith.constant 0 : i32
      %dma_start3A_117 = tpu.memref_slice %arg11[%dma_start3A_115, %dma_start3A_116] : memref<50048x4xf32, #tpu.memory_space<vmem_shared>> -> memref<50048x4xf32, #tpu.memory_space<vmem_shared>>
      tpu.enqueue_indirect_dma source(%arg9 : memref<128x4xf32, #tpu.memory_space<vmem>>) target(%dma_start3A_117 : memref<50048x4xf32, #tpu.memory_space<vmem_shared>>) offsets(%dma_start3A_114 : memref<128xi32, #tpu.memory_space<vmem>>) semaphore(%arg13 : memref<!tpu.dma_semaphore, #tpu.memory_space<semaphore_mem>>) {add = true}
      %dma_start3A_118 = arith.constant 7 : i32
      %dma_start3A_119 = arith.constant 0 : i32
      %dma_start3A_120 = tpu.memref_slice %arg7[%dma_start3A_118, %dma_start3A_119] : memref<8x128xi32, #tpu.memory_space<vmem>> -> memref<1x128xi32, #tpu.memory_space<vmem>>
      %dma_start3A_121 = tpu.memref_squeeze %dma_start3A_120 : memref<1x128xi32, #tpu.memory_space<vmem>> -> memref<128xi32, #tpu.memory_space<vmem>>
      %dma_start3A_122 = arith.constant 0 : i32
      %dma_start3A_123 = arith.constant 0 : i32
      %dma_start3A_124 = tpu.memref_slice %arg10[%dma_start3A_122, %dma_start3A_123] : memref<50048x4xf32, #tpu.memory_space<vmem_shared>> -> memref<50048x4xf32, #tpu.memory_space<vmem_shared>>
      tpu.enqueue_indirect_dma source(%dma_start3A_124 : memref<50048x4xf32, #tpu.memory_space<vmem_shared>>) target(%arg9 : memref<128x4xf32, #tpu.memory_space<vmem>>) offsets(%dma_start3A_121 : memref<128xi32, #tpu.memory_space<vmem>>) semaphore(%arg12 : memref<!tpu.dma_semaphore, #tpu.memory_space<semaphore_mem>>)
      %dma_start3A_125 = arith.constant 7 : i32
      %dma_start3A_126 = arith.constant 0 : i32
      %dma_start3A_127 = tpu.memref_slice %arg8[%dma_start3A_125, %dma_start3A_126] : memref<8x128xi32, #tpu.memory_space<vmem>> -> memref<1x128xi32, #tpu.memory_space<vmem>>
      %dma_start3A_128 = tpu.memref_squeeze %dma_start3A_127 : memref<1x128xi32, #tpu.memory_space<vmem>> -> memref<128xi32, #tpu.memory_space<vmem>>
      %dma_start3A_129 = arith.constant 0 : i32
      %dma_start3A_130 = arith.constant 0 : i32
      %dma_start3A_131 = tpu.memref_slice %arg11[%dma_start3A_129, %dma_start3A_130] : memref<50048x4xf32, #tpu.memory_space<vmem_shared>> -> memref<50048x4xf32, #tpu.memory_space<vmem_shared>>
      tpu.enqueue_indirect_dma source(%arg9 : memref<128x4xf32, #tpu.memory_space<vmem>>) target(%dma_start3A_131 : memref<50048x4xf32, #tpu.memory_space<vmem_shared>>) offsets(%dma_start3A_128 : memref<128xi32, #tpu.memory_space<vmem>>) semaphore(%arg13 : memref<!tpu.dma_semaphore, #tpu.memory_space<semaphore_mem>>) {add = true}
      %dma_wait3A = arith.constant 0 : i32
      %dma_wait3A_132 = arith.constant 0 : i32
      %dma_wait3A_133 = tpu.memref_slice %arg7[%dma_wait3A, %dma_wait3A_132] : memref<8x128xi32, #tpu.memory_space<vmem>> -> memref<1x128xi32, #tpu.memory_space<vmem>>
      %dma_wait3A_134 = tpu.memref_squeeze %dma_wait3A_133 : memref<1x128xi32, #tpu.memory_space<vmem>> -> memref<128xi32, #tpu.memory_space<vmem>>
      %dma_wait3A_135 = arith.constant 0 : i32
      %dma_wait3A_136 = arith.constant 0 : i32
      %dma_wait3A_137 = tpu.memref_slice %arg10[%dma_wait3A_135, %dma_wait3A_136] : memref<50048x4xf32, #tpu.memory_space<vmem_shared>> -> memref<50048x4xf32, #tpu.memory_space<vmem_shared>>
      tpu.wait_indirect_dma semaphore(%arg12 : memref<!tpu.dma_semaphore, #tpu.memory_space<semaphore_mem>>) src(%dma_wait3A_137 : memref<50048x4xf32, #tpu.memory_space<vmem_shared>>) dst(%arg9 : memref<128x4xf32, #tpu.memory_space<vmem>>)
      %dma_wait3A_138 = arith.constant 0 : i32
      %dma_wait3A_139 = arith.constant 0 : i32
      %dma_wait3A_140 = tpu.memref_slice %arg8[%dma_wait3A_138, %dma_wait3A_139] : memref<8x128xi32, #tpu.memory_space<vmem>> -> memref<1x128xi32, #tpu.memory_space<vmem>>
      %dma_wait3A_141 = tpu.memref_squeeze %dma_wait3A_140 : memref<1x128xi32, #tpu.memory_space<vmem>> -> memref<128xi32, #tpu.memory_space<vmem>>
      %dma_wait3A_142 = arith.constant 0 : i32
      %dma_wait3A_143 = arith.constant 0 : i32
      %dma_wait3A_144 = tpu.memref_slice %arg11[%dma_wait3A_142, %dma_wait3A_143] : memref<50048x4xf32, #tpu.memory_space<vmem_shared>> -> memref<50048x4xf32, #tpu.memory_space<vmem_shared>>
      tpu.wait_indirect_dma semaphore(%arg13 : memref<!tpu.dma_semaphore, #tpu.memory_space<semaphore_mem>>) src(%arg9 : memref<128x4xf32, #tpu.memory_space<vmem>>) dst(%dma_wait3A_144 : memref<50048x4xf32, #tpu.memory_space<vmem_shared>>)
      %dma_wait3A_145 = arith.constant 1 : i32
      %dma_wait3A_146 = arith.constant 0 : i32
      %dma_wait3A_147 = tpu.memref_slice %arg7[%dma_wait3A_145, %dma_wait3A_146] : memref<8x128xi32, #tpu.memory_space<vmem>> -> memref<1x128xi32, #tpu.memory_space<vmem>>
      %dma_wait3A_148 = tpu.memref_squeeze %dma_wait3A_147 : memref<1x128xi32, #tpu.memory_space<vmem>> -> memref<128xi32, #tpu.memory_space<vmem>>
      %dma_wait3A_149 = arith.constant 0 : i32
      %dma_wait3A_150 = arith.constant 0 : i32
      %dma_wait3A_151 = tpu.memref_slice %arg10[%dma_wait3A_149, %dma_wait3A_150] : memref<50048x4xf32, #tpu.memory_space<vmem_shared>> -> memref<50048x4xf32, #tpu.memory_space<vmem_shared>>
      tpu.wait_indirect_dma semaphore(%arg12 : memref<!tpu.dma_semaphore, #tpu.memory_space<semaphore_mem>>) src(%dma_wait3A_151 : memref<50048x4xf32, #tpu.memory_space<vmem_shared>>) dst(%arg9 : memref<128x4xf32, #tpu.memory_space<vmem>>)
      %dma_wait3A_152 = arith.constant 1 : i32
      %dma_wait3A_153 = arith.constant 0 : i32
      %dma_wait3A_154 = tpu.memref_slice %arg8[%dma_wait3A_152, %dma_wait3A_153] : memref<8x128xi32, #tpu.memory_space<vmem>> -> memref<1x128xi32, #tpu.memory_space<vmem>>
      %dma_wait3A_155 = tpu.memref_squeeze %dma_wait3A_154 : memref<1x128xi32, #tpu.memory_space<vmem>> -> memref<128xi32, #tpu.memory_space<vmem>>
      %dma_wait3A_156 = arith.constant 0 : i32
      %dma_wait3A_157 = arith.constant 0 : i32
      %dma_wait3A_158 = tpu.memref_slice %arg11[%dma_wait3A_156, %dma_wait3A_157] : memref<50048x4xf32, #tpu.memory_space<vmem_shared>> -> memref<50048x4xf32, #tpu.memory_space<vmem_shared>>
      tpu.wait_indirect_dma semaphore(%arg13 : memref<!tpu.dma_semaphore, #tpu.memory_space<semaphore_mem>>) src(%arg9 : memref<128x4xf32, #tpu.memory_space<vmem>>) dst(%dma_wait3A_158 : memref<50048x4xf32, #tpu.memory_space<vmem_shared>>)
      %dma_wait3A_159 = arith.constant 2 : i32
      %dma_wait3A_160 = arith.constant 0 : i32
      %dma_wait3A_161 = tpu.memref_slice %arg7[%dma_wait3A_159, %dma_wait3A_160] : memref<8x128xi32, #tpu.memory_space<vmem>> -> memref<1x128xi32, #tpu.memory_space<vmem>>
      %dma_wait3A_162 = tpu.memref_squeeze %dma_wait3A_161 : memref<1x128xi32, #tpu.memory_space<vmem>> -> memref<128xi32, #tpu.memory_space<vmem>>
      %dma_wait3A_163 = arith.constant 0 : i32
      %dma_wait3A_164 = arith.constant 0 : i32
      %dma_wait3A_165 = tpu.memref_slice %arg10[%dma_wait3A_163, %dma_wait3A_164] : memref<50048x4xf32, #tpu.memory_space<vmem_shared>> -> memref<50048x4xf32, #tpu.memory_space<vmem_shared>>
      tpu.wait_indirect_dma semaphore(%arg12 : memref<!tpu.dma_semaphore, #tpu.memory_space<semaphore_mem>>) src(%dma_wait3A_165 : memref<50048x4xf32, #tpu.memory_space<vmem_shared>>) dst(%arg9 : memref<128x4xf32, #tpu.memory_space<vmem>>)
      %dma_wait3A_166 = arith.constant 2 : i32
      %dma_wait3A_167 = arith.constant 0 : i32
      %dma_wait3A_168 = tpu.memref_slice %arg8[%dma_wait3A_166, %dma_wait3A_167] : memref<8x128xi32, #tpu.memory_space<vmem>> -> memref<1x128xi32, #tpu.memory_space<vmem>>
      %dma_wait3A_169 = tpu.memref_squeeze %dma_wait3A_168 : memref<1x128xi32, #tpu.memory_space<vmem>> -> memref<128xi32, #tpu.memory_space<vmem>>
      %dma_wait3A_170 = arith.constant 0 : i32
      %dma_wait3A_171 = arith.constant 0 : i32
      %dma_wait3A_172 = tpu.memref_slice %arg11[%dma_wait3A_170, %dma_wait3A_171] : memref<50048x4xf32, #tpu.memory_space<vmem_shared>> -> memref<50048x4xf32, #tpu.memory_space<vmem_shared>>
      tpu.wait_indirect_dma semaphore(%arg13 : memref<!tpu.dma_semaphore, #tpu.memory_space<semaphore_mem>>) src(%arg9 : memref<128x4xf32, #tpu.memory_space<vmem>>) dst(%dma_wait3A_172 : memref<50048x4xf32, #tpu.memory_space<vmem_shared>>)
      %dma_wait3A_173 = arith.constant 3 : i32
      %dma_wait3A_174 = arith.constant 0 : i32
      %dma_wait3A_175 = tpu.memref_slice %arg7[%dma_wait3A_173, %dma_wait3A_174] : memref<8x128xi32, #tpu.memory_space<vmem>> -> memref<1x128xi32, #tpu.memory_space<vmem>>
      %dma_wait3A_176 = tpu.memref_squeeze %dma_wait3A_175 : memref<1x128xi32, #tpu.memory_space<vmem>> -> memref<128xi32, #tpu.memory_space<vmem>>
      %dma_wait3A_177 = arith.constant 0 : i32
      %dma_wait3A_178 = arith.constant 0 : i32
      %dma_wait3A_179 = tpu.memref_slice %arg10[%dma_wait3A_177, %dma_wait3A_178] : memref<50048x4xf32, #tpu.memory_space<vmem_shared>> -> memref<50048x4xf32, #tpu.memory_space<vmem_shared>>
      tpu.wait_indirect_dma semaphore(%arg12 : memref<!tpu.dma_semaphore, #tpu.memory_space<semaphore_mem>>) src(%dma_wait3A_179 : memref<50048x4xf32, #tpu.memory_space<vmem_shared>>) dst(%arg9 : memref<128x4xf32, #tpu.memory_space<vmem>>)
      %dma_wait3A_180 = arith.constant 3 : i32
      %dma_wait3A_181 = arith.constant 0 : i32
      %dma_wait3A_182 = tpu.memref_slice %arg8[%dma_wait3A_180, %dma_wait3A_181] : memref<8x128xi32, #tpu.memory_space<vmem>> -> memref<1x128xi32, #tpu.memory_space<vmem>>
      %dma_wait3A_183 = tpu.memref_squeeze %dma_wait3A_182 : memref<1x128xi32, #tpu.memory_space<vmem>> -> memref<128xi32, #tpu.memory_space<vmem>>
      %dma_wait3A_184 = arith.constant 0 : i32
      %dma_wait3A_185 = arith.constant 0 : i32
      %dma_wait3A_186 = tpu.memref_slice %arg11[%dma_wait3A_184, %dma_wait3A_185] : memref<50048x4xf32, #tpu.memory_space<vmem_shared>> -> memref<50048x4xf32, #tpu.memory_space<vmem_shared>>
      tpu.wait_indirect_dma semaphore(%arg13 : memref<!tpu.dma_semaphore, #tpu.memory_space<semaphore_mem>>) src(%arg9 : memref<128x4xf32, #tpu.memory_space<vmem>>) dst(%dma_wait3A_186 : memref<50048x4xf32, #tpu.memory_space<vmem_shared>>)
      %dma_wait3A_187 = arith.constant 4 : i32
      %dma_wait3A_188 = arith.constant 0 : i32
      %dma_wait3A_189 = tpu.memref_slice %arg7[%dma_wait3A_187, %dma_wait3A_188] : memref<8x128xi32, #tpu.memory_space<vmem>> -> memref<1x128xi32, #tpu.memory_space<vmem>>
      %dma_wait3A_190 = tpu.memref_squeeze %dma_wait3A_189 : memref<1x128xi32, #tpu.memory_space<vmem>> -> memref<128xi32, #tpu.memory_space<vmem>>
      %dma_wait3A_191 = arith.constant 0 : i32
      %dma_wait3A_192 = arith.constant 0 : i32
      %dma_wait3A_193 = tpu.memref_slice %arg10[%dma_wait3A_191, %dma_wait3A_192] : memref<50048x4xf32, #tpu.memory_space<vmem_shared>> -> memref<50048x4xf32, #tpu.memory_space<vmem_shared>>
      tpu.wait_indirect_dma semaphore(%arg12 : memref<!tpu.dma_semaphore, #tpu.memory_space<semaphore_mem>>) src(%dma_wait3A_193 : memref<50048x4xf32, #tpu.memory_space<vmem_shared>>) dst(%arg9 : memref<128x4xf32, #tpu.memory_space<vmem>>)
      %dma_wait3A_194 = arith.constant 4 : i32
      %dma_wait3A_195 = arith.constant 0 : i32
      %dma_wait3A_196 = tpu.memref_slice %arg8[%dma_wait3A_194, %dma_wait3A_195] : memref<8x128xi32, #tpu.memory_space<vmem>> -> memref<1x128xi32, #tpu.memory_space<vmem>>
      %dma_wait3A_197 = tpu.memref_squeeze %dma_wait3A_196 : memref<1x128xi32, #tpu.memory_space<vmem>> -> memref<128xi32, #tpu.memory_space<vmem>>
      %dma_wait3A_198 = arith.constant 0 : i32
      %dma_wait3A_199 = arith.constant 0 : i32
      %dma_wait3A_200 = tpu.memref_slice %arg11[%dma_wait3A_198, %dma_wait3A_199] : memref<50048x4xf32, #tpu.memory_space<vmem_shared>> -> memref<50048x4xf32, #tpu.memory_space<vmem_shared>>
      tpu.wait_indirect_dma semaphore(%arg13 : memref<!tpu.dma_semaphore, #tpu.memory_space<semaphore_mem>>) src(%arg9 : memref<128x4xf32, #tpu.memory_space<vmem>>) dst(%dma_wait3A_200 : memref<50048x4xf32, #tpu.memory_space<vmem_shared>>)
      %dma_wait3A_201 = arith.constant 5 : i32
      %dma_wait3A_202 = arith.constant 0 : i32
      %dma_wait3A_203 = tpu.memref_slice %arg7[%dma_wait3A_201, %dma_wait3A_202] : memref<8x128xi32, #tpu.memory_space<vmem>> -> memref<1x128xi32, #tpu.memory_space<vmem>>
      %dma_wait3A_204 = tpu.memref_squeeze %dma_wait3A_203 : memref<1x128xi32, #tpu.memory_space<vmem>> -> memref<128xi32, #tpu.memory_space<vmem>>
      %dma_wait3A_205 = arith.constant 0 : i32
      %dma_wait3A_206 = arith.constant 0 : i32
      %dma_wait3A_207 = tpu.memref_slice %arg10[%dma_wait3A_205, %dma_wait3A_206] : memref<50048x4xf32, #tpu.memory_space<vmem_shared>> -> memref<50048x4xf32, #tpu.memory_space<vmem_shared>>
      tpu.wait_indirect_dma semaphore(%arg12 : memref<!tpu.dma_semaphore, #tpu.memory_space<semaphore_mem>>) src(%dma_wait3A_207 : memref<50048x4xf32, #tpu.memory_space<vmem_shared>>) dst(%arg9 : memref<128x4xf32, #tpu.memory_space<vmem>>)
      %dma_wait3A_208 = arith.constant 5 : i32
      %dma_wait3A_209 = arith.constant 0 : i32
      %dma_wait3A_210 = tpu.memref_slice %arg8[%dma_wait3A_208, %dma_wait3A_209] : memref<8x128xi32, #tpu.memory_space<vmem>> -> memref<1x128xi32, #tpu.memory_space<vmem>>
      %dma_wait3A_211 = tpu.memref_squeeze %dma_wait3A_210 : memref<1x128xi32, #tpu.memory_space<vmem>> -> memref<128xi32, #tpu.memory_space<vmem>>
      %dma_wait3A_212 = arith.constant 0 : i32
      %dma_wait3A_213 = arith.constant 0 : i32
      %dma_wait3A_214 = tpu.memref_slice %arg11[%dma_wait3A_212, %dma_wait3A_213] : memref<50048x4xf32, #tpu.memory_space<vmem_shared>> -> memref<50048x4xf32, #tpu.memory_space<vmem_shared>>
      tpu.wait_indirect_dma semaphore(%arg13 : memref<!tpu.dma_semaphore, #tpu.memory_space<semaphore_mem>>) src(%arg9 : memref<128x4xf32, #tpu.memory_space<vmem>>) dst(%dma_wait3A_214 : memref<50048x4xf32, #tpu.memory_space<vmem_shared>>)
      %dma_wait3A_215 = arith.constant 6 : i32
      %dma_wait3A_216 = arith.constant 0 : i32
      %dma_wait3A_217 = tpu.memref_slice %arg7[%dma_wait3A_215, %dma_wait3A_216] : memref<8x128xi32, #tpu.memory_space<vmem>> -> memref<1x128xi32, #tpu.memory_space<vmem>>
      %dma_wait3A_218 = tpu.memref_squeeze %dma_wait3A_217 : memref<1x128xi32, #tpu.memory_space<vmem>> -> memref<128xi32, #tpu.memory_space<vmem>>
      %dma_wait3A_219 = arith.constant 0 : i32
      %dma_wait3A_220 = arith.constant 0 : i32
      %dma_wait3A_221 = tpu.memref_slice %arg10[%dma_wait3A_219, %dma_wait3A_220] : memref<50048x4xf32, #tpu.memory_space<vmem_shared>> -> memref<50048x4xf32, #tpu.memory_space<vmem_shared>>
      tpu.wait_indirect_dma semaphore(%arg12 : memref<!tpu.dma_semaphore, #tpu.memory_space<semaphore_mem>>) src(%dma_wait3A_221 : memref<50048x4xf32, #tpu.memory_space<vmem_shared>>) dst(%arg9 : memref<128x4xf32, #tpu.memory_space<vmem>>)
      %dma_wait3A_222 = arith.constant 6 : i32
      %dma_wait3A_223 = arith.constant 0 : i32
      %dma_wait3A_224 = tpu.memref_slice %arg8[%dma_wait3A_222, %dma_wait3A_223] : memref<8x128xi32, #tpu.memory_space<vmem>> -> memref<1x128xi32, #tpu.memory_space<vmem>>
      %dma_wait3A_225 = tpu.memref_squeeze %dma_wait3A_224 : memref<1x128xi32, #tpu.memory_space<vmem>> -> memref<128xi32, #tpu.memory_space<vmem>>
      %dma_wait3A_226 = arith.constant 0 : i32
      %dma_wait3A_227 = arith.constant 0 : i32
      %dma_wait3A_228 = tpu.memref_slice %arg11[%dma_wait3A_226, %dma_wait3A_227] : memref<50048x4xf32, #tpu.memory_space<vmem_shared>> -> memref<50048x4xf32, #tpu.memory_space<vmem_shared>>
      tpu.wait_indirect_dma semaphore(%arg13 : memref<!tpu.dma_semaphore, #tpu.memory_space<semaphore_mem>>) src(%arg9 : memref<128x4xf32, #tpu.memory_space<vmem>>) dst(%dma_wait3A_228 : memref<50048x4xf32, #tpu.memory_space<vmem_shared>>)
      %dma_wait3A_229 = arith.constant 7 : i32
      %dma_wait3A_230 = arith.constant 0 : i32
      %dma_wait3A_231 = tpu.memref_slice %arg7[%dma_wait3A_229, %dma_wait3A_230] : memref<8x128xi32, #tpu.memory_space<vmem>> -> memref<1x128xi32, #tpu.memory_space<vmem>>
      %dma_wait3A_232 = tpu.memref_squeeze %dma_wait3A_231 : memref<1x128xi32, #tpu.memory_space<vmem>> -> memref<128xi32, #tpu.memory_space<vmem>>
      %dma_wait3A_233 = arith.constant 0 : i32
      %dma_wait3A_234 = arith.constant 0 : i32
      %dma_wait3A_235 = tpu.memref_slice %arg10[%dma_wait3A_233, %dma_wait3A_234] : memref<50048x4xf32, #tpu.memory_space<vmem_shared>> -> memref<50048x4xf32, #tpu.memory_space<vmem_shared>>
      tpu.wait_indirect_dma semaphore(%arg12 : memref<!tpu.dma_semaphore, #tpu.memory_space<semaphore_mem>>) src(%dma_wait3A_235 : memref<50048x4xf32, #tpu.memory_space<vmem_shared>>) dst(%arg9 : memref<128x4xf32, #tpu.memory_space<vmem>>)
      %dma_wait3A_236 = arith.constant 7 : i32
      %dma_wait3A_237 = arith.constant 0 : i32
      %dma_wait3A_238 = tpu.memref_slice %arg8[%dma_wait3A_236, %dma_wait3A_237] : memref<8x128xi32, #tpu.memory_space<vmem>> -> memref<1x128xi32, #tpu.memory_space<vmem>>
      %dma_wait3A_239 = tpu.memref_squeeze %dma_wait3A_238 : memref<1x128xi32, #tpu.memory_space<vmem>> -> memref<128xi32, #tpu.memory_space<vmem>>
      %dma_wait3A_240 = arith.constant 0 : i32
      %dma_wait3A_241 = arith.constant 0 : i32
      %dma_wait3A_242 = tpu.memref_slice %arg11[%dma_wait3A_240, %dma_wait3A_241] : memref<50048x4xf32, #tpu.memory_space<vmem_shared>> -> memref<50048x4xf32, #tpu.memory_space<vmem_shared>>
      tpu.wait_indirect_dma semaphore(%arg13 : memref<!tpu.dma_semaphore, #tpu.memory_space<semaphore_mem>>) src(%arg9 : memref<128x4xf32, #tpu.memory_space<vmem>>) dst(%dma_wait3A_242 : memref<50048x4xf32, #tpu.memory_space<vmem_shared>>)
    }
    %barrier3A_16 = arith.constant 0 : index
    tpu.barrier barrier_id(%barrier3A_16)
    "tpu.region"() ({
      %run_scoped3A = tpu.sem_alloc : memref<!tpu.dma_semaphore, #tpu.memory_space<semaphore_mem>>
      %dma_start3A = arith.constant 0 : i32
      %dma_start3A_17 = tpu.memref_slice %arg6[%arg0, %mul3A_2, %dma_start3A] : memref<2x50048x4xf32, #tpu.memory_space<hbm>> -> memref<1x3128x4xf32, #tpu.memory_space<hbm>>
      %dma_start3A_18 = tpu.memref_squeeze %dma_start3A_17 : memref<1x3128x4xf32, #tpu.memory_space<hbm>> -> memref<3128x4xf32, #tpu.memory_space<hbm>>
      %dma_start3A_19 = arith.constant 0 : i32
      %dma_start3A_20 = tpu.memref_slice %arg11[%mul3A_2, %dma_start3A_19] : memref<50048x4xf32, #tpu.memory_space<vmem_shared>> -> memref<3128x4xf32, #tpu.memory_space<vmem_shared>>
      tpu.enqueue_dma source(%dma_start3A_20 : memref<3128x4xf32, #tpu.memory_space<vmem_shared>>) target(%dma_start3A_18 : memref<3128x4xf32, #tpu.memory_space<hbm>>) target_semaphore(%run_scoped3A : memref<!tpu.dma_semaphore, #tpu.memory_space<semaphore_mem>>)
      %dma_wait3A = arith.constant 0 : i32
      %dma_wait3A_21 = tpu.memref_slice %arg6[%arg0, %mul3A_2, %dma_wait3A] : memref<2x50048x4xf32, #tpu.memory_space<hbm>> -> memref<1x3128x4xf32, #tpu.memory_space<hbm>>
      %dma_wait3A_22 = tpu.memref_squeeze %dma_wait3A_21 : memref<1x3128x4xf32, #tpu.memory_space<hbm>> -> memref<3128x4xf32, #tpu.memory_space<hbm>>
      %dma_wait3A_23 = arith.constant 0 : i32
      %dma_wait3A_24 = tpu.memref_slice %arg11[%mul3A_2, %dma_wait3A_23] : memref<50048x4xf32, #tpu.memory_space<vmem_shared>> -> memref<3128x4xf32, #tpu.memory_space<vmem_shared>>
      tpu.wait_dma2 semaphore(%run_scoped3A : memref<!tpu.dma_semaphore, #tpu.memory_space<semaphore_mem>>) src(%dma_wait3A_24 : memref<3128x4xf32, #tpu.memory_space<vmem_shared>>) dst(%dma_wait3A_22 : memref<3128x4xf32, #tpu.memory_space<hbm>>)
      tpu.yield
    }) : () -> ()
    return
  }
}

#map = affine_map<(d0, d1) -> (0, 0)>
#map1 = affine_map<(d0, d1) -> (0, 0, 0)>
module attributes {stable_mosaic.version = 14 : i64} {
  func.func @deg(%arg0: i32, %arg1: i32, %arg2: memref<25000x128xi32, #tpu.memory_space<hbm>>, %arg3: memref<128x1xf32, #tpu.memory_space<hbm>>, %arg4: memref<50048x1xf32, #tpu.memory_space<hbm>>, %arg5: memref<2x50048x1xf32, #tpu.memory_space<hbm>>, %arg6: memref<8x128xi32, #tpu.memory_space<vmem>>, %arg7: memref<128x1xf32, #tpu.memory_space<vmem>>, %arg8: memref<50048x1xf32, #tpu.memory_space<vmem_shared>>, %arg9: memref<!tpu.dma_semaphore, #tpu.memory_space<semaphore_mem>>) attributes {dimension_semantics = [#tpu.dimension_semantics<core_parallel>, #tpu.dimension_semantics<subcore_parallel>], iteration_bounds = array<i64: 2, 16>, scalar_prefetch = 0 : i64, scratch_operands = 4 : i64, tpu.core_type = #tpu.core_type<sc_vector_subcore>, window_params = [{transform_indices = #map}, {transform_indices = #map}, {transform_indices = #map}, {transform_indices = #map1}]} {
    %mul3A = arith.constant 16 : i32
    %mul3A_0 = arith.muli %arg0, %mul3A : i32
    %add3A = arith.addi %mul3A_0, %arg1 : i32
    %mul3A_1 = arith.constant 3128 : i32
    %mul3A_2 = arith.muli %arg1, %mul3A_1 : i32
    "tpu.region"() ({
      %run_scoped3A = tpu.sem_alloc : memref<!tpu.dma_semaphore, #tpu.memory_space<semaphore_mem>>
      tpu.enqueue_dma source(%arg3 : memref<128x1xf32, #tpu.memory_space<hbm>>) target(%arg7 : memref<128x1xf32, #tpu.memory_space<vmem>>) target_semaphore(%run_scoped3A : memref<!tpu.dma_semaphore, #tpu.memory_space<semaphore_mem>>)
      tpu.wait_dma2 semaphore(%run_scoped3A : memref<!tpu.dma_semaphore, #tpu.memory_space<semaphore_mem>>) src(%arg3 : memref<128x1xf32, #tpu.memory_space<hbm>>) dst(%arg7 : memref<128x1xf32, #tpu.memory_space<vmem>>)
      tpu.yield
    }) : () -> ()
    "tpu.region"() ({
      %run_scoped3A = tpu.sem_alloc : memref<!tpu.dma_semaphore, #tpu.memory_space<semaphore_mem>>
      %dma_start3A = arith.constant 0 : i32
      %dma_start3A_17 = tpu.memref_slice %arg8[%mul3A_2, %dma_start3A] : memref<50048x1xf32, #tpu.memory_space<vmem_shared>> -> memref<3128x1xf32, #tpu.memory_space<vmem_shared>>
      %dma_start3A_18 = arith.constant 0 : i32
      %dma_start3A_19 = tpu.memref_slice %arg4[%mul3A_2, %dma_start3A_18] : memref<50048x1xf32, #tpu.memory_space<hbm>> -> memref<3128x1xf32, #tpu.memory_space<hbm>>
      tpu.enqueue_dma source(%dma_start3A_19 : memref<3128x1xf32, #tpu.memory_space<hbm>>) target(%dma_start3A_17 : memref<3128x1xf32, #tpu.memory_space<vmem_shared>>) target_semaphore(%run_scoped3A : memref<!tpu.dma_semaphore, #tpu.memory_space<semaphore_mem>>)
      %dma_wait3A = arith.constant 0 : i32
      %dma_wait3A_20 = tpu.memref_slice %arg8[%mul3A_2, %dma_wait3A] : memref<50048x1xf32, #tpu.memory_space<vmem_shared>> -> memref<3128x1xf32, #tpu.memory_space<vmem_shared>>
      %dma_wait3A_21 = arith.constant 0 : i32
      %dma_wait3A_22 = tpu.memref_slice %arg4[%mul3A_2, %dma_wait3A_21] : memref<50048x1xf32, #tpu.memory_space<hbm>> -> memref<3128x1xf32, #tpu.memory_space<hbm>>
      tpu.wait_dma2 semaphore(%run_scoped3A : memref<!tpu.dma_semaphore, #tpu.memory_space<semaphore_mem>>) src(%dma_wait3A_22 : memref<3128x1xf32, #tpu.memory_space<hbm>>) dst(%dma_wait3A_20 : memref<3128x1xf32, #tpu.memory_space<vmem_shared>>)
      tpu.yield
    }) : () -> ()
    %barrier3A = arith.constant 0 : index
    tpu.barrier barrier_id(%barrier3A)
    %mul3A_3 = arith.constant 784 : i32
    %mul3A_4 = arith.muli %add3A, %mul3A_3 : i32
    %eq3A = arith.constant 31 : i32
    %eq3A_5 = arith.cmpi eq, %add3A, %eq3A : i32
    %jit3A = arith.constant 87 : i32
    %jit3A_6 = arith.constant 98 : i32
    %select_n3A = arith.select %eq3A_5, %jit3A, %jit3A_6 : i32
    %while3A = arith.constant 0 : i32
    %while3A_7 = arith.constant 0 : i32
    %while3A_8 = arith.subi %select_n3A, %while3A_7 : i32
    %while3A_9 = arith.addi %while3A_7, %while3A_8 : i32
    %while3A_10 = arith.constant 1 : i32
    %while3A_11 = arith.divsi %while3A_8, %while3A_10 : i32
    %while3A_12 = arith.muli %while3A_11, %while3A_10 : i32
    %while3A_13 = arith.addi %while3A_7, %while3A_12 : i32
    %while3A_14 = arith.constant 1 : i32
    scf.for %while3A_17 = %while3A_7 to %while3A_13 step %while3A_14  : i32 {
      %mul3A_18 = arith.constant 8 : i32
      %mul3A_19 = arith.muli %while3A_17, %mul3A_18 : i32
      %add3A_20 = arith.addi %mul3A_4, %mul3A_19 : i32
      "tpu.region"() ({
        %run_scoped3A = tpu.sem_alloc : memref<!tpu.dma_semaphore, #tpu.memory_space<semaphore_mem>>
        %dma_start3A_131 = arith.constant 0 : i32
        %dma_start3A_132 = tpu.memref_slice %arg2[%add3A_20, %dma_start3A_131] : memref<25000x128xi32, #tpu.memory_space<hbm>> -> memref<8x128xi32, #tpu.memory_space<hbm>>
        %dma_start3A_133 = arith.constant 0 : i32
        %dma_start3A_134 = tpu.memref_slice %arg2[%add3A_20, %dma_start3A_133] : memref<25000x128xi32, #tpu.memory_space<hbm>> -> memref<8x128xi32, #tpu.memory_space<hbm>>
        tpu.enqueue_dma source(%dma_start3A_134 : memref<8x128xi32, #tpu.memory_space<hbm>>) target(%arg6 : memref<8x128xi32, #tpu.memory_space<vmem>>) target_semaphore(%run_scoped3A : memref<!tpu.dma_semaphore, #tpu.memory_space<semaphore_mem>>)
        %dma_wait3A_135 = arith.constant 0 : i32
        %dma_wait3A_136 = tpu.memref_slice %arg2[%add3A_20, %dma_wait3A_135] : memref<25000x128xi32, #tpu.memory_space<hbm>> -> memref<8x128xi32, #tpu.memory_space<hbm>>
        %dma_wait3A_137 = arith.constant 0 : i32
        %dma_wait3A_138 = tpu.memref_slice %arg2[%add3A_20, %dma_wait3A_137] : memref<25000x128xi32, #tpu.memory_space<hbm>> -> memref<8x128xi32, #tpu.memory_space<hbm>>
        tpu.wait_dma2 semaphore(%run_scoped3A : memref<!tpu.dma_semaphore, #tpu.memory_space<semaphore_mem>>) src(%dma_wait3A_138 : memref<8x128xi32, #tpu.memory_space<hbm>>) dst(%arg6 : memref<8x128xi32, #tpu.memory_space<vmem>>)
        tpu.yield
      }) : () -> ()
      %dma_start3A = arith.constant 0 : i32
      %dma_start3A_21 = arith.constant 0 : i32
      %dma_start3A_22 = tpu.memref_slice %arg6[%dma_start3A, %dma_start3A_21] : memref<8x128xi32, #tpu.memory_space<vmem>> -> memref<1x128xi32, #tpu.memory_space<vmem>>
      %dma_start3A_23 = tpu.memref_squeeze %dma_start3A_22 : memref<1x128xi32, #tpu.memory_space<vmem>> -> memref<128xi32, #tpu.memory_space<vmem>>
      %dma_start3A_24 = arith.constant 0 : i32
      %dma_start3A_25 = arith.constant 0 : i32
      %dma_start3A_26 = tpu.memref_slice %arg8[%dma_start3A_24, %dma_start3A_25] : memref<50048x1xf32, #tpu.memory_space<vmem_shared>> -> memref<50048x1xf32, #tpu.memory_space<vmem_shared>>
      tpu.enqueue_indirect_dma source(%arg7 : memref<128x1xf32, #tpu.memory_space<vmem>>) target(%dma_start3A_26 : memref<50048x1xf32, #tpu.memory_space<vmem_shared>>) offsets(%dma_start3A_23 : memref<128xi32, #tpu.memory_space<vmem>>) semaphore(%arg9 : memref<!tpu.dma_semaphore, #tpu.memory_space<semaphore_mem>>) {add = true}
      %dma_start3A_27 = arith.constant 1 : i32
      %dma_start3A_28 = arith.constant 0 : i32
      %dma_start3A_29 = tpu.memref_slice %arg6[%dma_start3A_27, %dma_start3A_28] : memref<8x128xi32, #tpu.memory_space<vmem>> -> memref<1x128xi32, #tpu.memory_space<vmem>>
      %dma_start3A_30 = tpu.memref_squeeze %dma_start3A_29 : memref<1x128xi32, #tpu.memory_space<vmem>> -> memref<128xi32, #tpu.memory_space<vmem>>
      %dma_start3A_31 = arith.constant 0 : i32
      %dma_start3A_32 = arith.constant 0 : i32
      %dma_start3A_33 = tpu.memref_slice %arg8[%dma_start3A_31, %dma_start3A_32] : memref<50048x1xf32, #tpu.memory_space<vmem_shared>> -> memref<50048x1xf32, #tpu.memory_space<vmem_shared>>
      tpu.enqueue_indirect_dma source(%arg7 : memref<128x1xf32, #tpu.memory_space<vmem>>) target(%dma_start3A_33 : memref<50048x1xf32, #tpu.memory_space<vmem_shared>>) offsets(%dma_start3A_30 : memref<128xi32, #tpu.memory_space<vmem>>) semaphore(%arg9 : memref<!tpu.dma_semaphore, #tpu.memory_space<semaphore_mem>>) {add = true}
      %dma_start3A_34 = arith.constant 2 : i32
      %dma_start3A_35 = arith.constant 0 : i32
      %dma_start3A_36 = tpu.memref_slice %arg6[%dma_start3A_34, %dma_start3A_35] : memref<8x128xi32, #tpu.memory_space<vmem>> -> memref<1x128xi32, #tpu.memory_space<vmem>>
      %dma_start3A_37 = tpu.memref_squeeze %dma_start3A_36 : memref<1x128xi32, #tpu.memory_space<vmem>> -> memref<128xi32, #tpu.memory_space<vmem>>
      %dma_start3A_38 = arith.constant 0 : i32
      %dma_start3A_39 = arith.constant 0 : i32
      %dma_start3A_40 = tpu.memref_slice %arg8[%dma_start3A_38, %dma_start3A_39] : memref<50048x1xf32, #tpu.memory_space<vmem_shared>> -> memref<50048x1xf32, #tpu.memory_space<vmem_shared>>
      tpu.enqueue_indirect_dma source(%arg7 : memref<128x1xf32, #tpu.memory_space<vmem>>) target(%dma_start3A_40 : memref<50048x1xf32, #tpu.memory_space<vmem_shared>>) offsets(%dma_start3A_37 : memref<128xi32, #tpu.memory_space<vmem>>) semaphore(%arg9 : memref<!tpu.dma_semaphore, #tpu.memory_space<semaphore_mem>>) {add = true}
      %dma_start3A_41 = arith.constant 3 : i32
      %dma_start3A_42 = arith.constant 0 : i32
      %dma_start3A_43 = tpu.memref_slice %arg6[%dma_start3A_41, %dma_start3A_42] : memref<8x128xi32, #tpu.memory_space<vmem>> -> memref<1x128xi32, #tpu.memory_space<vmem>>
      %dma_start3A_44 = tpu.memref_squeeze %dma_start3A_43 : memref<1x128xi32, #tpu.memory_space<vmem>> -> memref<128xi32, #tpu.memory_space<vmem>>
      %dma_start3A_45 = arith.constant 0 : i32
      %dma_start3A_46 = arith.constant 0 : i32
      %dma_start3A_47 = tpu.memref_slice %arg8[%dma_start3A_45, %dma_start3A_46] : memref<50048x1xf32, #tpu.memory_space<vmem_shared>> -> memref<50048x1xf32, #tpu.memory_space<vmem_shared>>
      tpu.enqueue_indirect_dma source(%arg7 : memref<128x1xf32, #tpu.memory_space<vmem>>) target(%dma_start3A_47 : memref<50048x1xf32, #tpu.memory_space<vmem_shared>>) offsets(%dma_start3A_44 : memref<128xi32, #tpu.memory_space<vmem>>) semaphore(%arg9 : memref<!tpu.dma_semaphore, #tpu.memory_space<semaphore_mem>>) {add = true}
      %dma_start3A_48 = arith.constant 4 : i32
      %dma_start3A_49 = arith.constant 0 : i32
      %dma_start3A_50 = tpu.memref_slice %arg6[%dma_start3A_48, %dma_start3A_49] : memref<8x128xi32, #tpu.memory_space<vmem>> -> memref<1x128xi32, #tpu.memory_space<vmem>>
      %dma_start3A_51 = tpu.memref_squeeze %dma_start3A_50 : memref<1x128xi32, #tpu.memory_space<vmem>> -> memref<128xi32, #tpu.memory_space<vmem>>
      %dma_start3A_52 = arith.constant 0 : i32
      %dma_start3A_53 = arith.constant 0 : i32
      %dma_start3A_54 = tpu.memref_slice %arg8[%dma_start3A_52, %dma_start3A_53] : memref<50048x1xf32, #tpu.memory_space<vmem_shared>> -> memref<50048x1xf32, #tpu.memory_space<vmem_shared>>
      tpu.enqueue_indirect_dma source(%arg7 : memref<128x1xf32, #tpu.memory_space<vmem>>) target(%dma_start3A_54 : memref<50048x1xf32, #tpu.memory_space<vmem_shared>>) offsets(%dma_start3A_51 : memref<128xi32, #tpu.memory_space<vmem>>) semaphore(%arg9 : memref<!tpu.dma_semaphore, #tpu.memory_space<semaphore_mem>>) {add = true}
      %dma_start3A_55 = arith.constant 5 : i32
      %dma_start3A_56 = arith.constant 0 : i32
      %dma_start3A_57 = tpu.memref_slice %arg6[%dma_start3A_55, %dma_start3A_56] : memref<8x128xi32, #tpu.memory_space<vmem>> -> memref<1x128xi32, #tpu.memory_space<vmem>>
      %dma_start3A_58 = tpu.memref_squeeze %dma_start3A_57 : memref<1x128xi32, #tpu.memory_space<vmem>> -> memref<128xi32, #tpu.memory_space<vmem>>
      %dma_start3A_59 = arith.constant 0 : i32
      %dma_start3A_60 = arith.constant 0 : i32
      %dma_start3A_61 = tpu.memref_slice %arg8[%dma_start3A_59, %dma_start3A_60] : memref<50048x1xf32, #tpu.memory_space<vmem_shared>> -> memref<50048x1xf32, #tpu.memory_space<vmem_shared>>
      tpu.enqueue_indirect_dma source(%arg7 : memref<128x1xf32, #tpu.memory_space<vmem>>) target(%dma_start3A_61 : memref<50048x1xf32, #tpu.memory_space<vmem_shared>>) offsets(%dma_start3A_58 : memref<128xi32, #tpu.memory_space<vmem>>) semaphore(%arg9 : memref<!tpu.dma_semaphore, #tpu.memory_space<semaphore_mem>>) {add = true}
      %dma_start3A_62 = arith.constant 6 : i32
      %dma_start3A_63 = arith.constant 0 : i32
      %dma_start3A_64 = tpu.memref_slice %arg6[%dma_start3A_62, %dma_start3A_63] : memref<8x128xi32, #tpu.memory_space<vmem>> -> memref<1x128xi32, #tpu.memory_space<vmem>>
      %dma_start3A_65 = tpu.memref_squeeze %dma_start3A_64 : memref<1x128xi32, #tpu.memory_space<vmem>> -> memref<128xi32, #tpu.memory_space<vmem>>
      %dma_start3A_66 = arith.constant 0 : i32
      %dma_start3A_67 = arith.constant 0 : i32
      %dma_start3A_68 = tpu.memref_slice %arg8[%dma_start3A_66, %dma_start3A_67] : memref<50048x1xf32, #tpu.memory_space<vmem_shared>> -> memref<50048x1xf32, #tpu.memory_space<vmem_shared>>
      tpu.enqueue_indirect_dma source(%arg7 : memref<128x1xf32, #tpu.memory_space<vmem>>) target(%dma_start3A_68 : memref<50048x1xf32, #tpu.memory_space<vmem_shared>>) offsets(%dma_start3A_65 : memref<128xi32, #tpu.memory_space<vmem>>) semaphore(%arg9 : memref<!tpu.dma_semaphore, #tpu.memory_space<semaphore_mem>>) {add = true}
      %dma_start3A_69 = arith.constant 7 : i32
      %dma_start3A_70 = arith.constant 0 : i32
      %dma_start3A_71 = tpu.memref_slice %arg6[%dma_start3A_69, %dma_start3A_70] : memref<8x128xi32, #tpu.memory_space<vmem>> -> memref<1x128xi32, #tpu.memory_space<vmem>>
      %dma_start3A_72 = tpu.memref_squeeze %dma_start3A_71 : memref<1x128xi32, #tpu.memory_space<vmem>> -> memref<128xi32, #tpu.memory_space<vmem>>
      %dma_start3A_73 = arith.constant 0 : i32
      %dma_start3A_74 = arith.constant 0 : i32
      %dma_start3A_75 = tpu.memref_slice %arg8[%dma_start3A_73, %dma_start3A_74] : memref<50048x1xf32, #tpu.memory_space<vmem_shared>> -> memref<50048x1xf32, #tpu.memory_space<vmem_shared>>
      tpu.enqueue_indirect_dma source(%arg7 : memref<128x1xf32, #tpu.memory_space<vmem>>) target(%dma_start3A_75 : memref<50048x1xf32, #tpu.memory_space<vmem_shared>>) offsets(%dma_start3A_72 : memref<128xi32, #tpu.memory_space<vmem>>) semaphore(%arg9 : memref<!tpu.dma_semaphore, #tpu.memory_space<semaphore_mem>>) {add = true}
      %dma_wait3A = arith.constant 0 : i32
      %dma_wait3A_76 = arith.constant 0 : i32
      %dma_wait3A_77 = tpu.memref_slice %arg6[%dma_wait3A, %dma_wait3A_76] : memref<8x128xi32, #tpu.memory_space<vmem>> -> memref<1x128xi32, #tpu.memory_space<vmem>>
      %dma_wait3A_78 = tpu.memref_squeeze %dma_wait3A_77 : memref<1x128xi32, #tpu.memory_space<vmem>> -> memref<128xi32, #tpu.memory_space<vmem>>
      %dma_wait3A_79 = arith.constant 0 : i32
      %dma_wait3A_80 = arith.constant 0 : i32
      %dma_wait3A_81 = tpu.memref_slice %arg8[%dma_wait3A_79, %dma_wait3A_80] : memref<50048x1xf32, #tpu.memory_space<vmem_shared>> -> memref<50048x1xf32, #tpu.memory_space<vmem_shared>>
      tpu.wait_indirect_dma semaphore(%arg9 : memref<!tpu.dma_semaphore, #tpu.memory_space<semaphore_mem>>) src(%arg7 : memref<128x1xf32, #tpu.memory_space<vmem>>) dst(%dma_wait3A_81 : memref<50048x1xf32, #tpu.memory_space<vmem_shared>>)
      %dma_wait3A_82 = arith.constant 1 : i32
      %dma_wait3A_83 = arith.constant 0 : i32
      %dma_wait3A_84 = tpu.memref_slice %arg6[%dma_wait3A_82, %dma_wait3A_83] : memref<8x128xi32, #tpu.memory_space<vmem>> -> memref<1x128xi32, #tpu.memory_space<vmem>>
      %dma_wait3A_85 = tpu.memref_squeeze %dma_wait3A_84 : memref<1x128xi32, #tpu.memory_space<vmem>> -> memref<128xi32, #tpu.memory_space<vmem>>
      %dma_wait3A_86 = arith.constant 0 : i32
      %dma_wait3A_87 = arith.constant 0 : i32
      %dma_wait3A_88 = tpu.memref_slice %arg8[%dma_wait3A_86, %dma_wait3A_87] : memref<50048x1xf32, #tpu.memory_space<vmem_shared>> -> memref<50048x1xf32, #tpu.memory_space<vmem_shared>>
      tpu.wait_indirect_dma semaphore(%arg9 : memref<!tpu.dma_semaphore, #tpu.memory_space<semaphore_mem>>) src(%arg7 : memref<128x1xf32, #tpu.memory_space<vmem>>) dst(%dma_wait3A_88 : memref<50048x1xf32, #tpu.memory_space<vmem_shared>>)
      %dma_wait3A_89 = arith.constant 2 : i32
      %dma_wait3A_90 = arith.constant 0 : i32
      %dma_wait3A_91 = tpu.memref_slice %arg6[%dma_wait3A_89, %dma_wait3A_90] : memref<8x128xi32, #tpu.memory_space<vmem>> -> memref<1x128xi32, #tpu.memory_space<vmem>>
      %dma_wait3A_92 = tpu.memref_squeeze %dma_wait3A_91 : memref<1x128xi32, #tpu.memory_space<vmem>> -> memref<128xi32, #tpu.memory_space<vmem>>
      %dma_wait3A_93 = arith.constant 0 : i32
      %dma_wait3A_94 = arith.constant 0 : i32
      %dma_wait3A_95 = tpu.memref_slice %arg8[%dma_wait3A_93, %dma_wait3A_94] : memref<50048x1xf32, #tpu.memory_space<vmem_shared>> -> memref<50048x1xf32, #tpu.memory_space<vmem_shared>>
      tpu.wait_indirect_dma semaphore(%arg9 : memref<!tpu.dma_semaphore, #tpu.memory_space<semaphore_mem>>) src(%arg7 : memref<128x1xf32, #tpu.memory_space<vmem>>) dst(%dma_wait3A_95 : memref<50048x1xf32, #tpu.memory_space<vmem_shared>>)
      %dma_wait3A_96 = arith.constant 3 : i32
      %dma_wait3A_97 = arith.constant 0 : i32
      %dma_wait3A_98 = tpu.memref_slice %arg6[%dma_wait3A_96, %dma_wait3A_97] : memref<8x128xi32, #tpu.memory_space<vmem>> -> memref<1x128xi32, #tpu.memory_space<vmem>>
      %dma_wait3A_99 = tpu.memref_squeeze %dma_wait3A_98 : memref<1x128xi32, #tpu.memory_space<vmem>> -> memref<128xi32, #tpu.memory_space<vmem>>
      %dma_wait3A_100 = arith.constant 0 : i32
      %dma_wait3A_101 = arith.constant 0 : i32
      %dma_wait3A_102 = tpu.memref_slice %arg8[%dma_wait3A_100, %dma_wait3A_101] : memref<50048x1xf32, #tpu.memory_space<vmem_shared>> -> memref<50048x1xf32, #tpu.memory_space<vmem_shared>>
      tpu.wait_indirect_dma semaphore(%arg9 : memref<!tpu.dma_semaphore, #tpu.memory_space<semaphore_mem>>) src(%arg7 : memref<128x1xf32, #tpu.memory_space<vmem>>) dst(%dma_wait3A_102 : memref<50048x1xf32, #tpu.memory_space<vmem_shared>>)
      %dma_wait3A_103 = arith.constant 4 : i32
      %dma_wait3A_104 = arith.constant 0 : i32
      %dma_wait3A_105 = tpu.memref_slice %arg6[%dma_wait3A_103, %dma_wait3A_104] : memref<8x128xi32, #tpu.memory_space<vmem>> -> memref<1x128xi32, #tpu.memory_space<vmem>>
      %dma_wait3A_106 = tpu.memref_squeeze %dma_wait3A_105 : memref<1x128xi32, #tpu.memory_space<vmem>> -> memref<128xi32, #tpu.memory_space<vmem>>
      %dma_wait3A_107 = arith.constant 0 : i32
      %dma_wait3A_108 = arith.constant 0 : i32
      %dma_wait3A_109 = tpu.memref_slice %arg8[%dma_wait3A_107, %dma_wait3A_108] : memref<50048x1xf32, #tpu.memory_space<vmem_shared>> -> memref<50048x1xf32, #tpu.memory_space<vmem_shared>>
      tpu.wait_indirect_dma semaphore(%arg9 : memref<!tpu.dma_semaphore, #tpu.memory_space<semaphore_mem>>) src(%arg7 : memref<128x1xf32, #tpu.memory_space<vmem>>) dst(%dma_wait3A_109 : memref<50048x1xf32, #tpu.memory_space<vmem_shared>>)
      %dma_wait3A_110 = arith.constant 5 : i32
      %dma_wait3A_111 = arith.constant 0 : i32
      %dma_wait3A_112 = tpu.memref_slice %arg6[%dma_wait3A_110, %dma_wait3A_111] : memref<8x128xi32, #tpu.memory_space<vmem>> -> memref<1x128xi32, #tpu.memory_space<vmem>>
      %dma_wait3A_113 = tpu.memref_squeeze %dma_wait3A_112 : memref<1x128xi32, #tpu.memory_space<vmem>> -> memref<128xi32, #tpu.memory_space<vmem>>
      %dma_wait3A_114 = arith.constant 0 : i32
      %dma_wait3A_115 = arith.constant 0 : i32
      %dma_wait3A_116 = tpu.memref_slice %arg8[%dma_wait3A_114, %dma_wait3A_115] : memref<50048x1xf32, #tpu.memory_space<vmem_shared>> -> memref<50048x1xf32, #tpu.memory_space<vmem_shared>>
      tpu.wait_indirect_dma semaphore(%arg9 : memref<!tpu.dma_semaphore, #tpu.memory_space<semaphore_mem>>) src(%arg7 : memref<128x1xf32, #tpu.memory_space<vmem>>) dst(%dma_wait3A_116 : memref<50048x1xf32, #tpu.memory_space<vmem_shared>>)
      %dma_wait3A_117 = arith.constant 6 : i32
      %dma_wait3A_118 = arith.constant 0 : i32
      %dma_wait3A_119 = tpu.memref_slice %arg6[%dma_wait3A_117, %dma_wait3A_118] : memref<8x128xi32, #tpu.memory_space<vmem>> -> memref<1x128xi32, #tpu.memory_space<vmem>>
      %dma_wait3A_120 = tpu.memref_squeeze %dma_wait3A_119 : memref<1x128xi32, #tpu.memory_space<vmem>> -> memref<128xi32, #tpu.memory_space<vmem>>
      %dma_wait3A_121 = arith.constant 0 : i32
      %dma_wait3A_122 = arith.constant 0 : i32
      %dma_wait3A_123 = tpu.memref_slice %arg8[%dma_wait3A_121, %dma_wait3A_122] : memref<50048x1xf32, #tpu.memory_space<vmem_shared>> -> memref<50048x1xf32, #tpu.memory_space<vmem_shared>>
      tpu.wait_indirect_dma semaphore(%arg9 : memref<!tpu.dma_semaphore, #tpu.memory_space<semaphore_mem>>) src(%arg7 : memref<128x1xf32, #tpu.memory_space<vmem>>) dst(%dma_wait3A_123 : memref<50048x1xf32, #tpu.memory_space<vmem_shared>>)
      %dma_wait3A_124 = arith.constant 7 : i32
      %dma_wait3A_125 = arith.constant 0 : i32
      %dma_wait3A_126 = tpu.memref_slice %arg6[%dma_wait3A_124, %dma_wait3A_125] : memref<8x128xi32, #tpu.memory_space<vmem>> -> memref<1x128xi32, #tpu.memory_space<vmem>>
      %dma_wait3A_127 = tpu.memref_squeeze %dma_wait3A_126 : memref<1x128xi32, #tpu.memory_space<vmem>> -> memref<128xi32, #tpu.memory_space<vmem>>
      %dma_wait3A_128 = arith.constant 0 : i32
      %dma_wait3A_129 = arith.constant 0 : i32
      %dma_wait3A_130 = tpu.memref_slice %arg8[%dma_wait3A_128, %dma_wait3A_129] : memref<50048x1xf32, #tpu.memory_space<vmem_shared>> -> memref<50048x1xf32, #tpu.memory_space<vmem_shared>>
      tpu.wait_indirect_dma semaphore(%arg9 : memref<!tpu.dma_semaphore, #tpu.memory_space<semaphore_mem>>) src(%arg7 : memref<128x1xf32, #tpu.memory_space<vmem>>) dst(%dma_wait3A_130 : memref<50048x1xf32, #tpu.memory_space<vmem_shared>>)
    }
    %while3A_15 = arith.constant 1 : i32
    scf.for %while3A_17 = %while3A_13 to %while3A_9 step %while3A_15  : i32 {
      %mul3A_18 = arith.constant 8 : i32
      %mul3A_19 = arith.muli %while3A_17, %mul3A_18 : i32
      %add3A_20 = arith.addi %mul3A_4, %mul3A_19 : i32
      "tpu.region"() ({
        %run_scoped3A = tpu.sem_alloc : memref<!tpu.dma_semaphore, #tpu.memory_space<semaphore_mem>>
        %dma_start3A_131 = arith.constant 0 : i32
        %dma_start3A_132 = tpu.memref_slice %arg2[%add3A_20, %dma_start3A_131] : memref<25000x128xi32, #tpu.memory_space<hbm>> -> memref<8x128xi32, #tpu.memory_space<hbm>>
        %dma_start3A_133 = arith.constant 0 : i32
        %dma_start3A_134 = tpu.memref_slice %arg2[%add3A_20, %dma_start3A_133] : memref<25000x128xi32, #tpu.memory_space<hbm>> -> memref<8x128xi32, #tpu.memory_space<hbm>>
        tpu.enqueue_dma source(%dma_start3A_134 : memref<8x128xi32, #tpu.memory_space<hbm>>) target(%arg6 : memref<8x128xi32, #tpu.memory_space<vmem>>) target_semaphore(%run_scoped3A : memref<!tpu.dma_semaphore, #tpu.memory_space<semaphore_mem>>)
        %dma_wait3A_135 = arith.constant 0 : i32
        %dma_wait3A_136 = tpu.memref_slice %arg2[%add3A_20, %dma_wait3A_135] : memref<25000x128xi32, #tpu.memory_space<hbm>> -> memref<8x128xi32, #tpu.memory_space<hbm>>
        %dma_wait3A_137 = arith.constant 0 : i32
        %dma_wait3A_138 = tpu.memref_slice %arg2[%add3A_20, %dma_wait3A_137] : memref<25000x128xi32, #tpu.memory_space<hbm>> -> memref<8x128xi32, #tpu.memory_space<hbm>>
        tpu.wait_dma2 semaphore(%run_scoped3A : memref<!tpu.dma_semaphore, #tpu.memory_space<semaphore_mem>>) src(%dma_wait3A_138 : memref<8x128xi32, #tpu.memory_space<hbm>>) dst(%arg6 : memref<8x128xi32, #tpu.memory_space<vmem>>)
        tpu.yield
      }) : () -> ()
      %dma_start3A = arith.constant 0 : i32
      %dma_start3A_21 = arith.constant 0 : i32
      %dma_start3A_22 = tpu.memref_slice %arg6[%dma_start3A, %dma_start3A_21] : memref<8x128xi32, #tpu.memory_space<vmem>> -> memref<1x128xi32, #tpu.memory_space<vmem>>
      %dma_start3A_23 = tpu.memref_squeeze %dma_start3A_22 : memref<1x128xi32, #tpu.memory_space<vmem>> -> memref<128xi32, #tpu.memory_space<vmem>>
      %dma_start3A_24 = arith.constant 0 : i32
      %dma_start3A_25 = arith.constant 0 : i32
      %dma_start3A_26 = tpu.memref_slice %arg8[%dma_start3A_24, %dma_start3A_25] : memref<50048x1xf32, #tpu.memory_space<vmem_shared>> -> memref<50048x1xf32, #tpu.memory_space<vmem_shared>>
      tpu.enqueue_indirect_dma source(%arg7 : memref<128x1xf32, #tpu.memory_space<vmem>>) target(%dma_start3A_26 : memref<50048x1xf32, #tpu.memory_space<vmem_shared>>) offsets(%dma_start3A_23 : memref<128xi32, #tpu.memory_space<vmem>>) semaphore(%arg9 : memref<!tpu.dma_semaphore, #tpu.memory_space<semaphore_mem>>) {add = true}
      %dma_start3A_27 = arith.constant 1 : i32
      %dma_start3A_28 = arith.constant 0 : i32
      %dma_start3A_29 = tpu.memref_slice %arg6[%dma_start3A_27, %dma_start3A_28] : memref<8x128xi32, #tpu.memory_space<vmem>> -> memref<1x128xi32, #tpu.memory_space<vmem>>
      %dma_start3A_30 = tpu.memref_squeeze %dma_start3A_29 : memref<1x128xi32, #tpu.memory_space<vmem>> -> memref<128xi32, #tpu.memory_space<vmem>>
      %dma_start3A_31 = arith.constant 0 : i32
      %dma_start3A_32 = arith.constant 0 : i32
      %dma_start3A_33 = tpu.memref_slice %arg8[%dma_start3A_31, %dma_start3A_32] : memref<50048x1xf32, #tpu.memory_space<vmem_shared>> -> memref<50048x1xf32, #tpu.memory_space<vmem_shared>>
      tpu.enqueue_indirect_dma source(%arg7 : memref<128x1xf32, #tpu.memory_space<vmem>>) target(%dma_start3A_33 : memref<50048x1xf32, #tpu.memory_space<vmem_shared>>) offsets(%dma_start3A_30 : memref<128xi32, #tpu.memory_space<vmem>>) semaphore(%arg9 : memref<!tpu.dma_semaphore, #tpu.memory_space<semaphore_mem>>) {add = true}
      %dma_start3A_34 = arith.constant 2 : i32
      %dma_start3A_35 = arith.constant 0 : i32
      %dma_start3A_36 = tpu.memref_slice %arg6[%dma_start3A_34, %dma_start3A_35] : memref<8x128xi32, #tpu.memory_space<vmem>> -> memref<1x128xi32, #tpu.memory_space<vmem>>
      %dma_start3A_37 = tpu.memref_squeeze %dma_start3A_36 : memref<1x128xi32, #tpu.memory_space<vmem>> -> memref<128xi32, #tpu.memory_space<vmem>>
      %dma_start3A_38 = arith.constant 0 : i32
      %dma_start3A_39 = arith.constant 0 : i32
      %dma_start3A_40 = tpu.memref_slice %arg8[%dma_start3A_38, %dma_start3A_39] : memref<50048x1xf32, #tpu.memory_space<vmem_shared>> -> memref<50048x1xf32, #tpu.memory_space<vmem_shared>>
      tpu.enqueue_indirect_dma source(%arg7 : memref<128x1xf32, #tpu.memory_space<vmem>>) target(%dma_start3A_40 : memref<50048x1xf32, #tpu.memory_space<vmem_shared>>) offsets(%dma_start3A_37 : memref<128xi32, #tpu.memory_space<vmem>>) semaphore(%arg9 : memref<!tpu.dma_semaphore, #tpu.memory_space<semaphore_mem>>) {add = true}
      %dma_start3A_41 = arith.constant 3 : i32
      %dma_start3A_42 = arith.constant 0 : i32
      %dma_start3A_43 = tpu.memref_slice %arg6[%dma_start3A_41, %dma_start3A_42] : memref<8x128xi32, #tpu.memory_space<vmem>> -> memref<1x128xi32, #tpu.memory_space<vmem>>
      %dma_start3A_44 = tpu.memref_squeeze %dma_start3A_43 : memref<1x128xi32, #tpu.memory_space<vmem>> -> memref<128xi32, #tpu.memory_space<vmem>>
      %dma_start3A_45 = arith.constant 0 : i32
      %dma_start3A_46 = arith.constant 0 : i32
      %dma_start3A_47 = tpu.memref_slice %arg8[%dma_start3A_45, %dma_start3A_46] : memref<50048x1xf32, #tpu.memory_space<vmem_shared>> -> memref<50048x1xf32, #tpu.memory_space<vmem_shared>>
      tpu.enqueue_indirect_dma source(%arg7 : memref<128x1xf32, #tpu.memory_space<vmem>>) target(%dma_start3A_47 : memref<50048x1xf32, #tpu.memory_space<vmem_shared>>) offsets(%dma_start3A_44 : memref<128xi32, #tpu.memory_space<vmem>>) semaphore(%arg9 : memref<!tpu.dma_semaphore, #tpu.memory_space<semaphore_mem>>) {add = true}
      %dma_start3A_48 = arith.constant 4 : i32
      %dma_start3A_49 = arith.constant 0 : i32
      %dma_start3A_50 = tpu.memref_slice %arg6[%dma_start3A_48, %dma_start3A_49] : memref<8x128xi32, #tpu.memory_space<vmem>> -> memref<1x128xi32, #tpu.memory_space<vmem>>
      %dma_start3A_51 = tpu.memref_squeeze %dma_start3A_50 : memref<1x128xi32, #tpu.memory_space<vmem>> -> memref<128xi32, #tpu.memory_space<vmem>>
      %dma_start3A_52 = arith.constant 0 : i32
      %dma_start3A_53 = arith.constant 0 : i32
      %dma_start3A_54 = tpu.memref_slice %arg8[%dma_start3A_52, %dma_start3A_53] : memref<50048x1xf32, #tpu.memory_space<vmem_shared>> -> memref<50048x1xf32, #tpu.memory_space<vmem_shared>>
      tpu.enqueue_indirect_dma source(%arg7 : memref<128x1xf32, #tpu.memory_space<vmem>>) target(%dma_start3A_54 : memref<50048x1xf32, #tpu.memory_space<vmem_shared>>) offsets(%dma_start3A_51 : memref<128xi32, #tpu.memory_space<vmem>>) semaphore(%arg9 : memref<!tpu.dma_semaphore, #tpu.memory_space<semaphore_mem>>) {add = true}
      %dma_start3A_55 = arith.constant 5 : i32
      %dma_start3A_56 = arith.constant 0 : i32
      %dma_start3A_57 = tpu.memref_slice %arg6[%dma_start3A_55, %dma_start3A_56] : memref<8x128xi32, #tpu.memory_space<vmem>> -> memref<1x128xi32, #tpu.memory_space<vmem>>
      %dma_start3A_58 = tpu.memref_squeeze %dma_start3A_57 : memref<1x128xi32, #tpu.memory_space<vmem>> -> memref<128xi32, #tpu.memory_space<vmem>>
      %dma_start3A_59 = arith.constant 0 : i32
      %dma_start3A_60 = arith.constant 0 : i32
      %dma_start3A_61 = tpu.memref_slice %arg8[%dma_start3A_59, %dma_start3A_60] : memref<50048x1xf32, #tpu.memory_space<vmem_shared>> -> memref<50048x1xf32, #tpu.memory_space<vmem_shared>>
      tpu.enqueue_indirect_dma source(%arg7 : memref<128x1xf32, #tpu.memory_space<vmem>>) target(%dma_start3A_61 : memref<50048x1xf32, #tpu.memory_space<vmem_shared>>) offsets(%dma_start3A_58 : memref<128xi32, #tpu.memory_space<vmem>>) semaphore(%arg9 : memref<!tpu.dma_semaphore, #tpu.memory_space<semaphore_mem>>) {add = true}
      %dma_start3A_62 = arith.constant 6 : i32
      %dma_start3A_63 = arith.constant 0 : i32
      %dma_start3A_64 = tpu.memref_slice %arg6[%dma_start3A_62, %dma_start3A_63] : memref<8x128xi32, #tpu.memory_space<vmem>> -> memref<1x128xi32, #tpu.memory_space<vmem>>
      %dma_start3A_65 = tpu.memref_squeeze %dma_start3A_64 : memref<1x128xi32, #tpu.memory_space<vmem>> -> memref<128xi32, #tpu.memory_space<vmem>>
      %dma_start3A_66 = arith.constant 0 : i32
      %dma_start3A_67 = arith.constant 0 : i32
      %dma_start3A_68 = tpu.memref_slice %arg8[%dma_start3A_66, %dma_start3A_67] : memref<50048x1xf32, #tpu.memory_space<vmem_shared>> -> memref<50048x1xf32, #tpu.memory_space<vmem_shared>>
      tpu.enqueue_indirect_dma source(%arg7 : memref<128x1xf32, #tpu.memory_space<vmem>>) target(%dma_start3A_68 : memref<50048x1xf32, #tpu.memory_space<vmem_shared>>) offsets(%dma_start3A_65 : memref<128xi32, #tpu.memory_space<vmem>>) semaphore(%arg9 : memref<!tpu.dma_semaphore, #tpu.memory_space<semaphore_mem>>) {add = true}
      %dma_start3A_69 = arith.constant 7 : i32
      %dma_start3A_70 = arith.constant 0 : i32
      %dma_start3A_71 = tpu.memref_slice %arg6[%dma_start3A_69, %dma_start3A_70] : memref<8x128xi32, #tpu.memory_space<vmem>> -> memref<1x128xi32, #tpu.memory_space<vmem>>
      %dma_start3A_72 = tpu.memref_squeeze %dma_start3A_71 : memref<1x128xi32, #tpu.memory_space<vmem>> -> memref<128xi32, #tpu.memory_space<vmem>>
      %dma_start3A_73 = arith.constant 0 : i32
      %dma_start3A_74 = arith.constant 0 : i32
      %dma_start3A_75 = tpu.memref_slice %arg8[%dma_start3A_73, %dma_start3A_74] : memref<50048x1xf32, #tpu.memory_space<vmem_shared>> -> memref<50048x1xf32, #tpu.memory_space<vmem_shared>>
      tpu.enqueue_indirect_dma source(%arg7 : memref<128x1xf32, #tpu.memory_space<vmem>>) target(%dma_start3A_75 : memref<50048x1xf32, #tpu.memory_space<vmem_shared>>) offsets(%dma_start3A_72 : memref<128xi32, #tpu.memory_space<vmem>>) semaphore(%arg9 : memref<!tpu.dma_semaphore, #tpu.memory_space<semaphore_mem>>) {add = true}
      %dma_wait3A = arith.constant 0 : i32
      %dma_wait3A_76 = arith.constant 0 : i32
      %dma_wait3A_77 = tpu.memref_slice %arg6[%dma_wait3A, %dma_wait3A_76] : memref<8x128xi32, #tpu.memory_space<vmem>> -> memref<1x128xi32, #tpu.memory_space<vmem>>
      %dma_wait3A_78 = tpu.memref_squeeze %dma_wait3A_77 : memref<1x128xi32, #tpu.memory_space<vmem>> -> memref<128xi32, #tpu.memory_space<vmem>>
      %dma_wait3A_79 = arith.constant 0 : i32
      %dma_wait3A_80 = arith.constant 0 : i32
      %dma_wait3A_81 = tpu.memref_slice %arg8[%dma_wait3A_79, %dma_wait3A_80] : memref<50048x1xf32, #tpu.memory_space<vmem_shared>> -> memref<50048x1xf32, #tpu.memory_space<vmem_shared>>
      tpu.wait_indirect_dma semaphore(%arg9 : memref<!tpu.dma_semaphore, #tpu.memory_space<semaphore_mem>>) src(%arg7 : memref<128x1xf32, #tpu.memory_space<vmem>>) dst(%dma_wait3A_81 : memref<50048x1xf32, #tpu.memory_space<vmem_shared>>)
      %dma_wait3A_82 = arith.constant 1 : i32
      %dma_wait3A_83 = arith.constant 0 : i32
      %dma_wait3A_84 = tpu.memref_slice %arg6[%dma_wait3A_82, %dma_wait3A_83] : memref<8x128xi32, #tpu.memory_space<vmem>> -> memref<1x128xi32, #tpu.memory_space<vmem>>
      %dma_wait3A_85 = tpu.memref_squeeze %dma_wait3A_84 : memref<1x128xi32, #tpu.memory_space<vmem>> -> memref<128xi32, #tpu.memory_space<vmem>>
      %dma_wait3A_86 = arith.constant 0 : i32
      %dma_wait3A_87 = arith.constant 0 : i32
      %dma_wait3A_88 = tpu.memref_slice %arg8[%dma_wait3A_86, %dma_wait3A_87] : memref<50048x1xf32, #tpu.memory_space<vmem_shared>> -> memref<50048x1xf32, #tpu.memory_space<vmem_shared>>
      tpu.wait_indirect_dma semaphore(%arg9 : memref<!tpu.dma_semaphore, #tpu.memory_space<semaphore_mem>>) src(%arg7 : memref<128x1xf32, #tpu.memory_space<vmem>>) dst(%dma_wait3A_88 : memref<50048x1xf32, #tpu.memory_space<vmem_shared>>)
      %dma_wait3A_89 = arith.constant 2 : i32
      %dma_wait3A_90 = arith.constant 0 : i32
      %dma_wait3A_91 = tpu.memref_slice %arg6[%dma_wait3A_89, %dma_wait3A_90] : memref<8x128xi32, #tpu.memory_space<vmem>> -> memref<1x128xi32, #tpu.memory_space<vmem>>
      %dma_wait3A_92 = tpu.memref_squeeze %dma_wait3A_91 : memref<1x128xi32, #tpu.memory_space<vmem>> -> memref<128xi32, #tpu.memory_space<vmem>>
      %dma_wait3A_93 = arith.constant 0 : i32
      %dma_wait3A_94 = arith.constant 0 : i32
      %dma_wait3A_95 = tpu.memref_slice %arg8[%dma_wait3A_93, %dma_wait3A_94] : memref<50048x1xf32, #tpu.memory_space<vmem_shared>> -> memref<50048x1xf32, #tpu.memory_space<vmem_shared>>
      tpu.wait_indirect_dma semaphore(%arg9 : memref<!tpu.dma_semaphore, #tpu.memory_space<semaphore_mem>>) src(%arg7 : memref<128x1xf32, #tpu.memory_space<vmem>>) dst(%dma_wait3A_95 : memref<50048x1xf32, #tpu.memory_space<vmem_shared>>)
      %dma_wait3A_96 = arith.constant 3 : i32
      %dma_wait3A_97 = arith.constant 0 : i32
      %dma_wait3A_98 = tpu.memref_slice %arg6[%dma_wait3A_96, %dma_wait3A_97] : memref<8x128xi32, #tpu.memory_space<vmem>> -> memref<1x128xi32, #tpu.memory_space<vmem>>
      %dma_wait3A_99 = tpu.memref_squeeze %dma_wait3A_98 : memref<1x128xi32, #tpu.memory_space<vmem>> -> memref<128xi32, #tpu.memory_space<vmem>>
      %dma_wait3A_100 = arith.constant 0 : i32
      %dma_wait3A_101 = arith.constant 0 : i32
      %dma_wait3A_102 = tpu.memref_slice %arg8[%dma_wait3A_100, %dma_wait3A_101] : memref<50048x1xf32, #tpu.memory_space<vmem_shared>> -> memref<50048x1xf32, #tpu.memory_space<vmem_shared>>
      tpu.wait_indirect_dma semaphore(%arg9 : memref<!tpu.dma_semaphore, #tpu.memory_space<semaphore_mem>>) src(%arg7 : memref<128x1xf32, #tpu.memory_space<vmem>>) dst(%dma_wait3A_102 : memref<50048x1xf32, #tpu.memory_space<vmem_shared>>)
      %dma_wait3A_103 = arith.constant 4 : i32
      %dma_wait3A_104 = arith.constant 0 : i32
      %dma_wait3A_105 = tpu.memref_slice %arg6[%dma_wait3A_103, %dma_wait3A_104] : memref<8x128xi32, #tpu.memory_space<vmem>> -> memref<1x128xi32, #tpu.memory_space<vmem>>
      %dma_wait3A_106 = tpu.memref_squeeze %dma_wait3A_105 : memref<1x128xi32, #tpu.memory_space<vmem>> -> memref<128xi32, #tpu.memory_space<vmem>>
      %dma_wait3A_107 = arith.constant 0 : i32
      %dma_wait3A_108 = arith.constant 0 : i32
      %dma_wait3A_109 = tpu.memref_slice %arg8[%dma_wait3A_107, %dma_wait3A_108] : memref<50048x1xf32, #tpu.memory_space<vmem_shared>> -> memref<50048x1xf32, #tpu.memory_space<vmem_shared>>
      tpu.wait_indirect_dma semaphore(%arg9 : memref<!tpu.dma_semaphore, #tpu.memory_space<semaphore_mem>>) src(%arg7 : memref<128x1xf32, #tpu.memory_space<vmem>>) dst(%dma_wait3A_109 : memref<50048x1xf32, #tpu.memory_space<vmem_shared>>)
      %dma_wait3A_110 = arith.constant 5 : i32
      %dma_wait3A_111 = arith.constant 0 : i32
      %dma_wait3A_112 = tpu.memref_slice %arg6[%dma_wait3A_110, %dma_wait3A_111] : memref<8x128xi32, #tpu.memory_space<vmem>> -> memref<1x128xi32, #tpu.memory_space<vmem>>
      %dma_wait3A_113 = tpu.memref_squeeze %dma_wait3A_112 : memref<1x128xi32, #tpu.memory_space<vmem>> -> memref<128xi32, #tpu.memory_space<vmem>>
      %dma_wait3A_114 = arith.constant 0 : i32
      %dma_wait3A_115 = arith.constant 0 : i32
      %dma_wait3A_116 = tpu.memref_slice %arg8[%dma_wait3A_114, %dma_wait3A_115] : memref<50048x1xf32, #tpu.memory_space<vmem_shared>> -> memref<50048x1xf32, #tpu.memory_space<vmem_shared>>
      tpu.wait_indirect_dma semaphore(%arg9 : memref<!tpu.dma_semaphore, #tpu.memory_space<semaphore_mem>>) src(%arg7 : memref<128x1xf32, #tpu.memory_space<vmem>>) dst(%dma_wait3A_116 : memref<50048x1xf32, #tpu.memory_space<vmem_shared>>)
      %dma_wait3A_117 = arith.constant 6 : i32
      %dma_wait3A_118 = arith.constant 0 : i32
      %dma_wait3A_119 = tpu.memref_slice %arg6[%dma_wait3A_117, %dma_wait3A_118] : memref<8x128xi32, #tpu.memory_space<vmem>> -> memref<1x128xi32, #tpu.memory_space<vmem>>
      %dma_wait3A_120 = tpu.memref_squeeze %dma_wait3A_119 : memref<1x128xi32, #tpu.memory_space<vmem>> -> memref<128xi32, #tpu.memory_space<vmem>>
      %dma_wait3A_121 = arith.constant 0 : i32
      %dma_wait3A_122 = arith.constant 0 : i32
      %dma_wait3A_123 = tpu.memref_slice %arg8[%dma_wait3A_121, %dma_wait3A_122] : memref<50048x1xf32, #tpu.memory_space<vmem_shared>> -> memref<50048x1xf32, #tpu.memory_space<vmem_shared>>
      tpu.wait_indirect_dma semaphore(%arg9 : memref<!tpu.dma_semaphore, #tpu.memory_space<semaphore_mem>>) src(%arg7 : memref<128x1xf32, #tpu.memory_space<vmem>>) dst(%dma_wait3A_123 : memref<50048x1xf32, #tpu.memory_space<vmem_shared>>)
      %dma_wait3A_124 = arith.constant 7 : i32
      %dma_wait3A_125 = arith.constant 0 : i32
      %dma_wait3A_126 = tpu.memref_slice %arg6[%dma_wait3A_124, %dma_wait3A_125] : memref<8x128xi32, #tpu.memory_space<vmem>> -> memref<1x128xi32, #tpu.memory_space<vmem>>
      %dma_wait3A_127 = tpu.memref_squeeze %dma_wait3A_126 : memref<1x128xi32, #tpu.memory_space<vmem>> -> memref<128xi32, #tpu.memory_space<vmem>>
      %dma_wait3A_128 = arith.constant 0 : i32
      %dma_wait3A_129 = arith.constant 0 : i32
      %dma_wait3A_130 = tpu.memref_slice %arg8[%dma_wait3A_128, %dma_wait3A_129] : memref<50048x1xf32, #tpu.memory_space<vmem_shared>> -> memref<50048x1xf32, #tpu.memory_space<vmem_shared>>
      tpu.wait_indirect_dma semaphore(%arg9 : memref<!tpu.dma_semaphore, #tpu.memory_space<semaphore_mem>>) src(%arg7 : memref<128x1xf32, #tpu.memory_space<vmem>>) dst(%dma_wait3A_130 : memref<50048x1xf32, #tpu.memory_space<vmem_shared>>)
    }
    %barrier3A_16 = arith.constant 0 : index
    tpu.barrier barrier_id(%barrier3A_16)
    "tpu.region"() ({
      %run_scoped3A = tpu.sem_alloc : memref<!tpu.dma_semaphore, #tpu.memory_space<semaphore_mem>>
      %dma_start3A = arith.constant 0 : i32
      %dma_start3A_17 = tpu.memref_slice %arg5[%arg0, %mul3A_2, %dma_start3A] : memref<2x50048x1xf32, #tpu.memory_space<hbm>> -> memref<1x3128x1xf32, #tpu.memory_space<hbm>>
      %dma_start3A_18 = tpu.memref_squeeze %dma_start3A_17 : memref<1x3128x1xf32, #tpu.memory_space<hbm>> -> memref<3128x1xf32, #tpu.memory_space<hbm>>
      %dma_start3A_19 = arith.constant 0 : i32
      %dma_start3A_20 = tpu.memref_slice %arg8[%mul3A_2, %dma_start3A_19] : memref<50048x1xf32, #tpu.memory_space<vmem_shared>> -> memref<3128x1xf32, #tpu.memory_space<vmem_shared>>
      tpu.enqueue_dma source(%dma_start3A_20 : memref<3128x1xf32, #tpu.memory_space<vmem_shared>>) target(%dma_start3A_18 : memref<3128x1xf32, #tpu.memory_space<hbm>>) target_semaphore(%run_scoped3A : memref<!tpu.dma_semaphore, #tpu.memory_space<semaphore_mem>>)
      %dma_wait3A = arith.constant 0 : i32
      %dma_wait3A_21 = tpu.memref_slice %arg5[%arg0, %mul3A_2, %dma_wait3A] : memref<2x50048x1xf32, #tpu.memory_space<hbm>> -> memref<1x3128x1xf32, #tpu.memory_space<hbm>>
      %dma_wait3A_22 = tpu.memref_squeeze %dma_wait3A_21 : memref<1x3128x1xf32, #tpu.memory_space<hbm>> -> memref<3128x1xf32, #tpu.memory_space<hbm>>
      %dma_wait3A_23 = arith.constant 0 : i32
      %dma_wait3A_24 = tpu.memref_slice %arg8[%mul3A_2, %dma_wait3A_23] : memref<50048x1xf32, #tpu.memory_space<vmem_shared>> -> memref<3128x1xf32, #tpu.memory_space<vmem_shared>>
      tpu.wait_dma2 semaphore(%run_scoped3A : memref<!tpu.dma_semaphore, #tpu.memory_space<semaphore_mem>>) src(%dma_wait3A_24 : memref<3128x1xf32, #tpu.memory_space<vmem_shared>>) dst(%dma_wait3A_22 : memref<3128x1xf32, #tpu.memory_space<hbm>>)
      tpu.yield
    }) : () -> ()
    return
  }
}

#map = affine_map<(d0, d1) -> (0, 0)>
#map1 = affine_map<(d0, d1) -> (0, 0, 0)>
module attributes {stable_mosaic.version = 14 : i64} {
  func.func @agg(%arg0: i32, %arg1: i32, %arg2: memref<50048x2xf32, #tpu.memory_space<hbm>>, %arg3: memref<25000x128xi32, #tpu.memory_space<hbm>>, %arg4: memref<25000x128xi32, #tpu.memory_space<hbm>>, %arg5: memref<50048x2xf32, #tpu.memory_space<hbm>>, %arg6: memref<2x50048x2xf32, #tpu.memory_space<hbm>>, %arg7: memref<8x128xi32, #tpu.memory_space<vmem>>, %arg8: memref<8x128xi32, #tpu.memory_space<vmem>>, %arg9: memref<128x2xf32, #tpu.memory_space<vmem>>, %arg10: memref<50048x2xf32, #tpu.memory_space<vmem_shared>>, %arg11: memref<50048x2xf32, #tpu.memory_space<vmem_shared>>, %arg12: memref<!tpu.dma_semaphore, #tpu.memory_space<semaphore_mem>>, %arg13: memref<!tpu.dma_semaphore, #tpu.memory_space<semaphore_mem>>) attributes {dimension_semantics = [#tpu.dimension_semantics<core_parallel>, #tpu.dimension_semantics<subcore_parallel>], iteration_bounds = array<i64: 2, 16>, scalar_prefetch = 0 : i64, scratch_operands = 7 : i64, tpu.core_type = #tpu.core_type<sc_vector_subcore>, window_params = [{transform_indices = #map}, {transform_indices = #map}, {transform_indices = #map}, {transform_indices = #map}, {transform_indices = #map1}]} {
    %mul3A = arith.constant 16 : i32
    %mul3A_0 = arith.muli %arg0, %mul3A : i32
    %add3A = arith.addi %mul3A_0, %arg1 : i32
    %mul3A_1 = arith.constant 3128 : i32
    %mul3A_2 = arith.muli %arg1, %mul3A_1 : i32
    "tpu.region"() ({
      %run_scoped3A = tpu.sem_alloc : memref<!tpu.dma_semaphore, #tpu.memory_space<semaphore_mem>>
      %dma_start3A = arith.constant 0 : i32
      %dma_start3A_17 = tpu.memref_slice %arg10[%mul3A_2, %dma_start3A] : memref<50048x2xf32, #tpu.memory_space<vmem_shared>> -> memref<3128x2xf32, #tpu.memory_space<vmem_shared>>
      %dma_start3A_18 = arith.constant 0 : i32
      %dma_start3A_19 = tpu.memref_slice %arg2[%mul3A_2, %dma_start3A_18] : memref<50048x2xf32, #tpu.memory_space<hbm>> -> memref<3128x2xf32, #tpu.memory_space<hbm>>
      tpu.enqueue_dma source(%dma_start3A_19 : memref<3128x2xf32, #tpu.memory_space<hbm>>) target(%dma_start3A_17 : memref<3128x2xf32, #tpu.memory_space<vmem_shared>>) target_semaphore(%run_scoped3A : memref<!tpu.dma_semaphore, #tpu.memory_space<semaphore_mem>>)
      %dma_wait3A = arith.constant 0 : i32
      %dma_wait3A_20 = tpu.memref_slice %arg10[%mul3A_2, %dma_wait3A] : memref<50048x2xf32, #tpu.memory_space<vmem_shared>> -> memref<3128x2xf32, #tpu.memory_space<vmem_shared>>
      %dma_wait3A_21 = arith.constant 0 : i32
      %dma_wait3A_22 = tpu.memref_slice %arg2[%mul3A_2, %dma_wait3A_21] : memref<50048x2xf32, #tpu.memory_space<hbm>> -> memref<3128x2xf32, #tpu.memory_space<hbm>>
      tpu.wait_dma2 semaphore(%run_scoped3A : memref<!tpu.dma_semaphore, #tpu.memory_space<semaphore_mem>>) src(%dma_wait3A_22 : memref<3128x2xf32, #tpu.memory_space<hbm>>) dst(%dma_wait3A_20 : memref<3128x2xf32, #tpu.memory_space<vmem_shared>>)
      tpu.yield
    }) : () -> ()
    "tpu.region"() ({
      %run_scoped3A = tpu.sem_alloc : memref<!tpu.dma_semaphore, #tpu.memory_space<semaphore_mem>>
      %dma_start3A = arith.constant 0 : i32
      %dma_start3A_17 = tpu.memref_slice %arg11[%mul3A_2, %dma_start3A] : memref<50048x2xf32, #tpu.memory_space<vmem_shared>> -> memref<3128x2xf32, #tpu.memory_space<vmem_shared>>
      %dma_start3A_18 = arith.constant 0 : i32
      %dma_start3A_19 = tpu.memref_slice %arg5[%mul3A_2, %dma_start3A_18] : memref<50048x2xf32, #tpu.memory_space<hbm>> -> memref<3128x2xf32, #tpu.memory_space<hbm>>
      tpu.enqueue_dma source(%dma_start3A_19 : memref<3128x2xf32, #tpu.memory_space<hbm>>) target(%dma_start3A_17 : memref<3128x2xf32, #tpu.memory_space<vmem_shared>>) target_semaphore(%run_scoped3A : memref<!tpu.dma_semaphore, #tpu.memory_space<semaphore_mem>>)
      %dma_wait3A = arith.constant 0 : i32
      %dma_wait3A_20 = tpu.memref_slice %arg11[%mul3A_2, %dma_wait3A] : memref<50048x2xf32, #tpu.memory_space<vmem_shared>> -> memref<3128x2xf32, #tpu.memory_space<vmem_shared>>
      %dma_wait3A_21 = arith.constant 0 : i32
      %dma_wait3A_22 = tpu.memref_slice %arg5[%mul3A_2, %dma_wait3A_21] : memref<50048x2xf32, #tpu.memory_space<hbm>> -> memref<3128x2xf32, #tpu.memory_space<hbm>>
      tpu.wait_dma2 semaphore(%run_scoped3A : memref<!tpu.dma_semaphore, #tpu.memory_space<semaphore_mem>>) src(%dma_wait3A_22 : memref<3128x2xf32, #tpu.memory_space<hbm>>) dst(%dma_wait3A_20 : memref<3128x2xf32, #tpu.memory_space<vmem_shared>>)
      tpu.yield
    }) : () -> ()
    %barrier3A = arith.constant 0 : index
    tpu.barrier barrier_id(%barrier3A)
    %mul3A_3 = arith.constant 784 : i32
    %mul3A_4 = arith.muli %add3A, %mul3A_3 : i32
    %eq3A = arith.constant 31 : i32
    %eq3A_5 = arith.cmpi eq, %add3A, %eq3A : i32
    %jit3A = arith.constant 87 : i32
    %jit3A_6 = arith.constant 98 : i32
    %select_n3A = arith.select %eq3A_5, %jit3A, %jit3A_6 : i32
    %while3A = arith.constant 0 : i32
    %while3A_7 = arith.constant 0 : i32
    %while3A_8 = arith.subi %select_n3A, %while3A_7 : i32
    %while3A_9 = arith.addi %while3A_7, %while3A_8 : i32
    %while3A_10 = arith.constant 1 : i32
    %while3A_11 = arith.divsi %while3A_8, %while3A_10 : i32
    %while3A_12 = arith.muli %while3A_11, %while3A_10 : i32
    %while3A_13 = arith.addi %while3A_7, %while3A_12 : i32
    %while3A_14 = arith.constant 1 : i32
    scf.for %while3A_17 = %while3A_7 to %while3A_13 step %while3A_14  : i32 {
      %mul3A_18 = arith.constant 8 : i32
      %mul3A_19 = arith.muli %while3A_17, %mul3A_18 : i32
      %add3A_20 = arith.addi %mul3A_4, %mul3A_19 : i32
      "tpu.region"() ({
        %run_scoped3A = tpu.sem_alloc : memref<!tpu.dma_semaphore, #tpu.memory_space<semaphore_mem>>
        %dma_start3A_243 = arith.constant 0 : i32
        %dma_start3A_244 = tpu.memref_slice %arg3[%add3A_20, %dma_start3A_243] : memref<25000x128xi32, #tpu.memory_space<hbm>> -> memref<8x128xi32, #tpu.memory_space<hbm>>
        %dma_start3A_245 = arith.constant 0 : i32
        %dma_start3A_246 = tpu.memref_slice %arg3[%add3A_20, %dma_start3A_245] : memref<25000x128xi32, #tpu.memory_space<hbm>> -> memref<8x128xi32, #tpu.memory_space<hbm>>
        tpu.enqueue_dma source(%dma_start3A_246 : memref<8x128xi32, #tpu.memory_space<hbm>>) target(%arg7 : memref<8x128xi32, #tpu.memory_space<vmem>>) target_semaphore(%run_scoped3A : memref<!tpu.dma_semaphore, #tpu.memory_space<semaphore_mem>>)
        %dma_wait3A_247 = arith.constant 0 : i32
        %dma_wait3A_248 = tpu.memref_slice %arg3[%add3A_20, %dma_wait3A_247] : memref<25000x128xi32, #tpu.memory_space<hbm>> -> memref<8x128xi32, #tpu.memory_space<hbm>>
        %dma_wait3A_249 = arith.constant 0 : i32
        %dma_wait3A_250 = tpu.memref_slice %arg3[%add3A_20, %dma_wait3A_249] : memref<25000x128xi32, #tpu.memory_space<hbm>> -> memref<8x128xi32, #tpu.memory_space<hbm>>
        tpu.wait_dma2 semaphore(%run_scoped3A : memref<!tpu.dma_semaphore, #tpu.memory_space<semaphore_mem>>) src(%dma_wait3A_250 : memref<8x128xi32, #tpu.memory_space<hbm>>) dst(%arg7 : memref<8x128xi32, #tpu.memory_space<vmem>>)
        tpu.yield
      }) : () -> ()
      "tpu.region"() ({
        %run_scoped3A = tpu.sem_alloc : memref<!tpu.dma_semaphore, #tpu.memory_space<semaphore_mem>>
        %dma_start3A_243 = arith.constant 0 : i32
        %dma_start3A_244 = tpu.memref_slice %arg4[%add3A_20, %dma_start3A_243] : memref<25000x128xi32, #tpu.memory_space<hbm>> -> memref<8x128xi32, #tpu.memory_space<hbm>>
        %dma_start3A_245 = arith.constant 0 : i32
        %dma_start3A_246 = tpu.memref_slice %arg4[%add3A_20, %dma_start3A_245] : memref<25000x128xi32, #tpu.memory_space<hbm>> -> memref<8x128xi32, #tpu.memory_space<hbm>>
        tpu.enqueue_dma source(%dma_start3A_246 : memref<8x128xi32, #tpu.memory_space<hbm>>) target(%arg8 : memref<8x128xi32, #tpu.memory_space<vmem>>) target_semaphore(%run_scoped3A : memref<!tpu.dma_semaphore, #tpu.memory_space<semaphore_mem>>)
        %dma_wait3A_247 = arith.constant 0 : i32
        %dma_wait3A_248 = tpu.memref_slice %arg4[%add3A_20, %dma_wait3A_247] : memref<25000x128xi32, #tpu.memory_space<hbm>> -> memref<8x128xi32, #tpu.memory_space<hbm>>
        %dma_wait3A_249 = arith.constant 0 : i32
        %dma_wait3A_250 = tpu.memref_slice %arg4[%add3A_20, %dma_wait3A_249] : memref<25000x128xi32, #tpu.memory_space<hbm>> -> memref<8x128xi32, #tpu.memory_space<hbm>>
        tpu.wait_dma2 semaphore(%run_scoped3A : memref<!tpu.dma_semaphore, #tpu.memory_space<semaphore_mem>>) src(%dma_wait3A_250 : memref<8x128xi32, #tpu.memory_space<hbm>>) dst(%arg8 : memref<8x128xi32, #tpu.memory_space<vmem>>)
        tpu.yield
      }) : () -> ()
      %dma_start3A = arith.constant 0 : i32
      %dma_start3A_21 = arith.constant 0 : i32
      %dma_start3A_22 = tpu.memref_slice %arg7[%dma_start3A, %dma_start3A_21] : memref<8x128xi32, #tpu.memory_space<vmem>> -> memref<1x128xi32, #tpu.memory_space<vmem>>
      %dma_start3A_23 = tpu.memref_squeeze %dma_start3A_22 : memref<1x128xi32, #tpu.memory_space<vmem>> -> memref<128xi32, #tpu.memory_space<vmem>>
      %dma_start3A_24 = arith.constant 0 : i32
      %dma_start3A_25 = arith.constant 0 : i32
      %dma_start3A_26 = tpu.memref_slice %arg10[%dma_start3A_24, %dma_start3A_25] : memref<50048x2xf32, #tpu.memory_space<vmem_shared>> -> memref<50048x2xf32, #tpu.memory_space<vmem_shared>>
      tpu.enqueue_indirect_dma source(%dma_start3A_26 : memref<50048x2xf32, #tpu.memory_space<vmem_shared>>) target(%arg9 : memref<128x2xf32, #tpu.memory_space<vmem>>) offsets(%dma_start3A_23 : memref<128xi32, #tpu.memory_space<vmem>>) semaphore(%arg12 : memref<!tpu.dma_semaphore, #tpu.memory_space<semaphore_mem>>)
      %dma_start3A_27 = arith.constant 0 : i32
      %dma_start3A_28 = arith.constant 0 : i32
      %dma_start3A_29 = tpu.memref_slice %arg8[%dma_start3A_27, %dma_start3A_28] : memref<8x128xi32, #tpu.memory_space<vmem>> -> memref<1x128xi32, #tpu.memory_space<vmem>>
      %dma_start3A_30 = tpu.memref_squeeze %dma_start3A_29 : memref<1x128xi32, #tpu.memory_space<vmem>> -> memref<128xi32, #tpu.memory_space<vmem>>
      %dma_start3A_31 = arith.constant 0 : i32
      %dma_start3A_32 = arith.constant 0 : i32
      %dma_start3A_33 = tpu.memref_slice %arg11[%dma_start3A_31, %dma_start3A_32] : memref<50048x2xf32, #tpu.memory_space<vmem_shared>> -> memref<50048x2xf32, #tpu.memory_space<vmem_shared>>
      tpu.enqueue_indirect_dma source(%arg9 : memref<128x2xf32, #tpu.memory_space<vmem>>) target(%dma_start3A_33 : memref<50048x2xf32, #tpu.memory_space<vmem_shared>>) offsets(%dma_start3A_30 : memref<128xi32, #tpu.memory_space<vmem>>) semaphore(%arg13 : memref<!tpu.dma_semaphore, #tpu.memory_space<semaphore_mem>>) {add = true}
      %dma_start3A_34 = arith.constant 1 : i32
      %dma_start3A_35 = arith.constant 0 : i32
      %dma_start3A_36 = tpu.memref_slice %arg7[%dma_start3A_34, %dma_start3A_35] : memref<8x128xi32, #tpu.memory_space<vmem>> -> memref<1x128xi32, #tpu.memory_space<vmem>>
      %dma_start3A_37 = tpu.memref_squeeze %dma_start3A_36 : memref<1x128xi32, #tpu.memory_space<vmem>> -> memref<128xi32, #tpu.memory_space<vmem>>
      %dma_start3A_38 = arith.constant 0 : i32
      %dma_start3A_39 = arith.constant 0 : i32
      %dma_start3A_40 = tpu.memref_slice %arg10[%dma_start3A_38, %dma_start3A_39] : memref<50048x2xf32, #tpu.memory_space<vmem_shared>> -> memref<50048x2xf32, #tpu.memory_space<vmem_shared>>
      tpu.enqueue_indirect_dma source(%dma_start3A_40 : memref<50048x2xf32, #tpu.memory_space<vmem_shared>>) target(%arg9 : memref<128x2xf32, #tpu.memory_space<vmem>>) offsets(%dma_start3A_37 : memref<128xi32, #tpu.memory_space<vmem>>) semaphore(%arg12 : memref<!tpu.dma_semaphore, #tpu.memory_space<semaphore_mem>>)
      %dma_start3A_41 = arith.constant 1 : i32
      %dma_start3A_42 = arith.constant 0 : i32
      %dma_start3A_43 = tpu.memref_slice %arg8[%dma_start3A_41, %dma_start3A_42] : memref<8x128xi32, #tpu.memory_space<vmem>> -> memref<1x128xi32, #tpu.memory_space<vmem>>
      %dma_start3A_44 = tpu.memref_squeeze %dma_start3A_43 : memref<1x128xi32, #tpu.memory_space<vmem>> -> memref<128xi32, #tpu.memory_space<vmem>>
      %dma_start3A_45 = arith.constant 0 : i32
      %dma_start3A_46 = arith.constant 0 : i32
      %dma_start3A_47 = tpu.memref_slice %arg11[%dma_start3A_45, %dma_start3A_46] : memref<50048x2xf32, #tpu.memory_space<vmem_shared>> -> memref<50048x2xf32, #tpu.memory_space<vmem_shared>>
      tpu.enqueue_indirect_dma source(%arg9 : memref<128x2xf32, #tpu.memory_space<vmem>>) target(%dma_start3A_47 : memref<50048x2xf32, #tpu.memory_space<vmem_shared>>) offsets(%dma_start3A_44 : memref<128xi32, #tpu.memory_space<vmem>>) semaphore(%arg13 : memref<!tpu.dma_semaphore, #tpu.memory_space<semaphore_mem>>) {add = true}
      %dma_start3A_48 = arith.constant 2 : i32
      %dma_start3A_49 = arith.constant 0 : i32
      %dma_start3A_50 = tpu.memref_slice %arg7[%dma_start3A_48, %dma_start3A_49] : memref<8x128xi32, #tpu.memory_space<vmem>> -> memref<1x128xi32, #tpu.memory_space<vmem>>
      %dma_start3A_51 = tpu.memref_squeeze %dma_start3A_50 : memref<1x128xi32, #tpu.memory_space<vmem>> -> memref<128xi32, #tpu.memory_space<vmem>>
      %dma_start3A_52 = arith.constant 0 : i32
      %dma_start3A_53 = arith.constant 0 : i32
      %dma_start3A_54 = tpu.memref_slice %arg10[%dma_start3A_52, %dma_start3A_53] : memref<50048x2xf32, #tpu.memory_space<vmem_shared>> -> memref<50048x2xf32, #tpu.memory_space<vmem_shared>>
      tpu.enqueue_indirect_dma source(%dma_start3A_54 : memref<50048x2xf32, #tpu.memory_space<vmem_shared>>) target(%arg9 : memref<128x2xf32, #tpu.memory_space<vmem>>) offsets(%dma_start3A_51 : memref<128xi32, #tpu.memory_space<vmem>>) semaphore(%arg12 : memref<!tpu.dma_semaphore, #tpu.memory_space<semaphore_mem>>)
      %dma_start3A_55 = arith.constant 2 : i32
      %dma_start3A_56 = arith.constant 0 : i32
      %dma_start3A_57 = tpu.memref_slice %arg8[%dma_start3A_55, %dma_start3A_56] : memref<8x128xi32, #tpu.memory_space<vmem>> -> memref<1x128xi32, #tpu.memory_space<vmem>>
      %dma_start3A_58 = tpu.memref_squeeze %dma_start3A_57 : memref<1x128xi32, #tpu.memory_space<vmem>> -> memref<128xi32, #tpu.memory_space<vmem>>
      %dma_start3A_59 = arith.constant 0 : i32
      %dma_start3A_60 = arith.constant 0 : i32
      %dma_start3A_61 = tpu.memref_slice %arg11[%dma_start3A_59, %dma_start3A_60] : memref<50048x2xf32, #tpu.memory_space<vmem_shared>> -> memref<50048x2xf32, #tpu.memory_space<vmem_shared>>
      tpu.enqueue_indirect_dma source(%arg9 : memref<128x2xf32, #tpu.memory_space<vmem>>) target(%dma_start3A_61 : memref<50048x2xf32, #tpu.memory_space<vmem_shared>>) offsets(%dma_start3A_58 : memref<128xi32, #tpu.memory_space<vmem>>) semaphore(%arg13 : memref<!tpu.dma_semaphore, #tpu.memory_space<semaphore_mem>>) {add = true}
      %dma_start3A_62 = arith.constant 3 : i32
      %dma_start3A_63 = arith.constant 0 : i32
      %dma_start3A_64 = tpu.memref_slice %arg7[%dma_start3A_62, %dma_start3A_63] : memref<8x128xi32, #tpu.memory_space<vmem>> -> memref<1x128xi32, #tpu.memory_space<vmem>>
      %dma_start3A_65 = tpu.memref_squeeze %dma_start3A_64 : memref<1x128xi32, #tpu.memory_space<vmem>> -> memref<128xi32, #tpu.memory_space<vmem>>
      %dma_start3A_66 = arith.constant 0 : i32
      %dma_start3A_67 = arith.constant 0 : i32
      %dma_start3A_68 = tpu.memref_slice %arg10[%dma_start3A_66, %dma_start3A_67] : memref<50048x2xf32, #tpu.memory_space<vmem_shared>> -> memref<50048x2xf32, #tpu.memory_space<vmem_shared>>
      tpu.enqueue_indirect_dma source(%dma_start3A_68 : memref<50048x2xf32, #tpu.memory_space<vmem_shared>>) target(%arg9 : memref<128x2xf32, #tpu.memory_space<vmem>>) offsets(%dma_start3A_65 : memref<128xi32, #tpu.memory_space<vmem>>) semaphore(%arg12 : memref<!tpu.dma_semaphore, #tpu.memory_space<semaphore_mem>>)
      %dma_start3A_69 = arith.constant 3 : i32
      %dma_start3A_70 = arith.constant 0 : i32
      %dma_start3A_71 = tpu.memref_slice %arg8[%dma_start3A_69, %dma_start3A_70] : memref<8x128xi32, #tpu.memory_space<vmem>> -> memref<1x128xi32, #tpu.memory_space<vmem>>
      %dma_start3A_72 = tpu.memref_squeeze %dma_start3A_71 : memref<1x128xi32, #tpu.memory_space<vmem>> -> memref<128xi32, #tpu.memory_space<vmem>>
      %dma_start3A_73 = arith.constant 0 : i32
      %dma_start3A_74 = arith.constant 0 : i32
      %dma_start3A_75 = tpu.memref_slice %arg11[%dma_start3A_73, %dma_start3A_74] : memref<50048x2xf32, #tpu.memory_space<vmem_shared>> -> memref<50048x2xf32, #tpu.memory_space<vmem_shared>>
      tpu.enqueue_indirect_dma source(%arg9 : memref<128x2xf32, #tpu.memory_space<vmem>>) target(%dma_start3A_75 : memref<50048x2xf32, #tpu.memory_space<vmem_shared>>) offsets(%dma_start3A_72 : memref<128xi32, #tpu.memory_space<vmem>>) semaphore(%arg13 : memref<!tpu.dma_semaphore, #tpu.memory_space<semaphore_mem>>) {add = true}
      %dma_start3A_76 = arith.constant 4 : i32
      %dma_start3A_77 = arith.constant 0 : i32
      %dma_start3A_78 = tpu.memref_slice %arg7[%dma_start3A_76, %dma_start3A_77] : memref<8x128xi32, #tpu.memory_space<vmem>> -> memref<1x128xi32, #tpu.memory_space<vmem>>
      %dma_start3A_79 = tpu.memref_squeeze %dma_start3A_78 : memref<1x128xi32, #tpu.memory_space<vmem>> -> memref<128xi32, #tpu.memory_space<vmem>>
      %dma_start3A_80 = arith.constant 0 : i32
      %dma_start3A_81 = arith.constant 0 : i32
      %dma_start3A_82 = tpu.memref_slice %arg10[%dma_start3A_80, %dma_start3A_81] : memref<50048x2xf32, #tpu.memory_space<vmem_shared>> -> memref<50048x2xf32, #tpu.memory_space<vmem_shared>>
      tpu.enqueue_indirect_dma source(%dma_start3A_82 : memref<50048x2xf32, #tpu.memory_space<vmem_shared>>) target(%arg9 : memref<128x2xf32, #tpu.memory_space<vmem>>) offsets(%dma_start3A_79 : memref<128xi32, #tpu.memory_space<vmem>>) semaphore(%arg12 : memref<!tpu.dma_semaphore, #tpu.memory_space<semaphore_mem>>)
      %dma_start3A_83 = arith.constant 4 : i32
      %dma_start3A_84 = arith.constant 0 : i32
      %dma_start3A_85 = tpu.memref_slice %arg8[%dma_start3A_83, %dma_start3A_84] : memref<8x128xi32, #tpu.memory_space<vmem>> -> memref<1x128xi32, #tpu.memory_space<vmem>>
      %dma_start3A_86 = tpu.memref_squeeze %dma_start3A_85 : memref<1x128xi32, #tpu.memory_space<vmem>> -> memref<128xi32, #tpu.memory_space<vmem>>
      %dma_start3A_87 = arith.constant 0 : i32
      %dma_start3A_88 = arith.constant 0 : i32
      %dma_start3A_89 = tpu.memref_slice %arg11[%dma_start3A_87, %dma_start3A_88] : memref<50048x2xf32, #tpu.memory_space<vmem_shared>> -> memref<50048x2xf32, #tpu.memory_space<vmem_shared>>
      tpu.enqueue_indirect_dma source(%arg9 : memref<128x2xf32, #tpu.memory_space<vmem>>) target(%dma_start3A_89 : memref<50048x2xf32, #tpu.memory_space<vmem_shared>>) offsets(%dma_start3A_86 : memref<128xi32, #tpu.memory_space<vmem>>) semaphore(%arg13 : memref<!tpu.dma_semaphore, #tpu.memory_space<semaphore_mem>>) {add = true}
      %dma_start3A_90 = arith.constant 5 : i32
      %dma_start3A_91 = arith.constant 0 : i32
      %dma_start3A_92 = tpu.memref_slice %arg7[%dma_start3A_90, %dma_start3A_91] : memref<8x128xi32, #tpu.memory_space<vmem>> -> memref<1x128xi32, #tpu.memory_space<vmem>>
      %dma_start3A_93 = tpu.memref_squeeze %dma_start3A_92 : memref<1x128xi32, #tpu.memory_space<vmem>> -> memref<128xi32, #tpu.memory_space<vmem>>
      %dma_start3A_94 = arith.constant 0 : i32
      %dma_start3A_95 = arith.constant 0 : i32
      %dma_start3A_96 = tpu.memref_slice %arg10[%dma_start3A_94, %dma_start3A_95] : memref<50048x2xf32, #tpu.memory_space<vmem_shared>> -> memref<50048x2xf32, #tpu.memory_space<vmem_shared>>
      tpu.enqueue_indirect_dma source(%dma_start3A_96 : memref<50048x2xf32, #tpu.memory_space<vmem_shared>>) target(%arg9 : memref<128x2xf32, #tpu.memory_space<vmem>>) offsets(%dma_start3A_93 : memref<128xi32, #tpu.memory_space<vmem>>) semaphore(%arg12 : memref<!tpu.dma_semaphore, #tpu.memory_space<semaphore_mem>>)
      %dma_start3A_97 = arith.constant 5 : i32
      %dma_start3A_98 = arith.constant 0 : i32
      %dma_start3A_99 = tpu.memref_slice %arg8[%dma_start3A_97, %dma_start3A_98] : memref<8x128xi32, #tpu.memory_space<vmem>> -> memref<1x128xi32, #tpu.memory_space<vmem>>
      %dma_start3A_100 = tpu.memref_squeeze %dma_start3A_99 : memref<1x128xi32, #tpu.memory_space<vmem>> -> memref<128xi32, #tpu.memory_space<vmem>>
      %dma_start3A_101 = arith.constant 0 : i32
      %dma_start3A_102 = arith.constant 0 : i32
      %dma_start3A_103 = tpu.memref_slice %arg11[%dma_start3A_101, %dma_start3A_102] : memref<50048x2xf32, #tpu.memory_space<vmem_shared>> -> memref<50048x2xf32, #tpu.memory_space<vmem_shared>>
      tpu.enqueue_indirect_dma source(%arg9 : memref<128x2xf32, #tpu.memory_space<vmem>>) target(%dma_start3A_103 : memref<50048x2xf32, #tpu.memory_space<vmem_shared>>) offsets(%dma_start3A_100 : memref<128xi32, #tpu.memory_space<vmem>>) semaphore(%arg13 : memref<!tpu.dma_semaphore, #tpu.memory_space<semaphore_mem>>) {add = true}
      %dma_start3A_104 = arith.constant 6 : i32
      %dma_start3A_105 = arith.constant 0 : i32
      %dma_start3A_106 = tpu.memref_slice %arg7[%dma_start3A_104, %dma_start3A_105] : memref<8x128xi32, #tpu.memory_space<vmem>> -> memref<1x128xi32, #tpu.memory_space<vmem>>
      %dma_start3A_107 = tpu.memref_squeeze %dma_start3A_106 : memref<1x128xi32, #tpu.memory_space<vmem>> -> memref<128xi32, #tpu.memory_space<vmem>>
      %dma_start3A_108 = arith.constant 0 : i32
      %dma_start3A_109 = arith.constant 0 : i32
      %dma_start3A_110 = tpu.memref_slice %arg10[%dma_start3A_108, %dma_start3A_109] : memref<50048x2xf32, #tpu.memory_space<vmem_shared>> -> memref<50048x2xf32, #tpu.memory_space<vmem_shared>>
      tpu.enqueue_indirect_dma source(%dma_start3A_110 : memref<50048x2xf32, #tpu.memory_space<vmem_shared>>) target(%arg9 : memref<128x2xf32, #tpu.memory_space<vmem>>) offsets(%dma_start3A_107 : memref<128xi32, #tpu.memory_space<vmem>>) semaphore(%arg12 : memref<!tpu.dma_semaphore, #tpu.memory_space<semaphore_mem>>)
      %dma_start3A_111 = arith.constant 6 : i32
      %dma_start3A_112 = arith.constant 0 : i32
      %dma_start3A_113 = tpu.memref_slice %arg8[%dma_start3A_111, %dma_start3A_112] : memref<8x128xi32, #tpu.memory_space<vmem>> -> memref<1x128xi32, #tpu.memory_space<vmem>>
      %dma_start3A_114 = tpu.memref_squeeze %dma_start3A_113 : memref<1x128xi32, #tpu.memory_space<vmem>> -> memref<128xi32, #tpu.memory_space<vmem>>
      %dma_start3A_115 = arith.constant 0 : i32
      %dma_start3A_116 = arith.constant 0 : i32
      %dma_start3A_117 = tpu.memref_slice %arg11[%dma_start3A_115, %dma_start3A_116] : memref<50048x2xf32, #tpu.memory_space<vmem_shared>> -> memref<50048x2xf32, #tpu.memory_space<vmem_shared>>
      tpu.enqueue_indirect_dma source(%arg9 : memref<128x2xf32, #tpu.memory_space<vmem>>) target(%dma_start3A_117 : memref<50048x2xf32, #tpu.memory_space<vmem_shared>>) offsets(%dma_start3A_114 : memref<128xi32, #tpu.memory_space<vmem>>) semaphore(%arg13 : memref<!tpu.dma_semaphore, #tpu.memory_space<semaphore_mem>>) {add = true}
      %dma_start3A_118 = arith.constant 7 : i32
      %dma_start3A_119 = arith.constant 0 : i32
      %dma_start3A_120 = tpu.memref_slice %arg7[%dma_start3A_118, %dma_start3A_119] : memref<8x128xi32, #tpu.memory_space<vmem>> -> memref<1x128xi32, #tpu.memory_space<vmem>>
      %dma_start3A_121 = tpu.memref_squeeze %dma_start3A_120 : memref<1x128xi32, #tpu.memory_space<vmem>> -> memref<128xi32, #tpu.memory_space<vmem>>
      %dma_start3A_122 = arith.constant 0 : i32
      %dma_start3A_123 = arith.constant 0 : i32
      %dma_start3A_124 = tpu.memref_slice %arg10[%dma_start3A_122, %dma_start3A_123] : memref<50048x2xf32, #tpu.memory_space<vmem_shared>> -> memref<50048x2xf32, #tpu.memory_space<vmem_shared>>
      tpu.enqueue_indirect_dma source(%dma_start3A_124 : memref<50048x2xf32, #tpu.memory_space<vmem_shared>>) target(%arg9 : memref<128x2xf32, #tpu.memory_space<vmem>>) offsets(%dma_start3A_121 : memref<128xi32, #tpu.memory_space<vmem>>) semaphore(%arg12 : memref<!tpu.dma_semaphore, #tpu.memory_space<semaphore_mem>>)
      %dma_start3A_125 = arith.constant 7 : i32
      %dma_start3A_126 = arith.constant 0 : i32
      %dma_start3A_127 = tpu.memref_slice %arg8[%dma_start3A_125, %dma_start3A_126] : memref<8x128xi32, #tpu.memory_space<vmem>> -> memref<1x128xi32, #tpu.memory_space<vmem>>
      %dma_start3A_128 = tpu.memref_squeeze %dma_start3A_127 : memref<1x128xi32, #tpu.memory_space<vmem>> -> memref<128xi32, #tpu.memory_space<vmem>>
      %dma_start3A_129 = arith.constant 0 : i32
      %dma_start3A_130 = arith.constant 0 : i32
      %dma_start3A_131 = tpu.memref_slice %arg11[%dma_start3A_129, %dma_start3A_130] : memref<50048x2xf32, #tpu.memory_space<vmem_shared>> -> memref<50048x2xf32, #tpu.memory_space<vmem_shared>>
      tpu.enqueue_indirect_dma source(%arg9 : memref<128x2xf32, #tpu.memory_space<vmem>>) target(%dma_start3A_131 : memref<50048x2xf32, #tpu.memory_space<vmem_shared>>) offsets(%dma_start3A_128 : memref<128xi32, #tpu.memory_space<vmem>>) semaphore(%arg13 : memref<!tpu.dma_semaphore, #tpu.memory_space<semaphore_mem>>) {add = true}
      %dma_wait3A = arith.constant 0 : i32
      %dma_wait3A_132 = arith.constant 0 : i32
      %dma_wait3A_133 = tpu.memref_slice %arg7[%dma_wait3A, %dma_wait3A_132] : memref<8x128xi32, #tpu.memory_space<vmem>> -> memref<1x128xi32, #tpu.memory_space<vmem>>
      %dma_wait3A_134 = tpu.memref_squeeze %dma_wait3A_133 : memref<1x128xi32, #tpu.memory_space<vmem>> -> memref<128xi32, #tpu.memory_space<vmem>>
      %dma_wait3A_135 = arith.constant 0 : i32
      %dma_wait3A_136 = arith.constant 0 : i32
      %dma_wait3A_137 = tpu.memref_slice %arg10[%dma_wait3A_135, %dma_wait3A_136] : memref<50048x2xf32, #tpu.memory_space<vmem_shared>> -> memref<50048x2xf32, #tpu.memory_space<vmem_shared>>
      tpu.wait_indirect_dma semaphore(%arg12 : memref<!tpu.dma_semaphore, #tpu.memory_space<semaphore_mem>>) src(%dma_wait3A_137 : memref<50048x2xf32, #tpu.memory_space<vmem_shared>>) dst(%arg9 : memref<128x2xf32, #tpu.memory_space<vmem>>)
      %dma_wait3A_138 = arith.constant 0 : i32
      %dma_wait3A_139 = arith.constant 0 : i32
      %dma_wait3A_140 = tpu.memref_slice %arg8[%dma_wait3A_138, %dma_wait3A_139] : memref<8x128xi32, #tpu.memory_space<vmem>> -> memref<1x128xi32, #tpu.memory_space<vmem>>
      %dma_wait3A_141 = tpu.memref_squeeze %dma_wait3A_140 : memref<1x128xi32, #tpu.memory_space<vmem>> -> memref<128xi32, #tpu.memory_space<vmem>>
      %dma_wait3A_142 = arith.constant 0 : i32
      %dma_wait3A_143 = arith.constant 0 : i32
      %dma_wait3A_144 = tpu.memref_slice %arg11[%dma_wait3A_142, %dma_wait3A_143] : memref<50048x2xf32, #tpu.memory_space<vmem_shared>> -> memref<50048x2xf32, #tpu.memory_space<vmem_shared>>
      tpu.wait_indirect_dma semaphore(%arg13 : memref<!tpu.dma_semaphore, #tpu.memory_space<semaphore_mem>>) src(%arg9 : memref<128x2xf32, #tpu.memory_space<vmem>>) dst(%dma_wait3A_144 : memref<50048x2xf32, #tpu.memory_space<vmem_shared>>)
      %dma_wait3A_145 = arith.constant 1 : i32
      %dma_wait3A_146 = arith.constant 0 : i32
      %dma_wait3A_147 = tpu.memref_slice %arg7[%dma_wait3A_145, %dma_wait3A_146] : memref<8x128xi32, #tpu.memory_space<vmem>> -> memref<1x128xi32, #tpu.memory_space<vmem>>
      %dma_wait3A_148 = tpu.memref_squeeze %dma_wait3A_147 : memref<1x128xi32, #tpu.memory_space<vmem>> -> memref<128xi32, #tpu.memory_space<vmem>>
      %dma_wait3A_149 = arith.constant 0 : i32
      %dma_wait3A_150 = arith.constant 0 : i32
      %dma_wait3A_151 = tpu.memref_slice %arg10[%dma_wait3A_149, %dma_wait3A_150] : memref<50048x2xf32, #tpu.memory_space<vmem_shared>> -> memref<50048x2xf32, #tpu.memory_space<vmem_shared>>
      tpu.wait_indirect_dma semaphore(%arg12 : memref<!tpu.dma_semaphore, #tpu.memory_space<semaphore_mem>>) src(%dma_wait3A_151 : memref<50048x2xf32, #tpu.memory_space<vmem_shared>>) dst(%arg9 : memref<128x2xf32, #tpu.memory_space<vmem>>)
      %dma_wait3A_152 = arith.constant 1 : i32
      %dma_wait3A_153 = arith.constant 0 : i32
      %dma_wait3A_154 = tpu.memref_slice %arg8[%dma_wait3A_152, %dma_wait3A_153] : memref<8x128xi32, #tpu.memory_space<vmem>> -> memref<1x128xi32, #tpu.memory_space<vmem>>
      %dma_wait3A_155 = tpu.memref_squeeze %dma_wait3A_154 : memref<1x128xi32, #tpu.memory_space<vmem>> -> memref<128xi32, #tpu.memory_space<vmem>>
      %dma_wait3A_156 = arith.constant 0 : i32
      %dma_wait3A_157 = arith.constant 0 : i32
      %dma_wait3A_158 = tpu.memref_slice %arg11[%dma_wait3A_156, %dma_wait3A_157] : memref<50048x2xf32, #tpu.memory_space<vmem_shared>> -> memref<50048x2xf32, #tpu.memory_space<vmem_shared>>
      tpu.wait_indirect_dma semaphore(%arg13 : memref<!tpu.dma_semaphore, #tpu.memory_space<semaphore_mem>>) src(%arg9 : memref<128x2xf32, #tpu.memory_space<vmem>>) dst(%dma_wait3A_158 : memref<50048x2xf32, #tpu.memory_space<vmem_shared>>)
      %dma_wait3A_159 = arith.constant 2 : i32
      %dma_wait3A_160 = arith.constant 0 : i32
      %dma_wait3A_161 = tpu.memref_slice %arg7[%dma_wait3A_159, %dma_wait3A_160] : memref<8x128xi32, #tpu.memory_space<vmem>> -> memref<1x128xi32, #tpu.memory_space<vmem>>
      %dma_wait3A_162 = tpu.memref_squeeze %dma_wait3A_161 : memref<1x128xi32, #tpu.memory_space<vmem>> -> memref<128xi32, #tpu.memory_space<vmem>>
      %dma_wait3A_163 = arith.constant 0 : i32
      %dma_wait3A_164 = arith.constant 0 : i32
      %dma_wait3A_165 = tpu.memref_slice %arg10[%dma_wait3A_163, %dma_wait3A_164] : memref<50048x2xf32, #tpu.memory_space<vmem_shared>> -> memref<50048x2xf32, #tpu.memory_space<vmem_shared>>
      tpu.wait_indirect_dma semaphore(%arg12 : memref<!tpu.dma_semaphore, #tpu.memory_space<semaphore_mem>>) src(%dma_wait3A_165 : memref<50048x2xf32, #tpu.memory_space<vmem_shared>>) dst(%arg9 : memref<128x2xf32, #tpu.memory_space<vmem>>)
      %dma_wait3A_166 = arith.constant 2 : i32
      %dma_wait3A_167 = arith.constant 0 : i32
      %dma_wait3A_168 = tpu.memref_slice %arg8[%dma_wait3A_166, %dma_wait3A_167] : memref<8x128xi32, #tpu.memory_space<vmem>> -> memref<1x128xi32, #tpu.memory_space<vmem>>
      %dma_wait3A_169 = tpu.memref_squeeze %dma_wait3A_168 : memref<1x128xi32, #tpu.memory_space<vmem>> -> memref<128xi32, #tpu.memory_space<vmem>>
      %dma_wait3A_170 = arith.constant 0 : i32
      %dma_wait3A_171 = arith.constant 0 : i32
      %dma_wait3A_172 = tpu.memref_slice %arg11[%dma_wait3A_170, %dma_wait3A_171] : memref<50048x2xf32, #tpu.memory_space<vmem_shared>> -> memref<50048x2xf32, #tpu.memory_space<vmem_shared>>
      tpu.wait_indirect_dma semaphore(%arg13 : memref<!tpu.dma_semaphore, #tpu.memory_space<semaphore_mem>>) src(%arg9 : memref<128x2xf32, #tpu.memory_space<vmem>>) dst(%dma_wait3A_172 : memref<50048x2xf32, #tpu.memory_space<vmem_shared>>)
      %dma_wait3A_173 = arith.constant 3 : i32
      %dma_wait3A_174 = arith.constant 0 : i32
      %dma_wait3A_175 = tpu.memref_slice %arg7[%dma_wait3A_173, %dma_wait3A_174] : memref<8x128xi32, #tpu.memory_space<vmem>> -> memref<1x128xi32, #tpu.memory_space<vmem>>
      %dma_wait3A_176 = tpu.memref_squeeze %dma_wait3A_175 : memref<1x128xi32, #tpu.memory_space<vmem>> -> memref<128xi32, #tpu.memory_space<vmem>>
      %dma_wait3A_177 = arith.constant 0 : i32
      %dma_wait3A_178 = arith.constant 0 : i32
      %dma_wait3A_179 = tpu.memref_slice %arg10[%dma_wait3A_177, %dma_wait3A_178] : memref<50048x2xf32, #tpu.memory_space<vmem_shared>> -> memref<50048x2xf32, #tpu.memory_space<vmem_shared>>
      tpu.wait_indirect_dma semaphore(%arg12 : memref<!tpu.dma_semaphore, #tpu.memory_space<semaphore_mem>>) src(%dma_wait3A_179 : memref<50048x2xf32, #tpu.memory_space<vmem_shared>>) dst(%arg9 : memref<128x2xf32, #tpu.memory_space<vmem>>)
      %dma_wait3A_180 = arith.constant 3 : i32
      %dma_wait3A_181 = arith.constant 0 : i32
      %dma_wait3A_182 = tpu.memref_slice %arg8[%dma_wait3A_180, %dma_wait3A_181] : memref<8x128xi32, #tpu.memory_space<vmem>> -> memref<1x128xi32, #tpu.memory_space<vmem>>
      %dma_wait3A_183 = tpu.memref_squeeze %dma_wait3A_182 : memref<1x128xi32, #tpu.memory_space<vmem>> -> memref<128xi32, #tpu.memory_space<vmem>>
      %dma_wait3A_184 = arith.constant 0 : i32
      %dma_wait3A_185 = arith.constant 0 : i32
      %dma_wait3A_186 = tpu.memref_slice %arg11[%dma_wait3A_184, %dma_wait3A_185] : memref<50048x2xf32, #tpu.memory_space<vmem_shared>> -> memref<50048x2xf32, #tpu.memory_space<vmem_shared>>
      tpu.wait_indirect_dma semaphore(%arg13 : memref<!tpu.dma_semaphore, #tpu.memory_space<semaphore_mem>>) src(%arg9 : memref<128x2xf32, #tpu.memory_space<vmem>>) dst(%dma_wait3A_186 : memref<50048x2xf32, #tpu.memory_space<vmem_shared>>)
      %dma_wait3A_187 = arith.constant 4 : i32
      %dma_wait3A_188 = arith.constant 0 : i32
      %dma_wait3A_189 = tpu.memref_slice %arg7[%dma_wait3A_187, %dma_wait3A_188] : memref<8x128xi32, #tpu.memory_space<vmem>> -> memref<1x128xi32, #tpu.memory_space<vmem>>
      %dma_wait3A_190 = tpu.memref_squeeze %dma_wait3A_189 : memref<1x128xi32, #tpu.memory_space<vmem>> -> memref<128xi32, #tpu.memory_space<vmem>>
      %dma_wait3A_191 = arith.constant 0 : i32
      %dma_wait3A_192 = arith.constant 0 : i32
      %dma_wait3A_193 = tpu.memref_slice %arg10[%dma_wait3A_191, %dma_wait3A_192] : memref<50048x2xf32, #tpu.memory_space<vmem_shared>> -> memref<50048x2xf32, #tpu.memory_space<vmem_shared>>
      tpu.wait_indirect_dma semaphore(%arg12 : memref<!tpu.dma_semaphore, #tpu.memory_space<semaphore_mem>>) src(%dma_wait3A_193 : memref<50048x2xf32, #tpu.memory_space<vmem_shared>>) dst(%arg9 : memref<128x2xf32, #tpu.memory_space<vmem>>)
      %dma_wait3A_194 = arith.constant 4 : i32
      %dma_wait3A_195 = arith.constant 0 : i32
      %dma_wait3A_196 = tpu.memref_slice %arg8[%dma_wait3A_194, %dma_wait3A_195] : memref<8x128xi32, #tpu.memory_space<vmem>> -> memref<1x128xi32, #tpu.memory_space<vmem>>
      %dma_wait3A_197 = tpu.memref_squeeze %dma_wait3A_196 : memref<1x128xi32, #tpu.memory_space<vmem>> -> memref<128xi32, #tpu.memory_space<vmem>>
      %dma_wait3A_198 = arith.constant 0 : i32
      %dma_wait3A_199 = arith.constant 0 : i32
      %dma_wait3A_200 = tpu.memref_slice %arg11[%dma_wait3A_198, %dma_wait3A_199] : memref<50048x2xf32, #tpu.memory_space<vmem_shared>> -> memref<50048x2xf32, #tpu.memory_space<vmem_shared>>
      tpu.wait_indirect_dma semaphore(%arg13 : memref<!tpu.dma_semaphore, #tpu.memory_space<semaphore_mem>>) src(%arg9 : memref<128x2xf32, #tpu.memory_space<vmem>>) dst(%dma_wait3A_200 : memref<50048x2xf32, #tpu.memory_space<vmem_shared>>)
      %dma_wait3A_201 = arith.constant 5 : i32
      %dma_wait3A_202 = arith.constant 0 : i32
      %dma_wait3A_203 = tpu.memref_slice %arg7[%dma_wait3A_201, %dma_wait3A_202] : memref<8x128xi32, #tpu.memory_space<vmem>> -> memref<1x128xi32, #tpu.memory_space<vmem>>
      %dma_wait3A_204 = tpu.memref_squeeze %dma_wait3A_203 : memref<1x128xi32, #tpu.memory_space<vmem>> -> memref<128xi32, #tpu.memory_space<vmem>>
      %dma_wait3A_205 = arith.constant 0 : i32
      %dma_wait3A_206 = arith.constant 0 : i32
      %dma_wait3A_207 = tpu.memref_slice %arg10[%dma_wait3A_205, %dma_wait3A_206] : memref<50048x2xf32, #tpu.memory_space<vmem_shared>> -> memref<50048x2xf32, #tpu.memory_space<vmem_shared>>
      tpu.wait_indirect_dma semaphore(%arg12 : memref<!tpu.dma_semaphore, #tpu.memory_space<semaphore_mem>>) src(%dma_wait3A_207 : memref<50048x2xf32, #tpu.memory_space<vmem_shared>>) dst(%arg9 : memref<128x2xf32, #tpu.memory_space<vmem>>)
      %dma_wait3A_208 = arith.constant 5 : i32
      %dma_wait3A_209 = arith.constant 0 : i32
      %dma_wait3A_210 = tpu.memref_slice %arg8[%dma_wait3A_208, %dma_wait3A_209] : memref<8x128xi32, #tpu.memory_space<vmem>> -> memref<1x128xi32, #tpu.memory_space<vmem>>
      %dma_wait3A_211 = tpu.memref_squeeze %dma_wait3A_210 : memref<1x128xi32, #tpu.memory_space<vmem>> -> memref<128xi32, #tpu.memory_space<vmem>>
      %dma_wait3A_212 = arith.constant 0 : i32
      %dma_wait3A_213 = arith.constant 0 : i32
      %dma_wait3A_214 = tpu.memref_slice %arg11[%dma_wait3A_212, %dma_wait3A_213] : memref<50048x2xf32, #tpu.memory_space<vmem_shared>> -> memref<50048x2xf32, #tpu.memory_space<vmem_shared>>
      tpu.wait_indirect_dma semaphore(%arg13 : memref<!tpu.dma_semaphore, #tpu.memory_space<semaphore_mem>>) src(%arg9 : memref<128x2xf32, #tpu.memory_space<vmem>>) dst(%dma_wait3A_214 : memref<50048x2xf32, #tpu.memory_space<vmem_shared>>)
      %dma_wait3A_215 = arith.constant 6 : i32
      %dma_wait3A_216 = arith.constant 0 : i32
      %dma_wait3A_217 = tpu.memref_slice %arg7[%dma_wait3A_215, %dma_wait3A_216] : memref<8x128xi32, #tpu.memory_space<vmem>> -> memref<1x128xi32, #tpu.memory_space<vmem>>
      %dma_wait3A_218 = tpu.memref_squeeze %dma_wait3A_217 : memref<1x128xi32, #tpu.memory_space<vmem>> -> memref<128xi32, #tpu.memory_space<vmem>>
      %dma_wait3A_219 = arith.constant 0 : i32
      %dma_wait3A_220 = arith.constant 0 : i32
      %dma_wait3A_221 = tpu.memref_slice %arg10[%dma_wait3A_219, %dma_wait3A_220] : memref<50048x2xf32, #tpu.memory_space<vmem_shared>> -> memref<50048x2xf32, #tpu.memory_space<vmem_shared>>
      tpu.wait_indirect_dma semaphore(%arg12 : memref<!tpu.dma_semaphore, #tpu.memory_space<semaphore_mem>>) src(%dma_wait3A_221 : memref<50048x2xf32, #tpu.memory_space<vmem_shared>>) dst(%arg9 : memref<128x2xf32, #tpu.memory_space<vmem>>)
      %dma_wait3A_222 = arith.constant 6 : i32
      %dma_wait3A_223 = arith.constant 0 : i32
      %dma_wait3A_224 = tpu.memref_slice %arg8[%dma_wait3A_222, %dma_wait3A_223] : memref<8x128xi32, #tpu.memory_space<vmem>> -> memref<1x128xi32, #tpu.memory_space<vmem>>
      %dma_wait3A_225 = tpu.memref_squeeze %dma_wait3A_224 : memref<1x128xi32, #tpu.memory_space<vmem>> -> memref<128xi32, #tpu.memory_space<vmem>>
      %dma_wait3A_226 = arith.constant 0 : i32
      %dma_wait3A_227 = arith.constant 0 : i32
      %dma_wait3A_228 = tpu.memref_slice %arg11[%dma_wait3A_226, %dma_wait3A_227] : memref<50048x2xf32, #tpu.memory_space<vmem_shared>> -> memref<50048x2xf32, #tpu.memory_space<vmem_shared>>
      tpu.wait_indirect_dma semaphore(%arg13 : memref<!tpu.dma_semaphore, #tpu.memory_space<semaphore_mem>>) src(%arg9 : memref<128x2xf32, #tpu.memory_space<vmem>>) dst(%dma_wait3A_228 : memref<50048x2xf32, #tpu.memory_space<vmem_shared>>)
      %dma_wait3A_229 = arith.constant 7 : i32
      %dma_wait3A_230 = arith.constant 0 : i32
      %dma_wait3A_231 = tpu.memref_slice %arg7[%dma_wait3A_229, %dma_wait3A_230] : memref<8x128xi32, #tpu.memory_space<vmem>> -> memref<1x128xi32, #tpu.memory_space<vmem>>
      %dma_wait3A_232 = tpu.memref_squeeze %dma_wait3A_231 : memref<1x128xi32, #tpu.memory_space<vmem>> -> memref<128xi32, #tpu.memory_space<vmem>>
      %dma_wait3A_233 = arith.constant 0 : i32
      %dma_wait3A_234 = arith.constant 0 : i32
      %dma_wait3A_235 = tpu.memref_slice %arg10[%dma_wait3A_233, %dma_wait3A_234] : memref<50048x2xf32, #tpu.memory_space<vmem_shared>> -> memref<50048x2xf32, #tpu.memory_space<vmem_shared>>
      tpu.wait_indirect_dma semaphore(%arg12 : memref<!tpu.dma_semaphore, #tpu.memory_space<semaphore_mem>>) src(%dma_wait3A_235 : memref<50048x2xf32, #tpu.memory_space<vmem_shared>>) dst(%arg9 : memref<128x2xf32, #tpu.memory_space<vmem>>)
      %dma_wait3A_236 = arith.constant 7 : i32
      %dma_wait3A_237 = arith.constant 0 : i32
      %dma_wait3A_238 = tpu.memref_slice %arg8[%dma_wait3A_236, %dma_wait3A_237] : memref<8x128xi32, #tpu.memory_space<vmem>> -> memref<1x128xi32, #tpu.memory_space<vmem>>
      %dma_wait3A_239 = tpu.memref_squeeze %dma_wait3A_238 : memref<1x128xi32, #tpu.memory_space<vmem>> -> memref<128xi32, #tpu.memory_space<vmem>>
      %dma_wait3A_240 = arith.constant 0 : i32
      %dma_wait3A_241 = arith.constant 0 : i32
      %dma_wait3A_242 = tpu.memref_slice %arg11[%dma_wait3A_240, %dma_wait3A_241] : memref<50048x2xf32, #tpu.memory_space<vmem_shared>> -> memref<50048x2xf32, #tpu.memory_space<vmem_shared>>
      tpu.wait_indirect_dma semaphore(%arg13 : memref<!tpu.dma_semaphore, #tpu.memory_space<semaphore_mem>>) src(%arg9 : memref<128x2xf32, #tpu.memory_space<vmem>>) dst(%dma_wait3A_242 : memref<50048x2xf32, #tpu.memory_space<vmem_shared>>)
    }
    %while3A_15 = arith.constant 1 : i32
    scf.for %while3A_17 = %while3A_13 to %while3A_9 step %while3A_15  : i32 {
      %mul3A_18 = arith.constant 8 : i32
      %mul3A_19 = arith.muli %while3A_17, %mul3A_18 : i32
      %add3A_20 = arith.addi %mul3A_4, %mul3A_19 : i32
      "tpu.region"() ({
        %run_scoped3A = tpu.sem_alloc : memref<!tpu.dma_semaphore, #tpu.memory_space<semaphore_mem>>
        %dma_start3A_243 = arith.constant 0 : i32
        %dma_start3A_244 = tpu.memref_slice %arg3[%add3A_20, %dma_start3A_243] : memref<25000x128xi32, #tpu.memory_space<hbm>> -> memref<8x128xi32, #tpu.memory_space<hbm>>
        %dma_start3A_245 = arith.constant 0 : i32
        %dma_start3A_246 = tpu.memref_slice %arg3[%add3A_20, %dma_start3A_245] : memref<25000x128xi32, #tpu.memory_space<hbm>> -> memref<8x128xi32, #tpu.memory_space<hbm>>
        tpu.enqueue_dma source(%dma_start3A_246 : memref<8x128xi32, #tpu.memory_space<hbm>>) target(%arg7 : memref<8x128xi32, #tpu.memory_space<vmem>>) target_semaphore(%run_scoped3A : memref<!tpu.dma_semaphore, #tpu.memory_space<semaphore_mem>>)
        %dma_wait3A_247 = arith.constant 0 : i32
        %dma_wait3A_248 = tpu.memref_slice %arg3[%add3A_20, %dma_wait3A_247] : memref<25000x128xi32, #tpu.memory_space<hbm>> -> memref<8x128xi32, #tpu.memory_space<hbm>>
        %dma_wait3A_249 = arith.constant 0 : i32
        %dma_wait3A_250 = tpu.memref_slice %arg3[%add3A_20, %dma_wait3A_249] : memref<25000x128xi32, #tpu.memory_space<hbm>> -> memref<8x128xi32, #tpu.memory_space<hbm>>
        tpu.wait_dma2 semaphore(%run_scoped3A : memref<!tpu.dma_semaphore, #tpu.memory_space<semaphore_mem>>) src(%dma_wait3A_250 : memref<8x128xi32, #tpu.memory_space<hbm>>) dst(%arg7 : memref<8x128xi32, #tpu.memory_space<vmem>>)
        tpu.yield
      }) : () -> ()
      "tpu.region"() ({
        %run_scoped3A = tpu.sem_alloc : memref<!tpu.dma_semaphore, #tpu.memory_space<semaphore_mem>>
        %dma_start3A_243 = arith.constant 0 : i32
        %dma_start3A_244 = tpu.memref_slice %arg4[%add3A_20, %dma_start3A_243] : memref<25000x128xi32, #tpu.memory_space<hbm>> -> memref<8x128xi32, #tpu.memory_space<hbm>>
        %dma_start3A_245 = arith.constant 0 : i32
        %dma_start3A_246 = tpu.memref_slice %arg4[%add3A_20, %dma_start3A_245] : memref<25000x128xi32, #tpu.memory_space<hbm>> -> memref<8x128xi32, #tpu.memory_space<hbm>>
        tpu.enqueue_dma source(%dma_start3A_246 : memref<8x128xi32, #tpu.memory_space<hbm>>) target(%arg8 : memref<8x128xi32, #tpu.memory_space<vmem>>) target_semaphore(%run_scoped3A : memref<!tpu.dma_semaphore, #tpu.memory_space<semaphore_mem>>)
        %dma_wait3A_247 = arith.constant 0 : i32
        %dma_wait3A_248 = tpu.memref_slice %arg4[%add3A_20, %dma_wait3A_247] : memref<25000x128xi32, #tpu.memory_space<hbm>> -> memref<8x128xi32, #tpu.memory_space<hbm>>
        %dma_wait3A_249 = arith.constant 0 : i32
        %dma_wait3A_250 = tpu.memref_slice %arg4[%add3A_20, %dma_wait3A_249] : memref<25000x128xi32, #tpu.memory_space<hbm>> -> memref<8x128xi32, #tpu.memory_space<hbm>>
        tpu.wait_dma2 semaphore(%run_scoped3A : memref<!tpu.dma_semaphore, #tpu.memory_space<semaphore_mem>>) src(%dma_wait3A_250 : memref<8x128xi32, #tpu.memory_space<hbm>>) dst(%arg8 : memref<8x128xi32, #tpu.memory_space<vmem>>)
        tpu.yield
      }) : () -> ()
      %dma_start3A = arith.constant 0 : i32
      %dma_start3A_21 = arith.constant 0 : i32
      %dma_start3A_22 = tpu.memref_slice %arg7[%dma_start3A, %dma_start3A_21] : memref<8x128xi32, #tpu.memory_space<vmem>> -> memref<1x128xi32, #tpu.memory_space<vmem>>
      %dma_start3A_23 = tpu.memref_squeeze %dma_start3A_22 : memref<1x128xi32, #tpu.memory_space<vmem>> -> memref<128xi32, #tpu.memory_space<vmem>>
      %dma_start3A_24 = arith.constant 0 : i32
      %dma_start3A_25 = arith.constant 0 : i32
      %dma_start3A_26 = tpu.memref_slice %arg10[%dma_start3A_24, %dma_start3A_25] : memref<50048x2xf32, #tpu.memory_space<vmem_shared>> -> memref<50048x2xf32, #tpu.memory_space<vmem_shared>>
      tpu.enqueue_indirect_dma source(%dma_start3A_26 : memref<50048x2xf32, #tpu.memory_space<vmem_shared>>) target(%arg9 : memref<128x2xf32, #tpu.memory_space<vmem>>) offsets(%dma_start3A_23 : memref<128xi32, #tpu.memory_space<vmem>>) semaphore(%arg12 : memref<!tpu.dma_semaphore, #tpu.memory_space<semaphore_mem>>)
      %dma_start3A_27 = arith.constant 0 : i32
      %dma_start3A_28 = arith.constant 0 : i32
      %dma_start3A_29 = tpu.memref_slice %arg8[%dma_start3A_27, %dma_start3A_28] : memref<8x128xi32, #tpu.memory_space<vmem>> -> memref<1x128xi32, #tpu.memory_space<vmem>>
      %dma_start3A_30 = tpu.memref_squeeze %dma_start3A_29 : memref<1x128xi32, #tpu.memory_space<vmem>> -> memref<128xi32, #tpu.memory_space<vmem>>
      %dma_start3A_31 = arith.constant 0 : i32
      %dma_start3A_32 = arith.constant 0 : i32
      %dma_start3A_33 = tpu.memref_slice %arg11[%dma_start3A_31, %dma_start3A_32] : memref<50048x2xf32, #tpu.memory_space<vmem_shared>> -> memref<50048x2xf32, #tpu.memory_space<vmem_shared>>
      tpu.enqueue_indirect_dma source(%arg9 : memref<128x2xf32, #tpu.memory_space<vmem>>) target(%dma_start3A_33 : memref<50048x2xf32, #tpu.memory_space<vmem_shared>>) offsets(%dma_start3A_30 : memref<128xi32, #tpu.memory_space<vmem>>) semaphore(%arg13 : memref<!tpu.dma_semaphore, #tpu.memory_space<semaphore_mem>>) {add = true}
      %dma_start3A_34 = arith.constant 1 : i32
      %dma_start3A_35 = arith.constant 0 : i32
      %dma_start3A_36 = tpu.memref_slice %arg7[%dma_start3A_34, %dma_start3A_35] : memref<8x128xi32, #tpu.memory_space<vmem>> -> memref<1x128xi32, #tpu.memory_space<vmem>>
      %dma_start3A_37 = tpu.memref_squeeze %dma_start3A_36 : memref<1x128xi32, #tpu.memory_space<vmem>> -> memref<128xi32, #tpu.memory_space<vmem>>
      %dma_start3A_38 = arith.constant 0 : i32
      %dma_start3A_39 = arith.constant 0 : i32
      %dma_start3A_40 = tpu.memref_slice %arg10[%dma_start3A_38, %dma_start3A_39] : memref<50048x2xf32, #tpu.memory_space<vmem_shared>> -> memref<50048x2xf32, #tpu.memory_space<vmem_shared>>
      tpu.enqueue_indirect_dma source(%dma_start3A_40 : memref<50048x2xf32, #tpu.memory_space<vmem_shared>>) target(%arg9 : memref<128x2xf32, #tpu.memory_space<vmem>>) offsets(%dma_start3A_37 : memref<128xi32, #tpu.memory_space<vmem>>) semaphore(%arg12 : memref<!tpu.dma_semaphore, #tpu.memory_space<semaphore_mem>>)
      %dma_start3A_41 = arith.constant 1 : i32
      %dma_start3A_42 = arith.constant 0 : i32
      %dma_start3A_43 = tpu.memref_slice %arg8[%dma_start3A_41, %dma_start3A_42] : memref<8x128xi32, #tpu.memory_space<vmem>> -> memref<1x128xi32, #tpu.memory_space<vmem>>
      %dma_start3A_44 = tpu.memref_squeeze %dma_start3A_43 : memref<1x128xi32, #tpu.memory_space<vmem>> -> memref<128xi32, #tpu.memory_space<vmem>>
      %dma_start3A_45 = arith.constant 0 : i32
      %dma_start3A_46 = arith.constant 0 : i32
      %dma_start3A_47 = tpu.memref_slice %arg11[%dma_start3A_45, %dma_start3A_46] : memref<50048x2xf32, #tpu.memory_space<vmem_shared>> -> memref<50048x2xf32, #tpu.memory_space<vmem_shared>>
      tpu.enqueue_indirect_dma source(%arg9 : memref<128x2xf32, #tpu.memory_space<vmem>>) target(%dma_start3A_47 : memref<50048x2xf32, #tpu.memory_space<vmem_shared>>) offsets(%dma_start3A_44 : memref<128xi32, #tpu.memory_space<vmem>>) semaphore(%arg13 : memref<!tpu.dma_semaphore, #tpu.memory_space<semaphore_mem>>) {add = true}
      %dma_start3A_48 = arith.constant 2 : i32
      %dma_start3A_49 = arith.constant 0 : i32
      %dma_start3A_50 = tpu.memref_slice %arg7[%dma_start3A_48, %dma_start3A_49] : memref<8x128xi32, #tpu.memory_space<vmem>> -> memref<1x128xi32, #tpu.memory_space<vmem>>
      %dma_start3A_51 = tpu.memref_squeeze %dma_start3A_50 : memref<1x128xi32, #tpu.memory_space<vmem>> -> memref<128xi32, #tpu.memory_space<vmem>>
      %dma_start3A_52 = arith.constant 0 : i32
      %dma_start3A_53 = arith.constant 0 : i32
      %dma_start3A_54 = tpu.memref_slice %arg10[%dma_start3A_52, %dma_start3A_53] : memref<50048x2xf32, #tpu.memory_space<vmem_shared>> -> memref<50048x2xf32, #tpu.memory_space<vmem_shared>>
      tpu.enqueue_indirect_dma source(%dma_start3A_54 : memref<50048x2xf32, #tpu.memory_space<vmem_shared>>) target(%arg9 : memref<128x2xf32, #tpu.memory_space<vmem>>) offsets(%dma_start3A_51 : memref<128xi32, #tpu.memory_space<vmem>>) semaphore(%arg12 : memref<!tpu.dma_semaphore, #tpu.memory_space<semaphore_mem>>)
      %dma_start3A_55 = arith.constant 2 : i32
      %dma_start3A_56 = arith.constant 0 : i32
      %dma_start3A_57 = tpu.memref_slice %arg8[%dma_start3A_55, %dma_start3A_56] : memref<8x128xi32, #tpu.memory_space<vmem>> -> memref<1x128xi32, #tpu.memory_space<vmem>>
      %dma_start3A_58 = tpu.memref_squeeze %dma_start3A_57 : memref<1x128xi32, #tpu.memory_space<vmem>> -> memref<128xi32, #tpu.memory_space<vmem>>
      %dma_start3A_59 = arith.constant 0 : i32
      %dma_start3A_60 = arith.constant 0 : i32
      %dma_start3A_61 = tpu.memref_slice %arg11[%dma_start3A_59, %dma_start3A_60] : memref<50048x2xf32, #tpu.memory_space<vmem_shared>> -> memref<50048x2xf32, #tpu.memory_space<vmem_shared>>
      tpu.enqueue_indirect_dma source(%arg9 : memref<128x2xf32, #tpu.memory_space<vmem>>) target(%dma_start3A_61 : memref<50048x2xf32, #tpu.memory_space<vmem_shared>>) offsets(%dma_start3A_58 : memref<128xi32, #tpu.memory_space<vmem>>) semaphore(%arg13 : memref<!tpu.dma_semaphore, #tpu.memory_space<semaphore_mem>>) {add = true}
      %dma_start3A_62 = arith.constant 3 : i32
      %dma_start3A_63 = arith.constant 0 : i32
      %dma_start3A_64 = tpu.memref_slice %arg7[%dma_start3A_62, %dma_start3A_63] : memref<8x128xi32, #tpu.memory_space<vmem>> -> memref<1x128xi32, #tpu.memory_space<vmem>>
      %dma_start3A_65 = tpu.memref_squeeze %dma_start3A_64 : memref<1x128xi32, #tpu.memory_space<vmem>> -> memref<128xi32, #tpu.memory_space<vmem>>
      %dma_start3A_66 = arith.constant 0 : i32
      %dma_start3A_67 = arith.constant 0 : i32
      %dma_start3A_68 = tpu.memref_slice %arg10[%dma_start3A_66, %dma_start3A_67] : memref<50048x2xf32, #tpu.memory_space<vmem_shared>> -> memref<50048x2xf32, #tpu.memory_space<vmem_shared>>
      tpu.enqueue_indirect_dma source(%dma_start3A_68 : memref<50048x2xf32, #tpu.memory_space<vmem_shared>>) target(%arg9 : memref<128x2xf32, #tpu.memory_space<vmem>>) offsets(%dma_start3A_65 : memref<128xi32, #tpu.memory_space<vmem>>) semaphore(%arg12 : memref<!tpu.dma_semaphore, #tpu.memory_space<semaphore_mem>>)
      %dma_start3A_69 = arith.constant 3 : i32
      %dma_start3A_70 = arith.constant 0 : i32
      %dma_start3A_71 = tpu.memref_slice %arg8[%dma_start3A_69, %dma_start3A_70] : memref<8x128xi32, #tpu.memory_space<vmem>> -> memref<1x128xi32, #tpu.memory_space<vmem>>
      %dma_start3A_72 = tpu.memref_squeeze %dma_start3A_71 : memref<1x128xi32, #tpu.memory_space<vmem>> -> memref<128xi32, #tpu.memory_space<vmem>>
      %dma_start3A_73 = arith.constant 0 : i32
      %dma_start3A_74 = arith.constant 0 : i32
      %dma_start3A_75 = tpu.memref_slice %arg11[%dma_start3A_73, %dma_start3A_74] : memref<50048x2xf32, #tpu.memory_space<vmem_shared>> -> memref<50048x2xf32, #tpu.memory_space<vmem_shared>>
      tpu.enqueue_indirect_dma source(%arg9 : memref<128x2xf32, #tpu.memory_space<vmem>>) target(%dma_start3A_75 : memref<50048x2xf32, #tpu.memory_space<vmem_shared>>) offsets(%dma_start3A_72 : memref<128xi32, #tpu.memory_space<vmem>>) semaphore(%arg13 : memref<!tpu.dma_semaphore, #tpu.memory_space<semaphore_mem>>) {add = true}
      %dma_start3A_76 = arith.constant 4 : i32
      %dma_start3A_77 = arith.constant 0 : i32
      %dma_start3A_78 = tpu.memref_slice %arg7[%dma_start3A_76, %dma_start3A_77] : memref<8x128xi32, #tpu.memory_space<vmem>> -> memref<1x128xi32, #tpu.memory_space<vmem>>
      %dma_start3A_79 = tpu.memref_squeeze %dma_start3A_78 : memref<1x128xi32, #tpu.memory_space<vmem>> -> memref<128xi32, #tpu.memory_space<vmem>>
      %dma_start3A_80 = arith.constant 0 : i32
      %dma_start3A_81 = arith.constant 0 : i32
      %dma_start3A_82 = tpu.memref_slice %arg10[%dma_start3A_80, %dma_start3A_81] : memref<50048x2xf32, #tpu.memory_space<vmem_shared>> -> memref<50048x2xf32, #tpu.memory_space<vmem_shared>>
      tpu.enqueue_indirect_dma source(%dma_start3A_82 : memref<50048x2xf32, #tpu.memory_space<vmem_shared>>) target(%arg9 : memref<128x2xf32, #tpu.memory_space<vmem>>) offsets(%dma_start3A_79 : memref<128xi32, #tpu.memory_space<vmem>>) semaphore(%arg12 : memref<!tpu.dma_semaphore, #tpu.memory_space<semaphore_mem>>)
      %dma_start3A_83 = arith.constant 4 : i32
      %dma_start3A_84 = arith.constant 0 : i32
      %dma_start3A_85 = tpu.memref_slice %arg8[%dma_start3A_83, %dma_start3A_84] : memref<8x128xi32, #tpu.memory_space<vmem>> -> memref<1x128xi32, #tpu.memory_space<vmem>>
      %dma_start3A_86 = tpu.memref_squeeze %dma_start3A_85 : memref<1x128xi32, #tpu.memory_space<vmem>> -> memref<128xi32, #tpu.memory_space<vmem>>
      %dma_start3A_87 = arith.constant 0 : i32
      %dma_start3A_88 = arith.constant 0 : i32
      %dma_start3A_89 = tpu.memref_slice %arg11[%dma_start3A_87, %dma_start3A_88] : memref<50048x2xf32, #tpu.memory_space<vmem_shared>> -> memref<50048x2xf32, #tpu.memory_space<vmem_shared>>
      tpu.enqueue_indirect_dma source(%arg9 : memref<128x2xf32, #tpu.memory_space<vmem>>) target(%dma_start3A_89 : memref<50048x2xf32, #tpu.memory_space<vmem_shared>>) offsets(%dma_start3A_86 : memref<128xi32, #tpu.memory_space<vmem>>) semaphore(%arg13 : memref<!tpu.dma_semaphore, #tpu.memory_space<semaphore_mem>>) {add = true}
      %dma_start3A_90 = arith.constant 5 : i32
      %dma_start3A_91 = arith.constant 0 : i32
      %dma_start3A_92 = tpu.memref_slice %arg7[%dma_start3A_90, %dma_start3A_91] : memref<8x128xi32, #tpu.memory_space<vmem>> -> memref<1x128xi32, #tpu.memory_space<vmem>>
      %dma_start3A_93 = tpu.memref_squeeze %dma_start3A_92 : memref<1x128xi32, #tpu.memory_space<vmem>> -> memref<128xi32, #tpu.memory_space<vmem>>
      %dma_start3A_94 = arith.constant 0 : i32
      %dma_start3A_95 = arith.constant 0 : i32
      %dma_start3A_96 = tpu.memref_slice %arg10[%dma_start3A_94, %dma_start3A_95] : memref<50048x2xf32, #tpu.memory_space<vmem_shared>> -> memref<50048x2xf32, #tpu.memory_space<vmem_shared>>
      tpu.enqueue_indirect_dma source(%dma_start3A_96 : memref<50048x2xf32, #tpu.memory_space<vmem_shared>>) target(%arg9 : memref<128x2xf32, #tpu.memory_space<vmem>>) offsets(%dma_start3A_93 : memref<128xi32, #tpu.memory_space<vmem>>) semaphore(%arg12 : memref<!tpu.dma_semaphore, #tpu.memory_space<semaphore_mem>>)
      %dma_start3A_97 = arith.constant 5 : i32
      %dma_start3A_98 = arith.constant 0 : i32
      %dma_start3A_99 = tpu.memref_slice %arg8[%dma_start3A_97, %dma_start3A_98] : memref<8x128xi32, #tpu.memory_space<vmem>> -> memref<1x128xi32, #tpu.memory_space<vmem>>
      %dma_start3A_100 = tpu.memref_squeeze %dma_start3A_99 : memref<1x128xi32, #tpu.memory_space<vmem>> -> memref<128xi32, #tpu.memory_space<vmem>>
      %dma_start3A_101 = arith.constant 0 : i32
      %dma_start3A_102 = arith.constant 0 : i32
      %dma_start3A_103 = tpu.memref_slice %arg11[%dma_start3A_101, %dma_start3A_102] : memref<50048x2xf32, #tpu.memory_space<vmem_shared>> -> memref<50048x2xf32, #tpu.memory_space<vmem_shared>>
      tpu.enqueue_indirect_dma source(%arg9 : memref<128x2xf32, #tpu.memory_space<vmem>>) target(%dma_start3A_103 : memref<50048x2xf32, #tpu.memory_space<vmem_shared>>) offsets(%dma_start3A_100 : memref<128xi32, #tpu.memory_space<vmem>>) semaphore(%arg13 : memref<!tpu.dma_semaphore, #tpu.memory_space<semaphore_mem>>) {add = true}
      %dma_start3A_104 = arith.constant 6 : i32
      %dma_start3A_105 = arith.constant 0 : i32
      %dma_start3A_106 = tpu.memref_slice %arg7[%dma_start3A_104, %dma_start3A_105] : memref<8x128xi32, #tpu.memory_space<vmem>> -> memref<1x128xi32, #tpu.memory_space<vmem>>
      %dma_start3A_107 = tpu.memref_squeeze %dma_start3A_106 : memref<1x128xi32, #tpu.memory_space<vmem>> -> memref<128xi32, #tpu.memory_space<vmem>>
      %dma_start3A_108 = arith.constant 0 : i32
      %dma_start3A_109 = arith.constant 0 : i32
      %dma_start3A_110 = tpu.memref_slice %arg10[%dma_start3A_108, %dma_start3A_109] : memref<50048x2xf32, #tpu.memory_space<vmem_shared>> -> memref<50048x2xf32, #tpu.memory_space<vmem_shared>>
      tpu.enqueue_indirect_dma source(%dma_start3A_110 : memref<50048x2xf32, #tpu.memory_space<vmem_shared>>) target(%arg9 : memref<128x2xf32, #tpu.memory_space<vmem>>) offsets(%dma_start3A_107 : memref<128xi32, #tpu.memory_space<vmem>>) semaphore(%arg12 : memref<!tpu.dma_semaphore, #tpu.memory_space<semaphore_mem>>)
      %dma_start3A_111 = arith.constant 6 : i32
      %dma_start3A_112 = arith.constant 0 : i32
      %dma_start3A_113 = tpu.memref_slice %arg8[%dma_start3A_111, %dma_start3A_112] : memref<8x128xi32, #tpu.memory_space<vmem>> -> memref<1x128xi32, #tpu.memory_space<vmem>>
      %dma_start3A_114 = tpu.memref_squeeze %dma_start3A_113 : memref<1x128xi32, #tpu.memory_space<vmem>> -> memref<128xi32, #tpu.memory_space<vmem>>
      %dma_start3A_115 = arith.constant 0 : i32
      %dma_start3A_116 = arith.constant 0 : i32
      %dma_start3A_117 = tpu.memref_slice %arg11[%dma_start3A_115, %dma_start3A_116] : memref<50048x2xf32, #tpu.memory_space<vmem_shared>> -> memref<50048x2xf32, #tpu.memory_space<vmem_shared>>
      tpu.enqueue_indirect_dma source(%arg9 : memref<128x2xf32, #tpu.memory_space<vmem>>) target(%dma_start3A_117 : memref<50048x2xf32, #tpu.memory_space<vmem_shared>>) offsets(%dma_start3A_114 : memref<128xi32, #tpu.memory_space<vmem>>) semaphore(%arg13 : memref<!tpu.dma_semaphore, #tpu.memory_space<semaphore_mem>>) {add = true}
      %dma_start3A_118 = arith.constant 7 : i32
      %dma_start3A_119 = arith.constant 0 : i32
      %dma_start3A_120 = tpu.memref_slice %arg7[%dma_start3A_118, %dma_start3A_119] : memref<8x128xi32, #tpu.memory_space<vmem>> -> memref<1x128xi32, #tpu.memory_space<vmem>>
      %dma_start3A_121 = tpu.memref_squeeze %dma_start3A_120 : memref<1x128xi32, #tpu.memory_space<vmem>> -> memref<128xi32, #tpu.memory_space<vmem>>
      %dma_start3A_122 = arith.constant 0 : i32
      %dma_start3A_123 = arith.constant 0 : i32
      %dma_start3A_124 = tpu.memref_slice %arg10[%dma_start3A_122, %dma_start3A_123] : memref<50048x2xf32, #tpu.memory_space<vmem_shared>> -> memref<50048x2xf32, #tpu.memory_space<vmem_shared>>
      tpu.enqueue_indirect_dma source(%dma_start3A_124 : memref<50048x2xf32, #tpu.memory_space<vmem_shared>>) target(%arg9 : memref<128x2xf32, #tpu.memory_space<vmem>>) offsets(%dma_start3A_121 : memref<128xi32, #tpu.memory_space<vmem>>) semaphore(%arg12 : memref<!tpu.dma_semaphore, #tpu.memory_space<semaphore_mem>>)
      %dma_start3A_125 = arith.constant 7 : i32
      %dma_start3A_126 = arith.constant 0 : i32
      %dma_start3A_127 = tpu.memref_slice %arg8[%dma_start3A_125, %dma_start3A_126] : memref<8x128xi32, #tpu.memory_space<vmem>> -> memref<1x128xi32, #tpu.memory_space<vmem>>
      %dma_start3A_128 = tpu.memref_squeeze %dma_start3A_127 : memref<1x128xi32, #tpu.memory_space<vmem>> -> memref<128xi32, #tpu.memory_space<vmem>>
      %dma_start3A_129 = arith.constant 0 : i32
      %dma_start3A_130 = arith.constant 0 : i32
      %dma_start3A_131 = tpu.memref_slice %arg11[%dma_start3A_129, %dma_start3A_130] : memref<50048x2xf32, #tpu.memory_space<vmem_shared>> -> memref<50048x2xf32, #tpu.memory_space<vmem_shared>>
      tpu.enqueue_indirect_dma source(%arg9 : memref<128x2xf32, #tpu.memory_space<vmem>>) target(%dma_start3A_131 : memref<50048x2xf32, #tpu.memory_space<vmem_shared>>) offsets(%dma_start3A_128 : memref<128xi32, #tpu.memory_space<vmem>>) semaphore(%arg13 : memref<!tpu.dma_semaphore, #tpu.memory_space<semaphore_mem>>) {add = true}
      %dma_wait3A = arith.constant 0 : i32
      %dma_wait3A_132 = arith.constant 0 : i32
      %dma_wait3A_133 = tpu.memref_slice %arg7[%dma_wait3A, %dma_wait3A_132] : memref<8x128xi32, #tpu.memory_space<vmem>> -> memref<1x128xi32, #tpu.memory_space<vmem>>
      %dma_wait3A_134 = tpu.memref_squeeze %dma_wait3A_133 : memref<1x128xi32, #tpu.memory_space<vmem>> -> memref<128xi32, #tpu.memory_space<vmem>>
      %dma_wait3A_135 = arith.constant 0 : i32
      %dma_wait3A_136 = arith.constant 0 : i32
      %dma_wait3A_137 = tpu.memref_slice %arg10[%dma_wait3A_135, %dma_wait3A_136] : memref<50048x2xf32, #tpu.memory_space<vmem_shared>> -> memref<50048x2xf32, #tpu.memory_space<vmem_shared>>
      tpu.wait_indirect_dma semaphore(%arg12 : memref<!tpu.dma_semaphore, #tpu.memory_space<semaphore_mem>>) src(%dma_wait3A_137 : memref<50048x2xf32, #tpu.memory_space<vmem_shared>>) dst(%arg9 : memref<128x2xf32, #tpu.memory_space<vmem>>)
      %dma_wait3A_138 = arith.constant 0 : i32
      %dma_wait3A_139 = arith.constant 0 : i32
      %dma_wait3A_140 = tpu.memref_slice %arg8[%dma_wait3A_138, %dma_wait3A_139] : memref<8x128xi32, #tpu.memory_space<vmem>> -> memref<1x128xi32, #tpu.memory_space<vmem>>
      %dma_wait3A_141 = tpu.memref_squeeze %dma_wait3A_140 : memref<1x128xi32, #tpu.memory_space<vmem>> -> memref<128xi32, #tpu.memory_space<vmem>>
      %dma_wait3A_142 = arith.constant 0 : i32
      %dma_wait3A_143 = arith.constant 0 : i32
      %dma_wait3A_144 = tpu.memref_slice %arg11[%dma_wait3A_142, %dma_wait3A_143] : memref<50048x2xf32, #tpu.memory_space<vmem_shared>> -> memref<50048x2xf32, #tpu.memory_space<vmem_shared>>
      tpu.wait_indirect_dma semaphore(%arg13 : memref<!tpu.dma_semaphore, #tpu.memory_space<semaphore_mem>>) src(%arg9 : memref<128x2xf32, #tpu.memory_space<vmem>>) dst(%dma_wait3A_144 : memref<50048x2xf32, #tpu.memory_space<vmem_shared>>)
      %dma_wait3A_145 = arith.constant 1 : i32
      %dma_wait3A_146 = arith.constant 0 : i32
      %dma_wait3A_147 = tpu.memref_slice %arg7[%dma_wait3A_145, %dma_wait3A_146] : memref<8x128xi32, #tpu.memory_space<vmem>> -> memref<1x128xi32, #tpu.memory_space<vmem>>
      %dma_wait3A_148 = tpu.memref_squeeze %dma_wait3A_147 : memref<1x128xi32, #tpu.memory_space<vmem>> -> memref<128xi32, #tpu.memory_space<vmem>>
      %dma_wait3A_149 = arith.constant 0 : i32
      %dma_wait3A_150 = arith.constant 0 : i32
      %dma_wait3A_151 = tpu.memref_slice %arg10[%dma_wait3A_149, %dma_wait3A_150] : memref<50048x2xf32, #tpu.memory_space<vmem_shared>> -> memref<50048x2xf32, #tpu.memory_space<vmem_shared>>
      tpu.wait_indirect_dma semaphore(%arg12 : memref<!tpu.dma_semaphore, #tpu.memory_space<semaphore_mem>>) src(%dma_wait3A_151 : memref<50048x2xf32, #tpu.memory_space<vmem_shared>>) dst(%arg9 : memref<128x2xf32, #tpu.memory_space<vmem>>)
      %dma_wait3A_152 = arith.constant 1 : i32
      %dma_wait3A_153 = arith.constant 0 : i32
      %dma_wait3A_154 = tpu.memref_slice %arg8[%dma_wait3A_152, %dma_wait3A_153] : memref<8x128xi32, #tpu.memory_space<vmem>> -> memref<1x128xi32, #tpu.memory_space<vmem>>
      %dma_wait3A_155 = tpu.memref_squeeze %dma_wait3A_154 : memref<1x128xi32, #tpu.memory_space<vmem>> -> memref<128xi32, #tpu.memory_space<vmem>>
      %dma_wait3A_156 = arith.constant 0 : i32
      %dma_wait3A_157 = arith.constant 0 : i32
      %dma_wait3A_158 = tpu.memref_slice %arg11[%dma_wait3A_156, %dma_wait3A_157] : memref<50048x2xf32, #tpu.memory_space<vmem_shared>> -> memref<50048x2xf32, #tpu.memory_space<vmem_shared>>
      tpu.wait_indirect_dma semaphore(%arg13 : memref<!tpu.dma_semaphore, #tpu.memory_space<semaphore_mem>>) src(%arg9 : memref<128x2xf32, #tpu.memory_space<vmem>>) dst(%dma_wait3A_158 : memref<50048x2xf32, #tpu.memory_space<vmem_shared>>)
      %dma_wait3A_159 = arith.constant 2 : i32
      %dma_wait3A_160 = arith.constant 0 : i32
      %dma_wait3A_161 = tpu.memref_slice %arg7[%dma_wait3A_159, %dma_wait3A_160] : memref<8x128xi32, #tpu.memory_space<vmem>> -> memref<1x128xi32, #tpu.memory_space<vmem>>
      %dma_wait3A_162 = tpu.memref_squeeze %dma_wait3A_161 : memref<1x128xi32, #tpu.memory_space<vmem>> -> memref<128xi32, #tpu.memory_space<vmem>>
      %dma_wait3A_163 = arith.constant 0 : i32
      %dma_wait3A_164 = arith.constant 0 : i32
      %dma_wait3A_165 = tpu.memref_slice %arg10[%dma_wait3A_163, %dma_wait3A_164] : memref<50048x2xf32, #tpu.memory_space<vmem_shared>> -> memref<50048x2xf32, #tpu.memory_space<vmem_shared>>
      tpu.wait_indirect_dma semaphore(%arg12 : memref<!tpu.dma_semaphore, #tpu.memory_space<semaphore_mem>>) src(%dma_wait3A_165 : memref<50048x2xf32, #tpu.memory_space<vmem_shared>>) dst(%arg9 : memref<128x2xf32, #tpu.memory_space<vmem>>)
      %dma_wait3A_166 = arith.constant 2 : i32
      %dma_wait3A_167 = arith.constant 0 : i32
      %dma_wait3A_168 = tpu.memref_slice %arg8[%dma_wait3A_166, %dma_wait3A_167] : memref<8x128xi32, #tpu.memory_space<vmem>> -> memref<1x128xi32, #tpu.memory_space<vmem>>
      %dma_wait3A_169 = tpu.memref_squeeze %dma_wait3A_168 : memref<1x128xi32, #tpu.memory_space<vmem>> -> memref<128xi32, #tpu.memory_space<vmem>>
      %dma_wait3A_170 = arith.constant 0 : i32
      %dma_wait3A_171 = arith.constant 0 : i32
      %dma_wait3A_172 = tpu.memref_slice %arg11[%dma_wait3A_170, %dma_wait3A_171] : memref<50048x2xf32, #tpu.memory_space<vmem_shared>> -> memref<50048x2xf32, #tpu.memory_space<vmem_shared>>
      tpu.wait_indirect_dma semaphore(%arg13 : memref<!tpu.dma_semaphore, #tpu.memory_space<semaphore_mem>>) src(%arg9 : memref<128x2xf32, #tpu.memory_space<vmem>>) dst(%dma_wait3A_172 : memref<50048x2xf32, #tpu.memory_space<vmem_shared>>)
      %dma_wait3A_173 = arith.constant 3 : i32
      %dma_wait3A_174 = arith.constant 0 : i32
      %dma_wait3A_175 = tpu.memref_slice %arg7[%dma_wait3A_173, %dma_wait3A_174] : memref<8x128xi32, #tpu.memory_space<vmem>> -> memref<1x128xi32, #tpu.memory_space<vmem>>
      %dma_wait3A_176 = tpu.memref_squeeze %dma_wait3A_175 : memref<1x128xi32, #tpu.memory_space<vmem>> -> memref<128xi32, #tpu.memory_space<vmem>>
      %dma_wait3A_177 = arith.constant 0 : i32
      %dma_wait3A_178 = arith.constant 0 : i32
      %dma_wait3A_179 = tpu.memref_slice %arg10[%dma_wait3A_177, %dma_wait3A_178] : memref<50048x2xf32, #tpu.memory_space<vmem_shared>> -> memref<50048x2xf32, #tpu.memory_space<vmem_shared>>
      tpu.wait_indirect_dma semaphore(%arg12 : memref<!tpu.dma_semaphore, #tpu.memory_space<semaphore_mem>>) src(%dma_wait3A_179 : memref<50048x2xf32, #tpu.memory_space<vmem_shared>>) dst(%arg9 : memref<128x2xf32, #tpu.memory_space<vmem>>)
      %dma_wait3A_180 = arith.constant 3 : i32
      %dma_wait3A_181 = arith.constant 0 : i32
      %dma_wait3A_182 = tpu.memref_slice %arg8[%dma_wait3A_180, %dma_wait3A_181] : memref<8x128xi32, #tpu.memory_space<vmem>> -> memref<1x128xi32, #tpu.memory_space<vmem>>
      %dma_wait3A_183 = tpu.memref_squeeze %dma_wait3A_182 : memref<1x128xi32, #tpu.memory_space<vmem>> -> memref<128xi32, #tpu.memory_space<vmem>>
      %dma_wait3A_184 = arith.constant 0 : i32
      %dma_wait3A_185 = arith.constant 0 : i32
      %dma_wait3A_186 = tpu.memref_slice %arg11[%dma_wait3A_184, %dma_wait3A_185] : memref<50048x2xf32, #tpu.memory_space<vmem_shared>> -> memref<50048x2xf32, #tpu.memory_space<vmem_shared>>
      tpu.wait_indirect_dma semaphore(%arg13 : memref<!tpu.dma_semaphore, #tpu.memory_space<semaphore_mem>>) src(%arg9 : memref<128x2xf32, #tpu.memory_space<vmem>>) dst(%dma_wait3A_186 : memref<50048x2xf32, #tpu.memory_space<vmem_shared>>)
      %dma_wait3A_187 = arith.constant 4 : i32
      %dma_wait3A_188 = arith.constant 0 : i32
      %dma_wait3A_189 = tpu.memref_slice %arg7[%dma_wait3A_187, %dma_wait3A_188] : memref<8x128xi32, #tpu.memory_space<vmem>> -> memref<1x128xi32, #tpu.memory_space<vmem>>
      %dma_wait3A_190 = tpu.memref_squeeze %dma_wait3A_189 : memref<1x128xi32, #tpu.memory_space<vmem>> -> memref<128xi32, #tpu.memory_space<vmem>>
      %dma_wait3A_191 = arith.constant 0 : i32
      %dma_wait3A_192 = arith.constant 0 : i32
      %dma_wait3A_193 = tpu.memref_slice %arg10[%dma_wait3A_191, %dma_wait3A_192] : memref<50048x2xf32, #tpu.memory_space<vmem_shared>> -> memref<50048x2xf32, #tpu.memory_space<vmem_shared>>
      tpu.wait_indirect_dma semaphore(%arg12 : memref<!tpu.dma_semaphore, #tpu.memory_space<semaphore_mem>>) src(%dma_wait3A_193 : memref<50048x2xf32, #tpu.memory_space<vmem_shared>>) dst(%arg9 : memref<128x2xf32, #tpu.memory_space<vmem>>)
      %dma_wait3A_194 = arith.constant 4 : i32
      %dma_wait3A_195 = arith.constant 0 : i32
      %dma_wait3A_196 = tpu.memref_slice %arg8[%dma_wait3A_194, %dma_wait3A_195] : memref<8x128xi32, #tpu.memory_space<vmem>> -> memref<1x128xi32, #tpu.memory_space<vmem>>
      %dma_wait3A_197 = tpu.memref_squeeze %dma_wait3A_196 : memref<1x128xi32, #tpu.memory_space<vmem>> -> memref<128xi32, #tpu.memory_space<vmem>>
      %dma_wait3A_198 = arith.constant 0 : i32
      %dma_wait3A_199 = arith.constant 0 : i32
      %dma_wait3A_200 = tpu.memref_slice %arg11[%dma_wait3A_198, %dma_wait3A_199] : memref<50048x2xf32, #tpu.memory_space<vmem_shared>> -> memref<50048x2xf32, #tpu.memory_space<vmem_shared>>
      tpu.wait_indirect_dma semaphore(%arg13 : memref<!tpu.dma_semaphore, #tpu.memory_space<semaphore_mem>>) src(%arg9 : memref<128x2xf32, #tpu.memory_space<vmem>>) dst(%dma_wait3A_200 : memref<50048x2xf32, #tpu.memory_space<vmem_shared>>)
      %dma_wait3A_201 = arith.constant 5 : i32
      %dma_wait3A_202 = arith.constant 0 : i32
      %dma_wait3A_203 = tpu.memref_slice %arg7[%dma_wait3A_201, %dma_wait3A_202] : memref<8x128xi32, #tpu.memory_space<vmem>> -> memref<1x128xi32, #tpu.memory_space<vmem>>
      %dma_wait3A_204 = tpu.memref_squeeze %dma_wait3A_203 : memref<1x128xi32, #tpu.memory_space<vmem>> -> memref<128xi32, #tpu.memory_space<vmem>>
      %dma_wait3A_205 = arith.constant 0 : i32
      %dma_wait3A_206 = arith.constant 0 : i32
      %dma_wait3A_207 = tpu.memref_slice %arg10[%dma_wait3A_205, %dma_wait3A_206] : memref<50048x2xf32, #tpu.memory_space<vmem_shared>> -> memref<50048x2xf32, #tpu.memory_space<vmem_shared>>
      tpu.wait_indirect_dma semaphore(%arg12 : memref<!tpu.dma_semaphore, #tpu.memory_space<semaphore_mem>>) src(%dma_wait3A_207 : memref<50048x2xf32, #tpu.memory_space<vmem_shared>>) dst(%arg9 : memref<128x2xf32, #tpu.memory_space<vmem>>)
      %dma_wait3A_208 = arith.constant 5 : i32
      %dma_wait3A_209 = arith.constant 0 : i32
      %dma_wait3A_210 = tpu.memref_slice %arg8[%dma_wait3A_208, %dma_wait3A_209] : memref<8x128xi32, #tpu.memory_space<vmem>> -> memref<1x128xi32, #tpu.memory_space<vmem>>
      %dma_wait3A_211 = tpu.memref_squeeze %dma_wait3A_210 : memref<1x128xi32, #tpu.memory_space<vmem>> -> memref<128xi32, #tpu.memory_space<vmem>>
      %dma_wait3A_212 = arith.constant 0 : i32
      %dma_wait3A_213 = arith.constant 0 : i32
      %dma_wait3A_214 = tpu.memref_slice %arg11[%dma_wait3A_212, %dma_wait3A_213] : memref<50048x2xf32, #tpu.memory_space<vmem_shared>> -> memref<50048x2xf32, #tpu.memory_space<vmem_shared>>
      tpu.wait_indirect_dma semaphore(%arg13 : memref<!tpu.dma_semaphore, #tpu.memory_space<semaphore_mem>>) src(%arg9 : memref<128x2xf32, #tpu.memory_space<vmem>>) dst(%dma_wait3A_214 : memref<50048x2xf32, #tpu.memory_space<vmem_shared>>)
      %dma_wait3A_215 = arith.constant 6 : i32
      %dma_wait3A_216 = arith.constant 0 : i32
      %dma_wait3A_217 = tpu.memref_slice %arg7[%dma_wait3A_215, %dma_wait3A_216] : memref<8x128xi32, #tpu.memory_space<vmem>> -> memref<1x128xi32, #tpu.memory_space<vmem>>
      %dma_wait3A_218 = tpu.memref_squeeze %dma_wait3A_217 : memref<1x128xi32, #tpu.memory_space<vmem>> -> memref<128xi32, #tpu.memory_space<vmem>>
      %dma_wait3A_219 = arith.constant 0 : i32
      %dma_wait3A_220 = arith.constant 0 : i32
      %dma_wait3A_221 = tpu.memref_slice %arg10[%dma_wait3A_219, %dma_wait3A_220] : memref<50048x2xf32, #tpu.memory_space<vmem_shared>> -> memref<50048x2xf32, #tpu.memory_space<vmem_shared>>
      tpu.wait_indirect_dma semaphore(%arg12 : memref<!tpu.dma_semaphore, #tpu.memory_space<semaphore_mem>>) src(%dma_wait3A_221 : memref<50048x2xf32, #tpu.memory_space<vmem_shared>>) dst(%arg9 : memref<128x2xf32, #tpu.memory_space<vmem>>)
      %dma_wait3A_222 = arith.constant 6 : i32
      %dma_wait3A_223 = arith.constant 0 : i32
      %dma_wait3A_224 = tpu.memref_slice %arg8[%dma_wait3A_222, %dma_wait3A_223] : memref<8x128xi32, #tpu.memory_space<vmem>> -> memref<1x128xi32, #tpu.memory_space<vmem>>
      %dma_wait3A_225 = tpu.memref_squeeze %dma_wait3A_224 : memref<1x128xi32, #tpu.memory_space<vmem>> -> memref<128xi32, #tpu.memory_space<vmem>>
      %dma_wait3A_226 = arith.constant 0 : i32
      %dma_wait3A_227 = arith.constant 0 : i32
      %dma_wait3A_228 = tpu.memref_slice %arg11[%dma_wait3A_226, %dma_wait3A_227] : memref<50048x2xf32, #tpu.memory_space<vmem_shared>> -> memref<50048x2xf32, #tpu.memory_space<vmem_shared>>
      tpu.wait_indirect_dma semaphore(%arg13 : memref<!tpu.dma_semaphore, #tpu.memory_space<semaphore_mem>>) src(%arg9 : memref<128x2xf32, #tpu.memory_space<vmem>>) dst(%dma_wait3A_228 : memref<50048x2xf32, #tpu.memory_space<vmem_shared>>)
      %dma_wait3A_229 = arith.constant 7 : i32
      %dma_wait3A_230 = arith.constant 0 : i32
      %dma_wait3A_231 = tpu.memref_slice %arg7[%dma_wait3A_229, %dma_wait3A_230] : memref<8x128xi32, #tpu.memory_space<vmem>> -> memref<1x128xi32, #tpu.memory_space<vmem>>
      %dma_wait3A_232 = tpu.memref_squeeze %dma_wait3A_231 : memref<1x128xi32, #tpu.memory_space<vmem>> -> memref<128xi32, #tpu.memory_space<vmem>>
      %dma_wait3A_233 = arith.constant 0 : i32
      %dma_wait3A_234 = arith.constant 0 : i32
      %dma_wait3A_235 = tpu.memref_slice %arg10[%dma_wait3A_233, %dma_wait3A_234] : memref<50048x2xf32, #tpu.memory_space<vmem_shared>> -> memref<50048x2xf32, #tpu.memory_space<vmem_shared>>
      tpu.wait_indirect_dma semaphore(%arg12 : memref<!tpu.dma_semaphore, #tpu.memory_space<semaphore_mem>>) src(%dma_wait3A_235 : memref<50048x2xf32, #tpu.memory_space<vmem_shared>>) dst(%arg9 : memref<128x2xf32, #tpu.memory_space<vmem>>)
      %dma_wait3A_236 = arith.constant 7 : i32
      %dma_wait3A_237 = arith.constant 0 : i32
      %dma_wait3A_238 = tpu.memref_slice %arg8[%dma_wait3A_236, %dma_wait3A_237] : memref<8x128xi32, #tpu.memory_space<vmem>> -> memref<1x128xi32, #tpu.memory_space<vmem>>
      %dma_wait3A_239 = tpu.memref_squeeze %dma_wait3A_238 : memref<1x128xi32, #tpu.memory_space<vmem>> -> memref<128xi32, #tpu.memory_space<vmem>>
      %dma_wait3A_240 = arith.constant 0 : i32
      %dma_wait3A_241 = arith.constant 0 : i32
      %dma_wait3A_242 = tpu.memref_slice %arg11[%dma_wait3A_240, %dma_wait3A_241] : memref<50048x2xf32, #tpu.memory_space<vmem_shared>> -> memref<50048x2xf32, #tpu.memory_space<vmem_shared>>
      tpu.wait_indirect_dma semaphore(%arg13 : memref<!tpu.dma_semaphore, #tpu.memory_space<semaphore_mem>>) src(%arg9 : memref<128x2xf32, #tpu.memory_space<vmem>>) dst(%dma_wait3A_242 : memref<50048x2xf32, #tpu.memory_space<vmem_shared>>)
    }
    %barrier3A_16 = arith.constant 0 : index
    tpu.barrier barrier_id(%barrier3A_16)
    "tpu.region"() ({
      %run_scoped3A = tpu.sem_alloc : memref<!tpu.dma_semaphore, #tpu.memory_space<semaphore_mem>>
      %dma_start3A = arith.constant 0 : i32
      %dma_start3A_17 = tpu.memref_slice %arg6[%arg0, %mul3A_2, %dma_start3A] : memref<2x50048x2xf32, #tpu.memory_space<hbm>> -> memref<1x3128x2xf32, #tpu.memory_space<hbm>>
      %dma_start3A_18 = tpu.memref_squeeze %dma_start3A_17 : memref<1x3128x2xf32, #tpu.memory_space<hbm>> -> memref<3128x2xf32, #tpu.memory_space<hbm>>
      %dma_start3A_19 = arith.constant 0 : i32
      %dma_start3A_20 = tpu.memref_slice %arg11[%mul3A_2, %dma_start3A_19] : memref<50048x2xf32, #tpu.memory_space<vmem_shared>> -> memref<3128x2xf32, #tpu.memory_space<vmem_shared>>
      tpu.enqueue_dma source(%dma_start3A_20 : memref<3128x2xf32, #tpu.memory_space<vmem_shared>>) target(%dma_start3A_18 : memref<3128x2xf32, #tpu.memory_space<hbm>>) target_semaphore(%run_scoped3A : memref<!tpu.dma_semaphore, #tpu.memory_space<semaphore_mem>>)
      %dma_wait3A = arith.constant 0 : i32
      %dma_wait3A_21 = tpu.memref_slice %arg6[%arg0, %mul3A_2, %dma_wait3A] : memref<2x50048x2xf32, #tpu.memory_space<hbm>> -> memref<1x3128x2xf32, #tpu.memory_space<hbm>>
      %dma_wait3A_22 = tpu.memref_squeeze %dma_wait3A_21 : memref<1x3128x2xf32, #tpu.memory_space<hbm>> -> memref<3128x2xf32, #tpu.memory_space<hbm>>
      %dma_wait3A_23 = arith.constant 0 : i32
      %dma_wait3A_24 = tpu.memref_slice %arg11[%mul3A_2, %dma_wait3A_23] : memref<50048x2xf32, #tpu.memory_space<vmem_shared>> -> memref<3128x2xf32, #tpu.memory_space<vmem_shared>>
      tpu.wait_dma2 semaphore(%run_scoped3A : memref<!tpu.dma_semaphore, #tpu.memory_space<semaphore_mem>>) src(%dma_wait3A_24 : memref<3128x2xf32, #tpu.memory_space<vmem_shared>>) dst(%dma_wait3A_22 : memref<3128x2xf32, #tpu.memory_space<hbm>>)
      tpu.yield
    }) : () -> ()
    return
  }
}

module attributes {stable_mosaic.version = 14 : i64} {
  func.func @_t0_body(%arg0: i32, %arg1: memref<2x3128x1xf32, #tpu.memory_space<vmem>>, %arg2: memref<3128x4xf32, #tpu.memory_space<vmem>>, %arg3: memref<3128x1xf32, #tpu.memory_space<vmem>>, %arg4: memref<3128x4xf32, #tpu.memory_space<vmem>>) attributes {dimension_semantics = [#tpu.dimension_semantics<arbitrary>], iteration_bounds = array<i64: 16>, scalar_prefetch = 0 : i64, scratch_operands = 0 : i64, tpu.core_type = #tpu.core_type<tc>, window_params = [{transform_indices = @transform_0, window_bounds = array<i64: 2, 3128, 1>}, {transform_indices = @transform_1, window_bounds = array<i64: 3128, 4>}, {transform_indices = @transform_2, window_bounds = array<i64: 3128, 1>}, {transform_indices = @transform_3, window_bounds = array<i64: 3128, 4>}]} {
    %get3A = arith.constant 0 : index
    %get3A_0 = arith.constant 0 : index
    %get3A_1 = arith.constant 0 : index
    %get3A_2 = vector.load %arg1[%get3A, %get3A_0, %get3A_1] : memref<2x3128x1xf32, #tpu.memory_space<vmem>>, vector<1x3128x1xf32>
    %get3A_3 = vector.shape_cast %get3A_2 : vector<1x3128x1xf32> to vector<3128x1xf32>
    %get3A_4 = arith.constant 1 : index
    %get3A_5 = arith.constant 0 : index
    %get3A_6 = arith.constant 0 : index
    %get3A_7 = vector.load %arg1[%get3A_4, %get3A_5, %get3A_6] : memref<2x3128x1xf32, #tpu.memory_space<vmem>>, vector<1x3128x1xf32>
    %get3A_8 = vector.shape_cast %get3A_7 : vector<1x3128x1xf32> to vector<3128x1xf32>
    %add3A = arith.addf %get3A_3, %get3A_8 : vector<3128x1xf32>
    %add3A_9 = arith.constant 1.000000e+00 : f32
    %add3A_10 = vector.broadcast %add3A_9 : f32 to vector<3128x1xf32>
    %add3A_11 = arith.addf %add3A, %add3A_10 : vector<3128x1xf32>
    %rsqrt3A = math.rsqrt %add3A_11 : vector<3128x1xf32>
    %swap3A = arith.constant 0 : index
    %swap3A_12 = arith.constant 0 : index
    %swap3A_13 = vector.load %arg3[%swap3A, %swap3A_12] : memref<3128x1xf32, #tpu.memory_space<vmem>>, vector<3128x1xf32>
    tpu.vector_store %arg3[%swap3A, %swap3A_12], %rsqrt3A {strides = array<i32>} : memref<3128x1xf32, #tpu.memory_space<vmem>>, vector<3128x1xf32>,
    %get3A_14 = arith.constant 0 : index
    %get3A_15 = arith.constant 0 : index
    %get3A_16 = vector.load %arg2[%get3A_14, %get3A_15] : memref<3128x4xf32, #tpu.memory_space<vmem>>, vector<3128x4xf32>
    %mul3A = vector.broadcast %rsqrt3A : vector<3128x1xf32> to vector<3128x4xf32>
    %mul3A_17 = arith.mulf %get3A_16, %mul3A : vector<3128x4xf32>
    %swap3A_18 = arith.constant 0 : index
    %swap3A_19 = arith.constant 0 : index
    %swap3A_20 = vector.load %arg4[%swap3A_18, %swap3A_19] : memref<3128x4xf32, #tpu.memory_space<vmem>>, vector<3128x4xf32>
    tpu.vector_store %arg4[%swap3A_18, %swap3A_19], %mul3A_17 {strides = array<i32>} : memref<3128x4xf32, #tpu.memory_space<vmem>>, vector<3128x4xf32>,
    return
  }
  func.func @transform_0(%arg0: i32) -> (i32, i32, i32) {
    %c0_i32 = arith.constant 0 : i32
    %c0_i32_0 = arith.constant 0 : i32
    %c0_i32_1 = arith.constant 0 : i32
    return %c0_i32, %arg0, %c0_i32_0 : i32, i32, i32
  }
  func.func @transform_1(%arg0: i32) -> (i32, i32) {
    %c0_i32 = arith.constant 0 : i32
    %c0_i32_0 = arith.constant 0 : i32
    return %arg0, %c0_i32 : i32, i32
  }
  func.func @transform_2(%arg0: i32) -> (i32, i32) {
    %c0_i32 = arith.constant 0 : i32
    %c0_i32_0 = arith.constant 0 : i32
    return %arg0, %c0_i32 : i32, i32
  }
  func.func @transform_3(%arg0: i32) -> (i32, i32) {
    %c0_i32 = arith.constant 0 : i32
    %c0_i32_0 = arith.constant 0 : i32
    return %arg0, %c0_i32 : i32, i32
  }
}

module attributes {stable_mosaic.version = 14 : i64} {
  func.func @_t1_body(%arg0: i32, %arg1: memref<2x3128x4xf32, #tpu.memory_space<vmem>>, %arg2: memref<3128x4xf32, #tpu.memory_space<vmem>>, %arg3: memref<3128x1xf32, #tpu.memory_space<vmem>>, %arg4: memref<4x16xf32, #tpu.memory_space<vmem>>, %arg5: memref<1x16xf32, #tpu.memory_space<vmem>>, %arg6: memref<16x8xf32, #tpu.memory_space<vmem>>, %arg7: memref<3128x8xf32, #tpu.memory_space<vmem>>) attributes {dimension_semantics = [#tpu.dimension_semantics<arbitrary>], iteration_bounds = array<i64: 16>, scalar_prefetch = 0 : i64, scratch_operands = 0 : i64, tpu.core_type = #tpu.core_type<tc>, window_params = [{transform_indices = @transform_0, window_bounds = array<i64: 2, 3128, 4>}, {transform_indices = @transform_1, window_bounds = array<i64: 3128, 4>}, {transform_indices = @transform_2, window_bounds = array<i64: 3128, 1>}, {pipeline_mode = #tpu.pipeline_mode<synchronous>, transform_indices = @transform_3, window_bounds = array<i64: 4, 16>}, {pipeline_mode = #tpu.pipeline_mode<synchronous>, transform_indices = @transform_4, window_bounds = array<i64: 1, 16>}, {pipeline_mode = #tpu.pipeline_mode<synchronous>, transform_indices = @transform_5, window_bounds = array<i64: 16, 8>}, {transform_indices = @transform_6, window_bounds = array<i64: 3128, 8>}]} {
    %get3A = arith.constant 0 : index
    %get3A_0 = arith.constant 0 : index
    %get3A_1 = vector.load %arg3[%get3A, %get3A_0] : memref<3128x1xf32, #tpu.memory_space<vmem>>, vector<3128x1xf32>
    %get3A_2 = arith.constant 0 : index
    %get3A_3 = arith.constant 0 : index
    %get3A_4 = arith.constant 0 : index
    %get3A_5 = vector.load %arg1[%get3A_2, %get3A_3, %get3A_4] : memref<2x3128x4xf32, #tpu.memory_space<vmem>>, vector<1x3128x4xf32>
    %get3A_6 = vector.shape_cast %get3A_5 : vector<1x3128x4xf32> to vector<3128x4xf32>
    %get3A_7 = arith.constant 1 : index
    %get3A_8 = arith.constant 0 : index
    %get3A_9 = arith.constant 0 : index
    %get3A_10 = vector.load %arg1[%get3A_7, %get3A_8, %get3A_9] : memref<2x3128x4xf32, #tpu.memory_space<vmem>>, vector<1x3128x4xf32>
    %get3A_11 = vector.shape_cast %get3A_10 : vector<1x3128x4xf32> to vector<3128x4xf32>
    %add3A = arith.addf %get3A_6, %get3A_11 : vector<3128x4xf32>
    %get3A_12 = arith.constant 0 : index
    %get3A_13 = arith.constant 0 : index
    %get3A_14 = vector.load %arg2[%get3A_12, %get3A_13] : memref<3128x4xf32, #tpu.memory_space<vmem>>, vector<3128x4xf32>
    %add3A_15 = arith.addf %add3A, %get3A_14 : vector<3128x4xf32>
    %mul3A = vector.broadcast %get3A_1 : vector<3128x1xf32> to vector<3128x4xf32>
    %mul3A_16 = arith.mulf %add3A_15, %mul3A : vector<3128x4xf32>
    %get3A_17 = arith.constant 0 : index
    %get3A_18 = arith.constant 0 : index
    %get3A_19 = vector.load %arg4[%get3A_17, %get3A_18] : memref<4x16xf32, #tpu.memory_space<vmem>>, vector<4x16xf32>
    %dot_general3A = arith.constant dense<0.000000e+00> : vector<3128x16xf32>
    %dot_general3A_20 = tpu.matmul %mul3A_16, %get3A_19, %dot_general3A {dimension_numbers = #tpu.dot_dimension_numbers<[1], [0], [0], [1], [0, 0, 1, 1], [], []>, transpose_lhs_hint = false} : vector<3128x4xf32>, vector<4x16xf32>, vector<3128x16xf32> -> vector<3128x16xf32>
    %get3A_21 = arith.constant 0 : index
    %get3A_22 = arith.constant 0 : index
    %get3A_23 = vector.load %arg5[%get3A_21, %get3A_22] : memref<1x16xf32, #tpu.memory_space<vmem>>, vector<1x16xf32>
    %add3A_24 = vector.broadcast %get3A_23 : vector<1x16xf32> to vector<3128x16xf32>
    %add3A_25 = arith.addf %dot_general3A_20, %add3A_24 : vector<3128x16xf32>
    %max3A = arith.constant 0.000000e+00 : f32
    %max3A_26 = vector.broadcast %max3A : f32 to vector<3128x16xf32>
    %max3A_27 = arith.maximumf %add3A_25, %max3A_26 : vector<3128x16xf32>
    %get3A_28 = arith.constant 0 : index
    %get3A_29 = arith.constant 0 : index
    %get3A_30 = vector.load %arg6[%get3A_28, %get3A_29] : memref<16x8xf32, #tpu.memory_space<vmem>>, vector<16x8xf32>
    %dot_general3A_31 = arith.constant dense<0.000000e+00> : vector<3128x8xf32>
    %dot_general3A_32 = tpu.matmul %max3A_27, %get3A_30, %dot_general3A_31 {dimension_numbers = #tpu.dot_dimension_numbers<[1], [0], [0], [1], [0, 0, 1, 1], [], []>, transpose_lhs_hint = false} : vector<3128x16xf32>, vector<16x8xf32>, vector<3128x8xf32> -> vector<3128x8xf32>
    %mul3A_33 = vector.broadcast %get3A_1 : vector<3128x1xf32> to vector<3128x8xf32>
    %mul3A_34 = arith.mulf %dot_general3A_32, %mul3A_33 : vector<3128x8xf32>
    %swap3A = arith.constant 0 : index
    %swap3A_35 = arith.constant 0 : index
    %swap3A_36 = vector.load %arg7[%swap3A, %swap3A_35] : memref<3128x8xf32, #tpu.memory_space<vmem>>, vector<3128x8xf32>
    tpu.vector_store %arg7[%swap3A, %swap3A_35], %mul3A_34 {strides = array<i32>} : memref<3128x8xf32, #tpu.memory_space<vmem>>, vector<3128x8xf32>,
    return
  }
  func.func @transform_0(%arg0: i32) -> (i32, i32, i32) {
    %c0_i32 = arith.constant 0 : i32
    %c0_i32_0 = arith.constant 0 : i32
    %c0_i32_1 = arith.constant 0 : i32
    return %c0_i32, %arg0, %c0_i32_0 : i32, i32, i32
  }
  func.func @transform_1(%arg0: i32) -> (i32, i32) {
    %c0_i32 = arith.constant 0 : i32
    %c0_i32_0 = arith.constant 0 : i32
    return %arg0, %c0_i32 : i32, i32
  }
  func.func @transform_2(%arg0: i32) -> (i32, i32) {
    %c0_i32 = arith.constant 0 : i32
    %c0_i32_0 = arith.constant 0 : i32
    return %arg0, %c0_i32 : i32, i32
  }
  func.func @transform_3(%arg0: i32) -> (i32, i32) {
    %c0_i32 = arith.constant 0 : i32
    %c0_i32_0 = arith.constant 0 : i32
    %c0_i32_1 = arith.constant 0 : i32
    return %c0_i32, %c0_i32_0 : i32, i32
  }
  func.func @transform_4(%arg0: i32) -> (i32, i32) {
    %c0_i32 = arith.constant 0 : i32
    %c0_i32_0 = arith.constant 0 : i32
    %c0_i32_1 = arith.constant 0 : i32
    return %c0_i32, %c0_i32_0 : i32, i32
  }
  func.func @transform_5(%arg0: i32) -> (i32, i32) {
    %c0_i32 = arith.constant 0 : i32
    %c0_i32_0 = arith.constant 0 : i32
    %c0_i32_1 = arith.constant 0 : i32
    return %c0_i32, %c0_i32_0 : i32, i32
  }
  func.func @transform_6(%arg0: i32) -> (i32, i32) {
    %c0_i32 = arith.constant 0 : i32
    %c0_i32_0 = arith.constant 0 : i32
    return %arg0, %c0_i32 : i32, i32
  }
}

module attributes {stable_mosaic.version = 14 : i64} {
  func.func @_t2_body(%arg0: i32, %arg1: memref<2x3128x8xf32, #tpu.memory_space<vmem>>, %arg2: memref<3128x8xf32, #tpu.memory_space<vmem>>, %arg3: memref<3128x1xf32, #tpu.memory_space<vmem>>, %arg4: memref<1x8xf32, #tpu.memory_space<vmem>>, %arg5: memref<8x2xf32, #tpu.memory_space<vmem>>, %arg6: memref<3128x2xf32, #tpu.memory_space<vmem>>) attributes {dimension_semantics = [#tpu.dimension_semantics<arbitrary>], iteration_bounds = array<i64: 16>, scalar_prefetch = 0 : i64, scratch_operands = 0 : i64, tpu.core_type = #tpu.core_type<tc>, window_params = [{transform_indices = @transform_0, window_bounds = array<i64: 2, 3128, 8>}, {transform_indices = @transform_1, window_bounds = array<i64: 3128, 8>}, {transform_indices = @transform_2, window_bounds = array<i64: 3128, 1>}, {pipeline_mode = #tpu.pipeline_mode<synchronous>, transform_indices = @transform_3, window_bounds = array<i64: 1, 8>}, {pipeline_mode = #tpu.pipeline_mode<synchronous>, transform_indices = @transform_4, window_bounds = array<i64: 8, 2>}, {transform_indices = @transform_5, window_bounds = array<i64: 3128, 2>}]} {
    %get3A = arith.constant 0 : index
    %get3A_0 = arith.constant 0 : index
    %get3A_1 = vector.load %arg3[%get3A, %get3A_0] : memref<3128x1xf32, #tpu.memory_space<vmem>>, vector<3128x1xf32>
    %get3A_2 = arith.constant 0 : index
    %get3A_3 = arith.constant 0 : index
    %get3A_4 = arith.constant 0 : index
    %get3A_5 = vector.load %arg1[%get3A_2, %get3A_3, %get3A_4] : memref<2x3128x8xf32, #tpu.memory_space<vmem>>, vector<1x3128x8xf32>
    %get3A_6 = vector.shape_cast %get3A_5 : vector<1x3128x8xf32> to vector<3128x8xf32>
    %get3A_7 = arith.constant 1 : index
    %get3A_8 = arith.constant 0 : index
    %get3A_9 = arith.constant 0 : index
    %get3A_10 = vector.load %arg1[%get3A_7, %get3A_8, %get3A_9] : memref<2x3128x8xf32, #tpu.memory_space<vmem>>, vector<1x3128x8xf32>
    %get3A_11 = vector.shape_cast %get3A_10 : vector<1x3128x8xf32> to vector<3128x8xf32>
    %add3A = arith.addf %get3A_6, %get3A_11 : vector<3128x8xf32>
    %get3A_12 = arith.constant 0 : index
    %get3A_13 = arith.constant 0 : index
    %get3A_14 = vector.load %arg2[%get3A_12, %get3A_13] : memref<3128x8xf32, #tpu.memory_space<vmem>>, vector<3128x8xf32>
    %add3A_15 = arith.addf %add3A, %get3A_14 : vector<3128x8xf32>
    %mul3A = vector.broadcast %get3A_1 : vector<3128x1xf32> to vector<3128x8xf32>
    %mul3A_16 = arith.mulf %add3A_15, %mul3A : vector<3128x8xf32>
    %get3A_17 = arith.constant 0 : index
    %get3A_18 = arith.constant 0 : index
    %get3A_19 = vector.load %arg4[%get3A_17, %get3A_18] : memref<1x8xf32, #tpu.memory_space<vmem>>, vector<1x8xf32>
    %add3A_20 = vector.broadcast %get3A_19 : vector<1x8xf32> to vector<3128x8xf32>
    %add3A_21 = arith.addf %mul3A_16, %add3A_20 : vector<3128x8xf32>
    %max3A = arith.constant 0.000000e+00 : f32
    %max3A_22 = vector.broadcast %max3A : f32 to vector<3128x8xf32>
    %max3A_23 = arith.maximumf %add3A_21, %max3A_22 : vector<3128x8xf32>
    %get3A_24 = arith.constant 0 : index
    %get3A_25 = arith.constant 0 : index
    %get3A_26 = vector.load %arg5[%get3A_24, %get3A_25] : memref<8x2xf32, #tpu.memory_space<vmem>>, vector<8x2xf32>
    %dot_general3A = arith.constant dense<0.000000e+00> : vector<3128x2xf32>
    %dot_general3A_27 = tpu.matmul %max3A_23, %get3A_26, %dot_general3A {dimension_numbers = #tpu.dot_dimension_numbers<[1], [0], [0], [1], [0, 0, 1, 1], [], []>, transpose_lhs_hint = false} : vector<3128x8xf32>, vector<8x2xf32>, vector<3128x2xf32> -> vector<3128x2xf32>
    %mul3A_28 = vector.broadcast %get3A_1 : vector<3128x1xf32> to vector<3128x2xf32>
    %mul3A_29 = arith.mulf %dot_general3A_27, %mul3A_28 : vector<3128x2xf32>
    %swap3A = arith.constant 0 : index
    %swap3A_30 = arith.constant 0 : index
    %swap3A_31 = vector.load %arg6[%swap3A, %swap3A_30] : memref<3128x2xf32, #tpu.memory_space<vmem>>, vector<3128x2xf32>
    tpu.vector_store %arg6[%swap3A, %swap3A_30], %mul3A_29 {strides = array<i32>} : memref<3128x2xf32, #tpu.memory_space<vmem>>, vector<3128x2xf32>,
    return
  }
  func.func @transform_0(%arg0: i32) -> (i32, i32, i32) {
    %c0_i32 = arith.constant 0 : i32
    %c0_i32_0 = arith.constant 0 : i32
    %c0_i32_1 = arith.constant 0 : i32
    return %c0_i32, %arg0, %c0_i32_0 : i32, i32, i32
  }
  func.func @transform_1(%arg0: i32) -> (i32, i32) {
    %c0_i32 = arith.constant 0 : i32
    %c0_i32_0 = arith.constant 0 : i32
    return %arg0, %c0_i32 : i32, i32
  }
  func.func @transform_2(%arg0: i32) -> (i32, i32) {
    %c0_i32 = arith.constant 0 : i32
    %c0_i32_0 = arith.constant 0 : i32
    return %arg0, %c0_i32 : i32, i32
  }
  func.func @transform_3(%arg0: i32) -> (i32, i32) {
    %c0_i32 = arith.constant 0 : i32
    %c0_i32_0 = arith.constant 0 : i32
    %c0_i32_1 = arith.constant 0 : i32
    return %c0_i32, %c0_i32_0 : i32, i32
  }
  func.func @transform_4(%arg0: i32) -> (i32, i32) {
    %c0_i32 = arith.constant 0 : i32
    %c0_i32_0 = arith.constant 0 : i32
    %c0_i32_1 = arith.constant 0 : i32
    return %c0_i32, %c0_i32_0 : i32, i32
  }
  func.func @transform_5(%arg0: i32) -> (i32, i32) {
    %c0_i32 = arith.constant 0 : i32
    %c0_i32_0 = arith.constant 0 : i32
    return %arg0, %c0_i32 : i32, i32
  }
}

module attributes {stable_mosaic.version = 14 : i64} {
  func.func @_t3_body(%arg0: i32, %arg1: memref<2x3128x2xf32, #tpu.memory_space<vmem>>, %arg2: memref<3128x2xf32, #tpu.memory_space<vmem>>, %arg3: memref<3128x1xf32, #tpu.memory_space<vmem>>, %arg4: memref<1x2xf32, #tpu.memory_space<vmem>>, %arg5: memref<3128x2xf32, #tpu.memory_space<vmem>>) attributes {dimension_semantics = [#tpu.dimension_semantics<arbitrary>], iteration_bounds = array<i64: 16>, scalar_prefetch = 0 : i64, scratch_operands = 0 : i64, tpu.core_type = #tpu.core_type<tc>, window_params = [{transform_indices = @transform_0, window_bounds = array<i64: 2, 3128, 2>}, {transform_indices = @transform_1, window_bounds = array<i64: 3128, 2>}, {transform_indices = @transform_2, window_bounds = array<i64: 3128, 1>}, {pipeline_mode = #tpu.pipeline_mode<synchronous>, transform_indices = @transform_3, window_bounds = array<i64: 1, 2>}, {transform_indices = @transform_4, window_bounds = array<i64: 3128, 2>}]} {
    %get3A = arith.constant 0 : index
    %get3A_0 = arith.constant 0 : index
    %get3A_1 = arith.constant 0 : index
    %get3A_2 = vector.load %arg1[%get3A, %get3A_0, %get3A_1] : memref<2x3128x2xf32, #tpu.memory_space<vmem>>, vector<1x3128x2xf32>
    %get3A_3 = vector.shape_cast %get3A_2 : vector<1x3128x2xf32> to vector<3128x2xf32>
    %get3A_4 = arith.constant 1 : index
    %get3A_5 = arith.constant 0 : index
    %get3A_6 = arith.constant 0 : index
    %get3A_7 = vector.load %arg1[%get3A_4, %get3A_5, %get3A_6] : memref<2x3128x2xf32, #tpu.memory_space<vmem>>, vector<1x3128x2xf32>
    %get3A_8 = vector.shape_cast %get3A_7 : vector<1x3128x2xf32> to vector<3128x2xf32>
    %add3A = arith.addf %get3A_3, %get3A_8 : vector<3128x2xf32>
    %get3A_9 = arith.constant 0 : index
    %get3A_10 = arith.constant 0 : index
    %get3A_11 = vector.load %arg2[%get3A_9, %get3A_10] : memref<3128x2xf32, #tpu.memory_space<vmem>>, vector<3128x2xf32>
    %add3A_12 = arith.addf %add3A, %get3A_11 : vector<3128x2xf32>
    %get3A_13 = arith.constant 0 : index
    %get3A_14 = arith.constant 0 : index
    %get3A_15 = vector.load %arg3[%get3A_13, %get3A_14] : memref<3128x1xf32, #tpu.memory_space<vmem>>, vector<3128x1xf32>
    %mul3A = vector.broadcast %get3A_15 : vector<3128x1xf32> to vector<3128x2xf32>
    %mul3A_16 = arith.mulf %add3A_12, %mul3A : vector<3128x2xf32>
    %get3A_17 = arith.constant 0 : index
    %get3A_18 = arith.constant 0 : index
    %get3A_19 = vector.load %arg4[%get3A_17, %get3A_18] : memref<1x2xf32, #tpu.memory_space<vmem>>, vector<1x2xf32>
    %add3A_20 = vector.broadcast %get3A_19 : vector<1x2xf32> to vector<3128x2xf32>
    %add3A_21 = arith.addf %mul3A_16, %add3A_20 : vector<3128x2xf32>
    %reduce_max3A = arith.constant dense<0xFF800000> : vector<3128xf32>
    %reduce_max3A_22 = vector.multi_reduction <maximumf>, %add3A_21, %reduce_max3A [1] : vector<3128x2xf32> to vector<3128xf32>
    %broadcast_in_dim3A = vector.shape_cast %reduce_max3A_22 : vector<3128xf32> to vector<3128x1xf32>
    %sub3A = vector.broadcast %broadcast_in_dim3A : vector<3128x1xf32> to vector<3128x2xf32>
    %sub3A_23 = arith.subf %add3A_21, %sub3A : vector<3128x2xf32>
    %exp3A = math.exp %sub3A_23 : vector<3128x2xf32>
    %reduce_sum3A = arith.constant dense<0.000000e+00> : vector<3128xf32>
    %reduce_sum3A_24 = vector.multi_reduction <add>, %exp3A, %reduce_sum3A [1] : vector<3128x2xf32> to vector<3128xf32>
    %broadcast_in_dim3A_25 = vector.shape_cast %reduce_sum3A_24 : vector<3128xf32> to vector<3128x1xf32>
    %log3A = math.log %broadcast_in_dim3A_25 : vector<3128x1xf32>
    %add3A_26 = arith.addf %broadcast_in_dim3A, %log3A : vector<3128x1xf32>
    %sub3A_27 = vector.broadcast %add3A_26 : vector<3128x1xf32> to vector<3128x2xf32>
    %sub3A_28 = arith.subf %add3A_21, %sub3A_27 : vector<3128x2xf32>
    %swap3A = arith.constant 0 : index
    %swap3A_29 = arith.constant 0 : index
    %swap3A_30 = vector.load %arg5[%swap3A, %swap3A_29] : memref<3128x2xf32, #tpu.memory_space<vmem>>, vector<3128x2xf32>
    tpu.vector_store %arg5[%swap3A, %swap3A_29], %sub3A_28 {strides = array<i32>} : memref<3128x2xf32, #tpu.memory_space<vmem>>, vector<3128x2xf32>,
    return
  }
  func.func @transform_0(%arg0: i32) -> (i32, i32, i32) {
    %c0_i32 = arith.constant 0 : i32
    %c0_i32_0 = arith.constant 0 : i32
    %c0_i32_1 = arith.constant 0 : i32
    return %c0_i32, %arg0, %c0_i32_0 : i32, i32, i32
  }
  func.func @transform_1(%arg0: i32) -> (i32, i32) {
    %c0_i32 = arith.constant 0 : i32
    %c0_i32_0 = arith.constant 0 : i32
    return %arg0, %c0_i32 : i32, i32
  }
  func.func @transform_2(%arg0: i32) -> (i32, i32) {
    %c0_i32 = arith.constant 0 : i32
    %c0_i32_0 = arith.constant 0 : i32
    return %arg0, %c0_i32 : i32, i32
  }
  func.func @transform_3(%arg0: i32) -> (i32, i32) {
    %c0_i32 = arith.constant 0 : i32
    %c0_i32_0 = arith.constant 0 : i32
    %c0_i32_1 = arith.constant 0 : i32
    return %c0_i32, %c0_i32_0 : i32, i32
  }
  func.func @transform_4(%arg0: i32) -> (i32, i32) {
    %c0_i32 = arith.constant 0 : i32
    %c0_i32_0 = arith.constant 0 : i32
    return %arg0, %c0_i32 : i32, i32
  }
}

</mosaic_0001>

<sc_bundles>
// kernel: kernel.10.cloned.1.call-start
scs
__scs_entry_jumppad:
0x0: {  	(pc) =	sbr.rel $0x88, $3  }
0x1: {  	(tag) =	ssettag $0x0;
	lr =	simm.s32 $0x1  }
0x2: {  	[smem:$0x3F99] =	sst lr;
	_ =	strace $0xD0000000  }
0x3: {  	_ = 	snop  }
0x4: {  	_ = 	snop  }
0x5: {  	_ = 	snop  }
0x6: {  	_ = 	snop  }
0x7: {  	_ = 	snop  }
__scs_overlays_trampoline_lowered:
0x8: {  	[smem:$0x3FA8] =	sst s0  }
0x9: {  	[smem:$0x3FA9] =	sst s1  }
0xa: {  	[smem:$0x3FAA] =	sst s2  }
0xb: {  	[smem:$0x3FAB] =	sst s3  }
0xc: {  	[smem:$0x3FAC] =	sst s4  }
0xd: {  	[smem:$0x3FAD] =	sst s5  }
0xe: {  	[smem:$0x3FAE] =	sst s6  }
0xf: {  	[smem:$0x3FAF] =	sst s7  }
0x10: {  	[smem:$0x3FB0] =	sst s8  }
0x11: {  	[smem:$0x3FB1] =	sst s9;
	s0 =	simm.s32 @!p0 $0x0  }
0x12: {  	s1 =	sld [smem:$0x3F97];
	s0 =	simm.s32 @p0 $0x1  }
0x13: {  	[smem:$0x3FB2] =	sst s0;
	s0 =	simm.s32 @!p1 $0x0  }
0x14: {  	s2 =	sld [smem:$0x3F96];
	s0 =	simm.s32 @p1 $0x1  }
0x15: {  	[smem:$0x3FB3] =	sst s0;
	s0 =	simm.s32 @!p2 $0x0  }
0x16: {  	s3 =	sld [smem:$0x3FDB];
	s0 =	simm.s32 @p2 $0x1  }
0x17: {  	s4 =	simm.s32 $0x1BF5;
	[smem:$0x3FB5] =	sst s0  }
0x18: {  	s0 =	sld [smem:$0x3F98];
	_ =	swait.ge [sflag:s4], $0x0  }
0x19: {  	s7 =	sld [smem:$0x3F99]  }
0x1a: {  	s8 =	sadd.s32 $0xFFFFE003, lr  }
0x1b: {  	s9 =	sadd.s32 $0xFFFFFEF7, lr;
	s5 =	simm.s32 $0xFFFFFFFF;
	p2 =	slt.u32 s8, $0xFFFFF086  }
0x1c: {  	p1 =	slt.u32 s9, $0xF7A;
	s5 =	simm.s32 @!p2 $0x0  }
0x1d: {  	s5 =	simm.s32 @p1 $0x1;
	p0 =	seq.s32 s7, s2  }
0x1e: {  	s7 =	smul.u32 @!p0 $0xF7A, s2;
	p2 =	seq.s32 @!p0 s5, $0x0  }
0x1f: {  	s9 =	smul.u32 $0xF7A, s1;
	s8 =	simm.s32 @!p0 $0x1BF5;
	p2 =	por !p2, p0  }
0x20: {  	[sflag:s8] =	ssyncset.s32 @!p0 $0xFFFFF086;
	s6 =	sadd.s32 @!p0 s3, s7;
	s7 =	simm.s32 @!p0 $0x108  }
0x21: {  	s3 =	sadd.s32 s3, s9;
	s6 =	sadd.s32 @!p0 $0x88, s6;
	s7 =	simm.s32 @p2 $0x1082  }
0x22: {  	[simem:s7], [sflag:s8] =	dma.local @!p0 [hbm:s6], $0xF7A  }
0x23: {  	s9 =	sor.u32 $0xD0000000, s2;
	s6 =	simm.s32 $0x108;
	_ =	swait.ge @!p0 [sflag:s8], $0x0  }
0x24: {  	s3 =	sadd.s32 $0x88, s3;
	s6 =	simm.s32 @!p1 $0x1082;
	[sflag:s4] =	ssyncset.s32 $0xFFFFF086  }
0x25: {  	[simem:s6], [sflag:s4] =	dma.local [hbm:s3], $0xF7A  }
0x26: {  	[smem:$0x3F99] =	sst s1;
	(tag) =	ssettag s2;
	_ =	strace s9  }
0x27: {  	s1 =	sld [smem:$0x3FA9]  }
0x28: {  	s2 =	sld [smem:$0x3FAA]  }
0x29: {  	s4 =	sld [smem:$0x3FAC]  }
0x2a: {  	p0 =	seq.s32 s5, $0x0;
	s5 =	sld [smem:$0x3FAD]  }
0x2b: {  	s6 =	sld [smem:$0x3FAE]  }
0x2c: {  	s7 =	sld [smem:$0x3FAF]  }
0x2d: {  	s3 =	simm.s32 $0x108;
	s8 =	sld [smem:$0x3FB0]  }
0x2e: {  	s3 =	simm.s32 @!p0 $0x1082;
	s9 =	sld [smem:$0x3FB1]  }
0x2f: {  	lr =	sadd.s32 s0, s3;
	s0 =	sld [smem:$0x3FA8]  }
0x30: {  	s3 =	sld [smem:$0x3FAB]  }
0x31: {  	[smem:$0x3FB4] =	sst s10  }
0x32: {  	s10 =	sld [smem:$0x3FB2];
	_ =	sdelay $0x3  }
0x33: {  	p0 =	seq.s32 s10, $0x1;
	s10 =	sld [smem:$0x3FB4];
	_ =	sdelay $0x3  }
0x34: {  	[smem:$0x3FB4] =	sst s10  }
0x35: {  	s10 =	sld [smem:$0x3FB3];
	_ =	sdelay $0x3  }
0x36: {  	p1 =	seq.s32 s10, $0x1;
	s10 =	sld [smem:$0x3FB4];
	_ =	sdelay $0x3  }
0x37: {  	[smem:$0x3FB4] =	sst s10  }
0x38: {  	s10 =	sld [smem:$0x3FB5]  }
0x39: {  	_ = 	snop;
	(pc) =	sbr.ind lr, $3  }
0x3a: {  	_ = 	snop  }
0x3b: {  	_ = 	snop  }
0x3c: {  	p2 =	seq.s32 s10, $0x1;
	s10 =	sld [smem:$0x3FB4]  }
0x3d: {  	_ =	shalt  }
0x3e: {  	_ =	shalt  }
0x3f: {  	_ =	shalt  }
0x40: {  	_ =	shalt  }
0x41: {  	_ =	shalt  }
0x42: {  	_ =	shalt  }
0x43: {  	_ =	shalt  }
0x44: {  	_ =	shalt  }
0x45: {  	_ =	shalt  }
0x46: {  	_ =	shalt  }
0x47: {  	_ =	shalt  }
0x48: {  	_ =	shalt  }
0x49: {  	_ =	shalt  }
0x4a: {  	_ =	shalt  }
0x4b: {  	_ =	shalt  }
0x4c: {  	_ =	shalt  }
0x4d: {  	_ =	shalt  }
0x4e: {  	_ =	shalt  }
0x4f: {  	_ =	shalt  }
0x50: {  	_ =	shalt  }
0x51: {  	_ =	shalt  }
0x52: {  	_ =	shalt  }
0x53: {  	_ =	shalt  }
0x54: {  	_ =	shalt  }
0x55: {  	_ =	shalt  }
0x56: {  	_ =	shalt  }
0x57: {  	_ =	shalt  }
0x58: {  	_ =	shalt  }
0x59: {  	_ =	shalt  }
0x5a: {  	_ =	shalt  }
0x5b: {  	_ =	shalt  }
0x5c: {  	_ =	shalt  }
0x5d: {  	_ =	shalt  }
0x5e: {  	_ =	shalt  }
0x5f: {  	_ =	shalt  }
0x60: {  	_ =	shalt  }
0x61: {  	_ =	shalt  }
0x62: {  	_ =	shalt  }
0x63: {  	_ =	shalt  }
0x64: {  	_ =	shalt  }
0x65: {  	_ =	shalt  }
0x66: {  	_ =	shalt  }
0x67: {  	_ =	shalt  }
0x68: {  	_ =	shalt  }
0x69: {  	_ =	shalt  }
0x6a: {  	_ =	shalt  }
0x6b: {  	_ =	shalt  }
0x6c: {  	_ =	shalt  }
0x6d: {  	_ =	shalt  }
0x6e: {  	_ =	shalt  }
0x6f: {  	_ =	shalt  }
0x70: {  	_ =	shalt  }
0x71: {  	_ =	shalt  }
0x72: {  	_ =	shalt  }
0x73: {  	_ =	shalt  }
0x74: {  	_ =	shalt  }
0x75: {  	_ =	shalt  }
0x76: {  	_ =	shalt  }
0x77: {  	_ =	shalt  }
0x78: {  	_ =	shalt  }
0x79: {  	_ =	shalt  }
0x7a: {  	_ =	shalt  }
0x7b: {  	_ =	shalt  }
0x7c: {  	_ =	shalt  }
0x7d: {  	_ =	shalt  }
0x7e: {  	_ =	shalt  }
0x7f: {  	_ =	shalt  }
0x80: {  	_ =	shalt  }
0x81: {  	_ =	shalt  }
0x82: {  	_ =	shalt  }
0x83: {  	_ =	shalt  }
0x84: {  	_ =	shalt  }
0x85: {  	_ =	shalt  }
0x86: {  	_ =	shalt  }
0x87: {  	_ =	shalt  }
.Lfunc_end0:
.L_simem_size_0:
called_computation_lowered:
.L_overlay_start_0:
0x88: {  	s2 =	sld [smem:$0x3FD9]  }
0x89: {  	s3 =	sld [smem:$0x3FFE];
	_ =	sdelay $0x1  }
0x8a: {  	s1 =	srdreg.scid  }
0x8b: {  	s0 =	sand.u32 $0x1, s1  }
0x8c: {  	s17 =	sshll.u32 s0, $0xA;
	s2 =	sadd.s32 s3, s2  }
0x8d: {  	s2 =	sadd.s32 s2, s17  }
0x8e: {  	[smem:$0x3FC0] =	sst s2  }
0x8f: {  	_ = 	snop  }
0x90: {  	s2 =	sld [smem:$0x3FD0];
	(tm) =	ssettm $0x1  }
0x91: {  	s18 =	sld [smem:$0x3FFB];
	_ =	sdelay $0x3  }
0x92: {  	_ =	strace s18  }
0x93: {  	s3 =	sld [smem:$0x3FFC];
	_ =	sdelay $0x3  }
0x94: {  	_ =	strace s3  }
0x95: {  	s3 =	sld [smem:$0x3FFD];
	_ =	sdelay $0x3  }
0x96: {  	_ =	strace s3  }
0x97: {  	_ =	strace $0x8FFFFFFF  }
0x98: {  	s19 =	sld [smem:$0x3FDB];
	_ =	sdelay $0x1  }
0x99: {  	s4 =	simm.s32 $_scs_section_size  }
0x9a: {  	s5 =	simm.s32 $_size__tile_overlayer_lowered;
	s6 =	simm.s32 $_tile_overlayer_lowered  }
0x9b: {  	s22 =	simm.s32 $0x1BFF;
	s21 =	sshll.u32 s6, $0x1;
	s3 =	sadd.s32 s4, s19  }
0x9c: {  	s7 =	simm.s32 $0x0;
	s20 =	sshll.u32 s5, $0x1;
	s5 =	sadd.s32 s21, s3  }
0x9d: {  	[timem:s7], [sflag:s22] =	dma.local [hbm:s5], s20  }
0x9e: {  	_ =	swait.ge [sflag:s22], s20  }
0x9f: {  	s4 =	ssub.s32 $0x0, s20;
	[sflag:s22] =	ssyncset.done $0x0  }
0xa0: {  	[sflag:s22] =	ssyncadd.s32 s4;
	_ =	sdelay $0x1  }
0xa1: {  	s23 =	simm.s32 $0x1B8B  }
0xa2: {  	_ =	swait.ge [sflag:s23], $0x1  }
0xa3: {  	[sflag:s23] =	ssyncset.done $0x0  }
0xa4: {  	s25 =	simm.s32 $0x1B8E;
	s24 =	sld [smem:$0x3FFE];
	[sflag:s23] =	ssyncadd.s32 $0xFFFFFFFF  }
0xa5: {  	s26 =	simm.s32 $execute0_lowered;
	[smem:$0x3FD2] =	sst s25  }
0xa6: {  	s5 =	sshll.u32 s26, $0x1;
	_ =	strace $0x80000046;
	[dreg:$0x1] =	wrdreg $0xFFFFFFFF  }
0xa7: {  	s28 =	simm.s32 $_size_execute0_lowered;
	s3 =	sadd.s32 s3, s5;
	[dreg:$0x0] =	wrdreg $0x0  }
0xa8: {  	s5 =	sshll.u32 s28, $0x1;
	[dreg:$0x2] =	wrdreg s3  }
0xa9: {  	[dreg:$0x3] =	wrdreg s5  }
0xaa: {  	[dreg:$0x4] =	wrdreg $0xC0  }
0xab: {  	_ =	task [dreg:s7], $0x5FFFF  }
0xac: {  	[dreg:$0x1] =	wrdreg $0xFFFFFFFF  }
0xad: {  	[dreg:$0x0] =	wrdreg $0x60  }
0xae: {  	[dreg:$0x2] =	wrdreg s24  }
0xaf: {  	[dreg:$0x3] =	wrdreg s2  }
0xb0: {  	[dreg:$0x4] =	wrdreg $0x8000  }
0xb1: {  	[dreg:$0x5] =	wrdreg $0x9  }
0xb2: {  	_ =	task.clear_ibuf [dreg:s7], $0x6FFFF;
	_ =	strace $0x90000046  }
0xb3: {  	s29 =	simm.s32 $0x9;
	_ =	strace $0x80000048  }
0xb4: {  	_ =	swait.ge [sflag:s29], $0x1  }
0xb5: {  	[sflag:s29] =	ssyncadd.s32 $0xFFFFFFFF  }
0xb6: {  	_ =	strace $0x90000048  }
0xb7: {  	_ =	sfence  }
0xb8: {  	s30 =	sld [smem:$0x0];
	_ =	sdelay $0x2  }
0xb9: {  	s31 =	sshll.u32 s1, $0xD;
	s1 =	sshrl.u32 s1, $0x2  }
0xba: {  	s3 =	sand.u32 $0x4000, s31;
	s1 =	sadd.s32 s1, s30  }
0xbb: {  	s0 =	sor.u32 s3, s0;
	s1 =	sshll.u32 s1, $0x11  }
0xbc: {  	s0 =	sor.u32 s1, s0  }
0xbd: {  	s0 =	sadd.s32 $0x8F2B, s0  }
0xbe: {  	[sflag:s0] =	ssyncadd.remote.s32 $0x1  }
0xbf: {  	_ =	sfence.sel $0xFFFF  }
0xc0: {  	[dreg:$0x0] =	wrdreg $0xFFFFFFFF;
	(pc) =	sbr.abs _section_cstart, $3  }
0xc1: {  	[dreg:$0x1] =	wrdreg $0xFFFFFFFF  }
0xc2: {  	_ =	task.clear_ibuf [dreg:s7], $0x2FFFF;
	_ =	strace $0x9FFFFFFF  }
0xc3: {  	(tm) =	ssettm $0x7FFFFFFF  }
tec
execute0_lowered:
.L_overlay_start_1:
0x0: {  	(tag) =	ssettag $0x1  }
0x1: {  	s5 =	rddreg [dreg:$0x0]  }
0x2: {  	s2 =	rddreg [dreg:$0x1]  }
0x3: {  	s0 =	srdreg.scid;
	s3 =	rddreg [dreg:$0x2]  }
0x4: {  	s1 =	rddreg [dreg:$0x3];
	s4 =	simm.s32 $0x0;
	s14 =	simm.s32 $0x80  }
0x5: {  	s15 =	simm.s32 $0x100;
	s16 =	simm.s32 $0x180;
	s6 =	sand.u32 $0x1, s0  }
0x6: {  	s17 =	simm.s32 $0x200;
	s0 =	stileid.u32;
	s7 =	smul.u32 $0x188000, s6  }
0x7: {  	s18 =	simm.s32 $0x280;
	s19 =	simm.s32 $0x300;
	s8 =	smul.u32 $0x18800, s0  }
0x8: {  	s20 =	simm.s32 $0x380;
	s21 =	simm.s32 $0x1;
	s9 =	smul.u32 $0x61C0, s0  }
0x9: {  	s22 =	simm.s32 $0x0;
	[smem:$0x7FF] =	sst s4;
	s29 =	smul.u32 $0x61C00, s6  }
0xa: {  	_ =	strace $0x80000047;
	s11 =	ssub.s32 $0x2, s6;
	s6 =	sshll.u32 s6, $0x4  }
0xb: {  	s12 =	sshll.u32 s0, $0x6;
	s31 =	sshrl.u32 s11, $0x1;
	s6 =	sor.u32 s0, s6  }
0xc: {  	s12 =	sor.u32 $0x1C02, s12;
	s7 =	sadd.s32 s8, s7;
	s30 =	sshrl.u32 s9, $0x3  }
0xd: {  	s8 =	sadd.s32 s9, s29;
	s11 =	ssub.s32 s11, s31;
	s13 =	sadd.s32 s9, s3  }
0xe: {  	p0 =	seq.s32 s6, $0x1F;
	s6 =	simm.s32 $0x57;
	s7 =	sshrl.u32 s7, $0x3  }
0xf: {  	s8 =	sshrl.u32 s8, $0x3;
	s6 =	simm.s32 @!p0 $0x62;
	s13 =	sshrl.u32 s13, $0x3  }
0x10: {  	s10 =	sadd.s32 s7, s5;
	s7 =	sadd.s32 s30, s5;
	s8 =	sadd.s32 s8, s5  }
0x11: {  	s5 =	sadd.s32 $0xC5E00, s7;
	s7 =	sadd.s32 $0xD2200, s8;
	s8 =	smax.u32 s11, $0x1  }
0x12: {  	s9 =	sadd.s32 $0x64200, s10;
	s10 =	simm.s32 $0x400;
	s11 =	simm.s32 $0x2  }
.LBB2_1:
0x13: {  	[tilespmem:s10], [sflag:$0x2] =	stream.linear.gather [hbm4b:s2+s4], $0x400, $0x38;
	[tilespmem:$0x1438] =	vst v63  }
0x14: {  	_ =	swait.ge [sflag:s11], $0x400  }
0x15: {  	[sflag:s11] =	ssyncset.done $0x0  }
0x16: {  	[sflag:s11] =	ssyncadd.s32 $0xFFFFFC00  }
0x17: {  	[spmem:s13], [sflag:s12] =	dma.local [hbm:s5], $0xC38  }
0x18: {  	_ =	swait.ge [sflag:s11], $0xC38  }
0x19: {  	[sflag:s11] =	ssyncset.done $0x0  }
0x1a: {  	[sflag:s11] =	ssyncadd.s32 $0xFFFFF3C8  }
0x1b: {  	[bflag:$0x0] =	sbarrier.arrive $0xFFFF  }
0x1c: {  	[tilespmem:s4], [sflag:$0x2] =	stream.linear.gather [hbm4b:s9+s4], $0x400, $0x38;
	[tilespmem:$0x1438] =	vst v63  }
0x1d: {  	_ =	swait.ge [sflag:s11], $0x400  }
0x1e: {  	[sflag:s11] =	ssyncset.done $0x0  }
0x1f: {  	[sflag:s11] =	ssyncadd.s32 $0xFFFFFC00  }
0x20: {  	[spmem:s3] =	stream.indirect.scatter.add.f32 [tilespmem:s10], [sflag:$0x1], $0x1, s4, s14, $0xb8;
	[tilespmem:$0x1438] =	vst v63  }
0x21: {  	_ = 	snop  }
0x22: {  	[spmem:s3] =	stream.indirect.scatter.add.f32 [tilespmem:s10], [sflag:$0x1], $0x1, s14, s14, $0xb8;
	[tilespmem:$0x1438] =	vst v63  }
0x23: {  	_ = 	snop  }
0x24: {  	[spmem:s3] =	stream.indirect.scatter.add.f32 [tilespmem:s10], [sflag:$0x1], $0x1, s15, s14, $0xb8;
	[tilespmem:$0x1438] =	vst v63  }
0x25: {  	_ = 	snop  }
0x26: {  	[spmem:s3] =	stream.indirect.scatter.add.f32 [tilespmem:s10], [sflag:$0x1], $0x1, s16, s14, $0xb8;
	[tilespmem:$0x1438] =	vst v63  }
0x27: {  	_ = 	snop  }
0x28: {  	[spmem:s3] =	stream.indirect.scatter.add.f32 [tilespmem:s10], [sflag:$0x1], $0x1, s17, s14, $0xb8;
	[tilespmem:$0x1438] =	vst v63  }
0x29: {  	_ = 	snop  }
0x2a: {  	[spmem:s3] =	stream.indirect.scatter.add.f32 [tilespmem:s10], [sflag:$0x1], $0x1, s18, s14, $0xb8;
	[tilespmem:$0x1438] =	vst v63  }
0x2b: {  	_ = 	snop  }
0x2c: {  	[spmem:s3] =	stream.indirect.scatter.add.f32 [tilespmem:s10], [sflag:$0x1], $0x1, s19, s14, $0xb8;
	[tilespmem:$0x1438] =	vst v63  }
0x2d: {  	_ = 	snop  }
0x2e: {  	[spmem:s3] =	stream.indirect.scatter.add.f32 [tilespmem:s10], [sflag:$0x1], $0x1, s20, s14, $0xb8;
	[tilespmem:$0x1438] =	vst v63  }
0x2f: {  	_ =	swait.ge [sflag:s21], $0x80  }
0x30: {  	[sflag:s21] =	ssyncset.done $0x0  }
0x31: {  	[sflag:s21] =	ssyncadd.s32 $0xFFFFFF80  }
0x32: {  	_ =	swait.ge [sflag:s21], $0x80  }
0x33: {  	[sflag:s21] =	ssyncset.done $0x0  }
0x34: {  	[sflag:s21] =	ssyncadd.s32 $0xFFFFFF80  }
0x35: {  	_ =	swait.ge [sflag:s21], $0x80  }
0x36: {  	[sflag:s21] =	ssyncset.done $0x0  }
0x37: {  	[sflag:s21] =	ssyncadd.s32 $0xFFFFFF80  }
0x38: {  	_ =	swait.ge [sflag:s21], $0x80  }
0x39: {  	[sflag:s21] =	ssyncset.done $0x0  }
0x3a: {  	[sflag:s21] =	ssyncadd.s32 $0xFFFFFF80  }
0x3b: {  	_ =	swait.ge [sflag:s21], $0x80  }
0x3c: {  	[sflag:s21] =	ssyncset.done $0x0  }
0x3d: {  	[sflag:s21] =	ssyncadd.s32 $0xFFFFFF80  }
0x3e: {  	_ =	swait.ge [sflag:s21], $0x80  }
0x3f: {  	[sflag:s21] =	ssyncset.done $0x0  }
0x40: {  	p0 =	sne.s32 s6, $0x1;
	[sflag:s21] =	ssyncadd.s32 $0xFFFFFF80  }
.Ltmp0:
0x41: {  	_ =	swait.ge [sflag:s21], $0x80;
	(pc) =	sbr.rel @!p0 .LBB2_3-.Ltmp0, $4  }
0x42: {  	[sflag:s21] =	ssyncset.done $0x0  }
0x43: {  	[sflag:s21] =	ssyncadd.s32 $0xFFFFFF80  }
0x44: {  	_ =	swait.ge [sflag:s21], $0x80  }
0x45: {  	s23 =	sadd.s32 $0xFFFFFFFF, s6;
	s24 =	smov.u32 s9;
	[sflag:s21] =	ssyncset.done $0x0  }
.LBB2_2:
0x46: {  	p0 =	sne.s32 s23, $0x1;
	[sflag:s21] =	ssyncadd.s32 $0xFFFFFF80;
	s24 =	sadd.s32 $0x80, s24  }
0x47: {  	[tilespmem:s4], [sflag:$0x2] =	stream.linear.gather [hbm4b:s24+s4], $0x400, $0x38;
	[tilespmem:$0x1438] =	vst v63  }
0x48: {  	s23 =	sadd.s32 $0xFFFFFFFF, s23;
	_ =	swait.ge [sflag:s11], $0x400  }
0x49: {  	[sflag:s11] =	ssyncset.done $0x0  }
0x4a: {  	[sflag:s11] =	ssyncadd.s32 $0xFFFFFC00  }
0x4b: {  	[spmem:s3] =	stream.indirect.scatter.add.f32 [tilespmem:s10], [sflag:$0x1], $0x1, s4, s14, $0xb8;
	[tilespmem:$0x1438] =	vst v63  }
0x4c: {  	_ = 	snop  }
0x4d: {  	[spmem:s3] =	stream.indirect.scatter.add.f32 [tilespmem:s10], [sflag:$0x1], $0x1, s14, s14, $0xb8;
	[tilespmem:$0x1438] =	vst v63  }
0x4e: {  	_ = 	snop  }
0x4f: {  	[spmem:s3] =	stream.indirect.scatter.add.f32 [tilespmem:s10], [sflag:$0x1], $0x1, s15, s14, $0xb8;
	[tilespmem:$0x1438] =	vst v63  }
0x50: {  	_ = 	snop  }
0x51: {  	[spmem:s3] =	stream.indirect.scatter.add.f32 [tilespmem:s10], [sflag:$0x1], $0x1, s16, s14, $0xb8;
	[tilespmem:$0x1438] =	vst v63  }
0x52: {  	_ = 	snop  }
0x53: {  	[spmem:s3] =	stream.indirect.scatter.add.f32 [tilespmem:s10], [sflag:$0x1], $0x1, s17, s14, $0xb8;
	[tilespmem:$0x1438] =	vst v63  }
0x54: {  	_ = 	snop  }
0x55: {  	[spmem:s3] =	stream.indirect.scatter.add.f32 [tilespmem:s10], [sflag:$0x1], $0x1, s18, s14, $0xb8;
	[tilespmem:$0x1438] =	vst v63  }
0x56: {  	_ = 	snop  }
0x57: {  	[spmem:s3] =	stream.indirect.scatter.add.f32 [tilespmem:s10], [sflag:$0x1], $0x1, s19, s14, $0xb8;
	[tilespmem:$0x1438] =	vst v63  }
0x58: {  	_ = 	snop  }
0x59: {  	[spmem:s3] =	stream.indirect.scatter.add.f32 [tilespmem:s10], [sflag:$0x1], $0x1, s20, s14, $0xb8;
	[tilespmem:$0x1438] =	vst v63  }
0x5a: {  	_ =	swait.ge [sflag:s21], $0x80  }
0x5b: {  	[sflag:s21] =	ssyncset.done $0x0  }
0x5c: {  	[sflag:s21] =	ssyncadd.s32 $0xFFFFFF80  }
0x5d: {  	_ =	swait.ge [sflag:s21], $0x80  }
0x5e: {  	[sflag:s21] =	ssyncset.done $0x0  }
0x5f: {  	[sflag:s21] =	ssyncadd.s32 $0xFFFFFF80  }
0x60: {  	_ =	swait.ge [sflag:s21], $0x80  }
0x61: {  	[sflag:s21] =	ssyncset.done $0x0  }
0x62: {  	[sflag:s21] =	ssyncadd.s32 $0xFFFFFF80  }
0x63: {  	_ =	swait.ge [sflag:s21], $0x80  }
0x64: {  	[sflag:s21] =	ssyncset.done $0x0  }
0x65: {  	[sflag:s21] =	ssyncadd.s32 $0xFFFFFF80  }
0x66: {  	_ =	swait.ge [sflag:s21], $0x80  }
0x67: {  	[sflag:s21] =	ssyncset.done $0x0  }
0x68: {  	[sflag:s21] =	ssyncadd.s32 $0xFFFFFF80  }
0x69: {  	_ =	swait.ge [sflag:s21], $0x80  }
0x6a: {  	[sflag:s21] =	ssyncset.done $0x0  }
0x6b: {  	[sflag:s21] =	ssyncadd.s32 $0xFFFFFF80  }
.Ltmp1:
0x6c: {  	_ =	swait.ge [sflag:s21], $0x80;
	(pc) =	sbr.rel @p0 .LBB2_2-.Ltmp1, $4  }
0x6d: {  	[sflag:s21] =	ssyncset.done $0x0  }
0x6e: {  	[sflag:s21] =	ssyncadd.s32 $0xFFFFFF80  }
0x6f: {  	_ =	swait.ge [sflag:s21], $0x80  }
0x70: {  	[sflag:s21] =	ssyncset.done $0x0  }
.LBB2_3:
0x71: {  	s22 =	sadd.s32 $0x1, s22  }
0x72: {  	[sflag:s21] =	ssyncadd.s32 $0xFFFFFF80;
	p0 =	sne.s32 s22, s8  }
.Ltmp2:
0x73: {  	[bflag:$0x0] =	sbarrier.arrive $0xFFFF;
	(pc) =	sbr.rel @p0 .LBB2_1-.Ltmp2, $4  }
0x74: {  	[hbm:s7], [sflag:s12] =	dma.local [spmem:s13], $0xC38  }
0x75: {  	_ =	swait.ge [sflag:s11], $0xC38  }
0x76: {  	[sflag:s11] =	ssyncset.done $0x0  }
0x77: {  	[sflag:s11] =	ssyncadd.s32 $0xFFFFF3C8  }
0x78: {  	_ =	sfence.sel $0x180000  }
0x79: {  	[bflag:$0x0] =	sbarrier.arrive $0xFFFF  }
0x7a: {  	p0 =	sne.s32 s0, $0x0;
	_ =	strace $0x90000047  }
0x7b: {  	s0 =	sadd.s32 @!p0 $0x100000, s1;
	[bflag:$0x2] =	sbarrier.arrive $0xFFFF  }
0x7c: {  	[sflag:s0] =	ssyncadd.tile.s32 @!p0 $0x1;
	_ =	shalt  }
.Lfunc_end2:
_tile_overlayer_lowered:
.L_overlay_start_2:
0x7d: {  	(tag) =	ssettag $0x2  }
0x7e: {  	s0 =	rddreg [dreg:$0x0];
	s2 =	stileid.u32  }
0x7f: {  	s1 =	rddreg [dreg:$0x1];
	p0 =	sne.s32 s2, $0x0  }
0x80: {  	s3 =	rddreg [dreg:$0x2];
	[bflag:$0x3] =	sbarrier.arrive $0xFFFF;
	s2 =	simm.s32 @!p0 $0x1C02  }
0x81: {  	[timem:s3], [sflag:s2] =	dma.local @!p0 [hbm:s0], s1  }
0x82: {  	s0 =	simm.s32 @!p0 $0x2  }
0x83: {  	_ =	swait.ge @!p0 [sflag:s0], s1  }
0x84: {  	s1 =	ssub.s32 @!p0 $0x0, s1;
	[sflag:s0] =	ssyncset.done @!p0 $0x0  }
0x85: {  	[sflag:s0] =	ssyncadd.s32 @!p0 s1  }
0x86: {  	[bflag:$0x3] =	sbarrier.arrive $0xFFFF  }
0x87: {  	_ =	shalt  }

// kernel: kernel.13.cloned.1.call-start
scs
__scs_entry_jumppad:
0x0: {  	(pc) =	sbr.rel $0x88, $3  }
0x1: {  	(tag) =	ssettag $0x0;
	lr =	simm.s32 $0x1  }
0x2: {  	[smem:$0x3F99] =	sst lr;
	_ =	strace $0xD0000000  }
0x3: {  	_ = 	snop  }
0x4: {  	_ = 	snop  }
0x5: {  	_ = 	snop  }
0x6: {  	_ = 	snop  }
0x7: {  	_ = 	snop  }
__scs_overlays_trampoline_lowered:
0x8: {  	[smem:$0x3FA8] =	sst s0  }
0x9: {  	[smem:$0x3FA9] =	sst s1  }
0xa: {  	[smem:$0x3FAA] =	sst s2  }
0xb: {  	[smem:$0x3FAB] =	sst s3  }
0xc: {  	[smem:$0x3FAC] =	sst s4  }
0xd: {  	[smem:$0x3FAD] =	sst s5  }
0xe: {  	[smem:$0x3FAE] =	sst s6  }
0xf: {  	[smem:$0x3FAF] =	sst s7  }
0x10: {  	[smem:$0x3FB0] =	sst s8  }
0x11: {  	[smem:$0x3FB1] =	sst s9;
	s0 =	simm.s32 @!p0 $0x0  }
0x12: {  	s1 =	sld [smem:$0x3F97];
	s0 =	simm.s32 @p0 $0x1  }
0x13: {  	[smem:$0x3FB2] =	sst s0;
	s0 =	simm.s32 @!p1 $0x0  }
0x14: {  	s2 =	sld [smem:$0x3F96];
	s0 =	simm.s32 @p1 $0x1  }
0x15: {  	[smem:$0x3FB3] =	sst s0;
	s0 =	simm.s32 @!p2 $0x0  }
0x16: {  	s3 =	sld [smem:$0x3FDB];
	s0 =	simm.s32 @p2 $0x1  }
0x17: {  	s4 =	simm.s32 $0x1BF5;
	[smem:$0x3FB5] =	sst s0  }
0x18: {  	s0 =	sld [smem:$0x3F98];
	_ =	swait.ge [sflag:s4], $0x0  }
0x19: {  	s7 =	sld [smem:$0x3F99]  }
0x1a: {  	s8 =	sadd.s32 $0xFFFFE003, lr  }
0x1b: {  	s9 =	sadd.s32 $0xFFFFFEF7, lr;
	s5 =	simm.s32 $0xFFFFFFFF;
	p2 =	slt.u32 s8, $0xFFFFF086  }
0x1c: {  	p1 =	slt.u32 s9, $0xF7A;
	s5 =	simm.s32 @!p2 $0x0  }
0x1d: {  	s5 =	simm.s32 @p1 $0x1;
	p0 =	seq.s32 s7, s2  }
0x1e: {  	s7 =	smul.u32 @!p0 $0xF7A, s2;
	p2 =	seq.s32 @!p0 s5, $0x0  }
0x1f: {  	s9 =	smul.u32 $0xF7A, s1;
	s8 =	simm.s32 @!p0 $0x1BF5;
	p2 =	por !p2, p0  }
0x20: {  	[sflag:s8] =	ssyncset.s32 @!p0 $0xFFFFF086;
	s6 =	sadd.s32 @!p0 s3, s7;
	s7 =	simm.s32 @!p0 $0x108  }
0x21: {  	s3 =	sadd.s32 s3, s9;
	s6 =	sadd.s32 @!p0 $0x88, s6;
	s7 =	simm.s32 @p2 $0x1082  }
0x22: {  	[simem:s7], [sflag:s8] =	dma.local @!p0 [hbm:s6], $0xF7A  }
0x23: {  	s9 =	sor.u32 $0xD0000000, s2;
	s6 =	simm.s32 $0x108;
	_ =	swait.ge @!p0 [sflag:s8], $0x0  }
0x24: {  	s3 =	sadd.s32 $0x88, s3;
	s6 =	simm.s32 @!p1 $0x1082;
	[sflag:s4] =	ssyncset.s32 $0xFFFFF086  }
0x25: {  	[simem:s6], [sflag:s4] =	dma.local [hbm:s3], $0xF7A  }
0x26: {  	[smem:$0x3F99] =	sst s1;
	(tag) =	ssettag s2;
	_ =	strace s9  }
0x27: {  	s1 =	sld [smem:$0x3FA9]  }
0x28: {  	s2 =	sld [smem:$0x3FAA]  }
0x29: {  	s4 =	sld [smem:$0x3FAC]  }
0x2a: {  	p0 =	seq.s32 s5, $0x0;
	s5 =	sld [smem:$0x3FAD]  }
0x2b: {  	s6 =	sld [smem:$0x3FAE]  }
0x2c: {  	s7 =	sld [smem:$0x3FAF]  }
0x2d: {  	s3 =	simm.s32 $0x108;
	s8 =	sld [smem:$0x3FB0]  }
0x2e: {  	s3 =	simm.s32 @!p0 $0x1082;
	s9 =	sld [smem:$0x3FB1]  }
0x2f: {  	lr =	sadd.s32 s0, s3;
	s0 =	sld [smem:$0x3FA8]  }
0x30: {  	s3 =	sld [smem:$0x3FAB]  }
0x31: {  	[smem:$0x3FB4] =	sst s10  }
0x32: {  	s10 =	sld [smem:$0x3FB2];
	_ =	sdelay $0x3  }
0x33: {  	p0 =	seq.s32 s10, $0x1;
	s10 =	sld [smem:$0x3FB4];
	_ =	sdelay $0x3  }
0x34: {  	[smem:$0x3FB4] =	sst s10  }
0x35: {  	s10 =	sld [smem:$0x3FB3];
	_ =	sdelay $0x3  }
0x36: {  	p1 =	seq.s32 s10, $0x1;
	s10 =	sld [smem:$0x3FB4];
	_ =	sdelay $0x3  }
0x37: {  	[smem:$0x3FB4] =	sst s10  }
0x38: {  	s10 =	sld [smem:$0x3FB5]  }
0x39: {  	_ = 	snop;
	(pc) =	sbr.ind lr, $3  }
0x3a: {  	_ = 	snop  }
0x3b: {  	_ = 	snop  }
0x3c: {  	p2 =	seq.s32 s10, $0x1;
	s10 =	sld [smem:$0x3FB4]  }
0x3d: {  	_ =	shalt  }
0x3e: {  	_ =	shalt  }
0x3f: {  	_ =	shalt  }
0x40: {  	_ =	shalt  }
0x41: {  	_ =	shalt  }
0x42: {  	_ =	shalt  }
0x43: {  	_ =	shalt  }
0x44: {  	_ =	shalt  }
0x45: {  	_ =	shalt  }
0x46: {  	_ =	shalt  }
0x47: {  	_ =	shalt  }
0x48: {  	_ =	shalt  }
0x49: {  	_ =	shalt  }
0x4a: {  	_ =	shalt  }
0x4b: {  	_ =	shalt  }
0x4c: {  	_ =	shalt  }
0x4d: {  	_ =	shalt  }
0x4e: {  	_ =	shalt  }
0x4f: {  	_ =	shalt  }
0x50: {  	_ =	shalt  }
0x51: {  	_ =	shalt  }
0x52: {  	_ =	shalt  }
0x53: {  	_ =	shalt  }
0x54: {  	_ =	shalt  }
0x55: {  	_ =	shalt  }
0x56: {  	_ =	shalt  }
0x57: {  	_ =	shalt  }
0x58: {  	_ =	shalt  }
0x59: {  	_ =	shalt  }
0x5a: {  	_ =	shalt  }
0x5b: {  	_ =	shalt  }
0x5c: {  	_ =	shalt  }
0x5d: {  	_ =	shalt  }
0x5e: {  	_ =	shalt  }
0x5f: {  	_ =	shalt  }
0x60: {  	_ =	shalt  }
0x61: {  	_ =	shalt  }
0x62: {  	_ =	shalt  }
0x63: {  	_ =	shalt  }
0x64: {  	_ =	shalt  }
0x65: {  	_ =	shalt  }
0x66: {  	_ =	shalt  }
0x67: {  	_ =	shalt  }
0x68: {  	_ =	shalt  }
0x69: {  	_ =	shalt  }
0x6a: {  	_ =	shalt  }
0x6b: {  	_ =	shalt  }
0x6c: {  	_ =	shalt  }
0x6d: {  	_ =	shalt  }
0x6e: {  	_ =	shalt  }
0x6f: {  	_ =	shalt  }
0x70: {  	_ =	shalt  }
0x71: {  	_ =	shalt  }
0x72: {  	_ =	shalt  }
0x73: {  	_ =	shalt  }
0x74: {  	_ =	shalt  }
0x75: {  	_ =	shalt  }
0x76: {  	_ =	shalt  }
0x77: {  	_ =	shalt  }
0x78: {  	_ =	shalt  }
0x79: {  	_ =	shalt  }
0x7a: {  	_ =	shalt  }
0x7b: {  	_ =	shalt  }
0x7c: {  	_ =	shalt  }
0x7d: {  	_ =	shalt  }
0x7e: {  	_ =	shalt  }
0x7f: {  	_ =	shalt  }
0x80: {  	_ =	shalt  }
0x81: {  	_ =	shalt  }
0x82: {  	_ =	shalt  }
0x83: {  	_ =	shalt  }
0x84: {  	_ =	shalt  }
0x85: {  	_ =	shalt  }
0x86: {  	_ =	shalt  }
0x87: {  	_ =	shalt  }
.Lfunc_end0:
.L_simem_size_0:
called_computation.1_lowered:
.L_overlay_start_0:
0x88: {  	s2 =	sld [smem:$0x3FD9]  }
0x89: {  	s3 =	sld [smem:$0x3FFE];
	_ =	sdelay $0x1  }
0x8a: {  	s1 =	srdreg.scid  }
0x8b: {  	s0 =	sand.u32 $0x1, s1  }
0x8c: {  	s16 =	sshll.u32 s0, $0xA;
	s2 =	sadd.s32 s3, s2  }
0x8d: {  	s2 =	sadd.s32 s2, s16  }
0x8e: {  	[smem:$0x3FC0] =	sst s2  }
0x8f: {  	_ = 	snop  }
0x90: {  	(tm) =	ssettm $0x1  }
0x91: {  	s17 =	sld [smem:$0x3FFB];
	_ =	sdelay $0x3  }
0x92: {  	_ =	strace s17  }
0x93: {  	s2 =	sld [smem:$0x3FFC];
	_ =	sdelay $0x3  }
0x94: {  	_ =	strace s2  }
0x95: {  	s2 =	sld [smem:$0x3FFD];
	_ =	sdelay $0x3  }
0x96: {  	_ =	strace s2  }
0x97: {  	_ =	strace $0x8FFFFFFF  }
0x98: {  	s18 =	sld [smem:$0x3FDB];
	_ =	sdelay $0x1  }
0x99: {  	s19 =	simm.s32 $_scs_section_size  }
0x9a: {  	s4 =	simm.s32 $_size__tile_overlayer_lowered;
	s5 =	simm.s32 $_tile_overlayer_lowered  }
0x9b: {  	s22 =	simm.s32 $0x1BFF;
	s21 =	sshll.u32 s5, $0x1;
	s2 =	sadd.s32 s19, s18  }
0x9c: {  	s6 =	simm.s32 $0x0;
	s20 =	sshll.u32 s4, $0x1;
	s4 =	sadd.s32 s21, s2  }
0x9d: {  	[timem:s6], [sflag:s22] =	dma.local [hbm:s4], s20  }
0x9e: {  	_ =	swait.ge [sflag:s22], s20  }
0x9f: {  	s3 =	ssub.s32 $0x0, s20;
	[sflag:s22] =	ssyncset.done $0x0  }
0xa0: {  	[sflag:s22] =	ssyncadd.s32 s3;
	_ =	sdelay $0x1  }
0xa1: {  	s23 =	simm.s32 $0x1B8B  }
0xa2: {  	_ =	swait.ge [sflag:s23], $0x1  }
0xa3: {  	[sflag:s23] =	ssyncset.done $0x0  }
0xa4: {  	s25 =	simm.s32 $0x1B8E;
	s24 =	sld [smem:$0x3FFE];
	[sflag:s23] =	ssyncadd.s32 $0xFFFFFFFF  }
0xa5: {  	s26 =	simm.s32 $execute0_lowered;
	[smem:$0x3FD2] =	sst s25  }
0xa6: {  	s4 =	sshll.u32 s26, $0x1;
	_ =	strace $0x80000049;
	[dreg:$0x1] =	wrdreg $0xFFFFFFFF  }
0xa7: {  	s28 =	simm.s32 $_size_execute0_lowered;
	s2 =	sadd.s32 s2, s4;
	[dreg:$0x0] =	wrdreg $0x0  }
0xa8: {  	s4 =	sshll.u32 s28, $0x1;
	[dreg:$0x2] =	wrdreg s2  }
0xa9: {  	[dreg:$0x3] =	wrdreg s4  }
0xaa: {  	[dreg:$0x4] =	wrdreg $0xC0  }
0xab: {  	_ =	task [dreg:s6], $0x5FFFF  }
0xac: {  	[dreg:$0x1] =	wrdreg $0xFFFFFFFF  }
0xad: {  	[dreg:$0x0] =	wrdreg $0x60  }
0xae: {  	[dreg:$0x2] =	wrdreg s24  }
0xaf: {  	[dreg:$0x3] =	wrdreg $0xC000  }
0xb0: {  	[dreg:$0x4] =	wrdreg $0x3CE00  }
0xb1: {  	[dreg:$0x5] =	wrdreg $0x9  }
0xb2: {  	_ =	task.clear_ibuf [dreg:s6], $0x6FFFF;
	_ =	strace $0x90000049  }
0xb3: {  	s29 =	simm.s32 $0x9;
	_ =	strace $0x8000004B  }
0xb4: {  	_ =	swait.ge [sflag:s29], $0x1  }
0xb5: {  	[sflag:s29] =	ssyncadd.s32 $0xFFFFFFFF  }
0xb6: {  	_ =	strace $0x9000004B  }
0xb7: {  	_ =	sfence  }
0xb8: {  	s30 =	sld [smem:$0x0];
	_ =	sdelay $0x2  }
0xb9: {  	s31 =	sshll.u32 s1, $0xD;
	s1 =	sshrl.u32 s1, $0x2  }
0xba: {  	s3 =	sand.u32 $0x4000, s31;
	s1 =	sadd.s32 s1, s30  }
0xbb: {  	s0 =	sor.u32 s3, s0;
	s1 =	sshll.u32 s1, $0x11  }
0xbc: {  	s0 =	sor.u32 s1, s0  }
0xbd: {  	s0 =	sadd.s32 $0x8F2B, s0  }
0xbe: {  	[sflag:s0] =	ssyncadd.remote.s32 $0x1  }
0xbf: {  	_ =	sfence.sel $0xFFFF  }
0xc0: {  	[dreg:$0x0] =	wrdreg $0xFFFFFFFF;
	(pc) =	sbr.abs _section_cstart, $3  }
0xc1: {  	[dreg:$0x1] =	wrdreg $0xFFFFFFFF  }
0xc2: {  	_ =	task.clear_ibuf [dreg:s6], $0x2FFFF;
	_ =	strace $0x9FFFFFFF  }
0xc3: {  	(tm) =	ssettm $0x7FFFFFFF  }
tec
execute0_lowered:
.L_overlay_start_1:
0x0: {  	(tag) =	ssettag $0x1  }
0x1: {  	s0 =	rddreg [dreg:$0x0]  }
0x2: {  	s1 =	srdreg.scid;
	s2 =	rddreg [dreg:$0x1]  }
0x3: {  	s12 =	stileid.u32;
	s3 =	rddreg [dreg:$0x2];
	s4 =	simm.s32 $0x0  }
0x4: {  	s14 =	simm.s32 $0x3;
	s16 =	simm.s32 $0x400;
	s17 =	simm.s32 $0x80  }
0x5: {  	s18 =	simm.s32 $0x800;
	s19 =	simm.s32 $0x480;
	s20 =	simm.s32 $0x100  }
0x6: {  	s21 =	simm.s32 $0x500;
	s28 =	simm.s32 $0x680;
	s6 =	smul.u32 $0x18800, s12  }
0x7: {  	s29 =	simm.s32 $0x300;
	s1 =	sand.u32 $0x1, s1;
	s7 =	smul.u32 $0x61C0, s12  }
0x8: {  	s30 =	simm.s32 $0x700;
	s31 =	simm.s32 $0x380;
	s5 =	smul.u32 $0x188000, s1  }
0x9: {  	[smem:$0x7FF] =	sst s4;
	s23 =	sshll.u32 s12, $0x6;
	s22 =	smul.u32 $0x61C00, s1  }
0xa: {  	_ =	strace $0x8000004A;
	s9 =	ssub.s32 $0x2, s1;
	s1 =	sshll.u32 s1, $0x4  }
0xb: {  	s8 =	sshrl.u32 s7, $0x3;
	s10 =	sshrl.u32 s9, $0x1;
	s1 =	sor.u32 s12, s1  }
0xc: {  	s11 =	sadd.s32 s7, s2;
	s5 =	sadd.s32 s6, s5;
	s6 =	sadd.s32 s7, s22  }
0xd: {  	s8 =	sadd.s32 s8, s0;
	s9 =	ssub.s32 s9, s10;
	s7 =	sadd.s32 s7, s3  }
0xe: {  	p0 =	seq.s32 s1, $0x1F;
	s26 =	sshrl.u32 s11, $0x3;
	s22 =	simm.s32 $0x180  }
0xf: {  	s1 =	simm.s32 $0x780;
	s5 =	sshrl.u32 s5, $0x3;
	s6 =	sshrl.u32 s6, $0x3  }
0x10: {  	s24 =	sadd.s32 $0xC5E00, s8;
	s8 =	sadd.s32 $0x1AE000, s8;
	s25 =	smax.u32 s9, $0x1  }
0x11: {  	[dreg:$0x8] =	wrdreg s26;
	s15 =	sshrl.u32 s7, $0x3;
	s26 =	simm.s32 $0x280  }
0x12: {  	s7 =	simm.s32 $0x0;
	s5 =	sadd.s32 s5, s0;
	[dreg:$0x4] =	wrdreg s24  }
0x13: {  	s0 =	sadd.s32 s6, s0;
	s6 =	sor.u32 $0x1C03, s23;
	[dreg:$0x5] =	wrdreg s8  }
0x14: {  	s8 =	simm.s32 $0x57;
	[dreg:$0x7] =	wrdreg s25;
	s23 =	simm.s32 $0x580  }
0x15: {  	s24 =	simm.s32 $0x200;
	s25 =	simm.s32 $0x600;
	s8 =	simm.s32 @!p0 $0x62  }
0x16: {  	s0 =	sadd.s32 $0xD2200, s0;
	s10 =	sadd.s32 $0x64200, s5;
	s13 =	sadd.s32 $0x2600, s5  }
0x17: {  	s5 =	simm.s32 $0x2;
	[dreg:$0x6] =	wrdreg s0;
	s0 =	simm.s32 $0x1  }
.LBB2_1:
0x18: {  	s9 =	rddreg [dreg:$0x4]  }
0x19: {  	s11 =	rddreg [dreg:$0x8]  }
0x1a: {  	[spmem:s11], [sflag:s6] =	dma.local [hbm:s9], $0xC38  }
0x1b: {  	_ =	swait.ge [sflag:s14], $0xC38  }
0x1c: {  	[sflag:s14] =	ssyncset.done $0x0  }
0x1d: {  	s12 =	rddreg [dreg:$0x5];
	[sflag:s14] =	ssyncadd.s32 $0xFFFFF3C8  }
0x1e: {  	[spmem:s15], [sflag:s6] =	dma.local [hbm:s12], $0xC38  }
0x1f: {  	_ =	swait.ge [sflag:s14], $0xC38  }
0x20: {  	[sflag:s14] =	ssyncset.done $0x0  }
0x21: {  	[sflag:s14] =	ssyncadd.s32 $0xFFFFF3C8  }
0x22: {  	[bflag:$0x0] =	sbarrier.arrive $0xFFFF  }
0x23: {  	[tilespmem:s4], [sflag:$0x3] =	stream.linear.gather [hbm4b:s13+s4], $0x400, $0x38;
	[tilespmem:$0x6DC0] =	vst v63  }
0x24: {  	_ =	swait.ge [sflag:s14], $0x400  }
0x25: {  	[sflag:s14] =	ssyncset.done $0x0  }
0x26: {  	[sflag:s14] =	ssyncadd.s32 $0xFFFFFC00  }
0x27: {  	[tilespmem:s16], [sflag:$0x3] =	stream.linear.gather [hbm4b:s10+s4], $0x400, $0x38;
	[tilespmem:$0x6DC0] =	vst v63  }
0x28: {  	_ =	swait.ge [sflag:s14], $0x400  }
0x29: {  	[sflag:s14] =	ssyncset.done $0x0  }
0x2a: {  	[sflag:s14] =	ssyncadd.s32 $0xFFFFFC00  }
0x2b: {  	[tilespmem:s18], [sflag:$0x1] =	stream.indirect.gather [spmem:s2], $0x4, s4, s17, $0xb8;
	[tilespmem:$0x6DC0] =	vst v63  }
0x2c: {  	_ = 	snop  }
0x2d: {  	[spmem:s3] =	stream.indirect.scatter.add.f32 [tilespmem:s18], [sflag:$0x2], $0x4, s16, s17, $0xb8;
	[tilespmem:$0x6DC0] =	vst v63  }
0x2e: {  	_ = 	snop  }
0x2f: {  	[tilespmem:s18], [sflag:$0x1] =	stream.indirect.gather [spmem:s2], $0x4, s17, s17, $0xb8;
	[tilespmem:$0x6DC0] =	vst v63  }
0x30: {  	_ = 	snop  }
0x31: {  	[spmem:s3] =	stream.indirect.scatter.add.f32 [tilespmem:s18], [sflag:$0x2], $0x4, s19, s17, $0xb8;
	[tilespmem:$0x6DC0] =	vst v63  }
0x32: {  	_ = 	snop  }
0x33: {  	[tilespmem:s18], [sflag:$0x1] =	stream.indirect.gather [spmem:s2], $0x4, s20, s17, $0xb8;
	[tilespmem:$0x6DC0] =	vst v63  }
0x34: {  	_ = 	snop  }
0x35: {  	[spmem:s3] =	stream.indirect.scatter.add.f32 [tilespmem:s18], [sflag:$0x2], $0x4, s21, s17, $0xb8;
	[tilespmem:$0x6DC0] =	vst v63  }
0x36: {  	_ = 	snop  }
0x37: {  	[tilespmem:s18], [sflag:$0x1] =	stream.indirect.gather [spmem:s2], $0x4, s22, s17, $0xb8;
	[tilespmem:$0x6DC0] =	vst v63  }
0x38: {  	_ = 	snop  }
0x39: {  	[spmem:s3] =	stream.indirect.scatter.add.f32 [tilespmem:s18], [sflag:$0x2], $0x4, s23, s17, $0xb8;
	[tilespmem:$0x6DC0] =	vst v63  }
0x3a: {  	_ = 	snop  }
0x3b: {  	[tilespmem:s18], [sflag:$0x1] =	stream.indirect.gather [spmem:s2], $0x4, s24, s17, $0xb8;
	[tilespmem:$0x6DC0] =	vst v63  }
0x3c: {  	_ = 	snop  }
0x3d: {  	[spmem:s3] =	stream.indirect.scatter.add.f32 [tilespmem:s18], [sflag:$0x2], $0x4, s25, s17, $0xb8;
	[tilespmem:$0x6DC0] =	vst v63  }
0x3e: {  	_ = 	snop  }
0x3f: {  	[tilespmem:s18], [sflag:$0x1] =	stream.indirect.gather [spmem:s2], $0x4, s26, s17, $0xb8;
	[tilespmem:$0x6DC0] =	vst v63  }
0x40: {  	_ = 	snop  }
0x41: {  	[spmem:s3] =	stream.indirect.scatter.add.f32 [tilespmem:s18], [sflag:$0x2], $0x4, s28, s17, $0xb8;
	[tilespmem:$0x6DC0] =	vst v63  }
0x42: {  	_ = 	snop  }
0x43: {  	[tilespmem:s18], [sflag:$0x1] =	stream.indirect.gather [spmem:s2], $0x4, s29, s17, $0xb8;
	[tilespmem:$0x6DC0] =	vst v63  }
0x44: {  	_ = 	snop  }
0x45: {  	[spmem:s3] =	stream.indirect.scatter.add.f32 [tilespmem:s18], [sflag:$0x2], $0x4, s30, s17, $0xb8;
	[tilespmem:$0x6DC0] =	vst v63  }
0x46: {  	_ = 	snop  }
0x47: {  	[tilespmem:s18], [sflag:$0x1] =	stream.indirect.gather [spmem:s2], $0x4, s31, s17, $0xb8;
	[tilespmem:$0x6DC0] =	vst v63  }
0x48: {  	_ = 	snop  }
0x49: {  	[spmem:s3] =	stream.indirect.scatter.add.f32 [tilespmem:s18], [sflag:$0x2], $0x4, s1, s17, $0xb8;
	[tilespmem:$0x6DC0] =	vst v63  }
0x4a: {  	_ =	swait.ge [sflag:s0], $0x200  }
0x4b: {  	[sflag:s0] =	ssyncset.done $0x0  }
0x4c: {  	[sflag:s0] =	ssyncadd.s32 $0xFFFFFE00  }
0x4d: {  	_ =	swait.ge [sflag:s5], $0x200  }
0x4e: {  	[sflag:s5] =	ssyncset.done $0x0  }
0x4f: {  	[sflag:s5] =	ssyncadd.s32 $0xFFFFFE00  }
0x50: {  	_ =	swait.ge [sflag:s0], $0x200  }
0x51: {  	[sflag:s0] =	ssyncset.done $0x0  }
0x52: {  	[sflag:s0] =	ssyncadd.s32 $0xFFFFFE00  }
0x53: {  	_ =	swait.ge [sflag:s5], $0x200  }
0x54: {  	[sflag:s5] =	ssyncset.done $0x0  }
0x55: {  	[sflag:s5] =	ssyncadd.s32 $0xFFFFFE00  }
0x56: {  	_ =	swait.ge [sflag:s0], $0x200  }
0x57: {  	[sflag:s0] =	ssyncset.done $0x0  }
0x58: {  	[sflag:s0] =	ssyncadd.s32 $0xFFFFFE00  }
0x59: {  	_ =	swait.ge [sflag:s5], $0x200  }
0x5a: {  	[sflag:s5] =	ssyncset.done $0x0  }
0x5b: {  	[sflag:s5] =	ssyncadd.s32 $0xFFFFFE00  }
0x5c: {  	_ =	swait.ge [sflag:s0], $0x200  }
0x5d: {  	[sflag:s0] =	ssyncset.done $0x0  }
0x5e: {  	[sflag:s0] =	ssyncadd.s32 $0xFFFFFE00  }
0x5f: {  	_ =	swait.ge [sflag:s5], $0x200  }
0x60: {  	[sflag:s5] =	ssyncset.done $0x0  }
0x61: {  	[sflag:s5] =	ssyncadd.s32 $0xFFFFFE00  }
0x62: {  	_ =	swait.ge [sflag:s0], $0x200  }
0x63: {  	[sflag:s0] =	ssyncset.done $0x0  }
0x64: {  	[sflag:s0] =	ssyncadd.s32 $0xFFFFFE00  }
0x65: {  	_ =	swait.ge [sflag:s5], $0x200  }
0x66: {  	[sflag:s5] =	ssyncset.done $0x0  }
0x67: {  	[sflag:s5] =	ssyncadd.s32 $0xFFFFFE00  }
0x68: {  	_ =	swait.ge [sflag:s0], $0x200  }
0x69: {  	[sflag:s0] =	ssyncset.done $0x0  }
0x6a: {  	[sflag:s0] =	ssyncadd.s32 $0xFFFFFE00  }
0x6b: {  	_ =	swait.ge [sflag:s5], $0x200  }
0x6c: {  	[sflag:s5] =	ssyncset.done $0x0  }
0x6d: {  	[sflag:s5] =	ssyncadd.s32 $0xFFFFFE00  }
0x6e: {  	_ =	swait.ge [sflag:s0], $0x200  }
0x6f: {  	[sflag:s0] =	ssyncset.done $0x0  }
0x70: {  	[sflag:s0] =	ssyncadd.s32 $0xFFFFFE00  }
0x71: {  	_ =	swait.ge [sflag:s5], $0x200  }
0x72: {  	[sflag:s5] =	ssyncset.done $0x0  }
0x73: {  	p0 =	sne.s32 s8, $0x1;
	[sflag:s5] =	ssyncadd.s32 $0xFFFFFE00  }
.Ltmp0:
0x74: {  	_ =	swait.ge [sflag:s0], $0x200;
	(pc) =	sbr.rel @!p0 .LBB2_3-.Ltmp0, $4  }
0x75: {  	[sflag:s0] =	ssyncset.done $0x0  }
0x76: {  	[sflag:s0] =	ssyncadd.s32 $0xFFFFFE00  }
0x77: {  	s9 =	sadd.s32 $0xFFFFFFFF, s8;
	_ =	swait.ge [sflag:s5], $0x200  }
0x78: {  	s11 =	smov.u32 s10;
	s12 =	smov.u32 s13;
	[sflag:s5] =	ssyncset.done $0x0  }
.LBB2_2:
0x79: {  	[sflag:s5] =	ssyncadd.s32 $0xFFFFFE00;
	s11 =	sadd.s32 $0x80, s11;
	s12 =	sadd.s32 $0x80, s12  }
0x7a: {  	[tilespmem:s4], [sflag:$0x3] =	stream.linear.gather [hbm4b:s12+s4], $0x400, $0x38;
	[tilespmem:$0x6DC0] =	vst v63  }
0x7b: {  	p0 =	sne.s32 s9, $0x1;
	s9 =	sadd.s32 $0xFFFFFFFF, s9;
	_ =	swait.ge [sflag:s14], $0x400  }
0x7c: {  	[sflag:s14] =	ssyncset.done $0x0  }
0x7d: {  	[sflag:s14] =	ssyncadd.s32 $0xFFFFFC00  }
0x7e: {  	[tilespmem:s16], [sflag:$0x3] =	stream.linear.gather [hbm4b:s11+s4], $0x400, $0x38;
	[tilespmem:$0x6DC0] =	vst v63  }
0x7f: {  	_ =	swait.ge [sflag:s14], $0x400  }
0x80: {  	[sflag:s14] =	ssyncset.done $0x0  }
0x81: {  	[sflag:s14] =	ssyncadd.s32 $0xFFFFFC00  }
0x82: {  	[tilespmem:s18], [sflag:$0x1] =	stream.indirect.gather [spmem:s2], $0x4, s4, s17, $0xb8;
	[tilespmem:$0x6DC0] =	vst v63  }
0x83: {  	_ = 	snop  }
0x84: {  	[spmem:s3] =	stream.indirect.scatter.add.f32 [tilespmem:s18], [sflag:$0x2], $0x4, s16, s17, $0xb8;
	[tilespmem:$0x6DC0] =	vst v63  }
0x85: {  	_ = 	snop  }
0x86: {  	[tilespmem:s18], [sflag:$0x1] =	stream.indirect.gather [spmem:s2], $0x4, s17, s17, $0xb8;
	[tilespmem:$0x6DC0] =	vst v63  }
0x87: {  	_ = 	snop  }
0x88: {  	[spmem:s3] =	stream.indirect.scatter.add.f32 [tilespmem:s18], [sflag:$0x2], $0x4, s19, s17, $0xb8;
	[tilespmem:$0x6DC0] =	vst v63  }
0x89: {  	_ = 	snop  }
0x8a: {  	[tilespmem:s18], [sflag:$0x1] =	stream.indirect.gather [spmem:s2], $0x4, s20, s17, $0xb8;
	[tilespmem:$0x6DC0] =	vst v63  }
0x8b: {  	_ = 	snop  }
0x8c: {  	[spmem:s3] =	stream.indirect.scatter.add.f32 [tilespmem:s18], [sflag:$0x2], $0x4, s21, s17, $0xb8;
	[tilespmem:$0x6DC0] =	vst v63  }
0x8d: {  	_ = 	snop  }
0x8e: {  	[tilespmem:s18], [sflag:$0x1] =	stream.indirect.gather [spmem:s2], $0x4, s22, s17, $0xb8;
	[tilespmem:$0x6DC0] =	vst v63  }
0x8f: {  	_ = 	snop  }
0x90: {  	[spmem:s3] =	stream.indirect.scatter.add.f32 [tilespmem:s18], [sflag:$0x2], $0x4, s23, s17, $0xb8;
	[tilespmem:$0x6DC0] =	vst v63  }
0x91: {  	_ = 	snop  }
0x92: {  	[tilespmem:s18], [sflag:$0x1] =	stream.indirect.gather [spmem:s2], $0x4, s24, s17, $0xb8;
	[tilespmem:$0x6DC0] =	vst v63  }
0x93: {  	_ = 	snop  }
0x94: {  	[spmem:s3] =	stream.indirect.scatter.add.f32 [tilespmem:s18], [sflag:$0x2], $0x4, s25, s17, $0xb8;
	[tilespmem:$0x6DC0] =	vst v63  }
0x95: {  	_ = 	snop  }
0x96: {  	[tilespmem:s18], [sflag:$0x1] =	stream.indirect.gather [spmem:s2], $0x4, s26, s17, $0xb8;
	[tilespmem:$0x6DC0] =	vst v63  }
0x97: {  	_ = 	snop  }
0x98: {  	[spmem:s3] =	stream.indirect.scatter.add.f32 [tilespmem:s18], [sflag:$0x2], $0x4, s28, s17, $0xb8;
	[tilespmem:$0x6DC0] =	vst v63  }
0x99: {  	_ = 	snop  }
0x9a: {  	[tilespmem:s18], [sflag:$0x1] =	stream.indirect.gather [spmem:s2], $0x4, s29, s17, $0xb8;
	[tilespmem:$0x6DC0] =	vst v63  }
0x9b: {  	_ = 	snop  }
0x9c: {  	[spmem:s3] =	stream.indirect.scatter.add.f32 [tilespmem:s18], [sflag:$0x2], $0x4, s30, s17, $0xb8;
	[tilespmem:$0x6DC0] =	vst v63  }
0x9d: {  	_ = 	snop  }
0x9e: {  	[tilespmem:s18], [sflag:$0x1] =	stream.indirect.gather [spmem:s2], $0x4, s31, s17, $0xb8;
	[tilespmem:$0x6DC0] =	vst v63  }
0x9f: {  	_ = 	snop  }
0xa0: {  	[spmem:s3] =	stream.indirect.scatter.add.f32 [tilespmem:s18], [sflag:$0x2], $0x4, s1, s17, $0xb8;
	[tilespmem:$0x6DC0] =	vst v63  }
0xa1: {  	_ =	swait.ge [sflag:s0], $0x200  }
0xa2: {  	[sflag:s0] =	ssyncset.done $0x0  }
0xa3: {  	[sflag:s0] =	ssyncadd.s32 $0xFFFFFE00  }
0xa4: {  	_ =	swait.ge [sflag:s5], $0x200  }
0xa5: {  	[sflag:s5] =	ssyncset.done $0x0  }
0xa6: {  	[sflag:s5] =	ssyncadd.s32 $0xFFFFFE00  }
0xa7: {  	_ =	swait.ge [sflag:s0], $0x200  }
0xa8: {  	[sflag:s0] =	ssyncset.done $0x0  }
0xa9: {  	[sflag:s0] =	ssyncadd.s32 $0xFFFFFE00  }
0xaa: {  	_ =	swait.ge [sflag:s5], $0x200  }
0xab: {  	[sflag:s5] =	ssyncset.done $0x0  }
0xac: {  	[sflag:s5] =	ssyncadd.s32 $0xFFFFFE00  }
0xad: {  	_ =	swait.ge [sflag:s0], $0x200  }
0xae: {  	[sflag:s0] =	ssyncset.done $0x0  }
0xaf: {  	[sflag:s0] =	ssyncadd.s32 $0xFFFFFE00  }
0xb0: {  	_ =	swait.ge [sflag:s5], $0x200  }
0xb1: {  	[sflag:s5] =	ssyncset.done $0x0  }
0xb2: {  	[sflag:s5] =	ssyncadd.s32 $0xFFFFFE00  }
0xb3: {  	_ =	swait.ge [sflag:s0], $0x200  }
0xb4: {  	[sflag:s0] =	ssyncset.done $0x0  }
0xb5: {  	[sflag:s0] =	ssyncadd.s32 $0xFFFFFE00  }
0xb6: {  	_ =	swait.ge [sflag:s5], $0x200  }
0xb7: {  	[sflag:s5] =	ssyncset.done $0x0  }
0xb8: {  	[sflag:s5] =	ssyncadd.s32 $0xFFFFFE00  }
0xb9: {  	_ =	swait.ge [sflag:s0], $0x200  }
0xba: {  	[sflag:s0] =	ssyncset.done $0x0  }
0xbb: {  	[sflag:s0] =	ssyncadd.s32 $0xFFFFFE00  }
0xbc: {  	_ =	swait.ge [sflag:s5], $0x200  }
0xbd: {  	[sflag:s5] =	ssyncset.done $0x0  }
0xbe: {  	[sflag:s5] =	ssyncadd.s32 $0xFFFFFE00  }
0xbf: {  	_ =	swait.ge [sflag:s0], $0x200  }
0xc0: {  	[sflag:s0] =	ssyncset.done $0x0  }
0xc1: {  	[sflag:s0] =	ssyncadd.s32 $0xFFFFFE00  }
0xc2: {  	_ =	swait.ge [sflag:s5], $0x200  }
0xc3: {  	[sflag:s5] =	ssyncset.done $0x0  }
0xc4: {  	[sflag:s5] =	ssyncadd.s32 $0xFFFFFE00  }
0xc5: {  	_ =	swait.ge [sflag:s0], $0x200  }
0xc6: {  	[sflag:s0] =	ssyncset.done $0x0  }
0xc7: {  	[sflag:s0] =	ssyncadd.s32 $0xFFFFFE00  }
0xc8: {  	_ =	swait.ge [sflag:s5], $0x200  }
0xc9: {  	[sflag:s5] =	ssyncset.done $0x0  }
0xca: {  	[sflag:s5] =	ssyncadd.s32 $0xFFFFFE00  }
.Ltmp1:
0xcb: {  	_ =	swait.ge [sflag:s0], $0x200;
	(pc) =	sbr.rel @p0 .LBB2_2-.Ltmp1, $4  }
0xcc: {  	[sflag:s0] =	ssyncset.done $0x0  }
0xcd: {  	[sflag:s0] =	ssyncadd.s32 $0xFFFFFE00  }
0xce: {  	_ =	swait.ge [sflag:s5], $0x200  }
0xcf: {  	[sflag:s5] =	ssyncset.done $0x0  }
.LBB2_3:
0xd0: {  	[sflag:s5] =	ssyncadd.s32 $0xFFFFFE00  }
0xd1: {  	[bflag:$0x0] =	sbarrier.arrive $0xFFFF  }
0xd2: {  	s9 =	rddreg [dreg:$0x6]  }
0xd3: {  	[hbm:s9], [sflag:s6] =	dma.local [spmem:s15], $0xC38  }
0xd4: {  	_ =	swait.ge [sflag:s14], $0xC38  }
0xd5: {  	s7 =	sadd.s32 $0x1, s7;
	s12 =	rddreg [dreg:$0x7]  }
0xd6: {  	p0 =	sne.s32 s7, s12  }
.Ltmp2:
0xd7: {  	_ = 	snop;
	(pc) =	sbr.rel @p0 .LBB2_1-.Ltmp2, $3  }
0xd8: {  	_ =	sdelay $0x1  }
0xd9: {  	[sflag:s14] =	ssyncset.done $0x0  }
0xda: {  	[sflag:s14] =	ssyncadd.s32 $0xFFFFF3C8  }
0xdb: {  	_ =	sfence.sel $0x180000  }
0xdc: {  	[bflag:$0x0] =	sbarrier.arrive $0xFFFF  }
0xdd: {  	_ =	strace $0x9000004A  }
0xde: {  	s0 =	stileid.u32;
	[bflag:$0x2] =	sbarrier.arrive $0xFFFF  }
0xdf: {  	p0 =	sne.s32 s0, $0x0;
	s0 =	rddreg [dreg:$0x3]  }
0xe0: {  	s0 =	sadd.s32 @!p0 $0x100000, s0  }
0xe1: {  	[sflag:s0] =	ssyncadd.tile.s32 @!p0 $0x1;
	_ =	shalt  }
.Lfunc_end2:
_tile_overlayer_lowered:
.L_overlay_start_2:
0xe2: {  	(tag) =	ssettag $0x2  }
0xe3: {  	s0 =	rddreg [dreg:$0x0];
	s2 =	stileid.u32  }
0xe4: {  	s1 =	rddreg [dreg:$0x1];
	p0 =	sne.s32 s2, $0x0  }
0xe5: {  	s3 =	rddreg [dreg:$0x2];
	[bflag:$0x3] =	sbarrier.arrive $0xFFFF;
	s2 =	simm.s32 @!p0 $0x1C03  }
0xe6: {  	[timem:s3], [sflag:s2] =	dma.local @!p0 [hbm:s0], s1  }
0xe7: {  	s0 =	simm.s32 @!p0 $0x3  }
0xe8: {  	_ =	swait.ge @!p0 [sflag:s0], s1  }
0xe9: {  	s1 =	ssub.s32 @!p0 $0x0, s1;
	[sflag:s0] =	ssyncset.done @!p0 $0x0  }
0xea: {  	[sflag:s0] =	ssyncadd.s32 @!p0 s1  }
0xeb: {  	[bflag:$0x3] =	sbarrier.arrive $0xFFFF  }
0xec: {  	_ =	shalt  }

// kernel: kernel.16.cloned.1.call-start
scs
__scs_entry_jumppad:
0x0: {  	(pc) =	sbr.rel $0x88, $3  }
0x1: {  	(tag) =	ssettag $0x0;
	lr =	simm.s32 $0x1  }
0x2: {  	[smem:$0x3F99] =	sst lr;
	_ =	strace $0xD0000000  }
0x3: {  	_ = 	snop  }
0x4: {  	_ = 	snop  }
0x5: {  	_ = 	snop  }
0x6: {  	_ = 	snop  }
0x7: {  	_ = 	snop  }
__scs_overlays_trampoline_lowered:
0x8: {  	[smem:$0x3FA8] =	sst s0  }
0x9: {  	[smem:$0x3FA9] =	sst s1  }
0xa: {  	[smem:$0x3FAA] =	sst s2  }
0xb: {  	[smem:$0x3FAB] =	sst s3  }
0xc: {  	[smem:$0x3FAC] =	sst s4  }
0xd: {  	[smem:$0x3FAD] =	sst s5  }
0xe: {  	[smem:$0x3FAE] =	sst s6  }
0xf: {  	[smem:$0x3FAF] =	sst s7  }
0x10: {  	[smem:$0x3FB0] =	sst s8  }
0x11: {  	[smem:$0x3FB1] =	sst s9;
	s0 =	simm.s32 @!p0 $0x0  }
0x12: {  	s1 =	sld [smem:$0x3F97];
	s0 =	simm.s32 @p0 $0x1  }
0x13: {  	[smem:$0x3FB2] =	sst s0;
	s0 =	simm.s32 @!p1 $0x0  }
0x14: {  	s2 =	sld [smem:$0x3F96];
	s0 =	simm.s32 @p1 $0x1  }
0x15: {  	[smem:$0x3FB3] =	sst s0;
	s0 =	simm.s32 @!p2 $0x0  }
0x16: {  	s3 =	sld [smem:$0x3FDB];
	s0 =	simm.s32 @p2 $0x1  }
0x17: {  	s4 =	simm.s32 $0x1BF5;
	[smem:$0x3FB5] =	sst s0  }
0x18: {  	s0 =	sld [smem:$0x3F98];
	_ =	swait.ge [sflag:s4], $0x0  }
0x19: {  	s7 =	sld [smem:$0x3F99]  }
0x1a: {  	s8 =	sadd.s32 $0xFFFFE003, lr  }
0x1b: {  	s9 =	sadd.s32 $0xFFFFFEF7, lr;
	s5 =	simm.s32 $0xFFFFFFFF;
	p2 =	slt.u32 s8, $0xFFFFF086  }
0x1c: {  	p1 =	slt.u32 s9, $0xF7A;
	s5 =	simm.s32 @!p2 $0x0  }
0x1d: {  	s5 =	simm.s32 @p1 $0x1;
	p0 =	seq.s32 s7, s2  }
0x1e: {  	s7 =	smul.u32 @!p0 $0xF7A, s2;
	p2 =	seq.s32 @!p0 s5, $0x0  }
0x1f: {  	s9 =	smul.u32 $0xF7A, s1;
	s8 =	simm.s32 @!p0 $0x1BF5;
	p2 =	por !p2, p0  }
0x20: {  	[sflag:s8] =	ssyncset.s32 @!p0 $0xFFFFF086;
	s6 =	sadd.s32 @!p0 s3, s7;
	s7 =	simm.s32 @!p0 $0x108  }
0x21: {  	s3 =	sadd.s32 s3, s9;
	s6 =	sadd.s32 @!p0 $0x88, s6;
	s7 =	simm.s32 @p2 $0x1082  }
0x22: {  	[simem:s7], [sflag:s8] =	dma.local @!p0 [hbm:s6], $0xF7A  }
0x23: {  	s9 =	sor.u32 $0xD0000000, s2;
	s6 =	simm.s32 $0x108;
	_ =	swait.ge @!p0 [sflag:s8], $0x0  }
0x24: {  	s3 =	sadd.s32 $0x88, s3;
	s6 =	simm.s32 @!p1 $0x1082;
	[sflag:s4] =	ssyncset.s32 $0xFFFFF086  }
0x25: {  	[simem:s6], [sflag:s4] =	dma.local [hbm:s3], $0xF7A  }
0x26: {  	[smem:$0x3F99] =	sst s1;
	(tag) =	ssettag s2;
	_ =	strace s9  }
0x27: {  	s1 =	sld [smem:$0x3FA9]  }
0x28: {  	s2 =	sld [smem:$0x3FAA]  }
0x29: {  	s4 =	sld [smem:$0x3FAC]  }
0x2a: {  	p0 =	seq.s32 s5, $0x0;
	s5 =	sld [smem:$0x3FAD]  }
0x2b: {  	s6 =	sld [smem:$0x3FAE]  }
0x2c: {  	s7 =	sld [smem:$0x3FAF]  }
0x2d: {  	s3 =	simm.s32 $0x108;
	s8 =	sld [smem:$0x3FB0]  }
0x2e: {  	s3 =	simm.s32 @!p0 $0x1082;
	s9 =	sld [smem:$0x3FB1]  }
0x2f: {  	lr =	sadd.s32 s0, s3;
	s0 =	sld [smem:$0x3FA8]  }
0x30: {  	s3 =	sld [smem:$0x3FAB]  }
0x31: {  	[smem:$0x3FB4] =	sst s10  }
0x32: {  	s10 =	sld [smem:$0x3FB2];
	_ =	sdelay $0x3  }
0x33: {  	p0 =	seq.s32 s10, $0x1;
	s10 =	sld [smem:$0x3FB4];
	_ =	sdelay $0x3  }
0x34: {  	[smem:$0x3FB4] =	sst s10  }
0x35: {  	s10 =	sld [smem:$0x3FB3];
	_ =	sdelay $0x3  }
0x36: {  	p1 =	seq.s32 s10, $0x1;
	s10 =	sld [smem:$0x3FB4];
	_ =	sdelay $0x3  }
0x37: {  	[smem:$0x3FB4] =	sst s10  }
0x38: {  	s10 =	sld [smem:$0x3FB5]  }
0x39: {  	_ = 	snop;
	(pc) =	sbr.ind lr, $3  }
0x3a: {  	_ = 	snop  }
0x3b: {  	_ = 	snop  }
0x3c: {  	p2 =	seq.s32 s10, $0x1;
	s10 =	sld [smem:$0x3FB4]  }
0x3d: {  	_ =	shalt  }
0x3e: {  	_ =	shalt  }
0x3f: {  	_ =	shalt  }
0x40: {  	_ =	shalt  }
0x41: {  	_ =	shalt  }
0x42: {  	_ =	shalt  }
0x43: {  	_ =	shalt  }
0x44: {  	_ =	shalt  }
0x45: {  	_ =	shalt  }
0x46: {  	_ =	shalt  }
0x47: {  	_ =	shalt  }
0x48: {  	_ =	shalt  }
0x49: {  	_ =	shalt  }
0x4a: {  	_ =	shalt  }
0x4b: {  	_ =	shalt  }
0x4c: {  	_ =	shalt  }
0x4d: {  	_ =	shalt  }
0x4e: {  	_ =	shalt  }
0x4f: {  	_ =	shalt  }
0x50: {  	_ =	shalt  }
0x51: {  	_ =	shalt  }
0x52: {  	_ =	shalt  }
0x53: {  	_ =	shalt  }
0x54: {  	_ =	shalt  }
0x55: {  	_ =	shalt  }
0x56: {  	_ =	shalt  }
0x57: {  	_ =	shalt  }
0x58: {  	_ =	shalt  }
0x59: {  	_ =	shalt  }
0x5a: {  	_ =	shalt  }
0x5b: {  	_ =	shalt  }
0x5c: {  	_ =	shalt  }
0x5d: {  	_ =	shalt  }
0x5e: {  	_ =	shalt  }
0x5f: {  	_ =	shalt  }
0x60: {  	_ =	shalt  }
0x61: {  	_ =	shalt  }
0x62: {  	_ =	shalt  }
0x63: {  	_ =	shalt  }
0x64: {  	_ =	shalt  }
0x65: {  	_ =	shalt  }
0x66: {  	_ =	shalt  }
0x67: {  	_ =	shalt  }
0x68: {  	_ =	shalt  }
0x69: {  	_ =	shalt  }
0x6a: {  	_ =	shalt  }
0x6b: {  	_ =	shalt  }
0x6c: {  	_ =	shalt  }
0x6d: {  	_ =	shalt  }
0x6e: {  	_ =	shalt  }
0x6f: {  	_ =	shalt  }
0x70: {  	_ =	shalt  }
0x71: {  	_ =	shalt  }
0x72: {  	_ =	shalt  }
0x73: {  	_ =	shalt  }
0x74: {  	_ =	shalt  }
0x75: {  	_ =	shalt  }
0x76: {  	_ =	shalt  }
0x77: {  	_ =	shalt  }
0x78: {  	_ =	shalt  }
0x79: {  	_ =	shalt  }
0x7a: {  	_ =	shalt  }
0x7b: {  	_ =	shalt  }
0x7c: {  	_ =	shalt  }
0x7d: {  	_ =	shalt  }
0x7e: {  	_ =	shalt  }
0x7f: {  	_ =	shalt  }
0x80: {  	_ =	shalt  }
0x81: {  	_ =	shalt  }
0x82: {  	_ =	shalt  }
0x83: {  	_ =	shalt  }
0x84: {  	_ =	shalt  }
0x85: {  	_ =	shalt  }
0x86: {  	_ =	shalt  }
0x87: {  	_ =	shalt  }
.Lfunc_end0:
.L_simem_size_0:
called_computation.2_lowered:
.L_overlay_start_0:
0x88: {  	s2 =	sld [smem:$0x3FD9]  }
0x89: {  	s3 =	sld [smem:$0x3FFE];
	_ =	sdelay $0x1  }
0x8a: {  	s1 =	srdreg.scid  }
0x8b: {  	s0 =	sand.u32 $0x1, s1  }
0x8c: {  	s16 =	sshll.u32 s0, $0xA;
	s2 =	sadd.s32 s3, s2  }
0x8d: {  	s2 =	sadd.s32 s2, s16  }
0x8e: {  	[smem:$0x3FC0] =	sst s2  }
0x8f: {  	_ = 	snop  }
0x90: {  	(tm) =	ssettm $0x1  }
0x91: {  	s17 =	sld [smem:$0x3FFB];
	_ =	sdelay $0x3  }
0x92: {  	_ =	strace s17  }
0x93: {  	s2 =	sld [smem:$0x3FFC];
	_ =	sdelay $0x3  }
0x94: {  	_ =	strace s2  }
0x95: {  	s2 =	sld [smem:$0x3FFD];
	_ =	sdelay $0x3  }
0x96: {  	_ =	strace s2  }
0x97: {  	_ =	strace $0x8FFFFFFF  }
0x98: {  	s18 =	sld [smem:$0x3FDB];
	_ =	sdelay $0x1  }
0x99: {  	s19 =	simm.s32 $_scs_section_size  }
0x9a: {  	s4 =	simm.s32 $_size__tile_overlayer_lowered;
	s5 =	simm.s32 $_tile_overlayer_lowered  }
0x9b: {  	s22 =	simm.s32 $0x1BFF;
	s21 =	sshll.u32 s5, $0x1;
	s2 =	sadd.s32 s19, s18  }
0x9c: {  	s6 =	simm.s32 $0x0;
	s20 =	sshll.u32 s4, $0x1;
	s4 =	sadd.s32 s21, s2  }
0x9d: {  	[timem:s6], [sflag:s22] =	dma.local [hbm:s4], s20  }
0x9e: {  	_ =	swait.ge [sflag:s22], s20  }
0x9f: {  	s3 =	ssub.s32 $0x0, s20;
	[sflag:s22] =	ssyncset.done $0x0  }
0xa0: {  	[sflag:s22] =	ssyncadd.s32 s3;
	_ =	sdelay $0x1  }
0xa1: {  	s23 =	simm.s32 $0x1B8B  }
0xa2: {  	_ =	swait.ge [sflag:s23], $0x1  }
0xa3: {  	[sflag:s23] =	ssyncset.done $0x0  }
0xa4: {  	s25 =	simm.s32 $0x1B8E;
	s24 =	sld [smem:$0x3FFE];
	[sflag:s23] =	ssyncadd.s32 $0xFFFFFFFF  }
0xa5: {  	s26 =	simm.s32 $execute0_lowered;
	[smem:$0x3FD2] =	sst s25  }
0xa6: {  	s4 =	sshll.u32 s26, $0x1;
	_ =	strace $0x8000004C;
	[dreg:$0x1] =	wrdreg $0xFFFFFFFF  }
0xa7: {  	s28 =	simm.s32 $_size_execute0_lowered;
	s2 =	sadd.s32 s2, s4;
	[dreg:$0x0] =	wrdreg $0x0  }
0xa8: {  	s4 =	sshll.u32 s28, $0x1;
	[dreg:$0x2] =	wrdreg s2  }
0xa9: {  	[dreg:$0x3] =	wrdreg s4  }
0xaa: {  	[dreg:$0x4] =	wrdreg $0xC0  }
0xab: {  	_ =	task [dreg:s6], $0x5FFFF  }
0xac: {  	[dreg:$0x1] =	wrdreg $0xFFFFFFFF  }
0xad: {  	[dreg:$0x0] =	wrdreg $0x60  }
0xae: {  	[dreg:$0x2] =	wrdreg s24  }
0xaf: {  	[dreg:$0x3] =	wrdreg $0xC000  }
0xb0: {  	[dreg:$0x4] =	wrdreg $0x6DC00  }
0xb1: {  	[dreg:$0x5] =	wrdreg $0x9  }
0xb2: {  	_ =	task.clear_ibuf [dreg:s6], $0x6FFFF;
	_ =	strace $0x9000004C  }
0xb3: {  	s29 =	simm.s32 $0x9;
	_ =	strace $0x8000004E  }
0xb4: {  	_ =	swait.ge [sflag:s29], $0x1  }
0xb5: {  	[sflag:s29] =	ssyncadd.s32 $0xFFFFFFFF  }
0xb6: {  	_ =	strace $0x9000004E  }
0xb7: {  	_ =	sfence  }
0xb8: {  	s30 =	sld [smem:$0x0];
	_ =	sdelay $0x2  }
0xb9: {  	s31 =	sshll.u32 s1, $0xD;
	s1 =	sshrl.u32 s1, $0x2  }
0xba: {  	s3 =	sand.u32 $0x4000, s31;
	s1 =	sadd.s32 s1, s30  }
0xbb: {  	s0 =	sor.u32 s3, s0;
	s1 =	sshll.u32 s1, $0x11  }
0xbc: {  	s0 =	sor.u32 s1, s0  }
0xbd: {  	s0 =	sadd.s32 $0x8F2B, s0  }
0xbe: {  	[sflag:s0] =	ssyncadd.remote.s32 $0x1  }
0xbf: {  	_ =	sfence.sel $0xFFFF  }
0xc0: {  	[dreg:$0x0] =	wrdreg $0xFFFFFFFF;
	(pc) =	sbr.abs _section_cstart, $3  }
0xc1: {  	[dreg:$0x1] =	wrdreg $0xFFFFFFFF  }
0xc2: {  	_ =	task.clear_ibuf [dreg:s6], $0x2FFFF;
	_ =	strace $0x9FFFFFFF  }
0xc3: {  	(tm) =	ssettm $0x7FFFFFFF  }
tec
execute0_lowered:
.L_overlay_start_1:
0x0: {  	(tag) =	ssettag $0x1  }
0x1: {  	s0 =	rddreg [dreg:$0x0]  }
0x2: {  	s1 =	srdreg.scid;
	s2 =	rddreg [dreg:$0x1]  }
0x3: {  	s12 =	stileid.u32;
	s3 =	rddreg [dreg:$0x2];
	s4 =	simm.s32 $0x0  }
0x4: {  	s14 =	simm.s32 $0x3;
	s16 =	simm.s32 $0x400;
	s17 =	simm.s32 $0x80  }
0x5: {  	s18 =	simm.s32 $0x800;
	s19 =	simm.s32 $0x480;
	s20 =	simm.s32 $0x100  }
0x6: {  	s21 =	simm.s32 $0x500;
	s28 =	simm.s32 $0x680;
	s6 =	smul.u32 $0x18800, s12  }
0x7: {  	s29 =	simm.s32 $0x300;
	s1 =	sand.u32 $0x1, s1;
	s7 =	smul.u32 $0x61C0, s12  }
0x8: {  	s30 =	simm.s32 $0x700;
	s31 =	simm.s32 $0x380;
	s5 =	smul.u32 $0x188000, s1  }
0x9: {  	[smem:$0x7FF] =	sst s4;
	s23 =	sshll.u32 s12, $0x6;
	s22 =	smul.u32 $0x61C00, s1  }
0xa: {  	_ =	strace $0x8000004D;
	s9 =	ssub.s32 $0x2, s1;
	s1 =	sshll.u32 s1, $0x4  }
0xb: {  	s8 =	sshrl.u32 s7, $0x3;
	s10 =	sshrl.u32 s9, $0x1;
	s1 =	sor.u32 s12, s1  }
0xc: {  	s11 =	sadd.s32 s7, s2;
	s5 =	sadd.s32 s6, s5;
	s6 =	sadd.s32 s7, s22  }
0xd: {  	s8 =	sadd.s32 s8, s0;
	s9 =	ssub.s32 s9, s10;
	s7 =	sadd.s32 s7, s3  }
0xe: {  	p0 =	seq.s32 s1, $0x1F;
	s26 =	sshrl.u32 s11, $0x3;
	s22 =	simm.s32 $0x180  }
0xf: {  	s1 =	simm.s32 $0x780;
	s5 =	sshrl.u32 s5, $0x3;
	s6 =	sshrl.u32 s6, $0x3  }
0x10: {  	s24 =	sadd.s32 $0x335200, s8;
	s8 =	sadd.s32 $0x341600, s8;
	s25 =	smax.u32 s9, $0x1  }
0x11: {  	[dreg:$0x8] =	wrdreg s26;
	s15 =	sshrl.u32 s7, $0x3;
	s26 =	simm.s32 $0x280  }
0x12: {  	s7 =	simm.s32 $0x0;
	s5 =	sadd.s32 s5, s0;
	[dreg:$0x4] =	wrdreg s24  }
0x13: {  	s0 =	sadd.s32 s6, s0;
	s6 =	sor.u32 $0x1C03, s23;
	[dreg:$0x5] =	wrdreg s8  }
0x14: {  	s8 =	simm.s32 $0x57;
	[dreg:$0x7] =	wrdreg s25;
	s23 =	simm.s32 $0x580  }
0x15: {  	s24 =	simm.s32 $0x200;
	s25 =	simm.s32 $0x600;
	s8 =	simm.s32 @!p0 $0x62  }
0x16: {  	s0 =	sadd.s32 $0x34DA00, s0;
	s10 =	sadd.s32 $0x64200, s5;
	s13 =	sadd.s32 $0x2600, s5  }
0x17: {  	s5 =	simm.s32 $0x2;
	[dreg:$0x6] =	wrdreg s0;
	s0 =	simm.s32 $0x1  }
.LBB2_1:
0x18: {  	s9 =	rddreg [dreg:$0x4]  }
0x19: {  	s11 =	rddreg [dreg:$0x8]  }
0x1a: {  	[spmem:s11], [sflag:s6] =	dma.local [hbm:s9], $0xC38  }
0x1b: {  	_ =	swait.ge [sflag:s14], $0xC38  }
0x1c: {  	[sflag:s14] =	ssyncset.done $0x0  }
0x1d: {  	s12 =	rddreg [dreg:$0x5];
	[sflag:s14] =	ssyncadd.s32 $0xFFFFF3C8  }
0x1e: {  	[spmem:s15], [sflag:s6] =	dma.local [hbm:s12], $0xC38  }
0x1f: {  	_ =	swait.ge [sflag:s14], $0xC38  }
0x20: {  	[sflag:s14] =	ssyncset.done $0x0  }
0x21: {  	[sflag:s14] =	ssyncadd.s32 $0xFFFFF3C8  }
0x22: {  	[bflag:$0x0] =	sbarrier.arrive $0xFFFF  }
0x23: {  	[tilespmem:s4], [sflag:$0x3] =	stream.linear.gather [hbm4b:s13+s4], $0x400, $0x38;
	[tilespmem:$0xCF80] =	vst v63  }
0x24: {  	_ =	swait.ge [sflag:s14], $0x400  }
0x25: {  	[sflag:s14] =	ssyncset.done $0x0  }
0x26: {  	[sflag:s14] =	ssyncadd.s32 $0xFFFFFC00  }
0x27: {  	[tilespmem:s16], [sflag:$0x3] =	stream.linear.gather [hbm4b:s10+s4], $0x400, $0x38;
	[tilespmem:$0xCF80] =	vst v63  }
0x28: {  	_ =	swait.ge [sflag:s14], $0x400  }
0x29: {  	[sflag:s14] =	ssyncset.done $0x0  }
0x2a: {  	[sflag:s14] =	ssyncadd.s32 $0xFFFFFC00  }
0x2b: {  	[tilespmem:s18], [sflag:$0x1] =	stream.indirect.gather [spmem:s2], $0x8, s4, s17, $0xb8;
	[tilespmem:$0xCF80] =	vst v63  }
0x2c: {  	_ = 	snop  }
0x2d: {  	[spmem:s3] =	stream.indirect.scatter.add.f32 [tilespmem:s18], [sflag:$0x2], $0x8, s16, s17, $0xb8;
	[tilespmem:$0xCF80] =	vst v63  }
0x2e: {  	_ = 	snop  }
0x2f: {  	[tilespmem:s18], [sflag:$0x1] =	stream.indirect.gather [spmem:s2], $0x8, s17, s17, $0xb8;
	[tilespmem:$0xCF80] =	vst v63  }
0x30: {  	_ = 	snop  }
0x31: {  	[spmem:s3] =	stream.indirect.scatter.add.f32 [tilespmem:s18], [sflag:$0x2], $0x8, s19, s17, $0xb8;
	[tilespmem:$0xCF80] =	vst v63  }
0x32: {  	_ = 	snop  }
0x33: {  	[tilespmem:s18], [sflag:$0x1] =	stream.indirect.gather [spmem:s2], $0x8, s20, s17, $0xb8;
	[tilespmem:$0xCF80] =	vst v63  }
0x34: {  	_ = 	snop  }
0x35: {  	[spmem:s3] =	stream.indirect.scatter.add.f32 [tilespmem:s18], [sflag:$0x2], $0x8, s21, s17, $0xb8;
	[tilespmem:$0xCF80] =	vst v63  }
0x36: {  	_ = 	snop  }
0x37: {  	[tilespmem:s18], [sflag:$0x1] =	stream.indirect.gather [spmem:s2], $0x8, s22, s17, $0xb8;
	[tilespmem:$0xCF80] =	vst v63  }
0x38: {  	_ = 	snop  }
0x39: {  	[spmem:s3] =	stream.indirect.scatter.add.f32 [tilespmem:s18], [sflag:$0x2], $0x8, s23, s17, $0xb8;
	[tilespmem:$0xCF80] =	vst v63  }
0x3a: {  	_ = 	snop  }
0x3b: {  	[tilespmem:s18], [sflag:$0x1] =	stream.indirect.gather [spmem:s2], $0x8, s24, s17, $0xb8;
	[tilespmem:$0xCF80] =	vst v63  }
0x3c: {  	_ = 	snop  }
0x3d: {  	[spmem:s3] =	stream.indirect.scatter.add.f32 [tilespmem:s18], [sflag:$0x2], $0x8, s25, s17, $0xb8;
	[tilespmem:$0xCF80] =	vst v63  }
0x3e: {  	_ = 	snop  }
0x3f: {  	[tilespmem:s18], [sflag:$0x1] =	stream.indirect.gather [spmem:s2], $0x8, s26, s17, $0xb8;
	[tilespmem:$0xCF80] =	vst v63  }
0x40: {  	_ = 	snop  }
0x41: {  	[spmem:s3] =	stream.indirect.scatter.add.f32 [tilespmem:s18], [sflag:$0x2], $0x8, s28, s17, $0xb8;
	[tilespmem:$0xCF80] =	vst v63  }
0x42: {  	_ = 	snop  }
0x43: {  	[tilespmem:s18], [sflag:$0x1] =	stream.indirect.gather [spmem:s2], $0x8, s29, s17, $0xb8;
	[tilespmem:$0xCF80] =	vst v63  }
0x44: {  	_ = 	snop  }
0x45: {  	[spmem:s3] =	stream.indirect.scatter.add.f32 [tilespmem:s18], [sflag:$0x2], $0x8, s30, s17, $0xb8;
	[tilespmem:$0xCF80] =	vst v63  }
0x46: {  	_ = 	snop  }
0x47: {  	[tilespmem:s18], [sflag:$0x1] =	stream.indirect.gather [spmem:s2], $0x8, s31, s17, $0xb8;
	[tilespmem:$0xCF80] =	vst v63  }
0x48: {  	_ = 	snop  }
0x49: {  	[spmem:s3] =	stream.indirect.scatter.add.f32 [tilespmem:s18], [sflag:$0x2], $0x8, s1, s17, $0xb8;
	[tilespmem:$0xCF80] =	vst v63  }
0x4a: {  	_ =	swait.ge [sflag:s0], $0x400  }
0x4b: {  	[sflag:s0] =	ssyncset.done $0x0  }
0x4c: {  	[sflag:s0] =	ssyncadd.s32 $0xFFFFFC00  }
0x4d: {  	_ =	swait.ge [sflag:s5], $0x400  }
0x4e: {  	[sflag:s5] =	ssyncset.done $0x0  }
0x4f: {  	[sflag:s5] =	ssyncadd.s32 $0xFFFFFC00  }
0x50: {  	_ =	swait.ge [sflag:s0], $0x400  }
0x51: {  	[sflag:s0] =	ssyncset.done $0x0  }
0x52: {  	[sflag:s0] =	ssyncadd.s32 $0xFFFFFC00  }
0x53: {  	_ =	swait.ge [sflag:s5], $0x400  }
0x54: {  	[sflag:s5] =	ssyncset.done $0x0  }
0x55: {  	[sflag:s5] =	ssyncadd.s32 $0xFFFFFC00  }
0x56: {  	_ =	swait.ge [sflag:s0], $0x400  }
0x57: {  	[sflag:s0] =	ssyncset.done $0x0  }
0x58: {  	[sflag:s0] =	ssyncadd.s32 $0xFFFFFC00  }
0x59: {  	_ =	swait.ge [sflag:s5], $0x400  }
0x5a: {  	[sflag:s5] =	ssyncset.done $0x0  }
0x5b: {  	[sflag:s5] =	ssyncadd.s32 $0xFFFFFC00  }
0x5c: {  	_ =	swait.ge [sflag:s0], $0x400  }
0x5d: {  	[sflag:s0] =	ssyncset.done $0x0  }
0x5e: {  	[sflag:s0] =	ssyncadd.s32 $0xFFFFFC00  }
0x5f: {  	_ =	swait.ge [sflag:s5], $0x400  }
0x60: {  	[sflag:s5] =	ssyncset.done $0x0  }
0x61: {  	[sflag:s5] =	ssyncadd.s32 $0xFFFFFC00  }
0x62: {  	_ =	swait.ge [sflag:s0], $0x400  }
0x63: {  	[sflag:s0] =	ssyncset.done $0x0  }
0x64: {  	[sflag:s0] =	ssyncadd.s32 $0xFFFFFC00  }
0x65: {  	_ =	swait.ge [sflag:s5], $0x400  }
0x66: {  	[sflag:s5] =	ssyncset.done $0x0  }
0x67: {  	[sflag:s5] =	ssyncadd.s32 $0xFFFFFC00  }
0x68: {  	_ =	swait.ge [sflag:s0], $0x400  }
0x69: {  	[sflag:s0] =	ssyncset.done $0x0  }
0x6a: {  	[sflag:s0] =	ssyncadd.s32 $0xFFFFFC00  }
0x6b: {  	_ =	swait.ge [sflag:s5], $0x400  }
0x6c: {  	[sflag:s5] =	ssyncset.done $0x0  }
0x6d: {  	[sflag:s5] =	ssyncadd.s32 $0xFFFFFC00  }
0x6e: {  	_ =	swait.ge [sflag:s0], $0x400  }
0x6f: {  	[sflag:s0] =	ssyncset.done $0x0  }
0x70: {  	[sflag:s0] =	ssyncadd.s32 $0xFFFFFC00  }
0x71: {  	_ =	swait.ge [sflag:s5], $0x400  }
0x72: {  	[sflag:s5] =	ssyncset.done $0x0  }
0x73: {  	p0 =	sne.s32 s8, $0x1;
	[sflag:s5] =	ssyncadd.s32 $0xFFFFFC00  }
.Ltmp0:
0x74: {  	_ =	swait.ge [sflag:s0], $0x400;
	(pc) =	sbr.rel @!p0 .LBB2_3-.Ltmp0, $4  }
0x75: {  	[sflag:s0] =	ssyncset.done $0x0  }
0x76: {  	[sflag:s0] =	ssyncadd.s32 $0xFFFFFC00  }
0x77: {  	s9 =	sadd.s32 $0xFFFFFFFF, s8;
	_ =	swait.ge [sflag:s5], $0x400  }
0x78: {  	s11 =	smov.u32 s10;
	s12 =	smov.u32 s13;
	[sflag:s5] =	ssyncset.done $0x0  }
.LBB2_2:
0x79: {  	[sflag:s5] =	ssyncadd.s32 $0xFFFFFC00;
	s11 =	sadd.s32 $0x80, s11;
	s12 =	sadd.s32 $0x80, s12  }
0x7a: {  	[tilespmem:s4], [sflag:$0x3] =	stream.linear.gather [hbm4b:s12+s4], $0x400, $0x38;
	[tilespmem:$0xCF80] =	vst v63  }
0x7b: {  	p0 =	sne.s32 s9, $0x1;
	s9 =	sadd.s32 $0xFFFFFFFF, s9;
	_ =	swait.ge [sflag:s14], $0x400  }
0x7c: {  	[sflag:s14] =	ssyncset.done $0x0  }
0x7d: {  	[sflag:s14] =	ssyncadd.s32 $0xFFFFFC00  }
0x7e: {  	[tilespmem:s16], [sflag:$0x3] =	stream.linear.gather [hbm4b:s11+s4], $0x400, $0x38;
	[tilespmem:$0xCF80] =	vst v63  }
0x7f: {  	_ =	swait.ge [sflag:s14], $0x400  }
0x80: {  	[sflag:s14] =	ssyncset.done $0x0  }
0x81: {  	[sflag:s14] =	ssyncadd.s32 $0xFFFFFC00  }
0x82: {  	[tilespmem:s18], [sflag:$0x1] =	stream.indirect.gather [spmem:s2], $0x8, s4, s17, $0xb8;
	[tilespmem:$0xCF80] =	vst v63  }
0x83: {  	_ = 	snop  }
0x84: {  	[spmem:s3] =	stream.indirect.scatter.add.f32 [tilespmem:s18], [sflag:$0x2], $0x8, s16, s17, $0xb8;
	[tilespmem:$0xCF80] =	vst v63  }
0x85: {  	_ = 	snop  }
0x86: {  	[tilespmem:s18], [sflag:$0x1] =	stream.indirect.gather [spmem:s2], $0x8, s17, s17, $0xb8;
	[tilespmem:$0xCF80] =	vst v63  }
0x87: {  	_ = 	snop  }
0x88: {  	[spmem:s3] =	stream.indirect.scatter.add.f32 [tilespmem:s18], [sflag:$0x2], $0x8, s19, s17, $0xb8;
	[tilespmem:$0xCF80] =	vst v63  }
0x89: {  	_ = 	snop  }
0x8a: {  	[tilespmem:s18], [sflag:$0x1] =	stream.indirect.gather [spmem:s2], $0x8, s20, s17, $0xb8;
	[tilespmem:$0xCF80] =	vst v63  }
0x8b: {  	_ = 	snop  }
0x8c: {  	[spmem:s3] =	stream.indirect.scatter.add.f32 [tilespmem:s18], [sflag:$0x2], $0x8, s21, s17, $0xb8;
	[tilespmem:$0xCF80] =	vst v63  }
0x8d: {  	_ = 	snop  }
0x8e: {  	[tilespmem:s18], [sflag:$0x1] =	stream.indirect.gather [spmem:s2], $0x8, s22, s17, $0xb8;
	[tilespmem:$0xCF80] =	vst v63  }
0x8f: {  	_ = 	snop  }
0x90: {  	[spmem:s3] =	stream.indirect.scatter.add.f32 [tilespmem:s18], [sflag:$0x2], $0x8, s23, s17, $0xb8;
	[tilespmem:$0xCF80] =	vst v63  }
0x91: {  	_ = 	snop  }
0x92: {  	[tilespmem:s18], [sflag:$0x1] =	stream.indirect.gather [spmem:s2], $0x8, s24, s17, $0xb8;
	[tilespmem:$0xCF80] =	vst v63  }
0x93: {  	_ = 	snop  }
0x94: {  	[spmem:s3] =	stream.indirect.scatter.add.f32 [tilespmem:s18], [sflag:$0x2], $0x8, s25, s17, $0xb8;
	[tilespmem:$0xCF80] =	vst v63  }
0x95: {  	_ = 	snop  }
0x96: {  	[tilespmem:s18], [sflag:$0x1] =	stream.indirect.gather [spmem:s2], $0x8, s26, s17, $0xb8;
	[tilespmem:$0xCF80] =	vst v63  }
0x97: {  	_ = 	snop  }
0x98: {  	[spmem:s3] =	stream.indirect.scatter.add.f32 [tilespmem:s18], [sflag:$0x2], $0x8, s28, s17, $0xb8;
	[tilespmem:$0xCF80] =	vst v63  }
0x99: {  	_ = 	snop  }
0x9a: {  	[tilespmem:s18], [sflag:$0x1] =	stream.indirect.gather [spmem:s2], $0x8, s29, s17, $0xb8;
	[tilespmem:$0xCF80] =	vst v63  }
0x9b: {  	_ = 	snop  }
0x9c: {  	[spmem:s3] =	stream.indirect.scatter.add.f32 [tilespmem:s18], [sflag:$0x2], $0x8, s30, s17, $0xb8;
	[tilespmem:$0xCF80] =	vst v63  }
0x9d: {  	_ = 	snop  }
0x9e: {  	[tilespmem:s18], [sflag:$0x1] =	stream.indirect.gather [spmem:s2], $0x8, s31, s17, $0xb8;
	[tilespmem:$0xCF80] =	vst v63  }
0x9f: {  	_ = 	snop  }
0xa0: {  	[spmem:s3] =	stream.indirect.scatter.add.f32 [tilespmem:s18], [sflag:$0x2], $0x8, s1, s17, $0xb8;
	[tilespmem:$0xCF80] =	vst v63  }
0xa1: {  	_ =	swait.ge [sflag:s0], $0x400  }
0xa2: {  	[sflag:s0] =	ssyncset.done $0x0  }
0xa3: {  	[sflag:s0] =	ssyncadd.s32 $0xFFFFFC00  }
0xa4: {  	_ =	swait.ge [sflag:s5], $0x400  }
0xa5: {  	[sflag:s5] =	ssyncset.done $0x0  }
0xa6: {  	[sflag:s5] =	ssyncadd.s32 $0xFFFFFC00  }
0xa7: {  	_ =	swait.ge [sflag:s0], $0x400  }
0xa8: {  	[sflag:s0] =	ssyncset.done $0x0  }
0xa9: {  	[sflag:s0] =	ssyncadd.s32 $0xFFFFFC00  }
0xaa: {  	_ =	swait.ge [sflag:s5], $0x400  }
0xab: {  	[sflag:s5] =	ssyncset.done $0x0  }
0xac: {  	[sflag:s5] =	ssyncadd.s32 $0xFFFFFC00  }
0xad: {  	_ =	swait.ge [sflag:s0], $0x400  }
0xae: {  	[sflag:s0] =	ssyncset.done $0x0  }
0xaf: {  	[sflag:s0] =	ssyncadd.s32 $0xFFFFFC00  }
0xb0: {  	_ =	swait.ge [sflag:s5], $0x400  }
0xb1: {  	[sflag:s5] =	ssyncset.done $0x0  }
0xb2: {  	[sflag:s5] =	ssyncadd.s32 $0xFFFFFC00  }
0xb3: {  	_ =	swait.ge [sflag:s0], $0x400  }
0xb4: {  	[sflag:s0] =	ssyncset.done $0x0  }
0xb5: {  	[sflag:s0] =	ssyncadd.s32 $0xFFFFFC00  }
0xb6: {  	_ =	swait.ge [sflag:s5], $0x400  }
0xb7: {  	[sflag:s5] =	ssyncset.done $0x0  }
0xb8: {  	[sflag:s5] =	ssyncadd.s32 $0xFFFFFC00  }
0xb9: {  	_ =	swait.ge [sflag:s0], $0x400  }
0xba: {  	[sflag:s0] =	ssyncset.done $0x0  }
0xbb: {  	[sflag:s0] =	ssyncadd.s32 $0xFFFFFC00  }
0xbc: {  	_ =	swait.ge [sflag:s5], $0x400  }
0xbd: {  	[sflag:s5] =	ssyncset.done $0x0  }
0xbe: {  	[sflag:s5] =	ssyncadd.s32 $0xFFFFFC00  }
0xbf: {  	_ =	swait.ge [sflag:s0], $0x400  }
0xc0: {  	[sflag:s0] =	ssyncset.done $0x0  }
0xc1: {  	[sflag:s0] =	ssyncadd.s32 $0xFFFFFC00  }
0xc2: {  	_ =	swait.ge [sflag:s5], $0x400  }
0xc3: {  	[sflag:s5] =	ssyncset.done $0x0  }
0xc4: {  	[sflag:s5] =	ssyncadd.s32 $0xFFFFFC00  }
0xc5: {  	_ =	swait.ge [sflag:s0], $0x400  }
0xc6: {  	[sflag:s0] =	ssyncset.done $0x0  }
0xc7: {  	[sflag:s0] =	ssyncadd.s32 $0xFFFFFC00  }
0xc8: {  	_ =	swait.ge [sflag:s5], $0x400  }
0xc9: {  	[sflag:s5] =	ssyncset.done $0x0  }
0xca: {  	[sflag:s5] =	ssyncadd.s32 $0xFFFFFC00  }
.Ltmp1:
0xcb: {  	_ =	swait.ge [sflag:s0], $0x400;
	(pc) =	sbr.rel @p0 .LBB2_2-.Ltmp1, $4  }
0xcc: {  	[sflag:s0] =	ssyncset.done $0x0  }
0xcd: {  	[sflag:s0] =	ssyncadd.s32 $0xFFFFFC00  }
0xce: {  	_ =	swait.ge [sflag:s5], $0x400  }
0xcf: {  	[sflag:s5] =	ssyncset.done $0x0  }
.LBB2_3:
0xd0: {  	[sflag:s5] =	ssyncadd.s32 $0xFFFFFC00  }
0xd1: {  	[bflag:$0x0] =	sbarrier.arrive $0xFFFF  }
0xd2: {  	s9 =	rddreg [dreg:$0x6]  }
0xd3: {  	[hbm:s9], [sflag:s6] =	dma.local [spmem:s15], $0xC38  }
0xd4: {  	_ =	swait.ge [sflag:s14], $0xC38  }
0xd5: {  	s7 =	sadd.s32 $0x1, s7;
	s12 =	rddreg [dreg:$0x7]  }
0xd6: {  	p0 =	sne.s32 s7, s12  }
.Ltmp2:
0xd7: {  	_ = 	snop;
	(pc) =	sbr.rel @p0 .LBB2_1-.Ltmp2, $3  }
0xd8: {  	_ =	sdelay $0x1  }
0xd9: {  	[sflag:s14] =	ssyncset.done $0x0  }
0xda: {  	[sflag:s14] =	ssyncadd.s32 $0xFFFFF3C8  }
0xdb: {  	_ =	sfence.sel $0x180000  }
0xdc: {  	[bflag:$0x0] =	sbarrier.arrive $0xFFFF  }
0xdd: {  	_ =	strace $0x9000004D  }
0xde: {  	s0 =	stileid.u32;
	[bflag:$0x2] =	sbarrier.arrive $0xFFFF  }
0xdf: {  	p0 =	sne.s32 s0, $0x0;
	s0 =	rddreg [dreg:$0x3]  }
0xe0: {  	s0 =	sadd.s32 @!p0 $0x100000, s0  }
0xe1: {  	[sflag:s0] =	ssyncadd.tile.s32 @!p0 $0x1;
	_ =	shalt  }
.Lfunc_end2:
_tile_overlayer_lowered:
.L_overlay_start_2:
0xe2: {  	(tag) =	ssettag $0x2  }
0xe3: {  	s0 =	rddreg [dreg:$0x0];
	s2 =	stileid.u32  }
0xe4: {  	s1 =	rddreg [dreg:$0x1];
	p0 =	sne.s32 s2, $0x0  }
0xe5: {  	s3 =	rddreg [dreg:$0x2];
	[bflag:$0x3] =	sbarrier.arrive $0xFFFF;
	s2 =	simm.s32 @!p0 $0x1C03  }
0xe6: {  	[timem:s3], [sflag:s2] =	dma.local @!p0 [hbm:s0], s1  }
0xe7: {  	s0 =	simm.s32 @!p0 $0x3  }
0xe8: {  	_ =	swait.ge @!p0 [sflag:s0], s1  }
0xe9: {  	s1 =	ssub.s32 @!p0 $0x0, s1;
	[sflag:s0] =	ssyncset.done @!p0 $0x0  }
0xea: {  	[sflag:s0] =	ssyncadd.s32 @!p0 s1  }
0xeb: {  	[bflag:$0x3] =	sbarrier.arrive $0xFFFF  }
0xec: {  	_ =	shalt  }

// kernel: kernel.19.cloned.1.call-start
scs
__scs_entry_jumppad:
0x0: {  	(pc) =	sbr.rel $0x88, $3  }
0x1: {  	(tag) =	ssettag $0x0;
	lr =	simm.s32 $0x1  }
0x2: {  	[smem:$0x3F99] =	sst lr;
	_ =	strace $0xD0000000  }
0x3: {  	_ = 	snop  }
0x4: {  	_ = 	snop  }
0x5: {  	_ = 	snop  }
0x6: {  	_ = 	snop  }
0x7: {  	_ = 	snop  }
__scs_overlays_trampoline_lowered:
0x8: {  	[smem:$0x3FA8] =	sst s0  }
0x9: {  	[smem:$0x3FA9] =	sst s1  }
0xa: {  	[smem:$0x3FAA] =	sst s2  }
0xb: {  	[smem:$0x3FAB] =	sst s3  }
0xc: {  	[smem:$0x3FAC] =	sst s4  }
0xd: {  	[smem:$0x3FAD] =	sst s5  }
0xe: {  	[smem:$0x3FAE] =	sst s6  }
0xf: {  	[smem:$0x3FAF] =	sst s7  }
0x10: {  	[smem:$0x3FB0] =	sst s8  }
0x11: {  	[smem:$0x3FB1] =	sst s9;
	s0 =	simm.s32 @!p0 $0x0  }
0x12: {  	s1 =	sld [smem:$0x3F97];
	s0 =	simm.s32 @p0 $0x1  }
0x13: {  	[smem:$0x3FB2] =	sst s0;
	s0 =	simm.s32 @!p1 $0x0  }
0x14: {  	s2 =	sld [smem:$0x3F96];
	s0 =	simm.s32 @p1 $0x1  }
0x15: {  	[smem:$0x3FB3] =	sst s0;
	s0 =	simm.s32 @!p2 $0x0  }
0x16: {  	s3 =	sld [smem:$0x3FDB];
	s0 =	simm.s32 @p2 $0x1  }
0x17: {  	s4 =	simm.s32 $0x1BF5;
	[smem:$0x3FB5] =	sst s0  }
0x18: {  	s0 =	sld [smem:$0x3F98];
	_ =	swait.ge [sflag:s4], $0x0  }
0x19: {  	s7 =	sld [smem:$0x3F99]  }
0x1a: {  	s8 =	sadd.s32 $0xFFFFE003, lr  }
0x1b: {  	s9 =	sadd.s32 $0xFFFFFEF7, lr;
	s5 =	simm.s32 $0xFFFFFFFF;
	p2 =	slt.u32 s8, $0xFFFFF086  }
0x1c: {  	p1 =	slt.u32 s9, $0xF7A;
	s5 =	simm.s32 @!p2 $0x0  }
0x1d: {  	s5 =	simm.s32 @p1 $0x1;
	p0 =	seq.s32 s7, s2  }
0x1e: {  	s7 =	smul.u32 @!p0 $0xF7A, s2;
	p2 =	seq.s32 @!p0 s5, $0x0  }
0x1f: {  	s9 =	smul.u32 $0xF7A, s1;
	s8 =	simm.s32 @!p0 $0x1BF5;
	p2 =	por !p2, p0  }
0x20: {  	[sflag:s8] =	ssyncset.s32 @!p0 $0xFFFFF086;
	s6 =	sadd.s32 @!p0 s3, s7;
	s7 =	simm.s32 @!p0 $0x108  }
0x21: {  	s3 =	sadd.s32 s3, s9;
	s6 =	sadd.s32 @!p0 $0x88, s6;
	s7 =	simm.s32 @p2 $0x1082  }
0x22: {  	[simem:s7], [sflag:s8] =	dma.local @!p0 [hbm:s6], $0xF7A  }
0x23: {  	s9 =	sor.u32 $0xD0000000, s2;
	s6 =	simm.s32 $0x108;
	_ =	swait.ge @!p0 [sflag:s8], $0x0  }
0x24: {  	s3 =	sadd.s32 $0x88, s3;
	s6 =	simm.s32 @!p1 $0x1082;
	[sflag:s4] =	ssyncset.s32 $0xFFFFF086  }
0x25: {  	[simem:s6], [sflag:s4] =	dma.local [hbm:s3], $0xF7A  }
0x26: {  	[smem:$0x3F99] =	sst s1;
	(tag) =	ssettag s2;
	_ =	strace s9  }
0x27: {  	s1 =	sld [smem:$0x3FA9]  }
0x28: {  	s2 =	sld [smem:$0x3FAA]  }
0x29: {  	s4 =	sld [smem:$0x3FAC]  }
0x2a: {  	p0 =	seq.s32 s5, $0x0;
	s5 =	sld [smem:$0x3FAD]  }
0x2b: {  	s6 =	sld [smem:$0x3FAE]  }
0x2c: {  	s7 =	sld [smem:$0x3FAF]  }
0x2d: {  	s3 =	simm.s32 $0x108;
	s8 =	sld [smem:$0x3FB0]  }
0x2e: {  	s3 =	simm.s32 @!p0 $0x1082;
	s9 =	sld [smem:$0x3FB1]  }
0x2f: {  	lr =	sadd.s32 s0, s3;
	s0 =	sld [smem:$0x3FA8]  }
0x30: {  	s3 =	sld [smem:$0x3FAB]  }
0x31: {  	[smem:$0x3FB4] =	sst s10  }
0x32: {  	s10 =	sld [smem:$0x3FB2];
	_ =	sdelay $0x3  }
0x33: {  	p0 =	seq.s32 s10, $0x1;
	s10 =	sld [smem:$0x3FB4];
	_ =	sdelay $0x3  }
0x34: {  	[smem:$0x3FB4] =	sst s10  }
0x35: {  	s10 =	sld [smem:$0x3FB3];
	_ =	sdelay $0x3  }
0x36: {  	p1 =	seq.s32 s10, $0x1;
	s10 =	sld [smem:$0x3FB4];
	_ =	sdelay $0x3  }
0x37: {  	[smem:$0x3FB4] =	sst s10  }
0x38: {  	s10 =	sld [smem:$0x3FB5]  }
0x39: {  	_ = 	snop;
	(pc) =	sbr.ind lr, $3  }
0x3a: {  	_ = 	snop  }
0x3b: {  	_ = 	snop  }
0x3c: {  	p2 =	seq.s32 s10, $0x1;
	s10 =	sld [smem:$0x3FB4]  }
0x3d: {  	_ =	shalt  }
0x3e: {  	_ =	shalt  }
0x3f: {  	_ =	shalt  }
0x40: {  	_ =	shalt  }
0x41: {  	_ =	shalt  }
0x42: {  	_ =	shalt  }
0x43: {  	_ =	shalt  }
0x44: {  	_ =	shalt  }
0x45: {  	_ =	shalt  }
0x46: {  	_ =	shalt  }
0x47: {  	_ =	shalt  }
0x48: {  	_ =	shalt  }
0x49: {  	_ =	shalt  }
0x4a: {  	_ =	shalt  }
0x4b: {  	_ =	shalt  }
0x4c: {  	_ =	shalt  }
0x4d: {  	_ =	shalt  }
0x4e: {  	_ =	shalt  }
0x4f: {  	_ =	shalt  }
0x50: {  	_ =	shalt  }
0x51: {  	_ =	shalt  }
0x52: {  	_ =	shalt  }
0x53: {  	_ =	shalt  }
0x54: {  	_ =	shalt  }
0x55: {  	_ =	shalt  }
0x56: {  	_ =	shalt  }
0x57: {  	_ =	shalt  }
0x58: {  	_ =	shalt  }
0x59: {  	_ =	shalt  }
0x5a: {  	_ =	shalt  }
0x5b: {  	_ =	shalt  }
0x5c: {  	_ =	shalt  }
0x5d: {  	_ =	shalt  }
0x5e: {  	_ =	shalt  }
0x5f: {  	_ =	shalt  }
0x60: {  	_ =	shalt  }
0x61: {  	_ =	shalt  }
0x62: {  	_ =	shalt  }
0x63: {  	_ =	shalt  }
0x64: {  	_ =	shalt  }
0x65: {  	_ =	shalt  }
0x66: {  	_ =	shalt  }
0x67: {  	_ =	shalt  }
0x68: {  	_ =	shalt  }
0x69: {  	_ =	shalt  }
0x6a: {  	_ =	shalt  }
0x6b: {  	_ =	shalt  }
0x6c: {  	_ =	shalt  }
0x6d: {  	_ =	shalt  }
0x6e: {  	_ =	shalt  }
0x6f: {  	_ =	shalt  }
0x70: {  	_ =	shalt  }
0x71: {  	_ =	shalt  }
0x72: {  	_ =	shalt  }
0x73: {  	_ =	shalt  }
0x74: {  	_ =	shalt  }
0x75: {  	_ =	shalt  }
0x76: {  	_ =	shalt  }
0x77: {  	_ =	shalt  }
0x78: {  	_ =	shalt  }
0x79: {  	_ =	shalt  }
0x7a: {  	_ =	shalt  }
0x7b: {  	_ =	shalt  }
0x7c: {  	_ =	shalt  }
0x7d: {  	_ =	shalt  }
0x7e: {  	_ =	shalt  }
0x7f: {  	_ =	shalt  }
0x80: {  	_ =	shalt  }
0x81: {  	_ =	shalt  }
0x82: {  	_ =	shalt  }
0x83: {  	_ =	shalt  }
0x84: {  	_ =	shalt  }
0x85: {  	_ =	shalt  }
0x86: {  	_ =	shalt  }
0x87: {  	_ =	shalt  }
.Lfunc_end0:
.L_simem_size_0:
called_computation.3_lowered:
.L_overlay_start_0:
0x88: {  	s2 =	sld [smem:$0x3FD9]  }
0x89: {  	s3 =	sld [smem:$0x3FFE];
	_ =	sdelay $0x1  }
0x8a: {  	s1 =	srdreg.scid  }
0x8b: {  	s0 =	sand.u32 $0x1, s1  }
0x8c: {  	s16 =	sshll.u32 s0, $0xA;
	s2 =	sadd.s32 s3, s2  }
0x8d: {  	s2 =	sadd.s32 s2, s16  }
0x8e: {  	[smem:$0x3FC0] =	sst s2  }
0x8f: {  	_ = 	snop  }
0x90: {  	(tm) =	ssettm $0x1  }
0x91: {  	s17 =	sld [smem:$0x3FFB];
	_ =	sdelay $0x3  }
0x92: {  	_ =	strace s17  }
0x93: {  	s2 =	sld [smem:$0x3FFC];
	_ =	sdelay $0x3  }
0x94: {  	_ =	strace s2  }
0x95: {  	s2 =	sld [smem:$0x3FFD];
	_ =	sdelay $0x3  }
0x96: {  	_ =	strace s2  }
0x97: {  	_ =	strace $0x8FFFFFFF  }
0x98: {  	s18 =	sld [smem:$0x3FDB];
	_ =	sdelay $0x1  }
0x99: {  	s19 =	simm.s32 $_scs_section_size  }
0x9a: {  	s4 =	simm.s32 $_size__tile_overlayer_lowered;
	s5 =	simm.s32 $_tile_overlayer_lowered  }
0x9b: {  	s22 =	simm.s32 $0x1BFF;
	s21 =	sshll.u32 s5, $0x1;
	s2 =	sadd.s32 s19, s18  }
0x9c: {  	s6 =	simm.s32 $0x0;
	s20 =	sshll.u32 s4, $0x1;
	s4 =	sadd.s32 s21, s2  }
0x9d: {  	[timem:s6], [sflag:s22] =	dma.local [hbm:s4], s20  }
0x9e: {  	_ =	swait.ge [sflag:s22], s20  }
0x9f: {  	s3 =	ssub.s32 $0x0, s20;
	[sflag:s22] =	ssyncset.done $0x0  }
0xa0: {  	[sflag:s22] =	ssyncadd.s32 s3;
	_ =	sdelay $0x1  }
0xa1: {  	s23 =	simm.s32 $0x1B8B  }
0xa2: {  	_ =	swait.ge [sflag:s23], $0x1  }
0xa3: {  	[sflag:s23] =	ssyncset.done $0x0  }
0xa4: {  	s25 =	simm.s32 $0x1B8E;
	s24 =	sld [smem:$0x3FFE];
	[sflag:s23] =	ssyncadd.s32 $0xFFFFFFFF  }
0xa5: {  	s26 =	simm.s32 $execute0_lowered;
	[smem:$0x3FD2] =	sst s25  }
0xa6: {  	s4 =	sshll.u32 s26, $0x1;
	_ =	strace $0x8000004F;
	[dreg:$0x1] =	wrdreg $0xFFFFFFFF  }
0xa7: {  	s28 =	simm.s32 $_size_execute0_lowered;
	s2 =	sadd.s32 s2, s4;
	[dreg:$0x0] =	wrdreg $0x0  }
0xa8: {  	s4 =	sshll.u32 s28, $0x1;
	[dreg:$0x2] =	wrdreg s2  }
0xa9: {  	[dreg:$0x3] =	wrdreg s4  }
0xaa: {  	[dreg:$0x4] =	wrdreg $0xC0  }
0xab: {  	_ =	task [dreg:s6], $0x5FFFF  }
0xac: {  	[dreg:$0x1] =	wrdreg $0xFFFFFFFF  }
0xad: {  	[dreg:$0x0] =	wrdreg $0x60  }
0xae: {  	[dreg:$0x2] =	wrdreg s24  }
0xaf: {  	[dreg:$0x3] =	wrdreg $0xC000  }
0xb0: {  	[dreg:$0x4] =	wrdreg $0x24700  }
0xb1: {  	[dreg:$0x5] =	wrdreg $0x9  }
0xb2: {  	_ =	task.clear_ibuf [dreg:s6], $0x6FFFF;
	_ =	strace $0x9000004F  }
0xb3: {  	s29 =	simm.s32 $0x9;
	_ =	strace $0x80000051  }
0xb4: {  	_ =	swait.ge [sflag:s29], $0x1  }
0xb5: {  	[sflag:s29] =	ssyncadd.s32 $0xFFFFFFFF  }
0xb6: {  	_ =	strace $0x90000051  }
0xb7: {  	_ =	sfence  }
0xb8: {  	s30 =	sld [smem:$0x0];
	_ =	sdelay $0x2  }
0xb9: {  	s31 =	sshll.u32 s1, $0xD;
	s1 =	sshrl.u32 s1, $0x2  }
0xba: {  	s3 =	sand.u32 $0x4000, s31;
	s1 =	sadd.s32 s1, s30  }
0xbb: {  	s0 =	sor.u32 s3, s0;
	s1 =	sshll.u32 s1, $0x11  }
0xbc: {  	s0 =	sor.u32 s1, s0  }
0xbd: {  	s0 =	sadd.s32 $0x8F2B, s0  }
0xbe: {  	[sflag:s0] =	ssyncadd.remote.s32 $0x1  }
0xbf: {  	_ =	sfence.sel $0xFFFF  }
0xc0: {  	[dreg:$0x0] =	wrdreg $0xFFFFFFFF;
	(pc) =	sbr.abs _section_cstart, $3  }
0xc1: {  	[dreg:$0x1] =	wrdreg $0xFFFFFFFF  }
0xc2: {  	_ =	task.clear_ibuf [dreg:s6], $0x2FFFF;
	_ =	strace $0x9FFFFFFF  }
0xc3: {  	(tm) =	ssettm $0x7FFFFFFF  }
tec
execute0_lowered:
.L_overlay_start_1:
0x0: {  	(tag) =	ssettag $0x1  }
0x1: {  	s0 =	rddreg [dreg:$0x0]  }
0x2: {  	s1 =	srdreg.scid;
	s2 =	rddreg [dreg:$0x1]  }
0x3: {  	s12 =	stileid.u32;
	s3 =	rddreg [dreg:$0x2];
	s4 =	simm.s32 $0x0  }
0x4: {  	s14 =	simm.s32 $0x3;
	s16 =	simm.s32 $0x400;
	s17 =	simm.s32 $0x80  }
0x5: {  	s18 =	simm.s32 $0x800;
	s19 =	simm.s32 $0x480;
	s20 =	simm.s32 $0x100  }
0x6: {  	s21 =	simm.s32 $0x500;
	s28 =	simm.s32 $0x680;
	s6 =	smul.u32 $0x18800, s12  }
0x7: {  	s29 =	simm.s32 $0x300;
	s1 =	sand.u32 $0x1, s1;
	s7 =	smul.u32 $0x61C0, s12  }
0x8: {  	s30 =	simm.s32 $0x700;
	s31 =	simm.s32 $0x380;
	s5 =	smul.u32 $0x188000, s1  }
0x9: {  	[smem:$0x7FF] =	sst s4;
	s23 =	sshll.u32 s12, $0x6;
	s22 =	smul.u32 $0x61C00, s1  }
0xa: {  	_ =	strace $0x80000050;
	s9 =	ssub.s32 $0x2, s1;
	s1 =	sshll.u32 s1, $0x4  }
0xb: {  	s8 =	sshrl.u32 s7, $0x3;
	s10 =	sshrl.u32 s9, $0x1;
	s1 =	sor.u32 s12, s1  }
0xc: {  	s11 =	sadd.s32 s7, s2;
	s5 =	sadd.s32 s6, s5;
	s6 =	sadd.s32 s7, s22  }
0xd: {  	s8 =	sadd.s32 s8, s0;
	s9 =	ssub.s32 s9, s10;
	s7 =	sadd.s32 s7, s3  }
0xe: {  	p0 =	seq.s32 s1, $0x1F;
	s26 =	sshrl.u32 s11, $0x3;
	s22 =	simm.s32 $0x180  }
0xf: {  	s1 =	simm.s32 $0x780;
	s5 =	sshrl.u32 s5, $0x3;
	s6 =	sshrl.u32 s6, $0x3  }
0x10: {  	s24 =	sadd.s32 $0x372600, s8;
	s8 =	sadd.s32 $0x366200, s8;
	s25 =	smax.u32 s9, $0x1  }
0x11: {  	[dreg:$0x8] =	wrdreg s26;
	s15 =	sshrl.u32 s7, $0x3;
	s26 =	simm.s32 $0x280  }
0x12: {  	s7 =	simm.s32 $0x0;
	s5 =	sadd.s32 s5, s0;
	[dreg:$0x4] =	wrdreg s24  }
0x13: {  	s0 =	sadd.s32 s6, s0;
	s6 =	sor.u32 $0x1C03, s23;
	[dreg:$0x5] =	wrdreg s8  }
0x14: {  	s8 =	simm.s32 $0x57;
	[dreg:$0x7] =	wrdreg s25;
	s23 =	simm.s32 $0x580  }
0x15: {  	s24 =	simm.s32 $0x200;
	s25 =	simm.s32 $0x600;
	s8 =	simm.s32 @!p0 $0x62  }
0x16: {  	s0 =	sadd.s32 $0x37EA00, s0;
	s10 =	sadd.s32 $0x64200, s5;
	s13 =	sadd.s32 $0x2600, s5  }
0x17: {  	s5 =	simm.s32 $0x2;
	[dreg:$0x6] =	wrdreg s0;
	s0 =	simm.s32 $0x1  }
.LBB2_1:
0x18: {  	s9 =	rddreg [dreg:$0x4]  }
0x19: {  	s11 =	rddreg [dreg:$0x8]  }
0x1a: {  	[spmem:s11], [sflag:s6] =	dma.local [hbm:s9], $0xC38  }
0x1b: {  	_ =	swait.ge [sflag:s14], $0xC38  }
0x1c: {  	[sflag:s14] =	ssyncset.done $0x0  }
0x1d: {  	s12 =	rddreg [dreg:$0x5];
	[sflag:s14] =	ssyncadd.s32 $0xFFFFF3C8  }
0x1e: {  	[spmem:s15], [sflag:s6] =	dma.local [hbm:s12], $0xC38  }
0x1f: {  	_ =	swait.ge [sflag:s14], $0xC38  }
0x20: {  	[sflag:s14] =	ssyncset.done $0x0  }
0x21: {  	[sflag:s14] =	ssyncadd.s32 $0xFFFFF3C8  }
0x22: {  	[bflag:$0x0] =	sbarrier.arrive $0xFFFF  }
0x23: {  	[tilespmem:s4], [sflag:$0x3] =	stream.linear.gather [hbm4b:s13+s4], $0x400, $0x38;
	[tilespmem:$0x3CE0] =	vst v63  }
0x24: {  	_ =	swait.ge [sflag:s14], $0x400  }
0x25: {  	[sflag:s14] =	ssyncset.done $0x0  }
0x26: {  	[sflag:s14] =	ssyncadd.s32 $0xFFFFFC00  }
0x27: {  	[tilespmem:s16], [sflag:$0x3] =	stream.linear.gather [hbm4b:s10+s4], $0x400, $0x38;
	[tilespmem:$0x3CE0] =	vst v63  }
0x28: {  	_ =	swait.ge [sflag:s14], $0x400  }
0x29: {  	[sflag:s14] =	ssyncset.done $0x0  }
0x2a: {  	[sflag:s14] =	ssyncadd.s32 $0xFFFFFC00  }
0x2b: {  	[tilespmem:s18], [sflag:$0x1] =	stream.indirect.gather [spmem:s2], $0x2, s4, s17, $0xb8;
	[tilespmem:$0x3CE0] =	vst v63  }
0x2c: {  	_ = 	snop  }
0x2d: {  	[spmem:s3] =	stream.indirect.scatter.add.f32 [tilespmem:s18], [sflag:$0x2], $0x2, s16, s17, $0xb8;
	[tilespmem:$0x3CE0] =	vst v63  }
0x2e: {  	_ = 	snop  }
0x2f: {  	[tilespmem:s18], [sflag:$0x1] =	stream.indirect.gather [spmem:s2], $0x2, s17, s17, $0xb8;
	[tilespmem:$0x3CE0] =	vst v63  }
0x30: {  	_ = 	snop  }
0x31: {  	[spmem:s3] =	stream.indirect.scatter.add.f32 [tilespmem:s18], [sflag:$0x2], $0x2, s19, s17, $0xb8;
	[tilespmem:$0x3CE0] =	vst v63  }
0x32: {  	_ = 	snop  }
0x33: {  	[tilespmem:s18], [sflag:$0x1] =	stream.indirect.gather [spmem:s2], $0x2, s20, s17, $0xb8;
	[tilespmem:$0x3CE0] =	vst v63  }
0x34: {  	_ = 	snop  }
0x35: {  	[spmem:s3] =	stream.indirect.scatter.add.f32 [tilespmem:s18], [sflag:$0x2], $0x2, s21, s17, $0xb8;
	[tilespmem:$0x3CE0] =	vst v63  }
0x36: {  	_ = 	snop  }
0x37: {  	[tilespmem:s18], [sflag:$0x1] =	stream.indirect.gather [spmem:s2], $0x2, s22, s17, $0xb8;
	[tilespmem:$0x3CE0] =	vst v63  }
0x38: {  	_ = 	snop  }
0x39: {  	[spmem:s3] =	stream.indirect.scatter.add.f32 [tilespmem:s18], [sflag:$0x2], $0x2, s23, s17, $0xb8;
	[tilespmem:$0x3CE0] =	vst v63  }
0x3a: {  	_ = 	snop  }
0x3b: {  	[tilespmem:s18], [sflag:$0x1] =	stream.indirect.gather [spmem:s2], $0x2, s24, s17, $0xb8;
	[tilespmem:$0x3CE0] =	vst v63  }
0x3c: {  	_ = 	snop  }
0x3d: {  	[spmem:s3] =	stream.indirect.scatter.add.f32 [tilespmem:s18], [sflag:$0x2], $0x2, s25, s17, $0xb8;
	[tilespmem:$0x3CE0] =	vst v63  }
0x3e: {  	_ = 	snop  }
0x3f: {  	[tilespmem:s18], [sflag:$0x1] =	stream.indirect.gather [spmem:s2], $0x2, s26, s17, $0xb8;
	[tilespmem:$0x3CE0] =	vst v63  }
0x40: {  	_ = 	snop  }
0x41: {  	[spmem:s3] =	stream.indirect.scatter.add.f32 [tilespmem:s18], [sflag:$0x2], $0x2, s28, s17, $0xb8;
	[tilespmem:$0x3CE0] =	vst v63  }
0x42: {  	_ = 	snop  }
0x43: {  	[tilespmem:s18], [sflag:$0x1] =	stream.indirect.gather [spmem:s2], $0x2, s29, s17, $0xb8;
	[tilespmem:$0x3CE0] =	vst v63  }
0x44: {  	_ = 	snop  }
0x45: {  	[spmem:s3] =	stream.indirect.scatter.add.f32 [tilespmem:s18], [sflag:$0x2], $0x2, s30, s17, $0xb8;
	[tilespmem:$0x3CE0] =	vst v63  }
0x46: {  	_ = 	snop  }
0x47: {  	[tilespmem:s18], [sflag:$0x1] =	stream.indirect.gather [spmem:s2], $0x2, s31, s17, $0xb8;
	[tilespmem:$0x3CE0] =	vst v63  }
0x48: {  	_ = 	snop  }
0x49: {  	[spmem:s3] =	stream.indirect.scatter.add.f32 [tilespmem:s18], [sflag:$0x2], $0x2, s1, s17, $0xb8;
	[tilespmem:$0x3CE0] =	vst v63  }
0x4a: {  	_ =	swait.ge [sflag:s0], $0x100  }
0x4b: {  	[sflag:s0] =	ssyncset.done $0x0  }
0x4c: {  	[sflag:s0] =	ssyncadd.s32 $0xFFFFFF00  }
0x4d: {  	_ =	swait.ge [sflag:s5], $0x100  }
0x4e: {  	[sflag:s5] =	ssyncset.done $0x0  }
0x4f: {  	[sflag:s5] =	ssyncadd.s32 $0xFFFFFF00  }
0x50: {  	_ =	swait.ge [sflag:s0], $0x100  }
0x51: {  	[sflag:s0] =	ssyncset.done $0x0  }
0x52: {  	[sflag:s0] =	ssyncadd.s32 $0xFFFFFF00  }
0x53: {  	_ =	swait.ge [sflag:s5], $0x100  }
0x54: {  	[sflag:s5] =	ssyncset.done $0x0  }
0x55: {  	[sflag:s5] =	ssyncadd.s32 $0xFFFFFF00  }
0x56: {  	_ =	swait.ge [sflag:s0], $0x100  }
0x57: {  	[sflag:s0] =	ssyncset.done $0x0  }
0x58: {  	[sflag:s0] =	ssyncadd.s32 $0xFFFFFF00  }
0x59: {  	_ =	swait.ge [sflag:s5], $0x100  }
0x5a: {  	[sflag:s5] =	ssyncset.done $0x0  }
0x5b: {  	[sflag:s5] =	ssyncadd.s32 $0xFFFFFF00  }
0x5c: {  	_ =	swait.ge [sflag:s0], $0x100  }
0x5d: {  	[sflag:s0] =	ssyncset.done $0x0  }
0x5e: {  	[sflag:s0] =	ssyncadd.s32 $0xFFFFFF00  }
0x5f: {  	_ =	swait.ge [sflag:s5], $0x100  }
0x60: {  	[sflag:s5] =	ssyncset.done $0x0  }
0x61: {  	[sflag:s5] =	ssyncadd.s32 $0xFFFFFF00  }
0x62: {  	_ =	swait.ge [sflag:s0], $0x100  }
0x63: {  	[sflag:s0] =	ssyncset.done $0x0  }
0x64: {  	[sflag:s0] =	ssyncadd.s32 $0xFFFFFF00  }
0x65: {  	_ =	swait.ge [sflag:s5], $0x100  }
0x66: {  	[sflag:s5] =	ssyncset.done $0x0  }
0x67: {  	[sflag:s5] =	ssyncadd.s32 $0xFFFFFF00  }
0x68: {  	_ =	swait.ge [sflag:s0], $0x100  }
0x69: {  	[sflag:s0] =	ssyncset.done $0x0  }
0x6a: {  	[sflag:s0] =	ssyncadd.s32 $0xFFFFFF00  }
0x6b: {  	_ =	swait.ge [sflag:s5], $0x100  }
0x6c: {  	[sflag:s5] =	ssyncset.done $0x0  }
0x6d: {  	[sflag:s5] =	ssyncadd.s32 $0xFFFFFF00  }
0x6e: {  	_ =	swait.ge [sflag:s0], $0x100  }
0x6f: {  	[sflag:s0] =	ssyncset.done $0x0  }
0x70: {  	[sflag:s0] =	ssyncadd.s32 $0xFFFFFF00  }
0x71: {  	_ =	swait.ge [sflag:s5], $0x100  }
0x72: {  	[sflag:s5] =	ssyncset.done $0x0  }
0x73: {  	p0 =	sne.s32 s8, $0x1;
	[sflag:s5] =	ssyncadd.s32 $0xFFFFFF00  }
.Ltmp0:
0x74: {  	_ =	swait.ge [sflag:s0], $0x100;
	(pc) =	sbr.rel @!p0 .LBB2_3-.Ltmp0, $4  }
0x75: {  	[sflag:s0] =	ssyncset.done $0x0  }
0x76: {  	[sflag:s0] =	ssyncadd.s32 $0xFFFFFF00  }
0x77: {  	s9 =	sadd.s32 $0xFFFFFFFF, s8;
	_ =	swait.ge [sflag:s5], $0x100  }
0x78: {  	s11 =	smov.u32 s10;
	s12 =	smov.u32 s13;
	[sflag:s5] =	ssyncset.done $0x0  }
.LBB2_2:
0x79: {  	[sflag:s5] =	ssyncadd.s32 $0xFFFFFF00;
	s11 =	sadd.s32 $0x80, s11;
	s12 =	sadd.s32 $0x80, s12  }
0x7a: {  	[tilespmem:s4], [sflag:$0x3] =	stream.linear.gather [hbm4b:s12+s4], $0x400, $0x38;
	[tilespmem:$0x3CE0] =	vst v63  }
0x7b: {  	p0 =	sne.s32 s9, $0x1;
	s9 =	sadd.s32 $0xFFFFFFFF, s9;
	_ =	swait.ge [sflag:s14], $0x400  }
0x7c: {  	[sflag:s14] =	ssyncset.done $0x0  }
0x7d: {  	[sflag:s14] =	ssyncadd.s32 $0xFFFFFC00  }
0x7e: {  	[tilespmem:s16], [sflag:$0x3] =	stream.linear.gather [hbm4b:s11+s4], $0x400, $0x38;
	[tilespmem:$0x3CE0] =	vst v63  }
0x7f: {  	_ =	swait.ge [sflag:s14], $0x400  }
0x80: {  	[sflag:s14] =	ssyncset.done $0x0  }
0x81: {  	[sflag:s14] =	ssyncadd.s32 $0xFFFFFC00  }
0x82: {  	[tilespmem:s18], [sflag:$0x1] =	stream.indirect.gather [spmem:s2], $0x2, s4, s17, $0xb8;
	[tilespmem:$0x3CE0] =	vst v63  }
0x83: {  	_ = 	snop  }
0x84: {  	[spmem:s3] =	stream.indirect.scatter.add.f32 [tilespmem:s18], [sflag:$0x2], $0x2, s16, s17, $0xb8;
	[tilespmem:$0x3CE0] =	vst v63  }
0x85: {  	_ = 	snop  }
0x86: {  	[tilespmem:s18], [sflag:$0x1] =	stream.indirect.gather [spmem:s2], $0x2, s17, s17, $0xb8;
	[tilespmem:$0x3CE0] =	vst v63  }
0x87: {  	_ = 	snop  }
0x88: {  	[spmem:s3] =	stream.indirect.scatter.add.f32 [tilespmem:s18], [sflag:$0x2], $0x2, s19, s17, $0xb8;
	[tilespmem:$0x3CE0] =	vst v63  }
0x89: {  	_ = 	snop  }
0x8a: {  	[tilespmem:s18], [sflag:$0x1] =	stream.indirect.gather [spmem:s2], $0x2, s20, s17, $0xb8;
	[tilespmem:$0x3CE0] =	vst v63  }
0x8b: {  	_ = 	snop  }
0x8c: {  	[spmem:s3] =	stream.indirect.scatter.add.f32 [tilespmem:s18], [sflag:$0x2], $0x2, s21, s17, $0xb8;
	[tilespmem:$0x3CE0] =	vst v63  }
0x8d: {  	_ = 	snop  }
0x8e: {  	[tilespmem:s18], [sflag:$0x1] =	stream.indirect.gather [spmem:s2], $0x2, s22, s17, $0xb8;
	[tilespmem:$0x3CE0] =	vst v63  }
0x8f: {  	_ = 	snop  }
0x90: {  	[spmem:s3] =	stream.indirect.scatter.add.f32 [tilespmem:s18], [sflag:$0x2], $0x2, s23, s17, $0xb8;
	[tilespmem:$0x3CE0] =	vst v63  }
0x91: {  	_ = 	snop  }
0x92: {  	[tilespmem:s18], [sflag:$0x1] =	stream.indirect.gather [spmem:s2], $0x2, s24, s17, $0xb8;
	[tilespmem:$0x3CE0] =	vst v63  }
0x93: {  	_ = 	snop  }
0x94: {  	[spmem:s3] =	stream.indirect.scatter.add.f32 [tilespmem:s18], [sflag:$0x2], $0x2, s25, s17, $0xb8;
	[tilespmem:$0x3CE0] =	vst v63  }
0x95: {  	_ = 	snop  }
0x96: {  	[tilespmem:s18], [sflag:$0x1] =	stream.indirect.gather [spmem:s2], $0x2, s26, s17, $0xb8;
	[tilespmem:$0x3CE0] =	vst v63  }
0x97: {  	_ = 	snop  }
0x98: {  	[spmem:s3] =	stream.indirect.scatter.add.f32 [tilespmem:s18], [sflag:$0x2], $0x2, s28, s17, $0xb8;
	[tilespmem:$0x3CE0] =	vst v63  }
0x99: {  	_ = 	snop  }
0x9a: {  	[tilespmem:s18], [sflag:$0x1] =	stream.indirect.gather [spmem:s2], $0x2, s29, s17, $0xb8;
	[tilespmem:$0x3CE0] =	vst v63  }
0x9b: {  	_ = 	snop  }
0x9c: {  	[spmem:s3] =	stream.indirect.scatter.add.f32 [tilespmem:s18], [sflag:$0x2], $0x2, s30, s17, $0xb8;
	[tilespmem:$0x3CE0] =	vst v63  }
0x9d: {  	_ = 	snop  }
0x9e: {  	[tilespmem:s18], [sflag:$0x1] =	stream.indirect.gather [spmem:s2], $0x2, s31, s17, $0xb8;
	[tilespmem:$0x3CE0] =	vst v63  }
0x9f: {  	_ = 	snop  }
0xa0: {  	[spmem:s3] =	stream.indirect.scatter.add.f32 [tilespmem:s18], [sflag:$0x2], $0x2, s1, s17, $0xb8;
	[tilespmem:$0x3CE0] =	vst v63  }
0xa1: {  	_ =	swait.ge [sflag:s0], $0x100  }
0xa2: {  	[sflag:s0] =	ssyncset.done $0x0  }
0xa3: {  	[sflag:s0] =	ssyncadd.s32 $0xFFFFFF00  }
0xa4: {  	_ =	swait.ge [sflag:s5], $0x100  }
0xa5: {  	[sflag:s5] =	ssyncset.done $0x0  }
0xa6: {  	[sflag:s5] =	ssyncadd.s32 $0xFFFFFF00  }
0xa7: {  	_ =	swait.ge [sflag:s0], $0x100  }
0xa8: {  	[sflag:s0] =	ssyncset.done $0x0  }
0xa9: {  	[sflag:s0] =	ssyncadd.s32 $0xFFFFFF00  }
0xaa: {  	_ =	swait.ge [sflag:s5], $0x100  }
0xab: {  	[sflag:s5] =	ssyncset.done $0x0  }
0xac: {  	[sflag:s5] =	ssyncadd.s32 $0xFFFFFF00  }
0xad: {  	_ =	swait.ge [sflag:s0], $0x100  }
0xae: {  	[sflag:s0] =	ssyncset.done $0x0  }
0xaf: {  	[sflag:s0] =	ssyncadd.s32 $0xFFFFFF00  }
0xb0: {  	_ =	swait.ge [sflag:s5], $0x100  }
0xb1: {  	[sflag:s5] =	ssyncset.done $0x0  }
0xb2: {  	[sflag:s5] =	ssyncadd.s32 $0xFFFFFF00  }
0xb3: {  	_ =	swait.ge [sflag:s0], $0x100  }
0xb4: {  	[sflag:s0] =	ssyncset.done $0x0  }
0xb5: {  	[sflag:s0] =	ssyncadd.s32 $0xFFFFFF00  }
0xb6: {  	_ =	swait.ge [sflag:s5], $0x100  }
0xb7: {  	[sflag:s5] =	ssyncset.done $0x0  }
0xb8: {  	[sflag:s5] =	ssyncadd.s32 $0xFFFFFF00  }
0xb9: {  	_ =	swait.ge [sflag:s0], $0x100  }
0xba: {  	[sflag:s0] =	ssyncset.done $0x0  }
0xbb: {  	[sflag:s0] =	ssyncadd.s32 $0xFFFFFF00  }
0xbc: {  	_ =	swait.ge [sflag:s5], $0x100  }
0xbd: {  	[sflag:s5] =	ssyncset.done $0x0  }
0xbe: {  	[sflag:s5] =	ssyncadd.s32 $0xFFFFFF00  }
0xbf: {  	_ =	swait.ge [sflag:s0], $0x100  }
0xc0: {  	[sflag:s0] =	ssyncset.done $0x0  }
0xc1: {  	[sflag:s0] =	ssyncadd.s32 $0xFFFFFF00  }
0xc2: {  	_ =	swait.ge [sflag:s5], $0x100  }
0xc3: {  	[sflag:s5] =	ssyncset.done $0x0  }
0xc4: {  	[sflag:s5] =	ssyncadd.s32 $0xFFFFFF00  }
0xc5: {  	_ =	swait.ge [sflag:s0], $0x100  }
0xc6: {  	[sflag:s0] =	ssyncset.done $0x0  }
0xc7: {  	[sflag:s0] =	ssyncadd.s32 $0xFFFFFF00  }
0xc8: {  	_ =	swait.ge [sflag:s5], $0x100  }
0xc9: {  	[sflag:s5] =	ssyncset.done $0x0  }
0xca: {  	[sflag:s5] =	ssyncadd.s32 $0xFFFFFF00  }
.Ltmp1:
0xcb: {  	_ =	swait.ge [sflag:s0], $0x100;
	(pc) =	sbr.rel @p0 .LBB2_2-.Ltmp1, $4  }
0xcc: {  	[sflag:s0] =	ssyncset.done $0x0  }
0xcd: {  	[sflag:s0] =	ssyncadd.s32 $0xFFFFFF00  }
0xce: {  	_ =	swait.ge [sflag:s5], $0x100  }
0xcf: {  	[sflag:s5] =	ssyncset.done $0x0  }
.LBB2_3:
0xd0: {  	[sflag:s5] =	ssyncadd.s32 $0xFFFFFF00  }
0xd1: {  	[bflag:$0x0] =	sbarrier.arrive $0xFFFF  }
0xd2: {  	s9 =	rddreg [dreg:$0x6]  }
0xd3: {  	[hbm:s9], [sflag:s6] =	dma.local [spmem:s15], $0xC38  }
0xd4: {  	_ =	swait.ge [sflag:s14], $0xC38  }
0xd5: {  	s7 =	sadd.s32 $0x1, s7;
	s12 =	rddreg [dreg:$0x7]  }
0xd6: {  	p0 =	sne.s32 s7, s12  }
.Ltmp2:
0xd7: {  	_ = 	snop;
	(pc) =	sbr.rel @p0 .LBB2_1-.Ltmp2, $3  }
0xd8: {  	_ =	sdelay $0x1  }
0xd9: {  	[sflag:s14] =	ssyncset.done $0x0  }
0xda: {  	[sflag:s14] =	ssyncadd.s32 $0xFFFFF3C8  }
0xdb: {  	_ =	sfence.sel $0x180000  }
0xdc: {  	[bflag:$0x0] =	sbarrier.arrive $0xFFFF  }
0xdd: {  	_ =	strace $0x90000050  }
0xde: {  	s0 =	stileid.u32;
	[bflag:$0x2] =	sbarrier.arrive $0xFFFF  }
0xdf: {  	p0 =	sne.s32 s0, $0x0;
	s0 =	rddreg [dreg:$0x3]  }
0xe0: {  	s0 =	sadd.s32 @!p0 $0x100000, s0  }
0xe1: {  	[sflag:s0] =	ssyncadd.tile.s32 @!p0 $0x1;
	_ =	shalt  }
.Lfunc_end2:
_tile_overlayer_lowered:
.L_overlay_start_2:
0xe2: {  	(tag) =	ssettag $0x2  }
0xe3: {  	s0 =	rddreg [dreg:$0x0];
	s2 =	stileid.u32  }
0xe4: {  	s1 =	rddreg [dreg:$0x1];
	p0 =	sne.s32 s2, $0x0  }
0xe5: {  	s3 =	rddreg [dreg:$0x2];
	[bflag:$0x3] =	sbarrier.arrive $0xFFFF;
	s2 =	simm.s32 @!p0 $0x1C03  }
0xe6: {  	[timem:s3], [sflag:s2] =	dma.local @!p0 [hbm:s0], s1  }
0xe7: {  	s0 =	simm.s32 @!p0 $0x3  }
0xe8: {  	_ =	swait.ge @!p0 [sflag:s0], s1  }
0xe9: {  	s1 =	ssub.s32 @!p0 $0x0, s1;
	[sflag:s0] =	ssyncset.done @!p0 $0x0  }
0xea: {  	[sflag:s0] =	ssyncadd.s32 @!p0 s1  }
0xeb: {  	[bflag:$0x3] =	sbarrier.arrive $0xFFFF  }
0xec: {  	_ =	shalt  }

</sc_bundles>
